<compile_context>
chip_gen: v7x
topology: tpu7x:2x2x1
jax: 0.10.2.dev20260603
libtpu: 0.0.44.dev20260713+nightly
codegen_flags: <defaults>
</compile_context>

<pallas_src>
import functools

import jax
import jax.numpy as jnp
from jax import lax
from jax.experimental import pallas as pl
from jax.experimental.pallas import tpu as pltpu
from jax.experimental.pallas import tpu_sc as plsc

_RADIUS = 6371.0
_KNN = 10
_M = 16
_NWORKER = 32
_CHUNK = 20000
_LANES = 16
_G = 10
_P = 4

_SIN_C = [1.0, -1.0 / 6, 1.0 / 120, -1.0 / 5040, 1.0 / 362880,
          -1.0 / 39916800]
_COS_C = [1.0, -0.5, 1.0 / 24, -1.0 / 720, 1.0 / 40320, -1.0 / 3628800,
          1.0 / 479001600]
_ASIN_C = []
_c = 1.0
for _n in range(14):
    if _n:
        _c *= ((2 * _n - 1) / (2 * _n)) * ((2 * _n - 1) / (2 * _n + 1))
    _ASIN_C.append(_c)
del _c, _n


def _poly_u(u, coeffs):
    p = jnp.float32(coeffs[-1])
    for c in reversed(coeffs[:-1]):
        p = p * u + jnp.float32(c)
    return p


def _sinp(t):
    return t * _poly_u(t * t, _SIN_C)


def _cosp(t):
    return _poly_u(t * t, _COS_C)


def _asinp(x):
    return x * _poly_u(x * x, _ASIN_C)


def _feat_body(lat_ref, lon_ref, x_ref, y_ref, z_ref):
    lat = lat_ref[...]
    lon = lon_ref[...]
    cl = _cosp(lat)
    x_ref[...] = _sinp(lat)
    y_ref[...] = cl * _cosp(lon)
    z_ref[...] = cl * _sinp(lon)


def _features(lat2d, lon2d):
    out = jax.ShapeDtypeStruct(lat2d.shape, jnp.float32)
    return pl.pallas_call(_feat_body, out_shape=[out, out, out])(lat2d, lon2d)


def _sc_body(nchunk, qpw,
             qx_h, qy_h, qz_h, ox_h, oy_h, oz_h, olat_h, olon_h, otgt_h,
             oi_h, clat_h, clon_h, ctgt_h,
             qxv, qyv, qzv, oxv, oyv, ozv, bdv, biv, g0, g1, g2, sem):
    wid = lax.axis_index("s") * 2 + lax.axis_index("c")
    qb = wid * qpw
    ncand = qpw * _M

    pltpu.sync_copy(qx_h.at[pl.ds(qb * _LANES, qpw * _LANES)], qxv)
    pltpu.sync_copy(qy_h.at[pl.ds(qb * _LANES, qpw * _LANES)], qyv)
    pltpu.sync_copy(qz_h.at[pl.ds(qb * _LANES, qpw * _LANES)], qzv)

    def init_q(q, carry):
        bdv[pl.ds(q * _M, _M)] = jnp.full((_LANES,), jnp.inf, jnp.float32)
        biv[q >> 3, pl.ds((q & 7) * _M, _M)] = jnp.zeros((_LANES,), jnp.int32)
        return carry

    lax.fori_loop(0, qpw, init_q, 0)

    def chunk_loop(ci, carry):
        pltpu.sync_copy(ox_h.at[pl.ds(ci * _CHUNK, _CHUNK)], oxv)
        pltpu.sync_copy(oy_h.at[pl.ds(ci * _CHUNK, _CHUNK)], oyv)
        pltpu.sync_copy(oz_h.at[pl.ds(ci * _CHUNK, _CHUNK)], ozv)
        ibase = ci * _CHUNK

        def q_loop(qq, carry):
            qf = []
            st = []
            for j in range(_P):
                q = qq * _P + j
                qf.append((qxv[pl.ds(q * _LANES, _LANES)],
                           qyv[pl.ds(q * _LANES, _LANES)],
                           qzv[pl.ds(q * _LANES, _LANES)]))
                bd0 = bdv[pl.ds(q * _M, _M)]
                bi0 = biv[q >> 3, pl.ds((q & 7) * _M, _M)]
                st += [bd0, bi0, jnp.full((_LANES,), bd0[_M - 1],
                                          jnp.float32)]

            def g_body(g, car):
                off0 = g * (_LANES * _G)
                d2s = [[] for _ in range(_P)]
                for t in range(_G):
                    o = off0 + t * _LANES
                    vx = oxv[pl.ds(o, _LANES)]
                    vy = oyv[pl.ds(o, _LANES)]
                    vz = ozv[pl.ds(o, _LANES)]
                    for j in range(_P):
                        d2s[j].append(-(vx * qf[j][0] + vy * qf[j][1]
                                        + vz * qf[j][2]))
                mns = []
                for j in range(_P):
                    mn = d2s[j][0]
                    for t in range(1, _G):
                        mn = jnp.minimum(mn, d2s[j][t])
                    mns.append(mn)

                def merge(bd_c, bi_c, d2, m, t):
                    idxv = (ibase + off0 + jnp.int32(t * _LANES)
                            + lax.iota(jnp.int32, _LANES))
                    dm = jnp.where(m, d2, jnp.inf)
                    sd, si = plsc.sort_key_val(dm, idxv, descending=True)
                    lo = jnp.minimum(bd_c, sd)
                    ni = jnp.where(bd_c <= sd, bi_c, si)
                    nd, nid = plsc.sort_key_val(lo, ni)
                    return nd, nid, jnp.full((_LANES,), nd[_M - 1],
                                             jnp.float32)

                def ins_group(bd0_, bi0_, thr0_, d2g):
                    def run():
                        car2 = (bd0_, bi0_, thr0_)
                        for t in range(_G):
                            bd_c, bi_c, thr_c = car2
                            d2 = d2g[t]
                            m = d2 < thr_c
                            nh = plsc.all_reduce_population_count(m)
                            car2 = lax.cond(
                                nh[0] > 0,
                                lambda a=bd_c, b=bi_c, d=d2, mm=m, tt=t:
                                    merge(a, b, d, mm, tt),
                                lambda a=bd_c, b=bi_c, c=thr_c: (a, b, c))
                        return car2
                    return run

                hit_any = mns[0] < car[2]
                for j in range(1, _P):
                    hit_any = hit_any | (mns[j] < car[3 * j + 2])
                nh_any = plsc.all_reduce_population_count(hit_any)

                def fire():
                    out = []
                    for j in range(_P):
                        bd_j = car[3 * j]
                        bi_j = car[3 * j + 1]
                        thr_j = car[3 * j + 2]
                        h = plsc.all_reduce_population_count(
                            mns[j] < thr_j)
                        bd_j, bi_j, thr_j = lax.cond(
                            h[0] > 0, ins_group(bd_j, bi_j, thr_j, d2s[j]),
                            lambda a=bd_j, b=bi_j, c=thr_j: (a, b, c))
                        out += [bd_j, bi_j, thr_j]
                    return tuple(out)

                return lax.cond(nh_any[0] > 0, fire, lambda: tuple(car))

            fin = lax.fori_loop(0, _CHUNK // (_LANES * _G), g_body,
                                tuple(st))
            for j in range(_P):
                q = qq * _P + j
                bdv[pl.ds(q * _M, _M)] = fin[3 * j]
                biv[q >> 3, pl.ds((q & 7) * _M, _M)] = fin[3 * j + 1]
            return carry

        lax.fori_loop(0, qpw // _P, q_loop, 0)
        return carry

    lax.fori_loop(0, nchunk, chunk_loop, 0)

    for p in range(ncand // 128):
        pltpu.async_copy(olat_h.at[biv.at[p]],
                         g0.at[pl.ds(p * 128, 128)], sem).wait()
        pltpu.async_copy(olon_h.at[biv.at[p]],
                         g1.at[pl.ds(p * 128, 128)], sem).wait()
        pltpu.async_copy(otgt_h.at[biv.at[p]],
                         g2.at[pl.ds(p * 128, 128)], sem).wait()

    for p in range(ncand // 128):
        pltpu.sync_copy(biv.at[p], oi_h.at[pl.ds(qb * _M + p * 128, 128)])
    pltpu.sync_copy(g0, clat_h.at[pl.ds(qb * _M, ncand)])
    pltpu.sync_copy(g1, clon_h.at[pl.ds(qb * _M, ncand)])
    pltpu.sync_copy(g2, ctgt_h.at[pl.ds(qb * _M, ncand)])


def _topk_sc(qx, qy, qz, ox, oy, oz, obs_lat, obs_lon, obs_tgt):
    q = qx.shape[0] // _LANES
    k = ox.shape[0]
    assert k % _CHUNK == 0 and q % _NWORKER == 0
    qpw = q // _NWORKER
    ncand = qpw * _M
    mesh = plsc.VectorSubcoreMesh(core_axis_name="c", subcore_axis_name="s")
    f32, i32 = jnp.float32, jnp.int32
    fn = functools.partial(_sc_body, k // _CHUNK, qpw)
    kfn = pl.kernel(
        fn,
        mesh=mesh,
        compiler_params=pltpu.CompilerParams(needs_layout_passes=False),
        out_type=[
            jax.ShapeDtypeStruct((q * _M,), i32),
            jax.ShapeDtypeStruct((q * _M,), f32),
            jax.ShapeDtypeStruct((q * _M,), f32),
            jax.ShapeDtypeStruct((q * _M,), f32),
        ],
        scratch_types=[
            pltpu.VMEM((qpw * _LANES,), f32),
            pltpu.VMEM((qpw * _LANES,), f32),
            pltpu.VMEM((qpw * _LANES,), f32),
            pltpu.VMEM((_CHUNK,), f32),
            pltpu.VMEM((_CHUNK,), f32),
            pltpu.VMEM((_CHUNK,), f32),
            pltpu.VMEM((ncand,), f32),
            pltpu.VMEM((ncand // 128, 128), i32),
            pltpu.VMEM((ncand,), f32),
            pltpu.VMEM((ncand,), f32),
            pltpu.VMEM((ncand,), f32),
            pltpu.SemaphoreType.DMA,
        ],
    )
    return kfn(qx, qy, qz, ox, oy, oz, obs_lat, obs_lon, obs_tgt)


def _refine_body(qlat_ref, qlon_ref, klat_ref, klon_ref, ktgt_ref, kidx_ref,
                 d_ref, i_ref, t_ref):
    ql = qlat_ref[...]
    qn = qlon_ref[...]
    kl = klat_ref[...]
    kn = klon_ref[...]
    kt = ktgt_ref[...]
    ki = kidx_ref[...]

    sdlat = _sinp((ql - kl) * 0.5)
    sdlon = _sinp((qn - kn) * 0.5)
    a = sdlat * sdlat + _cosp(ql) * _cosp(kl) * sdlon * sdlon
    a = jnp.clip(a, 1e-12, 1.0)
    d_all = (2.0 * _RADIUS) * _asinp(jnp.sqrt(a))

    big = jnp.int32(2 ** 30)
    col = lax.broadcasted_iota(jnp.int32, a.shape, 1)
    vals = a
    out_d = jnp.zeros(a.shape, jnp.float32)
    out_i = jnp.zeros(a.shape, jnp.int32)
    out_t = jnp.zeros(a.shape, jnp.float32)
    for j in range(_KNN):
        mn = jnp.min(vals, axis=1, keepdims=True)
        ismn = vals == mn
        pstar = jnp.min(jnp.where(ismn, ki, big), axis=1, keepdims=True)
        pick = ismn & (ki == pstar)
        dj = jnp.sum(jnp.where(pick, d_all, 0.0), axis=1, keepdims=True)
        tj = jnp.sum(jnp.where(pick, kt, 0.0), axis=1, keepdims=True)
        out_d = jnp.where(col == j, dj, out_d)
        out_i = jnp.where(col == j, pstar, out_i)
        out_t = jnp.where(col == j, tj, out_t)
        vals = jnp.where(pick, jnp.inf, vals)

    d_ref[...] = out_d[:, :_KNN]
    i_ref[...] = out_i[:, :_KNN]
    t_ref[...] = out_t[:, :_KNN]


def _refine(qlat, qlon, clat, clon, ctgt, cidx):
    q = qlat.shape[0]
    return pl.pallas_call(
        _refine_body,
        out_shape=[
            jax.ShapeDtypeStruct((q, _KNN), jnp.float32),
            jax.ShapeDtypeStruct((q, _KNN), jnp.int32),
            jax.ShapeDtypeStruct((q, _KNN), jnp.float32),
        ],
    )(qlat, qlon, clat, clon, ctgt, cidx)


def kernel(query_lat, query_lon, obs_lat, obs_lon, obs_targets):
    q = query_lat.shape[0]
    k = obs_lat.shape[0]
    kp = ((k + 127) // 128) * 128

    olat2 = jnp.pad(obs_lat, (0, kp - k)).reshape(kp // 128, 128)
    olon2 = jnp.pad(obs_lon, (0, kp - k)).reshape(kp // 128, 128)
    ox2, oy2, oz2 = _features(olat2, olon2)
    ox = ox2.reshape(kp)[:k]
    oy = oy2.reshape(kp)[:k]
    oz = oz2.reshape(kp)[:k]

    qx2, qy2, qz2 = _features(query_lat.reshape(q // 128, 128),
                              query_lon.reshape(q // 128, 128))
    qx = qx2.reshape(q)
    qy = qy2.reshape(q)
    qz = qz2.reshape(q)

    oi, clat, clon, ctgt = _topk_sc(
        jnp.repeat(qx, _LANES), jnp.repeat(qy, _LANES),
        jnp.repeat(qz, _LANES), ox, oy, oz,
        obs_lat, obs_lon, obs_targets)

    dists, indices, targets = _refine(
        query_lat.reshape(q, 1), query_lon.reshape(q, 1),
        clat.reshape(q, _M), clon.reshape(q, _M), ctgt.reshape(q, _M),
        oi.reshape(q, _M))
    return dists, indices, targets

# --- scband reference (transcript-rebuilt; emitter-appended) ---
"""Pipeline reference for scband-knn-estimator-41583873360537 (READ-ONLY COPY).

The authoritative reference and input builder live on the scoring server;
editing this copy changes nothing except your own understanding.
"""

import jax, jax.numpy as jnp
import numpy as np

NEIGHBORS_NUM = 10
EARTH_RADIUS = 6371.0


def _haversine_matrix(qlat, qlon, klat, klon):
    # pairwise haversine distance (in radians on unit sphere) between
    # Q query points and K observation points
    dlat = qlat[:, None] - klat[None, :]
    dlon = qlon[:, None] - klon[None, :]
    a = jnp.sin(dlat / 2.0) ** 2 + jnp.cos(qlat)[:, None] * jnp.cos(klat)[None, :] * jnp.sin(dlon / 2.0) ** 2
    a = jnp.clip(a, 1e-12, 1.0)
    return 2.0 * jnp.arcsin(jnp.sqrt(a))


def setup_inputs(seed: int = 0) -> dict:
    key = jax.random.key(seed)
    k1, k2, k3, k4, k5 = jax.random.split(key, 5)
    Q, K = 1024, 100000
    query_lat = jax.random.uniform(k1, (Q,), dtype=jnp.float32)
    query_lon = jax.random.uniform(k2, (Q,), dtype=jnp.float32)
    obs_lat = jax.random.uniform(k3, (K,), dtype=jnp.float32)
    obs_lon = jax.random.uniform(k4, (K,), dtype=jnp.float32)
    obs_targets = jax.random.normal(k5, (K,), dtype=jnp.float32)
    return {
        "query_lat": query_lat,
        "query_lon": query_lon,
        "obs_lat": obs_lat,
        "obs_lon": obs_lon,
        "obs_targets": obs_targets,
    }


def reference(query_lat, query_lon, obs_lat, obs_lon, obs_targets):
    # get_kneighbors_with_observations (eval mode: no self-neighbor drop)
    Q = query_lat.shape[0]
    chunk = 128 if Q % 128 == 0 else Q
    n_chunks = Q // chunk
    qlat_chunks = query_lat.reshape(n_chunks, chunk)
    qlon_chunks = query_lon.reshape(n_chunks, chunk)

    def body(carry, qs):
        ql, qn = qs
        d = _haversine_matrix(ql, qn, obs_lat, obs_lon) * EARTH_RADIUS
        neg_vals, idx = jax.lax.top_k(-d, NEIGHBORS_NUM)
        return carry, (-neg_vals, idx, obs_targets[idx])

    _, (dists_c, indices_c, targets_c) = jax.lax.scan(body, 0, (qlat_chunks, qlon_chunks))
    dists = dists_c.reshape(Q, NEIGHBORS_NUM)      # [Q, k] smallest distances, sorted ascending
    indices = indices_c.reshape(Q, NEIGHBORS_NUM)
    targets = targets_c.reshape(Q, NEIGHBORS_NUM)  # [Q, k] corresponding observed targets
    return dists, indices, targets

if __name__ == "__main__":
    import jax
    _d = setup_inputs()
    print(jax.jit(kernel)(*tuple(_d.values())))

</pallas_src>

<mosaic_0001>
#map = affine_map<(d0, d1) -> (0)>
module attributes {stable_mosaic.version = 14 : i64} {
  func.func @_sc_body(%arg0: i32, %arg1: i32, %arg2: memref<16384xf32, #tpu.memory_space<hbm>>, %arg3: memref<16384xf32, #tpu.memory_space<hbm>>, %arg4: memref<16384xf32, #tpu.memory_space<hbm>>, %arg5: memref<100000xf32, #tpu.memory_space<hbm>>, %arg6: memref<100000xf32, #tpu.memory_space<hbm>>, %arg7: memref<100000xf32, #tpu.memory_space<hbm>>, %arg8: memref<100000xf32, #tpu.memory_space<hbm>>, %arg9: memref<100000xf32, #tpu.memory_space<hbm>>, %arg10: memref<100000xf32, #tpu.memory_space<hbm>>, %arg11: memref<16384xi32, #tpu.memory_space<hbm>>, %arg12: memref<16384xf32, #tpu.memory_space<hbm>>, %arg13: memref<16384xf32, #tpu.memory_space<hbm>>, %arg14: memref<16384xf32, #tpu.memory_space<hbm>>, %arg15: memref<512xf32, #tpu.memory_space<vmem>>, %arg16: memref<512xf32, #tpu.memory_space<vmem>>, %arg17: memref<512xf32, #tpu.memory_space<vmem>>, %arg18: memref<20000xf32, #tpu.memory_space<vmem>>, %arg19: memref<20000xf32, #tpu.memory_space<vmem>>, %arg20: memref<20000xf32, #tpu.memory_space<vmem>>, %arg21: memref<512xf32, #tpu.memory_space<vmem>>, %arg22: memref<4x128xi32, #tpu.memory_space<vmem>>, %arg23: memref<512xf32, #tpu.memory_space<vmem>>, %arg24: memref<512xf32, #tpu.memory_space<vmem>>, %arg25: memref<512xf32, #tpu.memory_space<vmem>>, %arg26: memref<!tpu.dma_semaphore, #tpu.memory_space<semaphore_mem>>) attributes {dimension_semantics = [#tpu.dimension_semantics<core_parallel>, #tpu.dimension_semantics<subcore_parallel>], iteration_bounds = array<i64: 2, 16>, scalar_prefetch = 0 : i64, scratch_operands = 12 : i64, tpu.core_type = #tpu.core_type<sc_vector_subcore>, window_params = [{transform_indices = #map}, {transform_indices = #map}, {transform_indices = #map}, {transform_indices = #map}, {transform_indices = #map}, {transform_indices = #map}, {transform_indices = #map}, {transform_indices = #map}, {transform_indices = #map}, {transform_indices = #map}, {transform_indices = #map}, {transform_indices = #map}, {transform_indices = #map}]} {
    %mul3A = arith.constant 2 : i32
    %mul3A_0 = arith.muli %arg1, %mul3A : i32
    %add3A = arith.addi %mul3A_0, %arg0 : i32
    %mul3A_1 = arith.constant 32 : i32
    %mul3A_2 = arith.muli %add3A, %mul3A_1 : i32
    %mul3A_3 = arith.constant 16 : i32
    %mul3A_4 = arith.muli %mul3A_2, %mul3A_3 : i32
    "tpu.region"() ({
      %run_scoped3A_235 = tpu.sem_alloc : memref<!tpu.dma_semaphore, #tpu.memory_space<semaphore_mem>>
      %dma_start3A_236 = tpu.memref_slice %arg2[%mul3A_4] : memref<16384xf32, #tpu.memory_space<hbm>> -> memref<512xf32, #tpu.memory_space<hbm>>
      %dma_start3A_237 = tpu.memref_slice %arg2[%mul3A_4] : memref<16384xf32, #tpu.memory_space<hbm>> -> memref<512xf32, #tpu.memory_space<hbm>>
      tpu.enqueue_dma source(%dma_start3A_237 : memref<512xf32, #tpu.memory_space<hbm>>) target(%arg15 : memref<512xf32, #tpu.memory_space<vmem>>) target_semaphore(%run_scoped3A_235 : memref<!tpu.dma_semaphore, #tpu.memory_space<semaphore_mem>>)
      %dma_wait3A_238 = tpu.memref_slice %arg2[%mul3A_4] : memref<16384xf32, #tpu.memory_space<hbm>> -> memref<512xf32, #tpu.memory_space<hbm>>
      %dma_wait3A_239 = tpu.memref_slice %arg2[%mul3A_4] : memref<16384xf32, #tpu.memory_space<hbm>> -> memref<512xf32, #tpu.memory_space<hbm>>
      tpu.wait_dma2 semaphore(%run_scoped3A_235 : memref<!tpu.dma_semaphore, #tpu.memory_space<semaphore_mem>>) src(%dma_wait3A_239 : memref<512xf32, #tpu.memory_space<hbm>>) dst(%arg15 : memref<512xf32, #tpu.memory_space<vmem>>)
      tpu.yield
    }) : () -> ()
    %mul3A_5 = arith.constant 16 : i32
    %mul3A_6 = arith.muli %mul3A_2, %mul3A_5 : i32
    "tpu.region"() ({
      %run_scoped3A_235 = tpu.sem_alloc : memref<!tpu.dma_semaphore, #tpu.memory_space<semaphore_mem>>
      %dma_start3A_236 = tpu.memref_slice %arg3[%mul3A_6] : memref<16384xf32, #tpu.memory_space<hbm>> -> memref<512xf32, #tpu.memory_space<hbm>>
      %dma_start3A_237 = tpu.memref_slice %arg3[%mul3A_6] : memref<16384xf32, #tpu.memory_space<hbm>> -> memref<512xf32, #tpu.memory_space<hbm>>
      tpu.enqueue_dma source(%dma_start3A_237 : memref<512xf32, #tpu.memory_space<hbm>>) target(%arg16 : memref<512xf32, #tpu.memory_space<vmem>>) target_semaphore(%run_scoped3A_235 : memref<!tpu.dma_semaphore, #tpu.memory_space<semaphore_mem>>)
      %dma_wait3A_238 = tpu.memref_slice %arg3[%mul3A_6] : memref<16384xf32, #tpu.memory_space<hbm>> -> memref<512xf32, #tpu.memory_space<hbm>>
      %dma_wait3A_239 = tpu.memref_slice %arg3[%mul3A_6] : memref<16384xf32, #tpu.memory_space<hbm>> -> memref<512xf32, #tpu.memory_space<hbm>>
      tpu.wait_dma2 semaphore(%run_scoped3A_235 : memref<!tpu.dma_semaphore, #tpu.memory_space<semaphore_mem>>) src(%dma_wait3A_239 : memref<512xf32, #tpu.memory_space<hbm>>) dst(%arg16 : memref<512xf32, #tpu.memory_space<vmem>>)
      tpu.yield
    }) : () -> ()
    %mul3A_7 = arith.constant 16 : i32
    %mul3A_8 = arith.muli %mul3A_2, %mul3A_7 : i32
    "tpu.region"() ({
      %run_scoped3A_235 = tpu.sem_alloc : memref<!tpu.dma_semaphore, #tpu.memory_space<semaphore_mem>>
      %dma_start3A_236 = tpu.memref_slice %arg4[%mul3A_8] : memref<16384xf32, #tpu.memory_space<hbm>> -> memref<512xf32, #tpu.memory_space<hbm>>
      %dma_start3A_237 = tpu.memref_slice %arg4[%mul3A_8] : memref<16384xf32, #tpu.memory_space<hbm>> -> memref<512xf32, #tpu.memory_space<hbm>>
      tpu.enqueue_dma source(%dma_start3A_237 : memref<512xf32, #tpu.memory_space<hbm>>) target(%arg17 : memref<512xf32, #tpu.memory_space<vmem>>) target_semaphore(%run_scoped3A_235 : memref<!tpu.dma_semaphore, #tpu.memory_space<semaphore_mem>>)
      %dma_wait3A_238 = tpu.memref_slice %arg4[%mul3A_8] : memref<16384xf32, #tpu.memory_space<hbm>> -> memref<512xf32, #tpu.memory_space<hbm>>
      %dma_wait3A_239 = tpu.memref_slice %arg4[%mul3A_8] : memref<16384xf32, #tpu.memory_space<hbm>> -> memref<512xf32, #tpu.memory_space<hbm>>
      tpu.wait_dma2 semaphore(%run_scoped3A_235 : memref<!tpu.dma_semaphore, #tpu.memory_space<semaphore_mem>>) src(%dma_wait3A_239 : memref<512xf32, #tpu.memory_space<hbm>>) dst(%arg17 : memref<512xf32, #tpu.memory_space<vmem>>)
      tpu.yield
    }) : () -> ()
    %scan3A = arith.constant 0 : i32
    %scan3A_9 = arith.constant 0 : i32
    %scan3A_10 = arith.constant 32 : i32
    %scan3A_11 = arith.addi %scan3A_9, %scan3A_10 : i32
    %scan3A_12 = arith.constant 1 : i32
    scf.for %scan3A_235 = %scan3A_9 to %scan3A_11 step %scan3A_12  : i32 {
      %broadcast_in_dim3A = arith.constant 0x7F800000 : f32
      %broadcast_in_dim3A_236 = vector.broadcast %broadcast_in_dim3A : f32 to vector<16xf32>
      %mul3A_237 = arith.constant 16 : i32
      %mul3A_238 = arith.muli %scan3A_235, %mul3A_237 : i32
      %swap3A = arith.index_cast %mul3A_238 : i32 to index
      %swap3A_239 = tpu.vector_load %arg21[%swap3A] {strides = array<i32>} : memref<512xf32, #tpu.memory_space<vmem>>, vector<16xf32>,
      tpu.vector_store %arg21[%swap3A], %broadcast_in_dim3A_236 {strides = array<i32>} : memref<512xf32, #tpu.memory_space<vmem>>, vector<16xf32>,
      %broadcast_in_dim3A_240 = arith.constant 0 : i32
      %broadcast_in_dim3A_241 = vector.broadcast %broadcast_in_dim3A_240 : i32 to vector<16xi32>
      %shift_right_arithmetic3A = arith.constant 3 : i32
      %shift_right_arithmetic3A_242 = arith.shrsi %scan3A_235, %shift_right_arithmetic3A : i32
      %and3A = arith.constant 7 : i32
      %and3A_243 = arith.andi %scan3A_235, %and3A : i32
      %mul3A_244 = arith.constant 16 : i32
      %mul3A_245 = arith.muli %and3A_243, %mul3A_244 : i32
      %swap3A_246 = arith.index_cast %shift_right_arithmetic3A_242 : i32 to index
      %swap3A_247 = arith.index_cast %mul3A_245 : i32 to index
      %swap3A_248 = tpu.vector_load %arg22[%swap3A_246, %swap3A_247] {strides = array<i32>} : memref<4x128xi32, #tpu.memory_space<vmem>>, vector<16xi32>,
      tpu.vector_store %arg22[%swap3A_246, %swap3A_247], %broadcast_in_dim3A_241 {strides = array<i32>} : memref<4x128xi32, #tpu.memory_space<vmem>>, vector<16xi32>,
    }
    %scan3A_13 = arith.constant 32 : i32
    %scan3A_14 = arith.constant 0 : i32
    %scan3A_15 = arith.constant 0 : i32
    %scan3A_16 = arith.constant 5 : i32
    %scan3A_17 = arith.addi %scan3A_15, %scan3A_16 : i32
    %scan3A_18 = arith.constant 1 : i32
    scf.for %scan3A_235 = %scan3A_15 to %scan3A_17 step %scan3A_18  : i32 {
      %mul3A_236 = arith.constant 20000 : i32
      %mul3A_237 = arith.muli %scan3A_235, %mul3A_236 : i32
      "tpu.region"() ({
        %run_scoped3A_250 = tpu.sem_alloc : memref<!tpu.dma_semaphore, #tpu.memory_space<semaphore_mem>>
        %dma_start3A_251 = tpu.memref_slice %arg5[%mul3A_237] : memref<100000xf32, #tpu.memory_space<hbm>> -> memref<20000xf32, #tpu.memory_space<hbm>>
        %dma_start3A_252 = tpu.memref_slice %arg5[%mul3A_237] : memref<100000xf32, #tpu.memory_space<hbm>> -> memref<20000xf32, #tpu.memory_space<hbm>>
        tpu.enqueue_dma source(%dma_start3A_252 : memref<20000xf32, #tpu.memory_space<hbm>>) target(%arg18 : memref<20000xf32, #tpu.memory_space<vmem>>) target_semaphore(%run_scoped3A_250 : memref<!tpu.dma_semaphore, #tpu.memory_space<semaphore_mem>>)
        %dma_wait3A_253 = tpu.memref_slice %arg5[%mul3A_237] : memref<100000xf32, #tpu.memory_space<hbm>> -> memref<20000xf32, #tpu.memory_space<hbm>>
        %dma_wait3A_254 = tpu.memref_slice %arg5[%mul3A_237] : memref<100000xf32, #tpu.memory_space<hbm>> -> memref<20000xf32, #tpu.memory_space<hbm>>
        tpu.wait_dma2 semaphore(%run_scoped3A_250 : memref<!tpu.dma_semaphore, #tpu.memory_space<semaphore_mem>>) src(%dma_wait3A_254 : memref<20000xf32, #tpu.memory_space<hbm>>) dst(%arg18 : memref<20000xf32, #tpu.memory_space<vmem>>)
        tpu.yield
      }) : () -> ()
      %mul3A_238 = arith.constant 20000 : i32
      %mul3A_239 = arith.muli %scan3A_235, %mul3A_238 : i32
      "tpu.region"() ({
        %run_scoped3A_250 = tpu.sem_alloc : memref<!tpu.dma_semaphore, #tpu.memory_space<semaphore_mem>>
        %dma_start3A_251 = tpu.memref_slice %arg6[%mul3A_239] : memref<100000xf32, #tpu.memory_space<hbm>> -> memref<20000xf32, #tpu.memory_space<hbm>>
        %dma_start3A_252 = tpu.memref_slice %arg6[%mul3A_239] : memref<100000xf32, #tpu.memory_space<hbm>> -> memref<20000xf32, #tpu.memory_space<hbm>>
        tpu.enqueue_dma source(%dma_start3A_252 : memref<20000xf32, #tpu.memory_space<hbm>>) target(%arg19 : memref<20000xf32, #tpu.memory_space<vmem>>) target_semaphore(%run_scoped3A_250 : memref<!tpu.dma_semaphore, #tpu.memory_space<semaphore_mem>>)
        %dma_wait3A_253 = tpu.memref_slice %arg6[%mul3A_239] : memref<100000xf32, #tpu.memory_space<hbm>> -> memref<20000xf32, #tpu.memory_space<hbm>>
        %dma_wait3A_254 = tpu.memref_slice %arg6[%mul3A_239] : memref<100000xf32, #tpu.memory_space<hbm>> -> memref<20000xf32, #tpu.memory_space<hbm>>
        tpu.wait_dma2 semaphore(%run_scoped3A_250 : memref<!tpu.dma_semaphore, #tpu.memory_space<semaphore_mem>>) src(%dma_wait3A_254 : memref<20000xf32, #tpu.memory_space<hbm>>) dst(%arg19 : memref<20000xf32, #tpu.memory_space<vmem>>)
        tpu.yield
      }) : () -> ()
      %mul3A_240 = arith.constant 20000 : i32
      %mul3A_241 = arith.muli %scan3A_235, %mul3A_240 : i32
      "tpu.region"() ({
        %run_scoped3A_250 = tpu.sem_alloc : memref<!tpu.dma_semaphore, #tpu.memory_space<semaphore_mem>>
        %dma_start3A_251 = tpu.memref_slice %arg7[%mul3A_241] : memref<100000xf32, #tpu.memory_space<hbm>> -> memref<20000xf32, #tpu.memory_space<hbm>>
        %dma_start3A_252 = tpu.memref_slice %arg7[%mul3A_241] : memref<100000xf32, #tpu.memory_space<hbm>> -> memref<20000xf32, #tpu.memory_space<hbm>>
        tpu.enqueue_dma source(%dma_start3A_252 : memref<20000xf32, #tpu.memory_space<hbm>>) target(%arg20 : memref<20000xf32, #tpu.memory_space<vmem>>) target_semaphore(%run_scoped3A_250 : memref<!tpu.dma_semaphore, #tpu.memory_space<semaphore_mem>>)
        %dma_wait3A_253 = tpu.memref_slice %arg7[%mul3A_241] : memref<100000xf32, #tpu.memory_space<hbm>> -> memref<20000xf32, #tpu.memory_space<hbm>>
        %dma_wait3A_254 = tpu.memref_slice %arg7[%mul3A_241] : memref<100000xf32, #tpu.memory_space<hbm>> -> memref<20000xf32, #tpu.memory_space<hbm>>
        tpu.wait_dma2 semaphore(%run_scoped3A_250 : memref<!tpu.dma_semaphore, #tpu.memory_space<semaphore_mem>>) src(%dma_wait3A_254 : memref<20000xf32, #tpu.memory_space<hbm>>) dst(%arg20 : memref<20000xf32, #tpu.memory_space<vmem>>)
        tpu.yield
      }) : () -> ()
      %mul3A_242 = arith.constant 20000 : i32
      %mul3A_243 = arith.muli %scan3A_235, %mul3A_242 : i32
      %scan3A_244 = arith.constant 0 : i32
      %scan3A_245 = arith.constant 0 : i32
      %scan3A_246 = arith.constant 8 : i32
      %scan3A_247 = arith.addi %scan3A_245, %scan3A_246 : i32
      %scan3A_248 = arith.constant 1 : i32
      scf.for %scan3A_250 = %scan3A_245 to %scan3A_247 step %scan3A_248  : i32 {
        %mul3A_251 = arith.constant 4 : i32
        %mul3A_252 = arith.muli %scan3A_250, %mul3A_251 : i32
        %add3A_253 = arith.constant 0 : i32
        %add3A_254 = arith.addi %mul3A_252, %add3A_253 : i32
        %mul3A_255 = arith.constant 16 : i32
        %mul3A_256 = arith.muli %add3A_254, %mul3A_255 : i32
        %get3A = arith.index_cast %mul3A_256 : i32 to index
        %get3A_257 = tpu.vector_load %arg15[%get3A] {strides = array<i32>} : memref<512xf32, #tpu.memory_space<vmem>>, vector<16xf32>,
        %mul3A_258 = arith.constant 16 : i32
        %mul3A_259 = arith.muli %add3A_254, %mul3A_258 : i32
        %get3A_260 = arith.index_cast %mul3A_259 : i32 to index
        %get3A_261 = tpu.vector_load %arg16[%get3A_260] {strides = array<i32>} : memref<512xf32, #tpu.memory_space<vmem>>, vector<16xf32>,
        %mul3A_262 = arith.constant 16 : i32
        %mul3A_263 = arith.muli %add3A_254, %mul3A_262 : i32
        %get3A_264 = arith.index_cast %mul3A_263 : i32 to index
        %get3A_265 = tpu.vector_load %arg17[%get3A_264] {strides = array<i32>} : memref<512xf32, #tpu.memory_space<vmem>>, vector<16xf32>,
        %mul3A_266 = arith.constant 16 : i32
        %mul3A_267 = arith.muli %add3A_254, %mul3A_266 : i32
        %get3A_268 = arith.index_cast %mul3A_267 : i32 to index
        %get3A_269 = tpu.vector_load %arg21[%get3A_268] {strides = array<i32>} : memref<512xf32, #tpu.memory_space<vmem>>, vector<16xf32>,
        %shift_right_arithmetic3A = arith.constant 3 : i32
        %shift_right_arithmetic3A_270 = arith.shrsi %add3A_254, %shift_right_arithmetic3A : i32
        %and3A = arith.constant 7 : i32
        %and3A_271 = arith.andi %add3A_254, %and3A : i32
        %mul3A_272 = arith.constant 16 : i32
        %mul3A_273 = arith.muli %and3A_271, %mul3A_272 : i32
        %get3A_274 = arith.index_cast %shift_right_arithmetic3A_270 : i32 to index
        %get3A_275 = arith.index_cast %mul3A_273 : i32 to index
        %get3A_276 = tpu.vector_load %arg22[%get3A_274, %get3A_275] {strides = array<i32>} : memref<4x128xi32, #tpu.memory_space<vmem>>, vector<16xi32>,
        %slice3A = vector.extract_strided_slice %get3A_269 {offsets = [15], sizes = [1], strides = [1]} : vector<16xf32> to vector<1xf32>
        %squeeze3A = vector.extract %slice3A[0] : f32 from vector<1xf32>
        %broadcast_in_dim3A = vector.broadcast %squeeze3A : f32 to vector<16xf32>
        %mul3A_277 = arith.constant 4 : i32
        %mul3A_278 = arith.muli %scan3A_250, %mul3A_277 : i32
        %add3A_279 = arith.constant 1 : i32
        %add3A_280 = arith.addi %mul3A_278, %add3A_279 : i32
        %mul3A_281 = arith.constant 16 : i32
        %mul3A_282 = arith.muli %add3A_280, %mul3A_281 : i32
        %get3A_283 = arith.index_cast %mul3A_282 : i32 to index
        %get3A_284 = tpu.vector_load %arg15[%get3A_283] {strides = array<i32>} : memref<512xf32, #tpu.memory_space<vmem>>, vector<16xf32>,
        %mul3A_285 = arith.constant 16 : i32
        %mul3A_286 = arith.muli %add3A_280, %mul3A_285 : i32
        %get3A_287 = arith.index_cast %mul3A_286 : i32 to index
        %get3A_288 = tpu.vector_load %arg16[%get3A_287] {strides = array<i32>} : memref<512xf32, #tpu.memory_space<vmem>>, vector<16xf32>,
        %mul3A_289 = arith.constant 16 : i32
        %mul3A_290 = arith.muli %add3A_280, %mul3A_289 : i32
        %get3A_291 = arith.index_cast %mul3A_290 : i32 to index
        %get3A_292 = tpu.vector_load %arg17[%get3A_291] {strides = array<i32>} : memref<512xf32, #tpu.memory_space<vmem>>, vector<16xf32>,
        %mul3A_293 = arith.constant 16 : i32
        %mul3A_294 = arith.muli %add3A_280, %mul3A_293 : i32
        %get3A_295 = arith.index_cast %mul3A_294 : i32 to index
        %get3A_296 = tpu.vector_load %arg21[%get3A_295] {strides = array<i32>} : memref<512xf32, #tpu.memory_space<vmem>>, vector<16xf32>,
        %shift_right_arithmetic3A_297 = arith.constant 3 : i32
        %shift_right_arithmetic3A_298 = arith.shrsi %add3A_280, %shift_right_arithmetic3A_297 : i32
        %and3A_299 = arith.constant 7 : i32
        %and3A_300 = arith.andi %add3A_280, %and3A_299 : i32
        %mul3A_301 = arith.constant 16 : i32
        %mul3A_302 = arith.muli %and3A_300, %mul3A_301 : i32
        %get3A_303 = arith.index_cast %shift_right_arithmetic3A_298 : i32 to index
        %get3A_304 = arith.index_cast %mul3A_302 : i32 to index
        %get3A_305 = tpu.vector_load %arg22[%get3A_303, %get3A_304] {strides = array<i32>} : memref<4x128xi32, #tpu.memory_space<vmem>>, vector<16xi32>,
        %slice3A_306 = vector.extract_strided_slice %get3A_296 {offsets = [15], sizes = [1], strides = [1]} : vector<16xf32> to vector<1xf32>
        %squeeze3A_307 = vector.extract %slice3A_306[0] : f32 from vector<1xf32>
        %broadcast_in_dim3A_308 = vector.broadcast %squeeze3A_307 : f32 to vector<16xf32>
        %mul3A_309 = arith.constant 4 : i32
        %mul3A_310 = arith.muli %scan3A_250, %mul3A_309 : i32
        %add3A_311 = arith.constant 2 : i32
        %add3A_312 = arith.addi %mul3A_310, %add3A_311 : i32
        %mul3A_313 = arith.constant 16 : i32
        %mul3A_314 = arith.muli %add3A_312, %mul3A_313 : i32
        %get3A_315 = arith.index_cast %mul3A_314 : i32 to index
        %get3A_316 = tpu.vector_load %arg15[%get3A_315] {strides = array<i32>} : memref<512xf32, #tpu.memory_space<vmem>>, vector<16xf32>,
        %mul3A_317 = arith.constant 16 : i32
        %mul3A_318 = arith.muli %add3A_312, %mul3A_317 : i32
        %get3A_319 = arith.index_cast %mul3A_318 : i32 to index
        %get3A_320 = tpu.vector_load %arg16[%get3A_319] {strides = array<i32>} : memref<512xf32, #tpu.memory_space<vmem>>, vector<16xf32>,
        %mul3A_321 = arith.constant 16 : i32
        %mul3A_322 = arith.muli %add3A_312, %mul3A_321 : i32
        %get3A_323 = arith.index_cast %mul3A_322 : i32 to index
        %get3A_324 = tpu.vector_load %arg17[%get3A_323] {strides = array<i32>} : memref<512xf32, #tpu.memory_space<vmem>>, vector<16xf32>,
        %mul3A_325 = arith.constant 16 : i32
        %mul3A_326 = arith.muli %add3A_312, %mul3A_325 : i32
        %get3A_327 = arith.index_cast %mul3A_326 : i32 to index
        %get3A_328 = tpu.vector_load %arg21[%get3A_327] {strides = array<i32>} : memref<512xf32, #tpu.memory_space<vmem>>, vector<16xf32>,
        %shift_right_arithmetic3A_329 = arith.constant 3 : i32
        %shift_right_arithmetic3A_330 = arith.shrsi %add3A_312, %shift_right_arithmetic3A_329 : i32
        %and3A_331 = arith.constant 7 : i32
        %and3A_332 = arith.andi %add3A_312, %and3A_331 : i32
        %mul3A_333 = arith.constant 16 : i32
        %mul3A_334 = arith.muli %and3A_332, %mul3A_333 : i32
        %get3A_335 = arith.index_cast %shift_right_arithmetic3A_330 : i32 to index
        %get3A_336 = arith.index_cast %mul3A_334 : i32 to index
        %get3A_337 = tpu.vector_load %arg22[%get3A_335, %get3A_336] {strides = array<i32>} : memref<4x128xi32, #tpu.memory_space<vmem>>, vector<16xi32>,
        %slice3A_338 = vector.extract_strided_slice %get3A_328 {offsets = [15], sizes = [1], strides = [1]} : vector<16xf32> to vector<1xf32>
        %squeeze3A_339 = vector.extract %slice3A_338[0] : f32 from vector<1xf32>
        %broadcast_in_dim3A_340 = vector.broadcast %squeeze3A_339 : f32 to vector<16xf32>
        %mul3A_341 = arith.constant 4 : i32
        %mul3A_342 = arith.muli %scan3A_250, %mul3A_341 : i32
        %add3A_343 = arith.constant 3 : i32
        %add3A_344 = arith.addi %mul3A_342, %add3A_343 : i32
        %mul3A_345 = arith.constant 16 : i32
        %mul3A_346 = arith.muli %add3A_344, %mul3A_345 : i32
        %get3A_347 = arith.index_cast %mul3A_346 : i32 to index
        %get3A_348 = tpu.vector_load %arg15[%get3A_347] {strides = array<i32>} : memref<512xf32, #tpu.memory_space<vmem>>, vector<16xf32>,
        %mul3A_349 = arith.constant 16 : i32
        %mul3A_350 = arith.muli %add3A_344, %mul3A_349 : i32
        %get3A_351 = arith.index_cast %mul3A_350 : i32 to index
        %get3A_352 = tpu.vector_load %arg16[%get3A_351] {strides = array<i32>} : memref<512xf32, #tpu.memory_space<vmem>>, vector<16xf32>,
        %mul3A_353 = arith.constant 16 : i32
        %mul3A_354 = arith.muli %add3A_344, %mul3A_353 : i32
        %get3A_355 = arith.index_cast %mul3A_354 : i32 to index
        %get3A_356 = tpu.vector_load %arg17[%get3A_355] {strides = array<i32>} : memref<512xf32, #tpu.memory_space<vmem>>, vector<16xf32>,
        %mul3A_357 = arith.constant 16 : i32
        %mul3A_358 = arith.muli %add3A_344, %mul3A_357 : i32
        %get3A_359 = arith.index_cast %mul3A_358 : i32 to index
        %get3A_360 = tpu.vector_load %arg21[%get3A_359] {strides = array<i32>} : memref<512xf32, #tpu.memory_space<vmem>>, vector<16xf32>,
        %shift_right_arithmetic3A_361 = arith.constant 3 : i32
        %shift_right_arithmetic3A_362 = arith.shrsi %add3A_344, %shift_right_arithmetic3A_361 : i32
        %and3A_363 = arith.constant 7 : i32
        %and3A_364 = arith.andi %add3A_344, %and3A_363 : i32
        %mul3A_365 = arith.constant 16 : i32
        %mul3A_366 = arith.muli %and3A_364, %mul3A_365 : i32
        %get3A_367 = arith.index_cast %shift_right_arithmetic3A_362 : i32 to index
        %get3A_368 = arith.index_cast %mul3A_366 : i32 to index
        %get3A_369 = tpu.vector_load %arg22[%get3A_367, %get3A_368] {strides = array<i32>} : memref<4x128xi32, #tpu.memory_space<vmem>>, vector<16xi32>,
        %slice3A_370 = vector.extract_strided_slice %get3A_360 {offsets = [15], sizes = [1], strides = [1]} : vector<16xf32> to vector<1xf32>
        %squeeze3A_371 = vector.extract %slice3A_370[0] : f32 from vector<1xf32>
        %broadcast_in_dim3A_372 = vector.broadcast %squeeze3A_371 : f32 to vector<16xf32>
        %scan3A_373 = arith.constant 0 : i32
        %scan3A_374 = arith.constant 125 : i32
        %scan3A_375 = arith.addi %scan3A_373, %scan3A_374 : i32
        %scan3A_376 = arith.constant 1 : i32
        %scan3A_377:12 = scf.for %scan3A_446 = %scan3A_373 to %scan3A_375 step %scan3A_376 iter_args(%scan3A_447 = %get3A_269, %scan3A_448 = %get3A_276, %scan3A_449 = %broadcast_in_dim3A, %scan3A_450 = %get3A_296, %scan3A_451 = %get3A_305, %scan3A_452 = %broadcast_in_dim3A_308, %scan3A_453 = %get3A_328, %scan3A_454 = %get3A_337, %scan3A_455 = %broadcast_in_dim3A_340, %scan3A_456 = %get3A_360, %scan3A_457 = %get3A_369, %scan3A_458 = %broadcast_in_dim3A_372) -> (vector<16xf32>, vector<16xi32>, vector<16xf32>, vector<16xf32>, vector<16xi32>, vector<16xf32>, vector<16xf32>, vector<16xi32>, vector<16xf32>, vector<16xf32>, vector<16xi32>, vector<16xf32>)  : i32 {
          %mul3A_459 = arith.constant 160 : i32
          %mul3A_460 = arith.muli %scan3A_446, %mul3A_459 : i32
          %add3A_461 = arith.constant 0 : i32
          %add3A_462 = arith.addi %mul3A_460, %add3A_461 : i32
          %get3A_463 = arith.index_cast %add3A_462 : i32 to index
          %get3A_464 = tpu.vector_load %arg18[%get3A_463] {strides = array<i32>} : memref<20000xf32, #tpu.memory_space<vmem>>, vector<16xf32>,
          %get3A_465 = arith.index_cast %add3A_462 : i32 to index
          %get3A_466 = tpu.vector_load %arg19[%get3A_465] {strides = array<i32>} : memref<20000xf32, #tpu.memory_space<vmem>>, vector<16xf32>,
          %get3A_467 = arith.index_cast %add3A_462 : i32 to index
          %get3A_468 = tpu.vector_load %arg20[%get3A_467] {strides = array<i32>} : memref<20000xf32, #tpu.memory_space<vmem>>, vector<16xf32>,
          %mul3A_469 = arith.mulf %get3A_464, %get3A_257 : vector<16xf32>
          %mul3A_470 = arith.mulf %get3A_466, %get3A_261 : vector<16xf32>
          %add3A_471 = arith.addf %mul3A_469, %mul3A_470 : vector<16xf32>
          %mul3A_472 = arith.mulf %get3A_468, %get3A_265 : vector<16xf32>
          %add3A_473 = arith.addf %add3A_471, %mul3A_472 : vector<16xf32>
          %neg3A = arith.constant 0.000000e+00 : f32
          %neg3A_474 = vector.broadcast %neg3A : f32 to vector<16xf32>
          %neg3A_475 = arith.subf %neg3A_474, %add3A_473 : vector<16xf32>
          %mul3A_476 = arith.mulf %get3A_464, %get3A_284 : vector<16xf32>
          %mul3A_477 = arith.mulf %get3A_466, %get3A_288 : vector<16xf32>
          %add3A_478 = arith.addf %mul3A_476, %mul3A_477 : vector<16xf32>
          %mul3A_479 = arith.mulf %get3A_468, %get3A_292 : vector<16xf32>
          %add3A_480 = arith.addf %add3A_478, %mul3A_479 : vector<16xf32>
          %neg3A_481 = arith.constant 0.000000e+00 : f32
          %neg3A_482 = vector.broadcast %neg3A_481 : f32 to vector<16xf32>
          %neg3A_483 = arith.subf %neg3A_482, %add3A_480 : vector<16xf32>
          %mul3A_484 = arith.mulf %get3A_464, %get3A_316 : vector<16xf32>
          %mul3A_485 = arith.mulf %get3A_466, %get3A_320 : vector<16xf32>
          %add3A_486 = arith.addf %mul3A_484, %mul3A_485 : vector<16xf32>
          %mul3A_487 = arith.mulf %get3A_468, %get3A_324 : vector<16xf32>
          %add3A_488 = arith.addf %add3A_486, %mul3A_487 : vector<16xf32>
          %neg3A_489 = arith.constant 0.000000e+00 : f32
          %neg3A_490 = vector.broadcast %neg3A_489 : f32 to vector<16xf32>
          %neg3A_491 = arith.subf %neg3A_490, %add3A_488 : vector<16xf32>
          %mul3A_492 = arith.mulf %get3A_464, %get3A_348 : vector<16xf32>
          %mul3A_493 = arith.mulf %get3A_466, %get3A_352 : vector<16xf32>
          %add3A_494 = arith.addf %mul3A_492, %mul3A_493 : vector<16xf32>
          %mul3A_495 = arith.mulf %get3A_468, %get3A_356 : vector<16xf32>
          %add3A_496 = arith.addf %add3A_494, %mul3A_495 : vector<16xf32>
          %neg3A_497 = arith.constant 0.000000e+00 : f32
          %neg3A_498 = vector.broadcast %neg3A_497 : f32 to vector<16xf32>
          %neg3A_499 = arith.subf %neg3A_498, %add3A_496 : vector<16xf32>
          %add3A_500 = arith.constant 16 : i32
          %add3A_501 = arith.addi %mul3A_460, %add3A_500 : i32
          %get3A_502 = arith.index_cast %add3A_501 : i32 to index
          %get3A_503 = tpu.vector_load %arg18[%get3A_502] {strides = array<i32>} : memref<20000xf32, #tpu.memory_space<vmem>>, vector<16xf32>,
          %get3A_504 = arith.index_cast %add3A_501 : i32 to index
          %get3A_505 = tpu.vector_load %arg19[%get3A_504] {strides = array<i32>} : memref<20000xf32, #tpu.memory_space<vmem>>, vector<16xf32>,
          %get3A_506 = arith.index_cast %add3A_501 : i32 to index
          %get3A_507 = tpu.vector_load %arg20[%get3A_506] {strides = array<i32>} : memref<20000xf32, #tpu.memory_space<vmem>>, vector<16xf32>,
          %mul3A_508 = arith.mulf %get3A_503, %get3A_257 : vector<16xf32>
          %mul3A_509 = arith.mulf %get3A_505, %get3A_261 : vector<16xf32>
          %add3A_510 = arith.addf %mul3A_508, %mul3A_509 : vector<16xf32>
          %mul3A_511 = arith.mulf %get3A_507, %get3A_265 : vector<16xf32>
          %add3A_512 = arith.addf %add3A_510, %mul3A_511 : vector<16xf32>
          %neg3A_513 = arith.constant 0.000000e+00 : f32
          %neg3A_514 = vector.broadcast %neg3A_513 : f32 to vector<16xf32>
          %neg3A_515 = arith.subf %neg3A_514, %add3A_512 : vector<16xf32>
          %mul3A_516 = arith.mulf %get3A_503, %get3A_284 : vector<16xf32>
          %mul3A_517 = arith.mulf %get3A_505, %get3A_288 : vector<16xf32>
          %add3A_518 = arith.addf %mul3A_516, %mul3A_517 : vector<16xf32>
          %mul3A_519 = arith.mulf %get3A_507, %get3A_292 : vector<16xf32>
          %add3A_520 = arith.addf %add3A_518, %mul3A_519 : vector<16xf32>
          %neg3A_521 = arith.constant 0.000000e+00 : f32
          %neg3A_522 = vector.broadcast %neg3A_521 : f32 to vector<16xf32>
          %neg3A_523 = arith.subf %neg3A_522, %add3A_520 : vector<16xf32>
          %mul3A_524 = arith.mulf %get3A_503, %get3A_316 : vector<16xf32>
          %mul3A_525 = arith.mulf %get3A_505, %get3A_320 : vector<16xf32>
          %add3A_526 = arith.addf %mul3A_524, %mul3A_525 : vector<16xf32>
          %mul3A_527 = arith.mulf %get3A_507, %get3A_324 : vector<16xf32>
          %add3A_528 = arith.addf %add3A_526, %mul3A_527 : vector<16xf32>
          %neg3A_529 = arith.constant 0.000000e+00 : f32
          %neg3A_530 = vector.broadcast %neg3A_529 : f32 to vector<16xf32>
          %neg3A_531 = arith.subf %neg3A_530, %add3A_528 : vector<16xf32>
          %mul3A_532 = arith.mulf %get3A_503, %get3A_348 : vector<16xf32>
          %mul3A_533 = arith.mulf %get3A_505, %get3A_352 : vector<16xf32>
          %add3A_534 = arith.addf %mul3A_532, %mul3A_533 : vector<16xf32>
          %mul3A_535 = arith.mulf %get3A_507, %get3A_356 : vector<16xf32>
          %add3A_536 = arith.addf %add3A_534, %mul3A_535 : vector<16xf32>
          %neg3A_537 = arith.constant 0.000000e+00 : f32
          %neg3A_538 = vector.broadcast %neg3A_537 : f32 to vector<16xf32>
          %neg3A_539 = arith.subf %neg3A_538, %add3A_536 : vector<16xf32>
          %add3A_540 = arith.constant 32 : i32
          %add3A_541 = arith.addi %mul3A_460, %add3A_540 : i32
          %get3A_542 = arith.index_cast %add3A_541 : i32 to index
          %get3A_543 = tpu.vector_load %arg18[%get3A_542] {strides = array<i32>} : memref<20000xf32, #tpu.memory_space<vmem>>, vector<16xf32>,
          %get3A_544 = arith.index_cast %add3A_541 : i32 to index
          %get3A_545 = tpu.vector_load %arg19[%get3A_544] {strides = array<i32>} : memref<20000xf32, #tpu.memory_space<vmem>>, vector<16xf32>,
          %get3A_546 = arith.index_cast %add3A_541 : i32 to index
          %get3A_547 = tpu.vector_load %arg20[%get3A_546] {strides = array<i32>} : memref<20000xf32, #tpu.memory_space<vmem>>, vector<16xf32>,
          %mul3A_548 = arith.mulf %get3A_543, %get3A_257 : vector<16xf32>
          %mul3A_549 = arith.mulf %get3A_545, %get3A_261 : vector<16xf32>
          %add3A_550 = arith.addf %mul3A_548, %mul3A_549 : vector<16xf32>
          %mul3A_551 = arith.mulf %get3A_547, %get3A_265 : vector<16xf32>
          %add3A_552 = arith.addf %add3A_550, %mul3A_551 : vector<16xf32>
          %neg3A_553 = arith.constant 0.000000e+00 : f32
          %neg3A_554 = vector.broadcast %neg3A_553 : f32 to vector<16xf32>
          %neg3A_555 = arith.subf %neg3A_554, %add3A_552 : vector<16xf32>
          %mul3A_556 = arith.mulf %get3A_543, %get3A_284 : vector<16xf32>
          %mul3A_557 = arith.mulf %get3A_545, %get3A_288 : vector<16xf32>
          %add3A_558 = arith.addf %mul3A_556, %mul3A_557 : vector<16xf32>
          %mul3A_559 = arith.mulf %get3A_547, %get3A_292 : vector<16xf32>
          %add3A_560 = arith.addf %add3A_558, %mul3A_559 : vector<16xf32>
          %neg3A_561 = arith.constant 0.000000e+00 : f32
          %neg3A_562 = vector.broadcast %neg3A_561 : f32 to vector<16xf32>
          %neg3A_563 = arith.subf %neg3A_562, %add3A_560 : vector<16xf32>
          %mul3A_564 = arith.mulf %get3A_543, %get3A_316 : vector<16xf32>
          %mul3A_565 = arith.mulf %get3A_545, %get3A_320 : vector<16xf32>
          %add3A_566 = arith.addf %mul3A_564, %mul3A_565 : vector<16xf32>
          %mul3A_567 = arith.mulf %get3A_547, %get3A_324 : vector<16xf32>
          %add3A_568 = arith.addf %add3A_566, %mul3A_567 : vector<16xf32>
          %neg3A_569 = arith.constant 0.000000e+00 : f32
          %neg3A_570 = vector.broadcast %neg3A_569 : f32 to vector<16xf32>
          %neg3A_571 = arith.subf %neg3A_570, %add3A_568 : vector<16xf32>
          %mul3A_572 = arith.mulf %get3A_543, %get3A_348 : vector<16xf32>
          %mul3A_573 = arith.mulf %get3A_545, %get3A_352 : vector<16xf32>
          %add3A_574 = arith.addf %mul3A_572, %mul3A_573 : vector<16xf32>
          %mul3A_575 = arith.mulf %get3A_547, %get3A_356 : vector<16xf32>
          %add3A_576 = arith.addf %add3A_574, %mul3A_575 : vector<16xf32>
          %neg3A_577 = arith.constant 0.000000e+00 : f32
          %neg3A_578 = vector.broadcast %neg3A_577 : f32 to vector<16xf32>
          %neg3A_579 = arith.subf %neg3A_578, %add3A_576 : vector<16xf32>
          %add3A_580 = arith.constant 48 : i32
          %add3A_581 = arith.addi %mul3A_460, %add3A_580 : i32
          %get3A_582 = arith.index_cast %add3A_581 : i32 to index
          %get3A_583 = tpu.vector_load %arg18[%get3A_582] {strides = array<i32>} : memref<20000xf32, #tpu.memory_space<vmem>>, vector<16xf32>,
          %get3A_584 = arith.index_cast %add3A_581 : i32 to index
          %get3A_585 = tpu.vector_load %arg19[%get3A_584] {strides = array<i32>} : memref<20000xf32, #tpu.memory_space<vmem>>, vector<16xf32>,
          %get3A_586 = arith.index_cast %add3A_581 : i32 to index
          %get3A_587 = tpu.vector_load %arg20[%get3A_586] {strides = array<i32>} : memref<20000xf32, #tpu.memory_space<vmem>>, vector<16xf32>,
          %mul3A_588 = arith.mulf %get3A_583, %get3A_257 : vector<16xf32>
          %mul3A_589 = arith.mulf %get3A_585, %get3A_261 : vector<16xf32>
          %add3A_590 = arith.addf %mul3A_588, %mul3A_589 : vector<16xf32>
          %mul3A_591 = arith.mulf %get3A_587, %get3A_265 : vector<16xf32>
          %add3A_592 = arith.addf %add3A_590, %mul3A_591 : vector<16xf32>
          %neg3A_593 = arith.constant 0.000000e+00 : f32
          %neg3A_594 = vector.broadcast %neg3A_593 : f32 to vector<16xf32>
          %neg3A_595 = arith.subf %neg3A_594, %add3A_592 : vector<16xf32>
          %mul3A_596 = arith.mulf %get3A_583, %get3A_284 : vector<16xf32>
          %mul3A_597 = arith.mulf %get3A_585, %get3A_288 : vector<16xf32>
          %add3A_598 = arith.addf %mul3A_596, %mul3A_597 : vector<16xf32>
          %mul3A_599 = arith.mulf %get3A_587, %get3A_292 : vector<16xf32>
          %add3A_600 = arith.addf %add3A_598, %mul3A_599 : vector<16xf32>
          %neg3A_601 = arith.constant 0.000000e+00 : f32
          %neg3A_602 = vector.broadcast %neg3A_601 : f32 to vector<16xf32>
          %neg3A_603 = arith.subf %neg3A_602, %add3A_600 : vector<16xf32>
          %mul3A_604 = arith.mulf %get3A_583, %get3A_316 : vector<16xf32>
          %mul3A_605 = arith.mulf %get3A_585, %get3A_320 : vector<16xf32>
          %add3A_606 = arith.addf %mul3A_604, %mul3A_605 : vector<16xf32>
          %mul3A_607 = arith.mulf %get3A_587, %get3A_324 : vector<16xf32>
          %add3A_608 = arith.addf %add3A_606, %mul3A_607 : vector<16xf32>
          %neg3A_609 = arith.constant 0.000000e+00 : f32
          %neg3A_610 = vector.broadcast %neg3A_609 : f32 to vector<16xf32>
          %neg3A_611 = arith.subf %neg3A_610, %add3A_608 : vector<16xf32>
          %mul3A_612 = arith.mulf %get3A_583, %get3A_348 : vector<16xf32>
          %mul3A_613 = arith.mulf %get3A_585, %get3A_352 : vector<16xf32>
          %add3A_614 = arith.addf %mul3A_612, %mul3A_613 : vector<16xf32>
          %mul3A_615 = arith.mulf %get3A_587, %get3A_356 : vector<16xf32>
          %add3A_616 = arith.addf %add3A_614, %mul3A_615 : vector<16xf32>
          %neg3A_617 = arith.constant 0.000000e+00 : f32
          %neg3A_618 = vector.broadcast %neg3A_617 : f32 to vector<16xf32>
          %neg3A_619 = arith.subf %neg3A_618, %add3A_616 : vector<16xf32>
          %add3A_620 = arith.constant 64 : i32
          %add3A_621 = arith.addi %mul3A_460, %add3A_620 : i32
          %get3A_622 = arith.index_cast %add3A_621 : i32 to index
          %get3A_623 = tpu.vector_load %arg18[%get3A_622] {strides = array<i32>} : memref<20000xf32, #tpu.memory_space<vmem>>, vector<16xf32>,
          %get3A_624 = arith.index_cast %add3A_621 : i32 to index
          %get3A_625 = tpu.vector_load %arg19[%get3A_624] {strides = array<i32>} : memref<20000xf32, #tpu.memory_space<vmem>>, vector<16xf32>,
          %get3A_626 = arith.index_cast %add3A_621 : i32 to index
          %get3A_627 = tpu.vector_load %arg20[%get3A_626] {strides = array<i32>} : memref<20000xf32, #tpu.memory_space<vmem>>, vector<16xf32>,
          %mul3A_628 = arith.mulf %get3A_623, %get3A_257 : vector<16xf32>
          %mul3A_629 = arith.mulf %get3A_625, %get3A_261 : vector<16xf32>
          %add3A_630 = arith.addf %mul3A_628, %mul3A_629 : vector<16xf32>
          %mul3A_631 = arith.mulf %get3A_627, %get3A_265 : vector<16xf32>
          %add3A_632 = arith.addf %add3A_630, %mul3A_631 : vector<16xf32>
          %neg3A_633 = arith.constant 0.000000e+00 : f32
          %neg3A_634 = vector.broadcast %neg3A_633 : f32 to vector<16xf32>
          %neg3A_635 = arith.subf %neg3A_634, %add3A_632 : vector<16xf32>
          %mul3A_636 = arith.mulf %get3A_623, %get3A_284 : vector<16xf32>
          %mul3A_637 = arith.mulf %get3A_625, %get3A_288 : vector<16xf32>
          %add3A_638 = arith.addf %mul3A_636, %mul3A_637 : vector<16xf32>
          %mul3A_639 = arith.mulf %get3A_627, %get3A_292 : vector<16xf32>
          %add3A_640 = arith.addf %add3A_638, %mul3A_639 : vector<16xf32>
          %neg3A_641 = arith.constant 0.000000e+00 : f32
          %neg3A_642 = vector.broadcast %neg3A_641 : f32 to vector<16xf32>
          %neg3A_643 = arith.subf %neg3A_642, %add3A_640 : vector<16xf32>
          %mul3A_644 = arith.mulf %get3A_623, %get3A_316 : vector<16xf32>
          %mul3A_645 = arith.mulf %get3A_625, %get3A_320 : vector<16xf32>
          %add3A_646 = arith.addf %mul3A_644, %mul3A_645 : vector<16xf32>
          %mul3A_647 = arith.mulf %get3A_627, %get3A_324 : vector<16xf32>
          %add3A_648 = arith.addf %add3A_646, %mul3A_647 : vector<16xf32>
          %neg3A_649 = arith.constant 0.000000e+00 : f32
          %neg3A_650 = vector.broadcast %neg3A_649 : f32 to vector<16xf32>
          %neg3A_651 = arith.subf %neg3A_650, %add3A_648 : vector<16xf32>
          %mul3A_652 = arith.mulf %get3A_623, %get3A_348 : vector<16xf32>
          %mul3A_653 = arith.mulf %get3A_625, %get3A_352 : vector<16xf32>
          %add3A_654 = arith.addf %mul3A_652, %mul3A_653 : vector<16xf32>
          %mul3A_655 = arith.mulf %get3A_627, %get3A_356 : vector<16xf32>
          %add3A_656 = arith.addf %add3A_654, %mul3A_655 : vector<16xf32>
          %neg3A_657 = arith.constant 0.000000e+00 : f32
          %neg3A_658 = vector.broadcast %neg3A_657 : f32 to vector<16xf32>
          %neg3A_659 = arith.subf %neg3A_658, %add3A_656 : vector<16xf32>
          %add3A_660 = arith.constant 80 : i32
          %add3A_661 = arith.addi %mul3A_460, %add3A_660 : i32
          %get3A_662 = arith.index_cast %add3A_661 : i32 to index
          %get3A_663 = tpu.vector_load %arg18[%get3A_662] {strides = array<i32>} : memref<20000xf32, #tpu.memory_space<vmem>>, vector<16xf32>,
          %get3A_664 = arith.index_cast %add3A_661 : i32 to index
          %get3A_665 = tpu.vector_load %arg19[%get3A_664] {strides = array<i32>} : memref<20000xf32, #tpu.memory_space<vmem>>, vector<16xf32>,
          %get3A_666 = arith.index_cast %add3A_661 : i32 to index
          %get3A_667 = tpu.vector_load %arg20[%get3A_666] {strides = array<i32>} : memref<20000xf32, #tpu.memory_space<vmem>>, vector<16xf32>,
          %mul3A_668 = arith.mulf %get3A_663, %get3A_257 : vector<16xf32>
          %mul3A_669 = arith.mulf %get3A_665, %get3A_261 : vector<16xf32>
          %add3A_670 = arith.addf %mul3A_668, %mul3A_669 : vector<16xf32>
          %mul3A_671 = arith.mulf %get3A_667, %get3A_265 : vector<16xf32>
          %add3A_672 = arith.addf %add3A_670, %mul3A_671 : vector<16xf32>
          %neg3A_673 = arith.constant 0.000000e+00 : f32
          %neg3A_674 = vector.broadcast %neg3A_673 : f32 to vector<16xf32>
          %neg3A_675 = arith.subf %neg3A_674, %add3A_672 : vector<16xf32>
          %mul3A_676 = arith.mulf %get3A_663, %get3A_284 : vector<16xf32>
          %mul3A_677 = arith.mulf %get3A_665, %get3A_288 : vector<16xf32>
          %add3A_678 = arith.addf %mul3A_676, %mul3A_677 : vector<16xf32>
          %mul3A_679 = arith.mulf %get3A_667, %get3A_292 : vector<16xf32>
          %add3A_680 = arith.addf %add3A_678, %mul3A_679 : vector<16xf32>
          %neg3A_681 = arith.constant 0.000000e+00 : f32
          %neg3A_682 = vector.broadcast %neg3A_681 : f32 to vector<16xf32>
          %neg3A_683 = arith.subf %neg3A_682, %add3A_680 : vector<16xf32>
          %mul3A_684 = arith.mulf %get3A_663, %get3A_316 : vector<16xf32>
          %mul3A_685 = arith.mulf %get3A_665, %get3A_320 : vector<16xf32>
          %add3A_686 = arith.addf %mul3A_684, %mul3A_685 : vector<16xf32>
          %mul3A_687 = arith.mulf %get3A_667, %get3A_324 : vector<16xf32>
          %add3A_688 = arith.addf %add3A_686, %mul3A_687 : vector<16xf32>
          %neg3A_689 = arith.constant 0.000000e+00 : f32
          %neg3A_690 = vector.broadcast %neg3A_689 : f32 to vector<16xf32>
          %neg3A_691 = arith.subf %neg3A_690, %add3A_688 : vector<16xf32>
          %mul3A_692 = arith.mulf %get3A_663, %get3A_348 : vector<16xf32>
          %mul3A_693 = arith.mulf %get3A_665, %get3A_352 : vector<16xf32>
          %add3A_694 = arith.addf %mul3A_692, %mul3A_693 : vector<16xf32>
          %mul3A_695 = arith.mulf %get3A_667, %get3A_356 : vector<16xf32>
          %add3A_696 = arith.addf %add3A_694, %mul3A_695 : vector<16xf32>
          %neg3A_697 = arith.constant 0.000000e+00 : f32
          %neg3A_698 = vector.broadcast %neg3A_697 : f32 to vector<16xf32>
          %neg3A_699 = arith.subf %neg3A_698, %add3A_696 : vector<16xf32>
          %add3A_700 = arith.constant 96 : i32
          %add3A_701 = arith.addi %mul3A_460, %add3A_700 : i32
          %get3A_702 = arith.index_cast %add3A_701 : i32 to index
          %get3A_703 = tpu.vector_load %arg18[%get3A_702] {strides = array<i32>} : memref<20000xf32, #tpu.memory_space<vmem>>, vector<16xf32>,
          %get3A_704 = arith.index_cast %add3A_701 : i32 to index
          %get3A_705 = tpu.vector_load %arg19[%get3A_704] {strides = array<i32>} : memref<20000xf32, #tpu.memory_space<vmem>>, vector<16xf32>,
          %get3A_706 = arith.index_cast %add3A_701 : i32 to index
          %get3A_707 = tpu.vector_load %arg20[%get3A_706] {strides = array<i32>} : memref<20000xf32, #tpu.memory_space<vmem>>, vector<16xf32>,
          %mul3A_708 = arith.mulf %get3A_703, %get3A_257 : vector<16xf32>
          %mul3A_709 = arith.mulf %get3A_705, %get3A_261 : vector<16xf32>
          %add3A_710 = arith.addf %mul3A_708, %mul3A_709 : vector<16xf32>
          %mul3A_711 = arith.mulf %get3A_707, %get3A_265 : vector<16xf32>
          %add3A_712 = arith.addf %add3A_710, %mul3A_711 : vector<16xf32>
          %neg3A_713 = arith.constant 0.000000e+00 : f32
          %neg3A_714 = vector.broadcast %neg3A_713 : f32 to vector<16xf32>
          %neg3A_715 = arith.subf %neg3A_714, %add3A_712 : vector<16xf32>
          %mul3A_716 = arith.mulf %get3A_703, %get3A_284 : vector<16xf32>
          %mul3A_717 = arith.mulf %get3A_705, %get3A_288 : vector<16xf32>
          %add3A_718 = arith.addf %mul3A_716, %mul3A_717 : vector<16xf32>
          %mul3A_719 = arith.mulf %get3A_707, %get3A_292 : vector<16xf32>
          %add3A_720 = arith.addf %add3A_718, %mul3A_719 : vector<16xf32>
          %neg3A_721 = arith.constant 0.000000e+00 : f32
          %neg3A_722 = vector.broadcast %neg3A_721 : f32 to vector<16xf32>
          %neg3A_723 = arith.subf %neg3A_722, %add3A_720 : vector<16xf32>
          %mul3A_724 = arith.mulf %get3A_703, %get3A_316 : vector<16xf32>
          %mul3A_725 = arith.mulf %get3A_705, %get3A_320 : vector<16xf32>
          %add3A_726 = arith.addf %mul3A_724, %mul3A_725 : vector<16xf32>
          %mul3A_727 = arith.mulf %get3A_707, %get3A_324 : vector<16xf32>
          %add3A_728 = arith.addf %add3A_726, %mul3A_727 : vector<16xf32>
          %neg3A_729 = arith.constant 0.000000e+00 : f32
          %neg3A_730 = vector.broadcast %neg3A_729 : f32 to vector<16xf32>
          %neg3A_731 = arith.subf %neg3A_730, %add3A_728 : vector<16xf32>
          %mul3A_732 = arith.mulf %get3A_703, %get3A_348 : vector<16xf32>
          %mul3A_733 = arith.mulf %get3A_705, %get3A_352 : vector<16xf32>
          %add3A_734 = arith.addf %mul3A_732, %mul3A_733 : vector<16xf32>
          %mul3A_735 = arith.mulf %get3A_707, %get3A_356 : vector<16xf32>
          %add3A_736 = arith.addf %add3A_734, %mul3A_735 : vector<16xf32>
          %neg3A_737 = arith.constant 0.000000e+00 : f32
          %neg3A_738 = vector.broadcast %neg3A_737 : f32 to vector<16xf32>
          %neg3A_739 = arith.subf %neg3A_738, %add3A_736 : vector<16xf32>
          %add3A_740 = arith.constant 112 : i32
          %add3A_741 = arith.addi %mul3A_460, %add3A_740 : i32
          %get3A_742 = arith.index_cast %add3A_741 : i32 to index
          %get3A_743 = tpu.vector_load %arg18[%get3A_742] {strides = array<i32>} : memref<20000xf32, #tpu.memory_space<vmem>>, vector<16xf32>,
          %get3A_744 = arith.index_cast %add3A_741 : i32 to index
          %get3A_745 = tpu.vector_load %arg19[%get3A_744] {strides = array<i32>} : memref<20000xf32, #tpu.memory_space<vmem>>, vector<16xf32>,
          %get3A_746 = arith.index_cast %add3A_741 : i32 to index
          %get3A_747 = tpu.vector_load %arg20[%get3A_746] {strides = array<i32>} : memref<20000xf32, #tpu.memory_space<vmem>>, vector<16xf32>,
          %mul3A_748 = arith.mulf %get3A_743, %get3A_257 : vector<16xf32>
          %mul3A_749 = arith.mulf %get3A_745, %get3A_261 : vector<16xf32>
          %add3A_750 = arith.addf %mul3A_748, %mul3A_749 : vector<16xf32>
          %mul3A_751 = arith.mulf %get3A_747, %get3A_265 : vector<16xf32>
          %add3A_752 = arith.addf %add3A_750, %mul3A_751 : vector<16xf32>
          %neg3A_753 = arith.constant 0.000000e+00 : f32
          %neg3A_754 = vector.broadcast %neg3A_753 : f32 to vector<16xf32>
          %neg3A_755 = arith.subf %neg3A_754, %add3A_752 : vector<16xf32>
          %mul3A_756 = arith.mulf %get3A_743, %get3A_284 : vector<16xf32>
          %mul3A_757 = arith.mulf %get3A_745, %get3A_288 : vector<16xf32>
          %add3A_758 = arith.addf %mul3A_756, %mul3A_757 : vector<16xf32>
          %mul3A_759 = arith.mulf %get3A_747, %get3A_292 : vector<16xf32>
          %add3A_760 = arith.addf %add3A_758, %mul3A_759 : vector<16xf32>
          %neg3A_761 = arith.constant 0.000000e+00 : f32
          %neg3A_762 = vector.broadcast %neg3A_761 : f32 to vector<16xf32>
          %neg3A_763 = arith.subf %neg3A_762, %add3A_760 : vector<16xf32>
          %mul3A_764 = arith.mulf %get3A_743, %get3A_316 : vector<16xf32>
          %mul3A_765 = arith.mulf %get3A_745, %get3A_320 : vector<16xf32>
          %add3A_766 = arith.addf %mul3A_764, %mul3A_765 : vector<16xf32>
          %mul3A_767 = arith.mulf %get3A_747, %get3A_324 : vector<16xf32>
          %add3A_768 = arith.addf %add3A_766, %mul3A_767 : vector<16xf32>
          %neg3A_769 = arith.constant 0.000000e+00 : f32
          %neg3A_770 = vector.broadcast %neg3A_769 : f32 to vector<16xf32>
          %neg3A_771 = arith.subf %neg3A_770, %add3A_768 : vector<16xf32>
          %mul3A_772 = arith.mulf %get3A_743, %get3A_348 : vector<16xf32>
          %mul3A_773 = arith.mulf %get3A_745, %get3A_352 : vector<16xf32>
          %add3A_774 = arith.addf %mul3A_772, %mul3A_773 : vector<16xf32>
          %mul3A_775 = arith.mulf %get3A_747, %get3A_356 : vector<16xf32>
          %add3A_776 = arith.addf %add3A_774, %mul3A_775 : vector<16xf32>
          %neg3A_777 = arith.constant 0.000000e+00 : f32
          %neg3A_778 = vector.broadcast %neg3A_777 : f32 to vector<16xf32>
          %neg3A_779 = arith.subf %neg3A_778, %add3A_776 : vector<16xf32>
          %add3A_780 = arith.constant 128 : i32
          %add3A_781 = arith.addi %mul3A_460, %add3A_780 : i32
          %get3A_782 = arith.index_cast %add3A_781 : i32 to index
          %get3A_783 = tpu.vector_load %arg18[%get3A_782] {strides = array<i32>} : memref<20000xf32, #tpu.memory_space<vmem>>, vector<16xf32>,
          %get3A_784 = arith.index_cast %add3A_781 : i32 to index
          %get3A_785 = tpu.vector_load %arg19[%get3A_784] {strides = array<i32>} : memref<20000xf32, #tpu.memory_space<vmem>>, vector<16xf32>,
          %get3A_786 = arith.index_cast %add3A_781 : i32 to index
          %get3A_787 = tpu.vector_load %arg20[%get3A_786] {strides = array<i32>} : memref<20000xf32, #tpu.memory_space<vmem>>, vector<16xf32>,
          %mul3A_788 = arith.mulf %get3A_783, %get3A_257 : vector<16xf32>
          %mul3A_789 = arith.mulf %get3A_785, %get3A_261 : vector<16xf32>
          %add3A_790 = arith.addf %mul3A_788, %mul3A_789 : vector<16xf32>
          %mul3A_791 = arith.mulf %get3A_787, %get3A_265 : vector<16xf32>
          %add3A_792 = arith.addf %add3A_790, %mul3A_791 : vector<16xf32>
          %neg3A_793 = arith.constant 0.000000e+00 : f32
          %neg3A_794 = vector.broadcast %neg3A_793 : f32 to vector<16xf32>
          %neg3A_795 = arith.subf %neg3A_794, %add3A_792 : vector<16xf32>
          %mul3A_796 = arith.mulf %get3A_783, %get3A_284 : vector<16xf32>
          %mul3A_797 = arith.mulf %get3A_785, %get3A_288 : vector<16xf32>
          %add3A_798 = arith.addf %mul3A_796, %mul3A_797 : vector<16xf32>
          %mul3A_799 = arith.mulf %get3A_787, %get3A_292 : vector<16xf32>
          %add3A_800 = arith.addf %add3A_798, %mul3A_799 : vector<16xf32>
          %neg3A_801 = arith.constant 0.000000e+00 : f32
          %neg3A_802 = vector.broadcast %neg3A_801 : f32 to vector<16xf32>
          %neg3A_803 = arith.subf %neg3A_802, %add3A_800 : vector<16xf32>
          %mul3A_804 = arith.mulf %get3A_783, %get3A_316 : vector<16xf32>
          %mul3A_805 = arith.mulf %get3A_785, %get3A_320 : vector<16xf32>
          %add3A_806 = arith.addf %mul3A_804, %mul3A_805 : vector<16xf32>
          %mul3A_807 = arith.mulf %get3A_787, %get3A_324 : vector<16xf32>
          %add3A_808 = arith.addf %add3A_806, %mul3A_807 : vector<16xf32>
          %neg3A_809 = arith.constant 0.000000e+00 : f32
          %neg3A_810 = vector.broadcast %neg3A_809 : f32 to vector<16xf32>
          %neg3A_811 = arith.subf %neg3A_810, %add3A_808 : vector<16xf32>
          %mul3A_812 = arith.mulf %get3A_783, %get3A_348 : vector<16xf32>
          %mul3A_813 = arith.mulf %get3A_785, %get3A_352 : vector<16xf32>
          %add3A_814 = arith.addf %mul3A_812, %mul3A_813 : vector<16xf32>
          %mul3A_815 = arith.mulf %get3A_787, %get3A_356 : vector<16xf32>
          %add3A_816 = arith.addf %add3A_814, %mul3A_815 : vector<16xf32>
          %neg3A_817 = arith.constant 0.000000e+00 : f32
          %neg3A_818 = vector.broadcast %neg3A_817 : f32 to vector<16xf32>
          %neg3A_819 = arith.subf %neg3A_818, %add3A_816 : vector<16xf32>
          %add3A_820 = arith.constant 144 : i32
          %add3A_821 = arith.addi %mul3A_460, %add3A_820 : i32
          %get3A_822 = arith.index_cast %add3A_821 : i32 to index
          %get3A_823 = tpu.vector_load %arg18[%get3A_822] {strides = array<i32>} : memref<20000xf32, #tpu.memory_space<vmem>>, vector<16xf32>,
          %get3A_824 = arith.index_cast %add3A_821 : i32 to index
          %get3A_825 = tpu.vector_load %arg19[%get3A_824] {strides = array<i32>} : memref<20000xf32, #tpu.memory_space<vmem>>, vector<16xf32>,
          %get3A_826 = arith.index_cast %add3A_821 : i32 to index
          %get3A_827 = tpu.vector_load %arg20[%get3A_826] {strides = array<i32>} : memref<20000xf32, #tpu.memory_space<vmem>>, vector<16xf32>,
          %mul3A_828 = arith.mulf %get3A_823, %get3A_257 : vector<16xf32>
          %mul3A_829 = arith.mulf %get3A_825, %get3A_261 : vector<16xf32>
          %add3A_830 = arith.addf %mul3A_828, %mul3A_829 : vector<16xf32>
          %mul3A_831 = arith.mulf %get3A_827, %get3A_265 : vector<16xf32>
          %add3A_832 = arith.addf %add3A_830, %mul3A_831 : vector<16xf32>
          %neg3A_833 = arith.constant 0.000000e+00 : f32
          %neg3A_834 = vector.broadcast %neg3A_833 : f32 to vector<16xf32>
          %neg3A_835 = arith.subf %neg3A_834, %add3A_832 : vector<16xf32>
          %mul3A_836 = arith.mulf %get3A_823, %get3A_284 : vector<16xf32>
          %mul3A_837 = arith.mulf %get3A_825, %get3A_288 : vector<16xf32>
          %add3A_838 = arith.addf %mul3A_836, %mul3A_837 : vector<16xf32>
          %mul3A_839 = arith.mulf %get3A_827, %get3A_292 : vector<16xf32>
          %add3A_840 = arith.addf %add3A_838, %mul3A_839 : vector<16xf32>
          %neg3A_841 = arith.constant 0.000000e+00 : f32
          %neg3A_842 = vector.broadcast %neg3A_841 : f32 to vector<16xf32>
          %neg3A_843 = arith.subf %neg3A_842, %add3A_840 : vector<16xf32>
          %mul3A_844 = arith.mulf %get3A_823, %get3A_316 : vector<16xf32>
          %mul3A_845 = arith.mulf %get3A_825, %get3A_320 : vector<16xf32>
          %add3A_846 = arith.addf %mul3A_844, %mul3A_845 : vector<16xf32>
          %mul3A_847 = arith.mulf %get3A_827, %get3A_324 : vector<16xf32>
          %add3A_848 = arith.addf %add3A_846, %mul3A_847 : vector<16xf32>
          %neg3A_849 = arith.constant 0.000000e+00 : f32
          %neg3A_850 = vector.broadcast %neg3A_849 : f32 to vector<16xf32>
          %neg3A_851 = arith.subf %neg3A_850, %add3A_848 : vector<16xf32>
          %mul3A_852 = arith.mulf %get3A_823, %get3A_348 : vector<16xf32>
          %mul3A_853 = arith.mulf %get3A_825, %get3A_352 : vector<16xf32>
          %add3A_854 = arith.addf %mul3A_852, %mul3A_853 : vector<16xf32>
          %mul3A_855 = arith.mulf %get3A_827, %get3A_356 : vector<16xf32>
          %add3A_856 = arith.addf %add3A_854, %mul3A_855 : vector<16xf32>
          %neg3A_857 = arith.constant 0.000000e+00 : f32
          %neg3A_858 = vector.broadcast %neg3A_857 : f32 to vector<16xf32>
          %neg3A_859 = arith.subf %neg3A_858, %add3A_856 : vector<16xf32>
          %min3A = arith.minimumf %neg3A_475, %neg3A_515 : vector<16xf32>
          %min3A_860 = arith.minimumf %min3A, %neg3A_555 : vector<16xf32>
          %min3A_861 = arith.minimumf %min3A_860, %neg3A_595 : vector<16xf32>
          %min3A_862 = arith.minimumf %min3A_861, %neg3A_635 : vector<16xf32>
          %min3A_863 = arith.minimumf %min3A_862, %neg3A_675 : vector<16xf32>
          %min3A_864 = arith.minimumf %min3A_863, %neg3A_715 : vector<16xf32>
          %min3A_865 = arith.minimumf %min3A_864, %neg3A_755 : vector<16xf32>
          %min3A_866 = arith.minimumf %min3A_865, %neg3A_795 : vector<16xf32>
          %min3A_867 = arith.minimumf %min3A_866, %neg3A_835 : vector<16xf32>
          %min3A_868 = arith.minimumf %neg3A_483, %neg3A_523 : vector<16xf32>
          %min3A_869 = arith.minimumf %min3A_868, %neg3A_563 : vector<16xf32>
          %min3A_870 = arith.minimumf %min3A_869, %neg3A_603 : vector<16xf32>
          %min3A_871 = arith.minimumf %min3A_870, %neg3A_643 : vector<16xf32>
          %min3A_872 = arith.minimumf %min3A_871, %neg3A_683 : vector<16xf32>
          %min3A_873 = arith.minimumf %min3A_872, %neg3A_723 : vector<16xf32>
          %min3A_874 = arith.minimumf %min3A_873, %neg3A_763 : vector<16xf32>
          %min3A_875 = arith.minimumf %min3A_874, %neg3A_803 : vector<16xf32>
          %min3A_876 = arith.minimumf %min3A_875, %neg3A_843 : vector<16xf32>
          %min3A_877 = arith.minimumf %neg3A_491, %neg3A_531 : vector<16xf32>
          %min3A_878 = arith.minimumf %min3A_877, %neg3A_571 : vector<16xf32>
          %min3A_879 = arith.minimumf %min3A_878, %neg3A_611 : vector<16xf32>
          %min3A_880 = arith.minimumf %min3A_879, %neg3A_651 : vector<16xf32>
          %min3A_881 = arith.minimumf %min3A_880, %neg3A_691 : vector<16xf32>
          %min3A_882 = arith.minimumf %min3A_881, %neg3A_731 : vector<16xf32>
          %min3A_883 = arith.minimumf %min3A_882, %neg3A_771 : vector<16xf32>
          %min3A_884 = arith.minimumf %min3A_883, %neg3A_811 : vector<16xf32>
          %min3A_885 = arith.minimumf %min3A_884, %neg3A_851 : vector<16xf32>
          %min3A_886 = arith.minimumf %neg3A_499, %neg3A_539 : vector<16xf32>
          %min3A_887 = arith.minimumf %min3A_886, %neg3A_579 : vector<16xf32>
          %min3A_888 = arith.minimumf %min3A_887, %neg3A_619 : vector<16xf32>
          %min3A_889 = arith.minimumf %min3A_888, %neg3A_659 : vector<16xf32>
          %min3A_890 = arith.minimumf %min3A_889, %neg3A_699 : vector<16xf32>
          %min3A_891 = arith.minimumf %min3A_890, %neg3A_739 : vector<16xf32>
          %min3A_892 = arith.minimumf %min3A_891, %neg3A_779 : vector<16xf32>
          %min3A_893 = arith.minimumf %min3A_892, %neg3A_819 : vector<16xf32>
          %min3A_894 = arith.minimumf %min3A_893, %neg3A_859 : vector<16xf32>
          %lt3A = arith.cmpf olt, %min3A_867, %scan3A_449 : vector<16xf32>
          %lt3A_895 = arith.cmpf olt, %min3A_876, %scan3A_452 : vector<16xf32>
          %or3A = arith.ori %lt3A, %lt3A_895 : vector<16xi1>
          %lt3A_896 = arith.cmpf olt, %min3A_885, %scan3A_455 : vector<16xf32>
          %or3A_897 = arith.ori %or3A, %lt3A_896 : vector<16xi1>
          %lt3A_898 = arith.cmpf olt, %min3A_894, %scan3A_458 : vector<16xf32>
          %or3A_899 = arith.ori %or3A_897, %lt3A_898 : vector<16xi1>
          %all_reduce_population_count3A = tpu.all_reduce %or3A_899 {dim = 0 : i64, kind = #tpu.reduction_kind<sum>} : vector<16xi1> -> vector<16xi32>
          %slice3A_900 = vector.extract_strided_slice %all_reduce_population_count3A {offsets = [0], sizes = [1], strides = [1]} : vector<16xi32> to vector<1xi32>
          %squeeze3A_901 = vector.extract %slice3A_900[0] : i32 from vector<1xi32>
          %gt3A = arith.constant 0 : i32
          %gt3A_902 = arith.cmpi sgt, %squeeze3A_901, %gt3A : i32
          %convert_element_type3A = arith.extui %gt3A_902 : i1 to i32
          %cond3A = arith.constant 0 : i32
          %cond3A_903 = arith.cmpi ne, %convert_element_type3A, %cond3A : i32
          %cond3A_904:12 = scf.if %cond3A_903 -> (vector<16xf32>, vector<16xi32>, vector<16xf32>, vector<16xf32>, vector<16xi32>, vector<16xf32>, vector<16xf32>, vector<16xi32>, vector<16xf32>, vector<16xf32>, vector<16xi32>, vector<16xf32>) {
            %lt3A_905 = arith.cmpf olt, %min3A_867, %scan3A_449 : vector<16xf32>
            %all_reduce_population_count3A_906 = tpu.all_reduce %lt3A_905 {dim = 0 : i64, kind = #tpu.reduction_kind<sum>} : vector<16xi1> -> vector<16xi32>
            %slice3A_907 = vector.extract_strided_slice %all_reduce_population_count3A_906 {offsets = [0], sizes = [1], strides = [1]} : vector<16xi32> to vector<1xi32>
            %squeeze3A_908 = vector.extract %slice3A_907[0] : i32 from vector<1xi32>
            %gt3A_909 = arith.constant 0 : i32
            %gt3A_910 = arith.cmpi sgt, %squeeze3A_908, %gt3A_909 : i32
            %convert_element_type3A_911 = arith.extui %gt3A_910 : i1 to i32
            %cond3A_912 = arith.constant 0 : i32
            %cond3A_913 = arith.cmpi ne, %convert_element_type3A_911, %cond3A_912 : i32
            %cond3A_914:3 = scf.if %cond3A_913 -> (vector<16xf32>, vector<16xi32>, vector<16xf32>) {
              %lt3A_945 = arith.cmpf olt, %neg3A_475, %scan3A_449 : vector<16xf32>
              %all_reduce_population_count3A_946 = tpu.all_reduce %lt3A_945 {dim = 0 : i64, kind = #tpu.reduction_kind<sum>} : vector<16xi1> -> vector<16xi32>
              %slice3A_947 = vector.extract_strided_slice %all_reduce_population_count3A_946 {offsets = [0], sizes = [1], strides = [1]} : vector<16xi32> to vector<1xi32>
              %squeeze3A_948 = vector.extract %slice3A_947[0] : i32 from vector<1xi32>
              %gt3A_949 = arith.constant 0 : i32
              %gt3A_950 = arith.cmpi sgt, %squeeze3A_948, %gt3A_949 : i32
              %convert_element_type3A_951 = arith.extui %gt3A_950 : i1 to i32
              %cond3A_952 = arith.constant 0 : i32
              %cond3A_953 = arith.cmpi ne, %convert_element_type3A_951, %cond3A_952 : i32
              %cond3A_954:3 = scf.if %cond3A_953 -> (vector<16xf32>, vector<16xi32>, vector<16xf32>) {
                %add3A_1045 = arith.addi %mul3A_243, %mul3A_460 : i32
                %add3A_1046 = arith.constant 0 : i32
                %add3A_1047 = arith.addi %add3A_1045, %add3A_1046 : i32
                %iota3A = tpu.iota {dimensions = array<i32: 0>} : vector<16xi32>
                %add3A_1048 = vector.broadcast %add3A_1047 : i32 to vector<16xi32>
                %add3A_1049 = arith.addi %add3A_1048, %iota3A : vector<16xi32>
                %jit3A = arith.constant 0x7F800000 : f32
                %broadcast_in_dim3A_1050 = vector.broadcast %jit3A : f32 to vector<16xf32>
                %select_n3A = arith.select %lt3A_945, %neg3A_475, %broadcast_in_dim3A_1050 : vector<16xi1>, vector<16xf32>
                %masked_sort3A = arith.constant dense<true> : vector<16xi1>
                %masked_sort3A_1051, %masked_sort3A_1052, %masked_sort3A_1053 = tpu.sort %select_n3A, %add3A_1049 masked %masked_sort3A {descending = true} : (vector<16xf32>, vector<16xi32>, vector<16xi1>) -> (vector<16xi1>, vector<16xf32>, vector<16xi32>)
                %min3A_1054 = arith.minimumf %scan3A_447, %masked_sort3A_1052 : vector<16xf32>
                %le3A = arith.cmpf ole, %scan3A_447, %masked_sort3A_1052 : vector<16xf32>
                %select_n3A_1055 = arith.select %le3A, %scan3A_448, %masked_sort3A_1053 : vector<16xi1>, vector<16xi32>
                %masked_sort3A_1056 = arith.constant dense<true> : vector<16xi1>
                %masked_sort3A_1057, %masked_sort3A_1058, %masked_sort3A_1059 = tpu.sort %min3A_1054, %select_n3A_1055 masked %masked_sort3A_1056 : (vector<16xf32>, vector<16xi32>, vector<16xi1>) -> (vector<16xi1>, vector<16xf32>, vector<16xi32>)
                %slice3A_1060 = vector.extract_strided_slice %masked_sort3A_1058 {offsets = [15], sizes = [1], strides = [1]} : vector<16xf32> to vector<1xf32>
                %squeeze3A_1061 = vector.extract %slice3A_1060[0] : f32 from vector<1xf32>
                %broadcast_in_dim3A_1062 = vector.broadcast %squeeze3A_1061 : f32 to vector<16xf32>
                scf.yield %masked_sort3A_1058, %masked_sort3A_1059, %broadcast_in_dim3A_1062 : vector<16xf32>, vector<16xi32>, vector<16xf32>
              } else {
                scf.yield %scan3A_447, %scan3A_448, %scan3A_449 : vector<16xf32>, vector<16xi32>, vector<16xf32>
              }
              %lt3A_955 = arith.cmpf olt, %neg3A_515, %cond3A_954#2 : vector<16xf32>
              %all_reduce_population_count3A_956 = tpu.all_reduce %lt3A_955 {dim = 0 : i64, kind = #tpu.reduction_kind<sum>} : vector<16xi1> -> vector<16xi32>
              %slice3A_957 = vector.extract_strided_slice %all_reduce_population_count3A_956 {offsets = [0], sizes = [1], strides = [1]} : vector<16xi32> to vector<1xi32>
              %squeeze3A_958 = vector.extract %slice3A_957[0] : i32 from vector<1xi32>
              %gt3A_959 = arith.constant 0 : i32
              %gt3A_960 = arith.cmpi sgt, %squeeze3A_958, %gt3A_959 : i32
              %convert_element_type3A_961 = arith.extui %gt3A_960 : i1 to i32
              %cond3A_962 = arith.constant 0 : i32
              %cond3A_963 = arith.cmpi ne, %convert_element_type3A_961, %cond3A_962 : i32
              %cond3A_964:3 = scf.if %cond3A_963 -> (vector<16xf32>, vector<16xi32>, vector<16xf32>) {
                %add3A_1045 = arith.addi %mul3A_243, %mul3A_460 : i32
                %add3A_1046 = arith.constant 16 : i32
                %add3A_1047 = arith.addi %add3A_1045, %add3A_1046 : i32
                %iota3A = tpu.iota {dimensions = array<i32: 0>} : vector<16xi32>
                %add3A_1048 = vector.broadcast %add3A_1047 : i32 to vector<16xi32>
                %add3A_1049 = arith.addi %add3A_1048, %iota3A : vector<16xi32>
                %jit3A = arith.constant 0x7F800000 : f32
                %broadcast_in_dim3A_1050 = vector.broadcast %jit3A : f32 to vector<16xf32>
                %select_n3A = arith.select %lt3A_955, %neg3A_515, %broadcast_in_dim3A_1050 : vector<16xi1>, vector<16xf32>
                %masked_sort3A = arith.constant dense<true> : vector<16xi1>
                %masked_sort3A_1051, %masked_sort3A_1052, %masked_sort3A_1053 = tpu.sort %select_n3A, %add3A_1049 masked %masked_sort3A {descending = true} : (vector<16xf32>, vector<16xi32>, vector<16xi1>) -> (vector<16xi1>, vector<16xf32>, vector<16xi32>)
                %min3A_1054 = arith.minimumf %cond3A_954#0, %masked_sort3A_1052 : vector<16xf32>
                %le3A = arith.cmpf ole, %cond3A_954#0, %masked_sort3A_1052 : vector<16xf32>
                %select_n3A_1055 = arith.select %le3A, %cond3A_954#1, %masked_sort3A_1053 : vector<16xi1>, vector<16xi32>
                %masked_sort3A_1056 = arith.constant dense<true> : vector<16xi1>
                %masked_sort3A_1057, %masked_sort3A_1058, %masked_sort3A_1059 = tpu.sort %min3A_1054, %select_n3A_1055 masked %masked_sort3A_1056 : (vector<16xf32>, vector<16xi32>, vector<16xi1>) -> (vector<16xi1>, vector<16xf32>, vector<16xi32>)
                %slice3A_1060 = vector.extract_strided_slice %masked_sort3A_1058 {offsets = [15], sizes = [1], strides = [1]} : vector<16xf32> to vector<1xf32>
                %squeeze3A_1061 = vector.extract %slice3A_1060[0] : f32 from vector<1xf32>
                %broadcast_in_dim3A_1062 = vector.broadcast %squeeze3A_1061 : f32 to vector<16xf32>
                scf.yield %masked_sort3A_1058, %masked_sort3A_1059, %broadcast_in_dim3A_1062 : vector<16xf32>, vector<16xi32>, vector<16xf32>
              } else {
                scf.yield %cond3A_954#0, %cond3A_954#1, %cond3A_954#2 : vector<16xf32>, vector<16xi32>, vector<16xf32>
              }
              %lt3A_965 = arith.cmpf olt, %neg3A_555, %cond3A_964#2 : vector<16xf32>
              %all_reduce_population_count3A_966 = tpu.all_reduce %lt3A_965 {dim = 0 : i64, kind = #tpu.reduction_kind<sum>} : vector<16xi1> -> vector<16xi32>
              %slice3A_967 = vector.extract_strided_slice %all_reduce_population_count3A_966 {offsets = [0], sizes = [1], strides = [1]} : vector<16xi32> to vector<1xi32>
              %squeeze3A_968 = vector.extract %slice3A_967[0] : i32 from vector<1xi32>
              %gt3A_969 = arith.constant 0 : i32
              %gt3A_970 = arith.cmpi sgt, %squeeze3A_968, %gt3A_969 : i32
              %convert_element_type3A_971 = arith.extui %gt3A_970 : i1 to i32
              %cond3A_972 = arith.constant 0 : i32
              %cond3A_973 = arith.cmpi ne, %convert_element_type3A_971, %cond3A_972 : i32
              %cond3A_974:3 = scf.if %cond3A_973 -> (vector<16xf32>, vector<16xi32>, vector<16xf32>) {
                %add3A_1045 = arith.addi %mul3A_243, %mul3A_460 : i32
                %add3A_1046 = arith.constant 32 : i32
                %add3A_1047 = arith.addi %add3A_1045, %add3A_1046 : i32
                %iota3A = tpu.iota {dimensions = array<i32: 0>} : vector<16xi32>
                %add3A_1048 = vector.broadcast %add3A_1047 : i32 to vector<16xi32>
                %add3A_1049 = arith.addi %add3A_1048, %iota3A : vector<16xi32>
                %jit3A = arith.constant 0x7F800000 : f32
                %broadcast_in_dim3A_1050 = vector.broadcast %jit3A : f32 to vector<16xf32>
                %select_n3A = arith.select %lt3A_965, %neg3A_555, %broadcast_in_dim3A_1050 : vector<16xi1>, vector<16xf32>
                %masked_sort3A = arith.constant dense<true> : vector<16xi1>
                %masked_sort3A_1051, %masked_sort3A_1052, %masked_sort3A_1053 = tpu.sort %select_n3A, %add3A_1049 masked %masked_sort3A {descending = true} : (vector<16xf32>, vector<16xi32>, vector<16xi1>) -> (vector<16xi1>, vector<16xf32>, vector<16xi32>)
                %min3A_1054 = arith.minimumf %cond3A_964#0, %masked_sort3A_1052 : vector<16xf32>
                %le3A = arith.cmpf ole, %cond3A_964#0, %masked_sort3A_1052 : vector<16xf32>
                %select_n3A_1055 = arith.select %le3A, %cond3A_964#1, %masked_sort3A_1053 : vector<16xi1>, vector<16xi32>
                %masked_sort3A_1056 = arith.constant dense<true> : vector<16xi1>
                %masked_sort3A_1057, %masked_sort3A_1058, %masked_sort3A_1059 = tpu.sort %min3A_1054, %select_n3A_1055 masked %masked_sort3A_1056 : (vector<16xf32>, vector<16xi32>, vector<16xi1>) -> (vector<16xi1>, vector<16xf32>, vector<16xi32>)
                %slice3A_1060 = vector.extract_strided_slice %masked_sort3A_1058 {offsets = [15], sizes = [1], strides = [1]} : vector<16xf32> to vector<1xf32>
                %squeeze3A_1061 = vector.extract %slice3A_1060[0] : f32 from vector<1xf32>
                %broadcast_in_dim3A_1062 = vector.broadcast %squeeze3A_1061 : f32 to vector<16xf32>
                scf.yield %masked_sort3A_1058, %masked_sort3A_1059, %broadcast_in_dim3A_1062 : vector<16xf32>, vector<16xi32>, vector<16xf32>
              } else {
                scf.yield %cond3A_964#0, %cond3A_964#1, %cond3A_964#2 : vector<16xf32>, vector<16xi32>, vector<16xf32>
              }
              %lt3A_975 = arith.cmpf olt, %neg3A_595, %cond3A_974#2 : vector<16xf32>
              %all_reduce_population_count3A_976 = tpu.all_reduce %lt3A_975 {dim = 0 : i64, kind = #tpu.reduction_kind<sum>} : vector<16xi1> -> vector<16xi32>
              %slice3A_977 = vector.extract_strided_slice %all_reduce_population_count3A_976 {offsets = [0], sizes = [1], strides = [1]} : vector<16xi32> to vector<1xi32>
              %squeeze3A_978 = vector.extract %slice3A_977[0] : i32 from vector<1xi32>
              %gt3A_979 = arith.constant 0 : i32
              %gt3A_980 = arith.cmpi sgt, %squeeze3A_978, %gt3A_979 : i32
              %convert_element_type3A_981 = arith.extui %gt3A_980 : i1 to i32
              %cond3A_982 = arith.constant 0 : i32
              %cond3A_983 = arith.cmpi ne, %convert_element_type3A_981, %cond3A_982 : i32
              %cond3A_984:3 = scf.if %cond3A_983 -> (vector<16xf32>, vector<16xi32>, vector<16xf32>) {
                %add3A_1045 = arith.addi %mul3A_243, %mul3A_460 : i32
                %add3A_1046 = arith.constant 48 : i32
                %add3A_1047 = arith.addi %add3A_1045, %add3A_1046 : i32
                %iota3A = tpu.iota {dimensions = array<i32: 0>} : vector<16xi32>
                %add3A_1048 = vector.broadcast %add3A_1047 : i32 to vector<16xi32>
                %add3A_1049 = arith.addi %add3A_1048, %iota3A : vector<16xi32>
                %jit3A = arith.constant 0x7F800000 : f32
                %broadcast_in_dim3A_1050 = vector.broadcast %jit3A : f32 to vector<16xf32>
                %select_n3A = arith.select %lt3A_975, %neg3A_595, %broadcast_in_dim3A_1050 : vector<16xi1>, vector<16xf32>
                %masked_sort3A = arith.constant dense<true> : vector<16xi1>
                %masked_sort3A_1051, %masked_sort3A_1052, %masked_sort3A_1053 = tpu.sort %select_n3A, %add3A_1049 masked %masked_sort3A {descending = true} : (vector<16xf32>, vector<16xi32>, vector<16xi1>) -> (vector<16xi1>, vector<16xf32>, vector<16xi32>)
                %min3A_1054 = arith.minimumf %cond3A_974#0, %masked_sort3A_1052 : vector<16xf32>
                %le3A = arith.cmpf ole, %cond3A_974#0, %masked_sort3A_1052 : vector<16xf32>
                %select_n3A_1055 = arith.select %le3A, %cond3A_974#1, %masked_sort3A_1053 : vector<16xi1>, vector<16xi32>
                %masked_sort3A_1056 = arith.constant dense<true> : vector<16xi1>
                %masked_sort3A_1057, %masked_sort3A_1058, %masked_sort3A_1059 = tpu.sort %min3A_1054, %select_n3A_1055 masked %masked_sort3A_1056 : (vector<16xf32>, vector<16xi32>, vector<16xi1>) -> (vector<16xi1>, vector<16xf32>, vector<16xi32>)
                %slice3A_1060 = vector.extract_strided_slice %masked_sort3A_1058 {offsets = [15], sizes = [1], strides = [1]} : vector<16xf32> to vector<1xf32>
                %squeeze3A_1061 = vector.extract %slice3A_1060[0] : f32 from vector<1xf32>
                %broadcast_in_dim3A_1062 = vector.broadcast %squeeze3A_1061 : f32 to vector<16xf32>
                scf.yield %masked_sort3A_1058, %masked_sort3A_1059, %broadcast_in_dim3A_1062 : vector<16xf32>, vector<16xi32>, vector<16xf32>
              } else {
                scf.yield %cond3A_974#0, %cond3A_974#1, %cond3A_974#2 : vector<16xf32>, vector<16xi32>, vector<16xf32>
              }
              %lt3A_985 = arith.cmpf olt, %neg3A_635, %cond3A_984#2 : vector<16xf32>
              %all_reduce_population_count3A_986 = tpu.all_reduce %lt3A_985 {dim = 0 : i64, kind = #tpu.reduction_kind<sum>} : vector<16xi1> -> vector<16xi32>
              %slice3A_987 = vector.extract_strided_slice %all_reduce_population_count3A_986 {offsets = [0], sizes = [1], strides = [1]} : vector<16xi32> to vector<1xi32>
              %squeeze3A_988 = vector.extract %slice3A_987[0] : i32 from vector<1xi32>
              %gt3A_989 = arith.constant 0 : i32
              %gt3A_990 = arith.cmpi sgt, %squeeze3A_988, %gt3A_989 : i32
              %convert_element_type3A_991 = arith.extui %gt3A_990 : i1 to i32
              %cond3A_992 = arith.constant 0 : i32
              %cond3A_993 = arith.cmpi ne, %convert_element_type3A_991, %cond3A_992 : i32
              %cond3A_994:3 = scf.if %cond3A_993 -> (vector<16xf32>, vector<16xi32>, vector<16xf32>) {
                %add3A_1045 = arith.addi %mul3A_243, %mul3A_460 : i32
                %add3A_1046 = arith.constant 64 : i32
                %add3A_1047 = arith.addi %add3A_1045, %add3A_1046 : i32
                %iota3A = tpu.iota {dimensions = array<i32: 0>} : vector<16xi32>
                %add3A_1048 = vector.broadcast %add3A_1047 : i32 to vector<16xi32>
                %add3A_1049 = arith.addi %add3A_1048, %iota3A : vector<16xi32>
                %jit3A = arith.constant 0x7F800000 : f32
                %broadcast_in_dim3A_1050 = vector.broadcast %jit3A : f32 to vector<16xf32>
                %select_n3A = arith.select %lt3A_985, %neg3A_635, %broadcast_in_dim3A_1050 : vector<16xi1>, vector<16xf32>
                %masked_sort3A = arith.constant dense<true> : vector<16xi1>
                %masked_sort3A_1051, %masked_sort3A_1052, %masked_sort3A_1053 = tpu.sort %select_n3A, %add3A_1049 masked %masked_sort3A {descending = true} : (vector<16xf32>, vector<16xi32>, vector<16xi1>) -> (vector<16xi1>, vector<16xf32>, vector<16xi32>)
                %min3A_1054 = arith.minimumf %cond3A_984#0, %masked_sort3A_1052 : vector<16xf32>
                %le3A = arith.cmpf ole, %cond3A_984#0, %masked_sort3A_1052 : vector<16xf32>
                %select_n3A_1055 = arith.select %le3A, %cond3A_984#1, %masked_sort3A_1053 : vector<16xi1>, vector<16xi32>
                %masked_sort3A_1056 = arith.constant dense<true> : vector<16xi1>
                %masked_sort3A_1057, %masked_sort3A_1058, %masked_sort3A_1059 = tpu.sort %min3A_1054, %select_n3A_1055 masked %masked_sort3A_1056 : (vector<16xf32>, vector<16xi32>, vector<16xi1>) -> (vector<16xi1>, vector<16xf32>, vector<16xi32>)
                %slice3A_1060 = vector.extract_strided_slice %masked_sort3A_1058 {offsets = [15], sizes = [1], strides = [1]} : vector<16xf32> to vector<1xf32>
                %squeeze3A_1061 = vector.extract %slice3A_1060[0] : f32 from vector<1xf32>
                %broadcast_in_dim3A_1062 = vector.broadcast %squeeze3A_1061 : f32 to vector<16xf32>
                scf.yield %masked_sort3A_1058, %masked_sort3A_1059, %broadcast_in_dim3A_1062 : vector<16xf32>, vector<16xi32>, vector<16xf32>
              } else {
                scf.yield %cond3A_984#0, %cond3A_984#1, %cond3A_984#2 : vector<16xf32>, vector<16xi32>, vector<16xf32>
              }
              %lt3A_995 = arith.cmpf olt, %neg3A_675, %cond3A_994#2 : vector<16xf32>
              %all_reduce_population_count3A_996 = tpu.all_reduce %lt3A_995 {dim = 0 : i64, kind = #tpu.reduction_kind<sum>} : vector<16xi1> -> vector<16xi32>
              %slice3A_997 = vector.extract_strided_slice %all_reduce_population_count3A_996 {offsets = [0], sizes = [1], strides = [1]} : vector<16xi32> to vector<1xi32>
              %squeeze3A_998 = vector.extract %slice3A_997[0] : i32 from vector<1xi32>
              %gt3A_999 = arith.constant 0 : i32
              %gt3A_1000 = arith.cmpi sgt, %squeeze3A_998, %gt3A_999 : i32
              %convert_element_type3A_1001 = arith.extui %gt3A_1000 : i1 to i32
              %cond3A_1002 = arith.constant 0 : i32
              %cond3A_1003 = arith.cmpi ne, %convert_element_type3A_1001, %cond3A_1002 : i32
              %cond3A_1004:3 = scf.if %cond3A_1003 -> (vector<16xf32>, vector<16xi32>, vector<16xf32>) {
                %add3A_1045 = arith.addi %mul3A_243, %mul3A_460 : i32
                %add3A_1046 = arith.constant 80 : i32
                %add3A_1047 = arith.addi %add3A_1045, %add3A_1046 : i32
                %iota3A = tpu.iota {dimensions = array<i32: 0>} : vector<16xi32>
                %add3A_1048 = vector.broadcast %add3A_1047 : i32 to vector<16xi32>
                %add3A_1049 = arith.addi %add3A_1048, %iota3A : vector<16xi32>
                %jit3A = arith.constant 0x7F800000 : f32
                %broadcast_in_dim3A_1050 = vector.broadcast %jit3A : f32 to vector<16xf32>
                %select_n3A = arith.select %lt3A_995, %neg3A_675, %broadcast_in_dim3A_1050 : vector<16xi1>, vector<16xf32>
                %masked_sort3A = arith.constant dense<true> : vector<16xi1>
                %masked_sort3A_1051, %masked_sort3A_1052, %masked_sort3A_1053 = tpu.sort %select_n3A, %add3A_1049 masked %masked_sort3A {descending = true} : (vector<16xf32>, vector<16xi32>, vector<16xi1>) -> (vector<16xi1>, vector<16xf32>, vector<16xi32>)
                %min3A_1054 = arith.minimumf %cond3A_994#0, %masked_sort3A_1052 : vector<16xf32>
                %le3A = arith.cmpf ole, %cond3A_994#0, %masked_sort3A_1052 : vector<16xf32>
                %select_n3A_1055 = arith.select %le3A, %cond3A_994#1, %masked_sort3A_1053 : vector<16xi1>, vector<16xi32>
                %masked_sort3A_1056 = arith.constant dense<true> : vector<16xi1>
                %masked_sort3A_1057, %masked_sort3A_1058, %masked_sort3A_1059 = tpu.sort %min3A_1054, %select_n3A_1055 masked %masked_sort3A_1056 : (vector<16xf32>, vector<16xi32>, vector<16xi1>) -> (vector<16xi1>, vector<16xf32>, vector<16xi32>)
                %slice3A_1060 = vector.extract_strided_slice %masked_sort3A_1058 {offsets = [15], sizes = [1], strides = [1]} : vector<16xf32> to vector<1xf32>
                %squeeze3A_1061 = vector.extract %slice3A_1060[0] : f32 from vector<1xf32>
                %broadcast_in_dim3A_1062 = vector.broadcast %squeeze3A_1061 : f32 to vector<16xf32>
                scf.yield %masked_sort3A_1058, %masked_sort3A_1059, %broadcast_in_dim3A_1062 : vector<16xf32>, vector<16xi32>, vector<16xf32>
              } else {
                scf.yield %cond3A_994#0, %cond3A_994#1, %cond3A_994#2 : vector<16xf32>, vector<16xi32>, vector<16xf32>
              }
              %lt3A_1005 = arith.cmpf olt, %neg3A_715, %cond3A_1004#2 : vector<16xf32>
              %all_reduce_population_count3A_1006 = tpu.all_reduce %lt3A_1005 {dim = 0 : i64, kind = #tpu.reduction_kind<sum>} : vector<16xi1> -> vector<16xi32>
              %slice3A_1007 = vector.extract_strided_slice %all_reduce_population_count3A_1006 {offsets = [0], sizes = [1], strides = [1]} : vector<16xi32> to vector<1xi32>
              %squeeze3A_1008 = vector.extract %slice3A_1007[0] : i32 from vector<1xi32>
              %gt3A_1009 = arith.constant 0 : i32
              %gt3A_1010 = arith.cmpi sgt, %squeeze3A_1008, %gt3A_1009 : i32
              %convert_element_type3A_1011 = arith.extui %gt3A_1010 : i1 to i32
              %cond3A_1012 = arith.constant 0 : i32
              %cond3A_1013 = arith.cmpi ne, %convert_element_type3A_1011, %cond3A_1012 : i32
              %cond3A_1014:3 = scf.if %cond3A_1013 -> (vector<16xf32>, vector<16xi32>, vector<16xf32>) {
                %add3A_1045 = arith.addi %mul3A_243, %mul3A_460 : i32
                %add3A_1046 = arith.constant 96 : i32
                %add3A_1047 = arith.addi %add3A_1045, %add3A_1046 : i32
                %iota3A = tpu.iota {dimensions = array<i32: 0>} : vector<16xi32>
                %add3A_1048 = vector.broadcast %add3A_1047 : i32 to vector<16xi32>
                %add3A_1049 = arith.addi %add3A_1048, %iota3A : vector<16xi32>
                %jit3A = arith.constant 0x7F800000 : f32
                %broadcast_in_dim3A_1050 = vector.broadcast %jit3A : f32 to vector<16xf32>
                %select_n3A = arith.select %lt3A_1005, %neg3A_715, %broadcast_in_dim3A_1050 : vector<16xi1>, vector<16xf32>
                %masked_sort3A = arith.constant dense<true> : vector<16xi1>
                %masked_sort3A_1051, %masked_sort3A_1052, %masked_sort3A_1053 = tpu.sort %select_n3A, %add3A_1049 masked %masked_sort3A {descending = true} : (vector<16xf32>, vector<16xi32>, vector<16xi1>) -> (vector<16xi1>, vector<16xf32>, vector<16xi32>)
                %min3A_1054 = arith.minimumf %cond3A_1004#0, %masked_sort3A_1052 : vector<16xf32>
                %le3A = arith.cmpf ole, %cond3A_1004#0, %masked_sort3A_1052 : vector<16xf32>
                %select_n3A_1055 = arith.select %le3A, %cond3A_1004#1, %masked_sort3A_1053 : vector<16xi1>, vector<16xi32>
                %masked_sort3A_1056 = arith.constant dense<true> : vector<16xi1>
                %masked_sort3A_1057, %masked_sort3A_1058, %masked_sort3A_1059 = tpu.sort %min3A_1054, %select_n3A_1055 masked %masked_sort3A_1056 : (vector<16xf32>, vector<16xi32>, vector<16xi1>) -> (vector<16xi1>, vector<16xf32>, vector<16xi32>)
                %slice3A_1060 = vector.extract_strided_slice %masked_sort3A_1058 {offsets = [15], sizes = [1], strides = [1]} : vector<16xf32> to vector<1xf32>
                %squeeze3A_1061 = vector.extract %slice3A_1060[0] : f32 from vector<1xf32>
                %broadcast_in_dim3A_1062 = vector.broadcast %squeeze3A_1061 : f32 to vector<16xf32>
                scf.yield %masked_sort3A_1058, %masked_sort3A_1059, %broadcast_in_dim3A_1062 : vector<16xf32>, vector<16xi32>, vector<16xf32>
              } else {
                scf.yield %cond3A_1004#0, %cond3A_1004#1, %cond3A_1004#2 : vector<16xf32>, vector<16xi32>, vector<16xf32>
              }
              %lt3A_1015 = arith.cmpf olt, %neg3A_755, %cond3A_1014#2 : vector<16xf32>
              %all_reduce_population_count3A_1016 = tpu.all_reduce %lt3A_1015 {dim = 0 : i64, kind = #tpu.reduction_kind<sum>} : vector<16xi1> -> vector<16xi32>
              %slice3A_1017 = vector.extract_strided_slice %all_reduce_population_count3A_1016 {offsets = [0], sizes = [1], strides = [1]} : vector<16xi32> to vector<1xi32>
              %squeeze3A_1018 = vector.extract %slice3A_1017[0] : i32 from vector<1xi32>
              %gt3A_1019 = arith.constant 0 : i32
              %gt3A_1020 = arith.cmpi sgt, %squeeze3A_1018, %gt3A_1019 : i32
              %convert_element_type3A_1021 = arith.extui %gt3A_1020 : i1 to i32
              %cond3A_1022 = arith.constant 0 : i32
              %cond3A_1023 = arith.cmpi ne, %convert_element_type3A_1021, %cond3A_1022 : i32
              %cond3A_1024:3 = scf.if %cond3A_1023 -> (vector<16xf32>, vector<16xi32>, vector<16xf32>) {
                %add3A_1045 = arith.addi %mul3A_243, %mul3A_460 : i32
                %add3A_1046 = arith.constant 112 : i32
                %add3A_1047 = arith.addi %add3A_1045, %add3A_1046 : i32
                %iota3A = tpu.iota {dimensions = array<i32: 0>} : vector<16xi32>
                %add3A_1048 = vector.broadcast %add3A_1047 : i32 to vector<16xi32>
                %add3A_1049 = arith.addi %add3A_1048, %iota3A : vector<16xi32>
                %jit3A = arith.constant 0x7F800000 : f32
                %broadcast_in_dim3A_1050 = vector.broadcast %jit3A : f32 to vector<16xf32>
                %select_n3A = arith.select %lt3A_1015, %neg3A_755, %broadcast_in_dim3A_1050 : vector<16xi1>, vector<16xf32>
                %masked_sort3A = arith.constant dense<true> : vector<16xi1>
                %masked_sort3A_1051, %masked_sort3A_1052, %masked_sort3A_1053 = tpu.sort %select_n3A, %add3A_1049 masked %masked_sort3A {descending = true} : (vector<16xf32>, vector<16xi32>, vector<16xi1>) -> (vector<16xi1>, vector<16xf32>, vector<16xi32>)
                %min3A_1054 = arith.minimumf %cond3A_1014#0, %masked_sort3A_1052 : vector<16xf32>
                %le3A = arith.cmpf ole, %cond3A_1014#0, %masked_sort3A_1052 : vector<16xf32>
                %select_n3A_1055 = arith.select %le3A, %cond3A_1014#1, %masked_sort3A_1053 : vector<16xi1>, vector<16xi32>
                %masked_sort3A_1056 = arith.constant dense<true> : vector<16xi1>
                %masked_sort3A_1057, %masked_sort3A_1058, %masked_sort3A_1059 = tpu.sort %min3A_1054, %select_n3A_1055 masked %masked_sort3A_1056 : (vector<16xf32>, vector<16xi32>, vector<16xi1>) -> (vector<16xi1>, vector<16xf32>, vector<16xi32>)
                %slice3A_1060 = vector.extract_strided_slice %masked_sort3A_1058 {offsets = [15], sizes = [1], strides = [1]} : vector<16xf32> to vector<1xf32>
                %squeeze3A_1061 = vector.extract %slice3A_1060[0] : f32 from vector<1xf32>
                %broadcast_in_dim3A_1062 = vector.broadcast %squeeze3A_1061 : f32 to vector<16xf32>
                scf.yield %masked_sort3A_1058, %masked_sort3A_1059, %broadcast_in_dim3A_1062 : vector<16xf32>, vector<16xi32>, vector<16xf32>
              } else {
                scf.yield %cond3A_1014#0, %cond3A_1014#1, %cond3A_1014#2 : vector<16xf32>, vector<16xi32>, vector<16xf32>
              }
              %lt3A_1025 = arith.cmpf olt, %neg3A_795, %cond3A_1024#2 : vector<16xf32>
              %all_reduce_population_count3A_1026 = tpu.all_reduce %lt3A_1025 {dim = 0 : i64, kind = #tpu.reduction_kind<sum>} : vector<16xi1> -> vector<16xi32>
              %slice3A_1027 = vector.extract_strided_slice %all_reduce_population_count3A_1026 {offsets = [0], sizes = [1], strides = [1]} : vector<16xi32> to vector<1xi32>
              %squeeze3A_1028 = vector.extract %slice3A_1027[0] : i32 from vector<1xi32>
              %gt3A_1029 = arith.constant 0 : i32
              %gt3A_1030 = arith.cmpi sgt, %squeeze3A_1028, %gt3A_1029 : i32
              %convert_element_type3A_1031 = arith.extui %gt3A_1030 : i1 to i32
              %cond3A_1032 = arith.constant 0 : i32
              %cond3A_1033 = arith.cmpi ne, %convert_element_type3A_1031, %cond3A_1032 : i32
              %cond3A_1034:3 = scf.if %cond3A_1033 -> (vector<16xf32>, vector<16xi32>, vector<16xf32>) {
                %add3A_1045 = arith.addi %mul3A_243, %mul3A_460 : i32
                %add3A_1046 = arith.constant 128 : i32
                %add3A_1047 = arith.addi %add3A_1045, %add3A_1046 : i32
                %iota3A = tpu.iota {dimensions = array<i32: 0>} : vector<16xi32>
                %add3A_1048 = vector.broadcast %add3A_1047 : i32 to vector<16xi32>
                %add3A_1049 = arith.addi %add3A_1048, %iota3A : vector<16xi32>
                %jit3A = arith.constant 0x7F800000 : f32
                %broadcast_in_dim3A_1050 = vector.broadcast %jit3A : f32 to vector<16xf32>
                %select_n3A = arith.select %lt3A_1025, %neg3A_795, %broadcast_in_dim3A_1050 : vector<16xi1>, vector<16xf32>
                %masked_sort3A = arith.constant dense<true> : vector<16xi1>
                %masked_sort3A_1051, %masked_sort3A_1052, %masked_sort3A_1053 = tpu.sort %select_n3A, %add3A_1049 masked %masked_sort3A {descending = true} : (vector<16xf32>, vector<16xi32>, vector<16xi1>) -> (vector<16xi1>, vector<16xf32>, vector<16xi32>)
                %min3A_1054 = arith.minimumf %cond3A_1024#0, %masked_sort3A_1052 : vector<16xf32>
                %le3A = arith.cmpf ole, %cond3A_1024#0, %masked_sort3A_1052 : vector<16xf32>
                %select_n3A_1055 = arith.select %le3A, %cond3A_1024#1, %masked_sort3A_1053 : vector<16xi1>, vector<16xi32>
                %masked_sort3A_1056 = arith.constant dense<true> : vector<16xi1>
                %masked_sort3A_1057, %masked_sort3A_1058, %masked_sort3A_1059 = tpu.sort %min3A_1054, %select_n3A_1055 masked %masked_sort3A_1056 : (vector<16xf32>, vector<16xi32>, vector<16xi1>) -> (vector<16xi1>, vector<16xf32>, vector<16xi32>)
                %slice3A_1060 = vector.extract_strided_slice %masked_sort3A_1058 {offsets = [15], sizes = [1], strides = [1]} : vector<16xf32> to vector<1xf32>
                %squeeze3A_1061 = vector.extract %slice3A_1060[0] : f32 from vector<1xf32>
                %broadcast_in_dim3A_1062 = vector.broadcast %squeeze3A_1061 : f32 to vector<16xf32>
                scf.yield %masked_sort3A_1058, %masked_sort3A_1059, %broadcast_in_dim3A_1062 : vector<16xf32>, vector<16xi32>, vector<16xf32>
              } else {
                scf.yield %cond3A_1024#0, %cond3A_1024#1, %cond3A_1024#2 : vector<16xf32>, vector<16xi32>, vector<16xf32>
              }
              %lt3A_1035 = arith.cmpf olt, %neg3A_835, %cond3A_1034#2 : vector<16xf32>
              %all_reduce_population_count3A_1036 = tpu.all_reduce %lt3A_1035 {dim = 0 : i64, kind = #tpu.reduction_kind<sum>} : vector<16xi1> -> vector<16xi32>
              %slice3A_1037 = vector.extract_strided_slice %all_reduce_population_count3A_1036 {offsets = [0], sizes = [1], strides = [1]} : vector<16xi32> to vector<1xi32>
              %squeeze3A_1038 = vector.extract %slice3A_1037[0] : i32 from vector<1xi32>
              %gt3A_1039 = arith.constant 0 : i32
              %gt3A_1040 = arith.cmpi sgt, %squeeze3A_1038, %gt3A_1039 : i32
              %convert_element_type3A_1041 = arith.extui %gt3A_1040 : i1 to i32
              %cond3A_1042 = arith.constant 0 : i32
              %cond3A_1043 = arith.cmpi ne, %convert_element_type3A_1041, %cond3A_1042 : i32
              %cond3A_1044:3 = scf.if %cond3A_1043 -> (vector<16xf32>, vector<16xi32>, vector<16xf32>) {
                %add3A_1045 = arith.addi %mul3A_243, %mul3A_460 : i32
                %add3A_1046 = arith.constant 144 : i32
                %add3A_1047 = arith.addi %add3A_1045, %add3A_1046 : i32
                %iota3A = tpu.iota {dimensions = array<i32: 0>} : vector<16xi32>
                %add3A_1048 = vector.broadcast %add3A_1047 : i32 to vector<16xi32>
                %add3A_1049 = arith.addi %add3A_1048, %iota3A : vector<16xi32>
                %jit3A = arith.constant 0x7F800000 : f32
                %broadcast_in_dim3A_1050 = vector.broadcast %jit3A : f32 to vector<16xf32>
                %select_n3A = arith.select %lt3A_1035, %neg3A_835, %broadcast_in_dim3A_1050 : vector<16xi1>, vector<16xf32>
                %masked_sort3A = arith.constant dense<true> : vector<16xi1>
                %masked_sort3A_1051, %masked_sort3A_1052, %masked_sort3A_1053 = tpu.sort %select_n3A, %add3A_1049 masked %masked_sort3A {descending = true} : (vector<16xf32>, vector<16xi32>, vector<16xi1>) -> (vector<16xi1>, vector<16xf32>, vector<16xi32>)
                %min3A_1054 = arith.minimumf %cond3A_1034#0, %masked_sort3A_1052 : vector<16xf32>
                %le3A = arith.cmpf ole, %cond3A_1034#0, %masked_sort3A_1052 : vector<16xf32>
                %select_n3A_1055 = arith.select %le3A, %cond3A_1034#1, %masked_sort3A_1053 : vector<16xi1>, vector<16xi32>
                %masked_sort3A_1056 = arith.constant dense<true> : vector<16xi1>
                %masked_sort3A_1057, %masked_sort3A_1058, %masked_sort3A_1059 = tpu.sort %min3A_1054, %select_n3A_1055 masked %masked_sort3A_1056 : (vector<16xf32>, vector<16xi32>, vector<16xi1>) -> (vector<16xi1>, vector<16xf32>, vector<16xi32>)
                %slice3A_1060 = vector.extract_strided_slice %masked_sort3A_1058 {offsets = [15], sizes = [1], strides = [1]} : vector<16xf32> to vector<1xf32>
                %squeeze3A_1061 = vector.extract %slice3A_1060[0] : f32 from vector<1xf32>
                %broadcast_in_dim3A_1062 = vector.broadcast %squeeze3A_1061 : f32 to vector<16xf32>
                scf.yield %masked_sort3A_1058, %masked_sort3A_1059, %broadcast_in_dim3A_1062 : vector<16xf32>, vector<16xi32>, vector<16xf32>
              } else {
                scf.yield %cond3A_1034#0, %cond3A_1034#1, %cond3A_1034#2 : vector<16xf32>, vector<16xi32>, vector<16xf32>
              }
              scf.yield %cond3A_1044#0, %cond3A_1044#1, %cond3A_1044#2 : vector<16xf32>, vector<16xi32>, vector<16xf32>
            } else {
              scf.yield %scan3A_447, %scan3A_448, %scan3A_449 : vector<16xf32>, vector<16xi32>, vector<16xf32>
            }
            %lt3A_915 = arith.cmpf olt, %min3A_876, %scan3A_452 : vector<16xf32>
            %all_reduce_population_count3A_916 = tpu.all_reduce %lt3A_915 {dim = 0 : i64, kind = #tpu.reduction_kind<sum>} : vector<16xi1> -> vector<16xi32>
            %slice3A_917 = vector.extract_strided_slice %all_reduce_population_count3A_916 {offsets = [0], sizes = [1], strides = [1]} : vector<16xi32> to vector<1xi32>
            %squeeze3A_918 = vector.extract %slice3A_917[0] : i32 from vector<1xi32>
            %gt3A_919 = arith.constant 0 : i32
            %gt3A_920 = arith.cmpi sgt, %squeeze3A_918, %gt3A_919 : i32
            %convert_element_type3A_921 = arith.extui %gt3A_920 : i1 to i32
            %cond3A_922 = arith.constant 0 : i32
            %cond3A_923 = arith.cmpi ne, %convert_element_type3A_921, %cond3A_922 : i32
            %cond3A_924:3 = scf.if %cond3A_923 -> (vector<16xf32>, vector<16xi32>, vector<16xf32>) {
              %lt3A_945 = arith.cmpf olt, %neg3A_483, %scan3A_452 : vector<16xf32>
              %all_reduce_population_count3A_946 = tpu.all_reduce %lt3A_945 {dim = 0 : i64, kind = #tpu.reduction_kind<sum>} : vector<16xi1> -> vector<16xi32>
              %slice3A_947 = vector.extract_strided_slice %all_reduce_population_count3A_946 {offsets = [0], sizes = [1], strides = [1]} : vector<16xi32> to vector<1xi32>
              %squeeze3A_948 = vector.extract %slice3A_947[0] : i32 from vector<1xi32>
              %gt3A_949 = arith.constant 0 : i32
              %gt3A_950 = arith.cmpi sgt, %squeeze3A_948, %gt3A_949 : i32
              %convert_element_type3A_951 = arith.extui %gt3A_950 : i1 to i32
              %cond3A_952 = arith.constant 0 : i32
              %cond3A_953 = arith.cmpi ne, %convert_element_type3A_951, %cond3A_952 : i32
              %cond3A_954:3 = scf.if %cond3A_953 -> (vector<16xf32>, vector<16xi32>, vector<16xf32>) {
                %add3A_1045 = arith.addi %mul3A_243, %mul3A_460 : i32
                %add3A_1046 = arith.constant 0 : i32
                %add3A_1047 = arith.addi %add3A_1045, %add3A_1046 : i32
                %iota3A = tpu.iota {dimensions = array<i32: 0>} : vector<16xi32>
                %add3A_1048 = vector.broadcast %add3A_1047 : i32 to vector<16xi32>
                %add3A_1049 = arith.addi %add3A_1048, %iota3A : vector<16xi32>
                %jit3A = arith.constant 0x7F800000 : f32
                %broadcast_in_dim3A_1050 = vector.broadcast %jit3A : f32 to vector<16xf32>
                %select_n3A = arith.select %lt3A_945, %neg3A_483, %broadcast_in_dim3A_1050 : vector<16xi1>, vector<16xf32>
                %masked_sort3A = arith.constant dense<true> : vector<16xi1>
                %masked_sort3A_1051, %masked_sort3A_1052, %masked_sort3A_1053 = tpu.sort %select_n3A, %add3A_1049 masked %masked_sort3A {descending = true} : (vector<16xf32>, vector<16xi32>, vector<16xi1>) -> (vector<16xi1>, vector<16xf32>, vector<16xi32>)
                %min3A_1054 = arith.minimumf %scan3A_450, %masked_sort3A_1052 : vector<16xf32>
                %le3A = arith.cmpf ole, %scan3A_450, %masked_sort3A_1052 : vector<16xf32>
                %select_n3A_1055 = arith.select %le3A, %scan3A_451, %masked_sort3A_1053 : vector<16xi1>, vector<16xi32>
                %masked_sort3A_1056 = arith.constant dense<true> : vector<16xi1>
                %masked_sort3A_1057, %masked_sort3A_1058, %masked_sort3A_1059 = tpu.sort %min3A_1054, %select_n3A_1055 masked %masked_sort3A_1056 : (vector<16xf32>, vector<16xi32>, vector<16xi1>) -> (vector<16xi1>, vector<16xf32>, vector<16xi32>)
                %slice3A_1060 = vector.extract_strided_slice %masked_sort3A_1058 {offsets = [15], sizes = [1], strides = [1]} : vector<16xf32> to vector<1xf32>
                %squeeze3A_1061 = vector.extract %slice3A_1060[0] : f32 from vector<1xf32>
                %broadcast_in_dim3A_1062 = vector.broadcast %squeeze3A_1061 : f32 to vector<16xf32>
                scf.yield %masked_sort3A_1058, %masked_sort3A_1059, %broadcast_in_dim3A_1062 : vector<16xf32>, vector<16xi32>, vector<16xf32>
              } else {
                scf.yield %scan3A_450, %scan3A_451, %scan3A_452 : vector<16xf32>, vector<16xi32>, vector<16xf32>
              }
              %lt3A_955 = arith.cmpf olt, %neg3A_523, %cond3A_954#2 : vector<16xf32>
              %all_reduce_population_count3A_956 = tpu.all_reduce %lt3A_955 {dim = 0 : i64, kind = #tpu.reduction_kind<sum>} : vector<16xi1> -> vector<16xi32>
              %slice3A_957 = vector.extract_strided_slice %all_reduce_population_count3A_956 {offsets = [0], sizes = [1], strides = [1]} : vector<16xi32> to vector<1xi32>
              %squeeze3A_958 = vector.extract %slice3A_957[0] : i32 from vector<1xi32>
              %gt3A_959 = arith.constant 0 : i32
              %gt3A_960 = arith.cmpi sgt, %squeeze3A_958, %gt3A_959 : i32
              %convert_element_type3A_961 = arith.extui %gt3A_960 : i1 to i32
              %cond3A_962 = arith.constant 0 : i32
              %cond3A_963 = arith.cmpi ne, %convert_element_type3A_961, %cond3A_962 : i32
              %cond3A_964:3 = scf.if %cond3A_963 -> (vector<16xf32>, vector<16xi32>, vector<16xf32>) {
                %add3A_1045 = arith.addi %mul3A_243, %mul3A_460 : i32
                %add3A_1046 = arith.constant 16 : i32
                %add3A_1047 = arith.addi %add3A_1045, %add3A_1046 : i32
                %iota3A = tpu.iota {dimensions = array<i32: 0>} : vector<16xi32>
                %add3A_1048 = vector.broadcast %add3A_1047 : i32 to vector<16xi32>
                %add3A_1049 = arith.addi %add3A_1048, %iota3A : vector<16xi32>
                %jit3A = arith.constant 0x7F800000 : f32
                %broadcast_in_dim3A_1050 = vector.broadcast %jit3A : f32 to vector<16xf32>
                %select_n3A = arith.select %lt3A_955, %neg3A_523, %broadcast_in_dim3A_1050 : vector<16xi1>, vector<16xf32>
                %masked_sort3A = arith.constant dense<true> : vector<16xi1>
                %masked_sort3A_1051, %masked_sort3A_1052, %masked_sort3A_1053 = tpu.sort %select_n3A, %add3A_1049 masked %masked_sort3A {descending = true} : (vector<16xf32>, vector<16xi32>, vector<16xi1>) -> (vector<16xi1>, vector<16xf32>, vector<16xi32>)
                %min3A_1054 = arith.minimumf %cond3A_954#0, %masked_sort3A_1052 : vector<16xf32>
                %le3A = arith.cmpf ole, %cond3A_954#0, %masked_sort3A_1052 : vector<16xf32>
                %select_n3A_1055 = arith.select %le3A, %cond3A_954#1, %masked_sort3A_1053 : vector<16xi1>, vector<16xi32>
                %masked_sort3A_1056 = arith.constant dense<true> : vector<16xi1>
                %masked_sort3A_1057, %masked_sort3A_1058, %masked_sort3A_1059 = tpu.sort %min3A_1054, %select_n3A_1055 masked %masked_sort3A_1056 : (vector<16xf32>, vector<16xi32>, vector<16xi1>) -> (vector<16xi1>, vector<16xf32>, vector<16xi32>)
                %slice3A_1060 = vector.extract_strided_slice %masked_sort3A_1058 {offsets = [15], sizes = [1], strides = [1]} : vector<16xf32> to vector<1xf32>
                %squeeze3A_1061 = vector.extract %slice3A_1060[0] : f32 from vector<1xf32>
                %broadcast_in_dim3A_1062 = vector.broadcast %squeeze3A_1061 : f32 to vector<16xf32>
                scf.yield %masked_sort3A_1058, %masked_sort3A_1059, %broadcast_in_dim3A_1062 : vector<16xf32>, vector<16xi32>, vector<16xf32>
              } else {
                scf.yield %cond3A_954#0, %cond3A_954#1, %cond3A_954#2 : vector<16xf32>, vector<16xi32>, vector<16xf32>
              }
              %lt3A_965 = arith.cmpf olt, %neg3A_563, %cond3A_964#2 : vector<16xf32>
              %all_reduce_population_count3A_966 = tpu.all_reduce %lt3A_965 {dim = 0 : i64, kind = #tpu.reduction_kind<sum>} : vector<16xi1> -> vector<16xi32>
              %slice3A_967 = vector.extract_strided_slice %all_reduce_population_count3A_966 {offsets = [0], sizes = [1], strides = [1]} : vector<16xi32> to vector<1xi32>
              %squeeze3A_968 = vector.extract %slice3A_967[0] : i32 from vector<1xi32>
              %gt3A_969 = arith.constant 0 : i32
              %gt3A_970 = arith.cmpi sgt, %squeeze3A_968, %gt3A_969 : i32
              %convert_element_type3A_971 = arith.extui %gt3A_970 : i1 to i32
              %cond3A_972 = arith.constant 0 : i32
              %cond3A_973 = arith.cmpi ne, %convert_element_type3A_971, %cond3A_972 : i32
              %cond3A_974:3 = scf.if %cond3A_973 -> (vector<16xf32>, vector<16xi32>, vector<16xf32>) {
                %add3A_1045 = arith.addi %mul3A_243, %mul3A_460 : i32
                %add3A_1046 = arith.constant 32 : i32
                %add3A_1047 = arith.addi %add3A_1045, %add3A_1046 : i32
                %iota3A = tpu.iota {dimensions = array<i32: 0>} : vector<16xi32>
                %add3A_1048 = vector.broadcast %add3A_1047 : i32 to vector<16xi32>
                %add3A_1049 = arith.addi %add3A_1048, %iota3A : vector<16xi32>
                %jit3A = arith.constant 0x7F800000 : f32
                %broadcast_in_dim3A_1050 = vector.broadcast %jit3A : f32 to vector<16xf32>
                %select_n3A = arith.select %lt3A_965, %neg3A_563, %broadcast_in_dim3A_1050 : vector<16xi1>, vector<16xf32>
                %masked_sort3A = arith.constant dense<true> : vector<16xi1>
                %masked_sort3A_1051, %masked_sort3A_1052, %masked_sort3A_1053 = tpu.sort %select_n3A, %add3A_1049 masked %masked_sort3A {descending = true} : (vector<16xf32>, vector<16xi32>, vector<16xi1>) -> (vector<16xi1>, vector<16xf32>, vector<16xi32>)
                %min3A_1054 = arith.minimumf %cond3A_964#0, %masked_sort3A_1052 : vector<16xf32>
                %le3A = arith.cmpf ole, %cond3A_964#0, %masked_sort3A_1052 : vector<16xf32>
                %select_n3A_1055 = arith.select %le3A, %cond3A_964#1, %masked_sort3A_1053 : vector<16xi1>, vector<16xi32>
                %masked_sort3A_1056 = arith.constant dense<true> : vector<16xi1>
                %masked_sort3A_1057, %masked_sort3A_1058, %masked_sort3A_1059 = tpu.sort %min3A_1054, %select_n3A_1055 masked %masked_sort3A_1056 : (vector<16xf32>, vector<16xi32>, vector<16xi1>) -> (vector<16xi1>, vector<16xf32>, vector<16xi32>)
                %slice3A_1060 = vector.extract_strided_slice %masked_sort3A_1058 {offsets = [15], sizes = [1], strides = [1]} : vector<16xf32> to vector<1xf32>
                %squeeze3A_1061 = vector.extract %slice3A_1060[0] : f32 from vector<1xf32>
                %broadcast_in_dim3A_1062 = vector.broadcast %squeeze3A_1061 : f32 to vector<16xf32>
                scf.yield %masked_sort3A_1058, %masked_sort3A_1059, %broadcast_in_dim3A_1062 : vector<16xf32>, vector<16xi32>, vector<16xf32>
              } else {
                scf.yield %cond3A_964#0, %cond3A_964#1, %cond3A_964#2 : vector<16xf32>, vector<16xi32>, vector<16xf32>
              }
              %lt3A_975 = arith.cmpf olt, %neg3A_603, %cond3A_974#2 : vector<16xf32>
              %all_reduce_population_count3A_976 = tpu.all_reduce %lt3A_975 {dim = 0 : i64, kind = #tpu.reduction_kind<sum>} : vector<16xi1> -> vector<16xi32>
              %slice3A_977 = vector.extract_strided_slice %all_reduce_population_count3A_976 {offsets = [0], sizes = [1], strides = [1]} : vector<16xi32> to vector<1xi32>
              %squeeze3A_978 = vector.extract %slice3A_977[0] : i32 from vector<1xi32>
              %gt3A_979 = arith.constant 0 : i32
              %gt3A_980 = arith.cmpi sgt, %squeeze3A_978, %gt3A_979 : i32
              %convert_element_type3A_981 = arith.extui %gt3A_980 : i1 to i32
              %cond3A_982 = arith.constant 0 : i32
              %cond3A_983 = arith.cmpi ne, %convert_element_type3A_981, %cond3A_982 : i32
              %cond3A_984:3 = scf.if %cond3A_983 -> (vector<16xf32>, vector<16xi32>, vector<16xf32>) {
                %add3A_1045 = arith.addi %mul3A_243, %mul3A_460 : i32
                %add3A_1046 = arith.constant 48 : i32
                %add3A_1047 = arith.addi %add3A_1045, %add3A_1046 : i32
                %iota3A = tpu.iota {dimensions = array<i32: 0>} : vector<16xi32>
                %add3A_1048 = vector.broadcast %add3A_1047 : i32 to vector<16xi32>
                %add3A_1049 = arith.addi %add3A_1048, %iota3A : vector<16xi32>
                %jit3A = arith.constant 0x7F800000 : f32
                %broadcast_in_dim3A_1050 = vector.broadcast %jit3A : f32 to vector<16xf32>
                %select_n3A = arith.select %lt3A_975, %neg3A_603, %broadcast_in_dim3A_1050 : vector<16xi1>, vector<16xf32>
                %masked_sort3A = arith.constant dense<true> : vector<16xi1>
                %masked_sort3A_1051, %masked_sort3A_1052, %masked_sort3A_1053 = tpu.sort %select_n3A, %add3A_1049 masked %masked_sort3A {descending = true} : (vector<16xf32>, vector<16xi32>, vector<16xi1>) -> (vector<16xi1>, vector<16xf32>, vector<16xi32>)
                %min3A_1054 = arith.minimumf %cond3A_974#0, %masked_sort3A_1052 : vector<16xf32>
                %le3A = arith.cmpf ole, %cond3A_974#0, %masked_sort3A_1052 : vector<16xf32>
                %select_n3A_1055 = arith.select %le3A, %cond3A_974#1, %masked_sort3A_1053 : vector<16xi1>, vector<16xi32>
                %masked_sort3A_1056 = arith.constant dense<true> : vector<16xi1>
                %masked_sort3A_1057, %masked_sort3A_1058, %masked_sort3A_1059 = tpu.sort %min3A_1054, %select_n3A_1055 masked %masked_sort3A_1056 : (vector<16xf32>, vector<16xi32>, vector<16xi1>) -> (vector<16xi1>, vector<16xf32>, vector<16xi32>)
                %slice3A_1060 = vector.extract_strided_slice %masked_sort3A_1058 {offsets = [15], sizes = [1], strides = [1]} : vector<16xf32> to vector<1xf32>
                %squeeze3A_1061 = vector.extract %slice3A_1060[0] : f32 from vector<1xf32>
                %broadcast_in_dim3A_1062 = vector.broadcast %squeeze3A_1061 : f32 to vector<16xf32>
                scf.yield %masked_sort3A_1058, %masked_sort3A_1059, %broadcast_in_dim3A_1062 : vector<16xf32>, vector<16xi32>, vector<16xf32>
              } else {
                scf.yield %cond3A_974#0, %cond3A_974#1, %cond3A_974#2 : vector<16xf32>, vector<16xi32>, vector<16xf32>
              }
              %lt3A_985 = arith.cmpf olt, %neg3A_643, %cond3A_984#2 : vector<16xf32>
              %all_reduce_population_count3A_986 = tpu.all_reduce %lt3A_985 {dim = 0 : i64, kind = #tpu.reduction_kind<sum>} : vector<16xi1> -> vector<16xi32>
              %slice3A_987 = vector.extract_strided_slice %all_reduce_population_count3A_986 {offsets = [0], sizes = [1], strides = [1]} : vector<16xi32> to vector<1xi32>
              %squeeze3A_988 = vector.extract %slice3A_987[0] : i32 from vector<1xi32>
              %gt3A_989 = arith.constant 0 : i32
              %gt3A_990 = arith.cmpi sgt, %squeeze3A_988, %gt3A_989 : i32
              %convert_element_type3A_991 = arith.extui %gt3A_990 : i1 to i32
              %cond3A_992 = arith.constant 0 : i32
              %cond3A_993 = arith.cmpi ne, %convert_element_type3A_991, %cond3A_992 : i32
              %cond3A_994:3 = scf.if %cond3A_993 -> (vector<16xf32>, vector<16xi32>, vector<16xf32>) {
                %add3A_1045 = arith.addi %mul3A_243, %mul3A_460 : i32
                %add3A_1046 = arith.constant 64 : i32
                %add3A_1047 = arith.addi %add3A_1045, %add3A_1046 : i32
                %iota3A = tpu.iota {dimensions = array<i32: 0>} : vector<16xi32>
                %add3A_1048 = vector.broadcast %add3A_1047 : i32 to vector<16xi32>
                %add3A_1049 = arith.addi %add3A_1048, %iota3A : vector<16xi32>
                %jit3A = arith.constant 0x7F800000 : f32
                %broadcast_in_dim3A_1050 = vector.broadcast %jit3A : f32 to vector<16xf32>
                %select_n3A = arith.select %lt3A_985, %neg3A_643, %broadcast_in_dim3A_1050 : vector<16xi1>, vector<16xf32>
                %masked_sort3A = arith.constant dense<true> : vector<16xi1>
                %masked_sort3A_1051, %masked_sort3A_1052, %masked_sort3A_1053 = tpu.sort %select_n3A, %add3A_1049 masked %masked_sort3A {descending = true} : (vector<16xf32>, vector<16xi32>, vector<16xi1>) -> (vector<16xi1>, vector<16xf32>, vector<16xi32>)
                %min3A_1054 = arith.minimumf %cond3A_984#0, %masked_sort3A_1052 : vector<16xf32>
                %le3A = arith.cmpf ole, %cond3A_984#0, %masked_sort3A_1052 : vector<16xf32>
                %select_n3A_1055 = arith.select %le3A, %cond3A_984#1, %masked_sort3A_1053 : vector<16xi1>, vector<16xi32>
                %masked_sort3A_1056 = arith.constant dense<true> : vector<16xi1>
                %masked_sort3A_1057, %masked_sort3A_1058, %masked_sort3A_1059 = tpu.sort %min3A_1054, %select_n3A_1055 masked %masked_sort3A_1056 : (vector<16xf32>, vector<16xi32>, vector<16xi1>) -> (vector<16xi1>, vector<16xf32>, vector<16xi32>)
                %slice3A_1060 = vector.extract_strided_slice %masked_sort3A_1058 {offsets = [15], sizes = [1], strides = [1]} : vector<16xf32> to vector<1xf32>
                %squeeze3A_1061 = vector.extract %slice3A_1060[0] : f32 from vector<1xf32>
                %broadcast_in_dim3A_1062 = vector.broadcast %squeeze3A_1061 : f32 to vector<16xf32>
                scf.yield %masked_sort3A_1058, %masked_sort3A_1059, %broadcast_in_dim3A_1062 : vector<16xf32>, vector<16xi32>, vector<16xf32>
              } else {
                scf.yield %cond3A_984#0, %cond3A_984#1, %cond3A_984#2 : vector<16xf32>, vector<16xi32>, vector<16xf32>
              }
              %lt3A_995 = arith.cmpf olt, %neg3A_683, %cond3A_994#2 : vector<16xf32>
              %all_reduce_population_count3A_996 = tpu.all_reduce %lt3A_995 {dim = 0 : i64, kind = #tpu.reduction_kind<sum>} : vector<16xi1> -> vector<16xi32>
              %slice3A_997 = vector.extract_strided_slice %all_reduce_population_count3A_996 {offsets = [0], sizes = [1], strides = [1]} : vector<16xi32> to vector<1xi32>
              %squeeze3A_998 = vector.extract %slice3A_997[0] : i32 from vector<1xi32>
              %gt3A_999 = arith.constant 0 : i32
              %gt3A_1000 = arith.cmpi sgt, %squeeze3A_998, %gt3A_999 : i32
              %convert_element_type3A_1001 = arith.extui %gt3A_1000 : i1 to i32
              %cond3A_1002 = arith.constant 0 : i32
              %cond3A_1003 = arith.cmpi ne, %convert_element_type3A_1001, %cond3A_1002 : i32
              %cond3A_1004:3 = scf.if %cond3A_1003 -> (vector<16xf32>, vector<16xi32>, vector<16xf32>) {
                %add3A_1045 = arith.addi %mul3A_243, %mul3A_460 : i32
                %add3A_1046 = arith.constant 80 : i32
                %add3A_1047 = arith.addi %add3A_1045, %add3A_1046 : i32
                %iota3A = tpu.iota {dimensions = array<i32: 0>} : vector<16xi32>
                %add3A_1048 = vector.broadcast %add3A_1047 : i32 to vector<16xi32>
                %add3A_1049 = arith.addi %add3A_1048, %iota3A : vector<16xi32>
                %jit3A = arith.constant 0x7F800000 : f32
                %broadcast_in_dim3A_1050 = vector.broadcast %jit3A : f32 to vector<16xf32>
                %select_n3A = arith.select %lt3A_995, %neg3A_683, %broadcast_in_dim3A_1050 : vector<16xi1>, vector<16xf32>
                %masked_sort3A = arith.constant dense<true> : vector<16xi1>
                %masked_sort3A_1051, %masked_sort3A_1052, %masked_sort3A_1053 = tpu.sort %select_n3A, %add3A_1049 masked %masked_sort3A {descending = true} : (vector<16xf32>, vector<16xi32>, vector<16xi1>) -> (vector<16xi1>, vector<16xf32>, vector<16xi32>)
                %min3A_1054 = arith.minimumf %cond3A_994#0, %masked_sort3A_1052 : vector<16xf32>
                %le3A = arith.cmpf ole, %cond3A_994#0, %masked_sort3A_1052 : vector<16xf32>
                %select_n3A_1055 = arith.select %le3A, %cond3A_994#1, %masked_sort3A_1053 : vector<16xi1>, vector<16xi32>
                %masked_sort3A_1056 = arith.constant dense<true> : vector<16xi1>
                %masked_sort3A_1057, %masked_sort3A_1058, %masked_sort3A_1059 = tpu.sort %min3A_1054, %select_n3A_1055 masked %masked_sort3A_1056 : (vector<16xf32>, vector<16xi32>, vector<16xi1>) -> (vector<16xi1>, vector<16xf32>, vector<16xi32>)
                %slice3A_1060 = vector.extract_strided_slice %masked_sort3A_1058 {offsets = [15], sizes = [1], strides = [1]} : vector<16xf32> to vector<1xf32>
                %squeeze3A_1061 = vector.extract %slice3A_1060[0] : f32 from vector<1xf32>
                %broadcast_in_dim3A_1062 = vector.broadcast %squeeze3A_1061 : f32 to vector<16xf32>
                scf.yield %masked_sort3A_1058, %masked_sort3A_1059, %broadcast_in_dim3A_1062 : vector<16xf32>, vector<16xi32>, vector<16xf32>
              } else {
                scf.yield %cond3A_994#0, %cond3A_994#1, %cond3A_994#2 : vector<16xf32>, vector<16xi32>, vector<16xf32>
              }
              %lt3A_1005 = arith.cmpf olt, %neg3A_723, %cond3A_1004#2 : vector<16xf32>
              %all_reduce_population_count3A_1006 = tpu.all_reduce %lt3A_1005 {dim = 0 : i64, kind = #tpu.reduction_kind<sum>} : vector<16xi1> -> vector<16xi32>
              %slice3A_1007 = vector.extract_strided_slice %all_reduce_population_count3A_1006 {offsets = [0], sizes = [1], strides = [1]} : vector<16xi32> to vector<1xi32>
              %squeeze3A_1008 = vector.extract %slice3A_1007[0] : i32 from vector<1xi32>
              %gt3A_1009 = arith.constant 0 : i32
              %gt3A_1010 = arith.cmpi sgt, %squeeze3A_1008, %gt3A_1009 : i32
              %convert_element_type3A_1011 = arith.extui %gt3A_1010 : i1 to i32
              %cond3A_1012 = arith.constant 0 : i32
              %cond3A_1013 = arith.cmpi ne, %convert_element_type3A_1011, %cond3A_1012 : i32
              %cond3A_1014:3 = scf.if %cond3A_1013 -> (vector<16xf32>, vector<16xi32>, vector<16xf32>) {
                %add3A_1045 = arith.addi %mul3A_243, %mul3A_460 : i32
                %add3A_1046 = arith.constant 96 : i32
                %add3A_1047 = arith.addi %add3A_1045, %add3A_1046 : i32
                %iota3A = tpu.iota {dimensions = array<i32: 0>} : vector<16xi32>
                %add3A_1048 = vector.broadcast %add3A_1047 : i32 to vector<16xi32>
                %add3A_1049 = arith.addi %add3A_1048, %iota3A : vector<16xi32>
                %jit3A = arith.constant 0x7F800000 : f32
                %broadcast_in_dim3A_1050 = vector.broadcast %jit3A : f32 to vector<16xf32>
                %select_n3A = arith.select %lt3A_1005, %neg3A_723, %broadcast_in_dim3A_1050 : vector<16xi1>, vector<16xf32>
                %masked_sort3A = arith.constant dense<true> : vector<16xi1>
                %masked_sort3A_1051, %masked_sort3A_1052, %masked_sort3A_1053 = tpu.sort %select_n3A, %add3A_1049 masked %masked_sort3A {descending = true} : (vector<16xf32>, vector<16xi32>, vector<16xi1>) -> (vector<16xi1>, vector<16xf32>, vector<16xi32>)
                %min3A_1054 = arith.minimumf %cond3A_1004#0, %masked_sort3A_1052 : vector<16xf32>
                %le3A = arith.cmpf ole, %cond3A_1004#0, %masked_sort3A_1052 : vector<16xf32>
                %select_n3A_1055 = arith.select %le3A, %cond3A_1004#1, %masked_sort3A_1053 : vector<16xi1>, vector<16xi32>
                %masked_sort3A_1056 = arith.constant dense<true> : vector<16xi1>
                %masked_sort3A_1057, %masked_sort3A_1058, %masked_sort3A_1059 = tpu.sort %min3A_1054, %select_n3A_1055 masked %masked_sort3A_1056 : (vector<16xf32>, vector<16xi32>, vector<16xi1>) -> (vector<16xi1>, vector<16xf32>, vector<16xi32>)
                %slice3A_1060 = vector.extract_strided_slice %masked_sort3A_1058 {offsets = [15], sizes = [1], strides = [1]} : vector<16xf32> to vector<1xf32>
                %squeeze3A_1061 = vector.extract %slice3A_1060[0] : f32 from vector<1xf32>
                %broadcast_in_dim3A_1062 = vector.broadcast %squeeze3A_1061 : f32 to vector<16xf32>
                scf.yield %masked_sort3A_1058, %masked_sort3A_1059, %broadcast_in_dim3A_1062 : vector<16xf32>, vector<16xi32>, vector<16xf32>
              } else {
                scf.yield %cond3A_1004#0, %cond3A_1004#1, %cond3A_1004#2 : vector<16xf32>, vector<16xi32>, vector<16xf32>
              }
              %lt3A_1015 = arith.cmpf olt, %neg3A_763, %cond3A_1014#2 : vector<16xf32>
              %all_reduce_population_count3A_1016 = tpu.all_reduce %lt3A_1015 {dim = 0 : i64, kind = #tpu.reduction_kind<sum>} : vector<16xi1> -> vector<16xi32>
              %slice3A_1017 = vector.extract_strided_slice %all_reduce_population_count3A_1016 {offsets = [0], sizes = [1], strides = [1]} : vector<16xi32> to vector<1xi32>
              %squeeze3A_1018 = vector.extract %slice3A_1017[0] : i32 from vector<1xi32>
              %gt3A_1019 = arith.constant 0 : i32
              %gt3A_1020 = arith.cmpi sgt, %squeeze3A_1018, %gt3A_1019 : i32
              %convert_element_type3A_1021 = arith.extui %gt3A_1020 : i1 to i32
              %cond3A_1022 = arith.constant 0 : i32
              %cond3A_1023 = arith.cmpi ne, %convert_element_type3A_1021, %cond3A_1022 : i32
              %cond3A_1024:3 = scf.if %cond3A_1023 -> (vector<16xf32>, vector<16xi32>, vector<16xf32>) {
                %add3A_1045 = arith.addi %mul3A_243, %mul3A_460 : i32
                %add3A_1046 = arith.constant 112 : i32
                %add3A_1047 = arith.addi %add3A_1045, %add3A_1046 : i32
                %iota3A = tpu.iota {dimensions = array<i32: 0>} : vector<16xi32>
                %add3A_1048 = vector.broadcast %add3A_1047 : i32 to vector<16xi32>
                %add3A_1049 = arith.addi %add3A_1048, %iota3A : vector<16xi32>
                %jit3A = arith.constant 0x7F800000 : f32
                %broadcast_in_dim3A_1050 = vector.broadcast %jit3A : f32 to vector<16xf32>
                %select_n3A = arith.select %lt3A_1015, %neg3A_763, %broadcast_in_dim3A_1050 : vector<16xi1>, vector<16xf32>
                %masked_sort3A = arith.constant dense<true> : vector<16xi1>
                %masked_sort3A_1051, %masked_sort3A_1052, %masked_sort3A_1053 = tpu.sort %select_n3A, %add3A_1049 masked %masked_sort3A {descending = true} : (vector<16xf32>, vector<16xi32>, vector<16xi1>) -> (vector<16xi1>, vector<16xf32>, vector<16xi32>)
                %min3A_1054 = arith.minimumf %cond3A_1014#0, %masked_sort3A_1052 : vector<16xf32>
                %le3A = arith.cmpf ole, %cond3A_1014#0, %masked_sort3A_1052 : vector<16xf32>
                %select_n3A_1055 = arith.select %le3A, %cond3A_1014#1, %masked_sort3A_1053 : vector<16xi1>, vector<16xi32>
                %masked_sort3A_1056 = arith.constant dense<true> : vector<16xi1>
                %masked_sort3A_1057, %masked_sort3A_1058, %masked_sort3A_1059 = tpu.sort %min3A_1054, %select_n3A_1055 masked %masked_sort3A_1056 : (vector<16xf32>, vector<16xi32>, vector<16xi1>) -> (vector<16xi1>, vector<16xf32>, vector<16xi32>)
                %slice3A_1060 = vector.extract_strided_slice %masked_sort3A_1058 {offsets = [15], sizes = [1], strides = [1]} : vector<16xf32> to vector<1xf32>
                %squeeze3A_1061 = vector.extract %slice3A_1060[0] : f32 from vector<1xf32>
                %broadcast_in_dim3A_1062 = vector.broadcast %squeeze3A_1061 : f32 to vector<16xf32>
                scf.yield %masked_sort3A_1058, %masked_sort3A_1059, %broadcast_in_dim3A_1062 : vector<16xf32>, vector<16xi32>, vector<16xf32>
              } else {
                scf.yield %cond3A_1014#0, %cond3A_1014#1, %cond3A_1014#2 : vector<16xf32>, vector<16xi32>, vector<16xf32>
              }
              %lt3A_1025 = arith.cmpf olt, %neg3A_803, %cond3A_1024#2 : vector<16xf32>
              %all_reduce_population_count3A_1026 = tpu.all_reduce %lt3A_1025 {dim = 0 : i64, kind = #tpu.reduction_kind<sum>} : vector<16xi1> -> vector<16xi32>
              %slice3A_1027 = vector.extract_strided_slice %all_reduce_population_count3A_1026 {offsets = [0], sizes = [1], strides = [1]} : vector<16xi32> to vector<1xi32>
              %squeeze3A_1028 = vector.extract %slice3A_1027[0] : i32 from vector<1xi32>
              %gt3A_1029 = arith.constant 0 : i32
              %gt3A_1030 = arith.cmpi sgt, %squeeze3A_1028, %gt3A_1029 : i32
              %convert_element_type3A_1031 = arith.extui %gt3A_1030 : i1 to i32
              %cond3A_1032 = arith.constant 0 : i32
              %cond3A_1033 = arith.cmpi ne, %convert_element_type3A_1031, %cond3A_1032 : i32
              %cond3A_1034:3 = scf.if %cond3A_1033 -> (vector<16xf32>, vector<16xi32>, vector<16xf32>) {
                %add3A_1045 = arith.addi %mul3A_243, %mul3A_460 : i32
                %add3A_1046 = arith.constant 128 : i32
                %add3A_1047 = arith.addi %add3A_1045, %add3A_1046 : i32
                %iota3A = tpu.iota {dimensions = array<i32: 0>} : vector<16xi32>
                %add3A_1048 = vector.broadcast %add3A_1047 : i32 to vector<16xi32>
                %add3A_1049 = arith.addi %add3A_1048, %iota3A : vector<16xi32>
                %jit3A = arith.constant 0x7F800000 : f32
                %broadcast_in_dim3A_1050 = vector.broadcast %jit3A : f32 to vector<16xf32>
                %select_n3A = arith.select %lt3A_1025, %neg3A_803, %broadcast_in_dim3A_1050 : vector<16xi1>, vector<16xf32>
                %masked_sort3A = arith.constant dense<true> : vector<16xi1>
                %masked_sort3A_1051, %masked_sort3A_1052, %masked_sort3A_1053 = tpu.sort %select_n3A, %add3A_1049 masked %masked_sort3A {descending = true} : (vector<16xf32>, vector<16xi32>, vector<16xi1>) -> (vector<16xi1>, vector<16xf32>, vector<16xi32>)
                %min3A_1054 = arith.minimumf %cond3A_1024#0, %masked_sort3A_1052 : vector<16xf32>
                %le3A = arith.cmpf ole, %cond3A_1024#0, %masked_sort3A_1052 : vector<16xf32>
                %select_n3A_1055 = arith.select %le3A, %cond3A_1024#1, %masked_sort3A_1053 : vector<16xi1>, vector<16xi32>
                %masked_sort3A_1056 = arith.constant dense<true> : vector<16xi1>
                %masked_sort3A_1057, %masked_sort3A_1058, %masked_sort3A_1059 = tpu.sort %min3A_1054, %select_n3A_1055 masked %masked_sort3A_1056 : (vector<16xf32>, vector<16xi32>, vector<16xi1>) -> (vector<16xi1>, vector<16xf32>, vector<16xi32>)
                %slice3A_1060 = vector.extract_strided_slice %masked_sort3A_1058 {offsets = [15], sizes = [1], strides = [1]} : vector<16xf32> to vector<1xf32>
                %squeeze3A_1061 = vector.extract %slice3A_1060[0] : f32 from vector<1xf32>
                %broadcast_in_dim3A_1062 = vector.broadcast %squeeze3A_1061 : f32 to vector<16xf32>
                scf.yield %masked_sort3A_1058, %masked_sort3A_1059, %broadcast_in_dim3A_1062 : vector<16xf32>, vector<16xi32>, vector<16xf32>
              } else {
                scf.yield %cond3A_1024#0, %cond3A_1024#1, %cond3A_1024#2 : vector<16xf32>, vector<16xi32>, vector<16xf32>
              }
              %lt3A_1035 = arith.cmpf olt, %neg3A_843, %cond3A_1034#2 : vector<16xf32>
              %all_reduce_population_count3A_1036 = tpu.all_reduce %lt3A_1035 {dim = 0 : i64, kind = #tpu.reduction_kind<sum>} : vector<16xi1> -> vector<16xi32>
              %slice3A_1037 = vector.extract_strided_slice %all_reduce_population_count3A_1036 {offsets = [0], sizes = [1], strides = [1]} : vector<16xi32> to vector<1xi32>
              %squeeze3A_1038 = vector.extract %slice3A_1037[0] : i32 from vector<1xi32>
              %gt3A_1039 = arith.constant 0 : i32
              %gt3A_1040 = arith.cmpi sgt, %squeeze3A_1038, %gt3A_1039 : i32
              %convert_element_type3A_1041 = arith.extui %gt3A_1040 : i1 to i32
              %cond3A_1042 = arith.constant 0 : i32
              %cond3A_1043 = arith.cmpi ne, %convert_element_type3A_1041, %cond3A_1042 : i32
              %cond3A_1044:3 = scf.if %cond3A_1043 -> (vector<16xf32>, vector<16xi32>, vector<16xf32>) {
                %add3A_1045 = arith.addi %mul3A_243, %mul3A_460 : i32
                %add3A_1046 = arith.constant 144 : i32
                %add3A_1047 = arith.addi %add3A_1045, %add3A_1046 : i32
                %iota3A = tpu.iota {dimensions = array<i32: 0>} : vector<16xi32>
                %add3A_1048 = vector.broadcast %add3A_1047 : i32 to vector<16xi32>
                %add3A_1049 = arith.addi %add3A_1048, %iota3A : vector<16xi32>
                %jit3A = arith.constant 0x7F800000 : f32
                %broadcast_in_dim3A_1050 = vector.broadcast %jit3A : f32 to vector<16xf32>
                %select_n3A = arith.select %lt3A_1035, %neg3A_843, %broadcast_in_dim3A_1050 : vector<16xi1>, vector<16xf32>
                %masked_sort3A = arith.constant dense<true> : vector<16xi1>
                %masked_sort3A_1051, %masked_sort3A_1052, %masked_sort3A_1053 = tpu.sort %select_n3A, %add3A_1049 masked %masked_sort3A {descending = true} : (vector<16xf32>, vector<16xi32>, vector<16xi1>) -> (vector<16xi1>, vector<16xf32>, vector<16xi32>)
                %min3A_1054 = arith.minimumf %cond3A_1034#0, %masked_sort3A_1052 : vector<16xf32>
                %le3A = arith.cmpf ole, %cond3A_1034#0, %masked_sort3A_1052 : vector<16xf32>
                %select_n3A_1055 = arith.select %le3A, %cond3A_1034#1, %masked_sort3A_1053 : vector<16xi1>, vector<16xi32>
                %masked_sort3A_1056 = arith.constant dense<true> : vector<16xi1>
                %masked_sort3A_1057, %masked_sort3A_1058, %masked_sort3A_1059 = tpu.sort %min3A_1054, %select_n3A_1055 masked %masked_sort3A_1056 : (vector<16xf32>, vector<16xi32>, vector<16xi1>) -> (vector<16xi1>, vector<16xf32>, vector<16xi32>)
                %slice3A_1060 = vector.extract_strided_slice %masked_sort3A_1058 {offsets = [15], sizes = [1], strides = [1]} : vector<16xf32> to vector<1xf32>
                %squeeze3A_1061 = vector.extract %slice3A_1060[0] : f32 from vector<1xf32>
                %broadcast_in_dim3A_1062 = vector.broadcast %squeeze3A_1061 : f32 to vector<16xf32>
                scf.yield %masked_sort3A_1058, %masked_sort3A_1059, %broadcast_in_dim3A_1062 : vector<16xf32>, vector<16xi32>, vector<16xf32>
              } else {
                scf.yield %cond3A_1034#0, %cond3A_1034#1, %cond3A_1034#2 : vector<16xf32>, vector<16xi32>, vector<16xf32>
              }
              scf.yield %cond3A_1044#0, %cond3A_1044#1, %cond3A_1044#2 : vector<16xf32>, vector<16xi32>, vector<16xf32>
            } else {
              scf.yield %scan3A_450, %scan3A_451, %scan3A_452 : vector<16xf32>, vector<16xi32>, vector<16xf32>
            }
            %lt3A_925 = arith.cmpf olt, %min3A_885, %scan3A_455 : vector<16xf32>
            %all_reduce_population_count3A_926 = tpu.all_reduce %lt3A_925 {dim = 0 : i64, kind = #tpu.reduction_kind<sum>} : vector<16xi1> -> vector<16xi32>
            %slice3A_927 = vector.extract_strided_slice %all_reduce_population_count3A_926 {offsets = [0], sizes = [1], strides = [1]} : vector<16xi32> to vector<1xi32>
            %squeeze3A_928 = vector.extract %slice3A_927[0] : i32 from vector<1xi32>
            %gt3A_929 = arith.constant 0 : i32
            %gt3A_930 = arith.cmpi sgt, %squeeze3A_928, %gt3A_929 : i32
            %convert_element_type3A_931 = arith.extui %gt3A_930 : i1 to i32
            %cond3A_932 = arith.constant 0 : i32
            %cond3A_933 = arith.cmpi ne, %convert_element_type3A_931, %cond3A_932 : i32
            %cond3A_934:3 = scf.if %cond3A_933 -> (vector<16xf32>, vector<16xi32>, vector<16xf32>) {
              %lt3A_945 = arith.cmpf olt, %neg3A_491, %scan3A_455 : vector<16xf32>
              %all_reduce_population_count3A_946 = tpu.all_reduce %lt3A_945 {dim = 0 : i64, kind = #tpu.reduction_kind<sum>} : vector<16xi1> -> vector<16xi32>
              %slice3A_947 = vector.extract_strided_slice %all_reduce_population_count3A_946 {offsets = [0], sizes = [1], strides = [1]} : vector<16xi32> to vector<1xi32>
              %squeeze3A_948 = vector.extract %slice3A_947[0] : i32 from vector<1xi32>
              %gt3A_949 = arith.constant 0 : i32
              %gt3A_950 = arith.cmpi sgt, %squeeze3A_948, %gt3A_949 : i32
              %convert_element_type3A_951 = arith.extui %gt3A_950 : i1 to i32
              %cond3A_952 = arith.constant 0 : i32
              %cond3A_953 = arith.cmpi ne, %convert_element_type3A_951, %cond3A_952 : i32
              %cond3A_954:3 = scf.if %cond3A_953 -> (vector<16xf32>, vector<16xi32>, vector<16xf32>) {
                %add3A_1045 = arith.addi %mul3A_243, %mul3A_460 : i32
                %add3A_1046 = arith.constant 0 : i32
                %add3A_1047 = arith.addi %add3A_1045, %add3A_1046 : i32
                %iota3A = tpu.iota {dimensions = array<i32: 0>} : vector<16xi32>
                %add3A_1048 = vector.broadcast %add3A_1047 : i32 to vector<16xi32>
                %add3A_1049 = arith.addi %add3A_1048, %iota3A : vector<16xi32>
                %jit3A = arith.constant 0x7F800000 : f32
                %broadcast_in_dim3A_1050 = vector.broadcast %jit3A : f32 to vector<16xf32>
                %select_n3A = arith.select %lt3A_945, %neg3A_491, %broadcast_in_dim3A_1050 : vector<16xi1>, vector<16xf32>
                %masked_sort3A = arith.constant dense<true> : vector<16xi1>
                %masked_sort3A_1051, %masked_sort3A_1052, %masked_sort3A_1053 = tpu.sort %select_n3A, %add3A_1049 masked %masked_sort3A {descending = true} : (vector<16xf32>, vector<16xi32>, vector<16xi1>) -> (vector<16xi1>, vector<16xf32>, vector<16xi32>)
                %min3A_1054 = arith.minimumf %scan3A_453, %masked_sort3A_1052 : vector<16xf32>
                %le3A = arith.cmpf ole, %scan3A_453, %masked_sort3A_1052 : vector<16xf32>
                %select_n3A_1055 = arith.select %le3A, %scan3A_454, %masked_sort3A_1053 : vector<16xi1>, vector<16xi32>
                %masked_sort3A_1056 = arith.constant dense<true> : vector<16xi1>
                %masked_sort3A_1057, %masked_sort3A_1058, %masked_sort3A_1059 = tpu.sort %min3A_1054, %select_n3A_1055 masked %masked_sort3A_1056 : (vector<16xf32>, vector<16xi32>, vector<16xi1>) -> (vector<16xi1>, vector<16xf32>, vector<16xi32>)
                %slice3A_1060 = vector.extract_strided_slice %masked_sort3A_1058 {offsets = [15], sizes = [1], strides = [1]} : vector<16xf32> to vector<1xf32>
                %squeeze3A_1061 = vector.extract %slice3A_1060[0] : f32 from vector<1xf32>
                %broadcast_in_dim3A_1062 = vector.broadcast %squeeze3A_1061 : f32 to vector<16xf32>
                scf.yield %masked_sort3A_1058, %masked_sort3A_1059, %broadcast_in_dim3A_1062 : vector<16xf32>, vector<16xi32>, vector<16xf32>
              } else {
                scf.yield %scan3A_453, %scan3A_454, %scan3A_455 : vector<16xf32>, vector<16xi32>, vector<16xf32>
              }
              %lt3A_955 = arith.cmpf olt, %neg3A_531, %cond3A_954#2 : vector<16xf32>
              %all_reduce_population_count3A_956 = tpu.all_reduce %lt3A_955 {dim = 0 : i64, kind = #tpu.reduction_kind<sum>} : vector<16xi1> -> vector<16xi32>
              %slice3A_957 = vector.extract_strided_slice %all_reduce_population_count3A_956 {offsets = [0], sizes = [1], strides = [1]} : vector<16xi32> to vector<1xi32>
              %squeeze3A_958 = vector.extract %slice3A_957[0] : i32 from vector<1xi32>
              %gt3A_959 = arith.constant 0 : i32
              %gt3A_960 = arith.cmpi sgt, %squeeze3A_958, %gt3A_959 : i32
              %convert_element_type3A_961 = arith.extui %gt3A_960 : i1 to i32
              %cond3A_962 = arith.constant 0 : i32
              %cond3A_963 = arith.cmpi ne, %convert_element_type3A_961, %cond3A_962 : i32
              %cond3A_964:3 = scf.if %cond3A_963 -> (vector<16xf32>, vector<16xi32>, vector<16xf32>) {
                %add3A_1045 = arith.addi %mul3A_243, %mul3A_460 : i32
                %add3A_1046 = arith.constant 16 : i32
                %add3A_1047 = arith.addi %add3A_1045, %add3A_1046 : i32
                %iota3A = tpu.iota {dimensions = array<i32: 0>} : vector<16xi32>
                %add3A_1048 = vector.broadcast %add3A_1047 : i32 to vector<16xi32>
                %add3A_1049 = arith.addi %add3A_1048, %iota3A : vector<16xi32>
                %jit3A = arith.constant 0x7F800000 : f32
                %broadcast_in_dim3A_1050 = vector.broadcast %jit3A : f32 to vector<16xf32>
                %select_n3A = arith.select %lt3A_955, %neg3A_531, %broadcast_in_dim3A_1050 : vector<16xi1>, vector<16xf32>
                %masked_sort3A = arith.constant dense<true> : vector<16xi1>
                %masked_sort3A_1051, %masked_sort3A_1052, %masked_sort3A_1053 = tpu.sort %select_n3A, %add3A_1049 masked %masked_sort3A {descending = true} : (vector<16xf32>, vector<16xi32>, vector<16xi1>) -> (vector<16xi1>, vector<16xf32>, vector<16xi32>)
                %min3A_1054 = arith.minimumf %cond3A_954#0, %masked_sort3A_1052 : vector<16xf32>
                %le3A = arith.cmpf ole, %cond3A_954#0, %masked_sort3A_1052 : vector<16xf32>
                %select_n3A_1055 = arith.select %le3A, %cond3A_954#1, %masked_sort3A_1053 : vector<16xi1>, vector<16xi32>
                %masked_sort3A_1056 = arith.constant dense<true> : vector<16xi1>
                %masked_sort3A_1057, %masked_sort3A_1058, %masked_sort3A_1059 = tpu.sort %min3A_1054, %select_n3A_1055 masked %masked_sort3A_1056 : (vector<16xf32>, vector<16xi32>, vector<16xi1>) -> (vector<16xi1>, vector<16xf32>, vector<16xi32>)
                %slice3A_1060 = vector.extract_strided_slice %masked_sort3A_1058 {offsets = [15], sizes = [1], strides = [1]} : vector<16xf32> to vector<1xf32>
                %squeeze3A_1061 = vector.extract %slice3A_1060[0] : f32 from vector<1xf32>
                %broadcast_in_dim3A_1062 = vector.broadcast %squeeze3A_1061 : f32 to vector<16xf32>
                scf.yield %masked_sort3A_1058, %masked_sort3A_1059, %broadcast_in_dim3A_1062 : vector<16xf32>, vector<16xi32>, vector<16xf32>
              } else {
                scf.yield %cond3A_954#0, %cond3A_954#1, %cond3A_954#2 : vector<16xf32>, vector<16xi32>, vector<16xf32>
              }
              %lt3A_965 = arith.cmpf olt, %neg3A_571, %cond3A_964#2 : vector<16xf32>
              %all_reduce_population_count3A_966 = tpu.all_reduce %lt3A_965 {dim = 0 : i64, kind = #tpu.reduction_kind<sum>} : vector<16xi1> -> vector<16xi32>
              %slice3A_967 = vector.extract_strided_slice %all_reduce_population_count3A_966 {offsets = [0], sizes = [1], strides = [1]} : vector<16xi32> to vector<1xi32>
              %squeeze3A_968 = vector.extract %slice3A_967[0] : i32 from vector<1xi32>
              %gt3A_969 = arith.constant 0 : i32
              %gt3A_970 = arith.cmpi sgt, %squeeze3A_968, %gt3A_969 : i32
              %convert_element_type3A_971 = arith.extui %gt3A_970 : i1 to i32
              %cond3A_972 = arith.constant 0 : i32
              %cond3A_973 = arith.cmpi ne, %convert_element_type3A_971, %cond3A_972 : i32
              %cond3A_974:3 = scf.if %cond3A_973 -> (vector<16xf32>, vector<16xi32>, vector<16xf32>) {
                %add3A_1045 = arith.addi %mul3A_243, %mul3A_460 : i32
                %add3A_1046 = arith.constant 32 : i32
                %add3A_1047 = arith.addi %add3A_1045, %add3A_1046 : i32
                %iota3A = tpu.iota {dimensions = array<i32: 0>} : vector<16xi32>
                %add3A_1048 = vector.broadcast %add3A_1047 : i32 to vector<16xi32>
                %add3A_1049 = arith.addi %add3A_1048, %iota3A : vector<16xi32>
                %jit3A = arith.constant 0x7F800000 : f32
                %broadcast_in_dim3A_1050 = vector.broadcast %jit3A : f32 to vector<16xf32>
                %select_n3A = arith.select %lt3A_965, %neg3A_571, %broadcast_in_dim3A_1050 : vector<16xi1>, vector<16xf32>
                %masked_sort3A = arith.constant dense<true> : vector<16xi1>
                %masked_sort3A_1051, %masked_sort3A_1052, %masked_sort3A_1053 = tpu.sort %select_n3A, %add3A_1049 masked %masked_sort3A {descending = true} : (vector<16xf32>, vector<16xi32>, vector<16xi1>) -> (vector<16xi1>, vector<16xf32>, vector<16xi32>)
                %min3A_1054 = arith.minimumf %cond3A_964#0, %masked_sort3A_1052 : vector<16xf32>
                %le3A = arith.cmpf ole, %cond3A_964#0, %masked_sort3A_1052 : vector<16xf32>
                %select_n3A_1055 = arith.select %le3A, %cond3A_964#1, %masked_sort3A_1053 : vector<16xi1>, vector<16xi32>
                %masked_sort3A_1056 = arith.constant dense<true> : vector<16xi1>
                %masked_sort3A_1057, %masked_sort3A_1058, %masked_sort3A_1059 = tpu.sort %min3A_1054, %select_n3A_1055 masked %masked_sort3A_1056 : (vector<16xf32>, vector<16xi32>, vector<16xi1>) -> (vector<16xi1>, vector<16xf32>, vector<16xi32>)
                %slice3A_1060 = vector.extract_strided_slice %masked_sort3A_1058 {offsets = [15], sizes = [1], strides = [1]} : vector<16xf32> to vector<1xf32>
                %squeeze3A_1061 = vector.extract %slice3A_1060[0] : f32 from vector<1xf32>
                %broadcast_in_dim3A_1062 = vector.broadcast %squeeze3A_1061 : f32 to vector<16xf32>
                scf.yield %masked_sort3A_1058, %masked_sort3A_1059, %broadcast_in_dim3A_1062 : vector<16xf32>, vector<16xi32>, vector<16xf32>
              } else {
                scf.yield %cond3A_964#0, %cond3A_964#1, %cond3A_964#2 : vector<16xf32>, vector<16xi32>, vector<16xf32>
              }
              %lt3A_975 = arith.cmpf olt, %neg3A_611, %cond3A_974#2 : vector<16xf32>
              %all_reduce_population_count3A_976 = tpu.all_reduce %lt3A_975 {dim = 0 : i64, kind = #tpu.reduction_kind<sum>} : vector<16xi1> -> vector<16xi32>
              %slice3A_977 = vector.extract_strided_slice %all_reduce_population_count3A_976 {offsets = [0], sizes = [1], strides = [1]} : vector<16xi32> to vector<1xi32>
              %squeeze3A_978 = vector.extract %slice3A_977[0] : i32 from vector<1xi32>
              %gt3A_979 = arith.constant 0 : i32
              %gt3A_980 = arith.cmpi sgt, %squeeze3A_978, %gt3A_979 : i32
              %convert_element_type3A_981 = arith.extui %gt3A_980 : i1 to i32
              %cond3A_982 = arith.constant 0 : i32
              %cond3A_983 = arith.cmpi ne, %convert_element_type3A_981, %cond3A_982 : i32
              %cond3A_984:3 = scf.if %cond3A_983 -> (vector<16xf32>, vector<16xi32>, vector<16xf32>) {
                %add3A_1045 = arith.addi %mul3A_243, %mul3A_460 : i32
                %add3A_1046 = arith.constant 48 : i32
                %add3A_1047 = arith.addi %add3A_1045, %add3A_1046 : i32
                %iota3A = tpu.iota {dimensions = array<i32: 0>} : vector<16xi32>
                %add3A_1048 = vector.broadcast %add3A_1047 : i32 to vector<16xi32>
                %add3A_1049 = arith.addi %add3A_1048, %iota3A : vector<16xi32>
                %jit3A = arith.constant 0x7F800000 : f32
                %broadcast_in_dim3A_1050 = vector.broadcast %jit3A : f32 to vector<16xf32>
                %select_n3A = arith.select %lt3A_975, %neg3A_611, %broadcast_in_dim3A_1050 : vector<16xi1>, vector<16xf32>
                %masked_sort3A = arith.constant dense<true> : vector<16xi1>
                %masked_sort3A_1051, %masked_sort3A_1052, %masked_sort3A_1053 = tpu.sort %select_n3A, %add3A_1049 masked %masked_sort3A {descending = true} : (vector<16xf32>, vector<16xi32>, vector<16xi1>) -> (vector<16xi1>, vector<16xf32>, vector<16xi32>)
                %min3A_1054 = arith.minimumf %cond3A_974#0, %masked_sort3A_1052 : vector<16xf32>
                %le3A = arith.cmpf ole, %cond3A_974#0, %masked_sort3A_1052 : vector<16xf32>
                %select_n3A_1055 = arith.select %le3A, %cond3A_974#1, %masked_sort3A_1053 : vector<16xi1>, vector<16xi32>
                %masked_sort3A_1056 = arith.constant dense<true> : vector<16xi1>
                %masked_sort3A_1057, %masked_sort3A_1058, %masked_sort3A_1059 = tpu.sort %min3A_1054, %select_n3A_1055 masked %masked_sort3A_1056 : (vector<16xf32>, vector<16xi32>, vector<16xi1>) -> (vector<16xi1>, vector<16xf32>, vector<16xi32>)
                %slice3A_1060 = vector.extract_strided_slice %masked_sort3A_1058 {offsets = [15], sizes = [1], strides = [1]} : vector<16xf32> to vector<1xf32>
                %squeeze3A_1061 = vector.extract %slice3A_1060[0] : f32 from vector<1xf32>
                %broadcast_in_dim3A_1062 = vector.broadcast %squeeze3A_1061 : f32 to vector<16xf32>
                scf.yield %masked_sort3A_1058, %masked_sort3A_1059, %broadcast_in_dim3A_1062 : vector<16xf32>, vector<16xi32>, vector<16xf32>
              } else {
                scf.yield %cond3A_974#0, %cond3A_974#1, %cond3A_974#2 : vector<16xf32>, vector<16xi32>, vector<16xf32>
              }
              %lt3A_985 = arith.cmpf olt, %neg3A_651, %cond3A_984#2 : vector<16xf32>
              %all_reduce_population_count3A_986 = tpu.all_reduce %lt3A_985 {dim = 0 : i64, kind = #tpu.reduction_kind<sum>} : vector<16xi1> -> vector<16xi32>
              %slice3A_987 = vector.extract_strided_slice %all_reduce_population_count3A_986 {offsets = [0], sizes = [1], strides = [1]} : vector<16xi32> to vector<1xi32>
              %squeeze3A_988 = vector.extract %slice3A_987[0] : i32 from vector<1xi32>
              %gt3A_989 = arith.constant 0 : i32
              %gt3A_990 = arith.cmpi sgt, %squeeze3A_988, %gt3A_989 : i32
              %convert_element_type3A_991 = arith.extui %gt3A_990 : i1 to i32
              %cond3A_992 = arith.constant 0 : i32
              %cond3A_993 = arith.cmpi ne, %convert_element_type3A_991, %cond3A_992 : i32
              %cond3A_994:3 = scf.if %cond3A_993 -> (vector<16xf32>, vector<16xi32>, vector<16xf32>) {
                %add3A_1045 = arith.addi %mul3A_243, %mul3A_460 : i32
                %add3A_1046 = arith.constant 64 : i32
                %add3A_1047 = arith.addi %add3A_1045, %add3A_1046 : i32
                %iota3A = tpu.iota {dimensions = array<i32: 0>} : vector<16xi32>
                %add3A_1048 = vector.broadcast %add3A_1047 : i32 to vector<16xi32>
                %add3A_1049 = arith.addi %add3A_1048, %iota3A : vector<16xi32>
                %jit3A = arith.constant 0x7F800000 : f32
                %broadcast_in_dim3A_1050 = vector.broadcast %jit3A : f32 to vector<16xf32>
                %select_n3A = arith.select %lt3A_985, %neg3A_651, %broadcast_in_dim3A_1050 : vector<16xi1>, vector<16xf32>
                %masked_sort3A = arith.constant dense<true> : vector<16xi1>
                %masked_sort3A_1051, %masked_sort3A_1052, %masked_sort3A_1053 = tpu.sort %select_n3A, %add3A_1049 masked %masked_sort3A {descending = true} : (vector<16xf32>, vector<16xi32>, vector<16xi1>) -> (vector<16xi1>, vector<16xf32>, vector<16xi32>)
                %min3A_1054 = arith.minimumf %cond3A_984#0, %masked_sort3A_1052 : vector<16xf32>
                %le3A = arith.cmpf ole, %cond3A_984#0, %masked_sort3A_1052 : vector<16xf32>
                %select_n3A_1055 = arith.select %le3A, %cond3A_984#1, %masked_sort3A_1053 : vector<16xi1>, vector<16xi32>
                %masked_sort3A_1056 = arith.constant dense<true> : vector<16xi1>
                %masked_sort3A_1057, %masked_sort3A_1058, %masked_sort3A_1059 = tpu.sort %min3A_1054, %select_n3A_1055 masked %masked_sort3A_1056 : (vector<16xf32>, vector<16xi32>, vector<16xi1>) -> (vector<16xi1>, vector<16xf32>, vector<16xi32>)
                %slice3A_1060 = vector.extract_strided_slice %masked_sort3A_1058 {offsets = [15], sizes = [1], strides = [1]} : vector<16xf32> to vector<1xf32>
                %squeeze3A_1061 = vector.extract %slice3A_1060[0] : f32 from vector<1xf32>
                %broadcast_in_dim3A_1062 = vector.broadcast %squeeze3A_1061 : f32 to vector<16xf32>
                scf.yield %masked_sort3A_1058, %masked_sort3A_1059, %broadcast_in_dim3A_1062 : vector<16xf32>, vector<16xi32>, vector<16xf32>
              } else {
                scf.yield %cond3A_984#0, %cond3A_984#1, %cond3A_984#2 : vector<16xf32>, vector<16xi32>, vector<16xf32>
              }
              %lt3A_995 = arith.cmpf olt, %neg3A_691, %cond3A_994#2 : vector<16xf32>
              %all_reduce_population_count3A_996 = tpu.all_reduce %lt3A_995 {dim = 0 : i64, kind = #tpu.reduction_kind<sum>} : vector<16xi1> -> vector<16xi32>
              %slice3A_997 = vector.extract_strided_slice %all_reduce_population_count3A_996 {offsets = [0], sizes = [1], strides = [1]} : vector<16xi32> to vector<1xi32>
              %squeeze3A_998 = vector.extract %slice3A_997[0] : i32 from vector<1xi32>
              %gt3A_999 = arith.constant 0 : i32
              %gt3A_1000 = arith.cmpi sgt, %squeeze3A_998, %gt3A_999 : i32
              %convert_element_type3A_1001 = arith.extui %gt3A_1000 : i1 to i32
              %cond3A_1002 = arith.constant 0 : i32
              %cond3A_1003 = arith.cmpi ne, %convert_element_type3A_1001, %cond3A_1002 : i32
              %cond3A_1004:3 = scf.if %cond3A_1003 -> (vector<16xf32>, vector<16xi32>, vector<16xf32>) {
                %add3A_1045 = arith.addi %mul3A_243, %mul3A_460 : i32
                %add3A_1046 = arith.constant 80 : i32
                %add3A_1047 = arith.addi %add3A_1045, %add3A_1046 : i32
                %iota3A = tpu.iota {dimensions = array<i32: 0>} : vector<16xi32>
                %add3A_1048 = vector.broadcast %add3A_1047 : i32 to vector<16xi32>
                %add3A_1049 = arith.addi %add3A_1048, %iota3A : vector<16xi32>
                %jit3A = arith.constant 0x7F800000 : f32
                %broadcast_in_dim3A_1050 = vector.broadcast %jit3A : f32 to vector<16xf32>
                %select_n3A = arith.select %lt3A_995, %neg3A_691, %broadcast_in_dim3A_1050 : vector<16xi1>, vector<16xf32>
                %masked_sort3A = arith.constant dense<true> : vector<16xi1>
                %masked_sort3A_1051, %masked_sort3A_1052, %masked_sort3A_1053 = tpu.sort %select_n3A, %add3A_1049 masked %masked_sort3A {descending = true} : (vector<16xf32>, vector<16xi32>, vector<16xi1>) -> (vector<16xi1>, vector<16xf32>, vector<16xi32>)
                %min3A_1054 = arith.minimumf %cond3A_994#0, %masked_sort3A_1052 : vector<16xf32>
                %le3A = arith.cmpf ole, %cond3A_994#0, %masked_sort3A_1052 : vector<16xf32>
                %select_n3A_1055 = arith.select %le3A, %cond3A_994#1, %masked_sort3A_1053 : vector<16xi1>, vector<16xi32>
                %masked_sort3A_1056 = arith.constant dense<true> : vector<16xi1>
                %masked_sort3A_1057, %masked_sort3A_1058, %masked_sort3A_1059 = tpu.sort %min3A_1054, %select_n3A_1055 masked %masked_sort3A_1056 : (vector<16xf32>, vector<16xi32>, vector<16xi1>) -> (vector<16xi1>, vector<16xf32>, vector<16xi32>)
                %slice3A_1060 = vector.extract_strided_slice %masked_sort3A_1058 {offsets = [15], sizes = [1], strides = [1]} : vector<16xf32> to vector<1xf32>
                %squeeze3A_1061 = vector.extract %slice3A_1060[0] : f32 from vector<1xf32>
                %broadcast_in_dim3A_1062 = vector.broadcast %squeeze3A_1061 : f32 to vector<16xf32>
                scf.yield %masked_sort3A_1058, %masked_sort3A_1059, %broadcast_in_dim3A_1062 : vector<16xf32>, vector<16xi32>, vector<16xf32>
              } else {
                scf.yield %cond3A_994#0, %cond3A_994#1, %cond3A_994#2 : vector<16xf32>, vector<16xi32>, vector<16xf32>
              }
              %lt3A_1005 = arith.cmpf olt, %neg3A_731, %cond3A_1004#2 : vector<16xf32>
              %all_reduce_population_count3A_1006 = tpu.all_reduce %lt3A_1005 {dim = 0 : i64, kind = #tpu.reduction_kind<sum>} : vector<16xi1> -> vector<16xi32>
              %slice3A_1007 = vector.extract_strided_slice %all_reduce_population_count3A_1006 {offsets = [0], sizes = [1], strides = [1]} : vector<16xi32> to vector<1xi32>
              %squeeze3A_1008 = vector.extract %slice3A_1007[0] : i32 from vector<1xi32>
              %gt3A_1009 = arith.constant 0 : i32
              %gt3A_1010 = arith.cmpi sgt, %squeeze3A_1008, %gt3A_1009 : i32
              %convert_element_type3A_1011 = arith.extui %gt3A_1010 : i1 to i32
              %cond3A_1012 = arith.constant 0 : i32
              %cond3A_1013 = arith.cmpi ne, %convert_element_type3A_1011, %cond3A_1012 : i32
              %cond3A_1014:3 = scf.if %cond3A_1013 -> (vector<16xf32>, vector<16xi32>, vector<16xf32>) {
                %add3A_1045 = arith.addi %mul3A_243, %mul3A_460 : i32
                %add3A_1046 = arith.constant 96 : i32
                %add3A_1047 = arith.addi %add3A_1045, %add3A_1046 : i32
                %iota3A = tpu.iota {dimensions = array<i32: 0>} : vector<16xi32>
                %add3A_1048 = vector.broadcast %add3A_1047 : i32 to vector<16xi32>
                %add3A_1049 = arith.addi %add3A_1048, %iota3A : vector<16xi32>
                %jit3A = arith.constant 0x7F800000 : f32
                %broadcast_in_dim3A_1050 = vector.broadcast %jit3A : f32 to vector<16xf32>
                %select_n3A = arith.select %lt3A_1005, %neg3A_731, %broadcast_in_dim3A_1050 : vector<16xi1>, vector<16xf32>
                %masked_sort3A = arith.constant dense<true> : vector<16xi1>
                %masked_sort3A_1051, %masked_sort3A_1052, %masked_sort3A_1053 = tpu.sort %select_n3A, %add3A_1049 masked %masked_sort3A {descending = true} : (vector<16xf32>, vector<16xi32>, vector<16xi1>) -> (vector<16xi1>, vector<16xf32>, vector<16xi32>)
                %min3A_1054 = arith.minimumf %cond3A_1004#0, %masked_sort3A_1052 : vector<16xf32>
                %le3A = arith.cmpf ole, %cond3A_1004#0, %masked_sort3A_1052 : vector<16xf32>
                %select_n3A_1055 = arith.select %le3A, %cond3A_1004#1, %masked_sort3A_1053 : vector<16xi1>, vector<16xi32>
                %masked_sort3A_1056 = arith.constant dense<true> : vector<16xi1>
                %masked_sort3A_1057, %masked_sort3A_1058, %masked_sort3A_1059 = tpu.sort %min3A_1054, %select_n3A_1055 masked %masked_sort3A_1056 : (vector<16xf32>, vector<16xi32>, vector<16xi1>) -> (vector<16xi1>, vector<16xf32>, vector<16xi32>)
                %slice3A_1060 = vector.extract_strided_slice %masked_sort3A_1058 {offsets = [15], sizes = [1], strides = [1]} : vector<16xf32> to vector<1xf32>
                %squeeze3A_1061 = vector.extract %slice3A_1060[0] : f32 from vector<1xf32>
                %broadcast_in_dim3A_1062 = vector.broadcast %squeeze3A_1061 : f32 to vector<16xf32>
                scf.yield %masked_sort3A_1058, %masked_sort3A_1059, %broadcast_in_dim3A_1062 : vector<16xf32>, vector<16xi32>, vector<16xf32>
              } else {
                scf.yield %cond3A_1004#0, %cond3A_1004#1, %cond3A_1004#2 : vector<16xf32>, vector<16xi32>, vector<16xf32>
              }
              %lt3A_1015 = arith.cmpf olt, %neg3A_771, %cond3A_1014#2 : vector<16xf32>
              %all_reduce_population_count3A_1016 = tpu.all_reduce %lt3A_1015 {dim = 0 : i64, kind = #tpu.reduction_kind<sum>} : vector<16xi1> -> vector<16xi32>
              %slice3A_1017 = vector.extract_strided_slice %all_reduce_population_count3A_1016 {offsets = [0], sizes = [1], strides = [1]} : vector<16xi32> to vector<1xi32>
              %squeeze3A_1018 = vector.extract %slice3A_1017[0] : i32 from vector<1xi32>
              %gt3A_1019 = arith.constant 0 : i32
              %gt3A_1020 = arith.cmpi sgt, %squeeze3A_1018, %gt3A_1019 : i32
              %convert_element_type3A_1021 = arith.extui %gt3A_1020 : i1 to i32
              %cond3A_1022 = arith.constant 0 : i32
              %cond3A_1023 = arith.cmpi ne, %convert_element_type3A_1021, %cond3A_1022 : i32
              %cond3A_1024:3 = scf.if %cond3A_1023 -> (vector<16xf32>, vector<16xi32>, vector<16xf32>) {
                %add3A_1045 = arith.addi %mul3A_243, %mul3A_460 : i32
                %add3A_1046 = arith.constant 112 : i32
                %add3A_1047 = arith.addi %add3A_1045, %add3A_1046 : i32
                %iota3A = tpu.iota {dimensions = array<i32: 0>} : vector<16xi32>
                %add3A_1048 = vector.broadcast %add3A_1047 : i32 to vector<16xi32>
                %add3A_1049 = arith.addi %add3A_1048, %iota3A : vector<16xi32>
                %jit3A = arith.constant 0x7F800000 : f32
                %broadcast_in_dim3A_1050 = vector.broadcast %jit3A : f32 to vector<16xf32>
                %select_n3A = arith.select %lt3A_1015, %neg3A_771, %broadcast_in_dim3A_1050 : vector<16xi1>, vector<16xf32>
                %masked_sort3A = arith.constant dense<true> : vector<16xi1>
                %masked_sort3A_1051, %masked_sort3A_1052, %masked_sort3A_1053 = tpu.sort %select_n3A, %add3A_1049 masked %masked_sort3A {descending = true} : (vector<16xf32>, vector<16xi32>, vector<16xi1>) -> (vector<16xi1>, vector<16xf32>, vector<16xi32>)
                %min3A_1054 = arith.minimumf %cond3A_1014#0, %masked_sort3A_1052 : vector<16xf32>
                %le3A = arith.cmpf ole, %cond3A_1014#0, %masked_sort3A_1052 : vector<16xf32>
                %select_n3A_1055 = arith.select %le3A, %cond3A_1014#1, %masked_sort3A_1053 : vector<16xi1>, vector<16xi32>
                %masked_sort3A_1056 = arith.constant dense<true> : vector<16xi1>
                %masked_sort3A_1057, %masked_sort3A_1058, %masked_sort3A_1059 = tpu.sort %min3A_1054, %select_n3A_1055 masked %masked_sort3A_1056 : (vector<16xf32>, vector<16xi32>, vector<16xi1>) -> (vector<16xi1>, vector<16xf32>, vector<16xi32>)
                %slice3A_1060 = vector.extract_strided_slice %masked_sort3A_1058 {offsets = [15], sizes = [1], strides = [1]} : vector<16xf32> to vector<1xf32>
                %squeeze3A_1061 = vector.extract %slice3A_1060[0] : f32 from vector<1xf32>
                %broadcast_in_dim3A_1062 = vector.broadcast %squeeze3A_1061 : f32 to vector<16xf32>
                scf.yield %masked_sort3A_1058, %masked_sort3A_1059, %broadcast_in_dim3A_1062 : vector<16xf32>, vector<16xi32>, vector<16xf32>
              } else {
                scf.yield %cond3A_1014#0, %cond3A_1014#1, %cond3A_1014#2 : vector<16xf32>, vector<16xi32>, vector<16xf32>
              }
              %lt3A_1025 = arith.cmpf olt, %neg3A_811, %cond3A_1024#2 : vector<16xf32>
              %all_reduce_population_count3A_1026 = tpu.all_reduce %lt3A_1025 {dim = 0 : i64, kind = #tpu.reduction_kind<sum>} : vector<16xi1> -> vector<16xi32>
              %slice3A_1027 = vector.extract_strided_slice %all_reduce_population_count3A_1026 {offsets = [0], sizes = [1], strides = [1]} : vector<16xi32> to vector<1xi32>
              %squeeze3A_1028 = vector.extract %slice3A_1027[0] : i32 from vector<1xi32>
              %gt3A_1029 = arith.constant 0 : i32
              %gt3A_1030 = arith.cmpi sgt, %squeeze3A_1028, %gt3A_1029 : i32
              %convert_element_type3A_1031 = arith.extui %gt3A_1030 : i1 to i32
              %cond3A_1032 = arith.constant 0 : i32
              %cond3A_1033 = arith.cmpi ne, %convert_element_type3A_1031, %cond3A_1032 : i32
              %cond3A_1034:3 = scf.if %cond3A_1033 -> (vector<16xf32>, vector<16xi32>, vector<16xf32>) {
                %add3A_1045 = arith.addi %mul3A_243, %mul3A_460 : i32
                %add3A_1046 = arith.constant 128 : i32
                %add3A_1047 = arith.addi %add3A_1045, %add3A_1046 : i32
                %iota3A = tpu.iota {dimensions = array<i32: 0>} : vector<16xi32>
                %add3A_1048 = vector.broadcast %add3A_1047 : i32 to vector<16xi32>
                %add3A_1049 = arith.addi %add3A_1048, %iota3A : vector<16xi32>
                %jit3A = arith.constant 0x7F800000 : f32
                %broadcast_in_dim3A_1050 = vector.broadcast %jit3A : f32 to vector<16xf32>
                %select_n3A = arith.select %lt3A_1025, %neg3A_811, %broadcast_in_dim3A_1050 : vector<16xi1>, vector<16xf32>
                %masked_sort3A = arith.constant dense<true> : vector<16xi1>
                %masked_sort3A_1051, %masked_sort3A_1052, %masked_sort3A_1053 = tpu.sort %select_n3A, %add3A_1049 masked %masked_sort3A {descending = true} : (vector<16xf32>, vector<16xi32>, vector<16xi1>) -> (vector<16xi1>, vector<16xf32>, vector<16xi32>)
                %min3A_1054 = arith.minimumf %cond3A_1024#0, %masked_sort3A_1052 : vector<16xf32>
                %le3A = arith.cmpf ole, %cond3A_1024#0, %masked_sort3A_1052 : vector<16xf32>
                %select_n3A_1055 = arith.select %le3A, %cond3A_1024#1, %masked_sort3A_1053 : vector<16xi1>, vector<16xi32>
                %masked_sort3A_1056 = arith.constant dense<true> : vector<16xi1>
                %masked_sort3A_1057, %masked_sort3A_1058, %masked_sort3A_1059 = tpu.sort %min3A_1054, %select_n3A_1055 masked %masked_sort3A_1056 : (vector<16xf32>, vector<16xi32>, vector<16xi1>) -> (vector<16xi1>, vector<16xf32>, vector<16xi32>)
                %slice3A_1060 = vector.extract_strided_slice %masked_sort3A_1058 {offsets = [15], sizes = [1], strides = [1]} : vector<16xf32> to vector<1xf32>
                %squeeze3A_1061 = vector.extract %slice3A_1060[0] : f32 from vector<1xf32>
                %broadcast_in_dim3A_1062 = vector.broadcast %squeeze3A_1061 : f32 to vector<16xf32>
                scf.yield %masked_sort3A_1058, %masked_sort3A_1059, %broadcast_in_dim3A_1062 : vector<16xf32>, vector<16xi32>, vector<16xf32>
              } else {
                scf.yield %cond3A_1024#0, %cond3A_1024#1, %cond3A_1024#2 : vector<16xf32>, vector<16xi32>, vector<16xf32>
              }
              %lt3A_1035 = arith.cmpf olt, %neg3A_851, %cond3A_1034#2 : vector<16xf32>
              %all_reduce_population_count3A_1036 = tpu.all_reduce %lt3A_1035 {dim = 0 : i64, kind = #tpu.reduction_kind<sum>} : vector<16xi1> -> vector<16xi32>
              %slice3A_1037 = vector.extract_strided_slice %all_reduce_population_count3A_1036 {offsets = [0], sizes = [1], strides = [1]} : vector<16xi32> to vector<1xi32>
              %squeeze3A_1038 = vector.extract %slice3A_1037[0] : i32 from vector<1xi32>
              %gt3A_1039 = arith.constant 0 : i32
              %gt3A_1040 = arith.cmpi sgt, %squeeze3A_1038, %gt3A_1039 : i32
              %convert_element_type3A_1041 = arith.extui %gt3A_1040 : i1 to i32
              %cond3A_1042 = arith.constant 0 : i32
              %cond3A_1043 = arith.cmpi ne, %convert_element_type3A_1041, %cond3A_1042 : i32
              %cond3A_1044:3 = scf.if %cond3A_1043 -> (vector<16xf32>, vector<16xi32>, vector<16xf32>) {
                %add3A_1045 = arith.addi %mul3A_243, %mul3A_460 : i32
                %add3A_1046 = arith.constant 144 : i32
                %add3A_1047 = arith.addi %add3A_1045, %add3A_1046 : i32
                %iota3A = tpu.iota {dimensions = array<i32: 0>} : vector<16xi32>
                %add3A_1048 = vector.broadcast %add3A_1047 : i32 to vector<16xi32>
                %add3A_1049 = arith.addi %add3A_1048, %iota3A : vector<16xi32>
                %jit3A = arith.constant 0x7F800000 : f32
                %broadcast_in_dim3A_1050 = vector.broadcast %jit3A : f32 to vector<16xf32>
                %select_n3A = arith.select %lt3A_1035, %neg3A_851, %broadcast_in_dim3A_1050 : vector<16xi1>, vector<16xf32>
                %masked_sort3A = arith.constant dense<true> : vector<16xi1>
                %masked_sort3A_1051, %masked_sort3A_1052, %masked_sort3A_1053 = tpu.sort %select_n3A, %add3A_1049 masked %masked_sort3A {descending = true} : (vector<16xf32>, vector<16xi32>, vector<16xi1>) -> (vector<16xi1>, vector<16xf32>, vector<16xi32>)
                %min3A_1054 = arith.minimumf %cond3A_1034#0, %masked_sort3A_1052 : vector<16xf32>
                %le3A = arith.cmpf ole, %cond3A_1034#0, %masked_sort3A_1052 : vector<16xf32>
                %select_n3A_1055 = arith.select %le3A, %cond3A_1034#1, %masked_sort3A_1053 : vector<16xi1>, vector<16xi32>
                %masked_sort3A_1056 = arith.constant dense<true> : vector<16xi1>
                %masked_sort3A_1057, %masked_sort3A_1058, %masked_sort3A_1059 = tpu.sort %min3A_1054, %select_n3A_1055 masked %masked_sort3A_1056 : (vector<16xf32>, vector<16xi32>, vector<16xi1>) -> (vector<16xi1>, vector<16xf32>, vector<16xi32>)
                %slice3A_1060 = vector.extract_strided_slice %masked_sort3A_1058 {offsets = [15], sizes = [1], strides = [1]} : vector<16xf32> to vector<1xf32>
                %squeeze3A_1061 = vector.extract %slice3A_1060[0] : f32 from vector<1xf32>
                %broadcast_in_dim3A_1062 = vector.broadcast %squeeze3A_1061 : f32 to vector<16xf32>
                scf.yield %masked_sort3A_1058, %masked_sort3A_1059, %broadcast_in_dim3A_1062 : vector<16xf32>, vector<16xi32>, vector<16xf32>
              } else {
                scf.yield %cond3A_1034#0, %cond3A_1034#1, %cond3A_1034#2 : vector<16xf32>, vector<16xi32>, vector<16xf32>
              }
              scf.yield %cond3A_1044#0, %cond3A_1044#1, %cond3A_1044#2 : vector<16xf32>, vector<16xi32>, vector<16xf32>
            } else {
              scf.yield %scan3A_453, %scan3A_454, %scan3A_455 : vector<16xf32>, vector<16xi32>, vector<16xf32>
            }
            %lt3A_935 = arith.cmpf olt, %min3A_894, %scan3A_458 : vector<16xf32>
            %all_reduce_population_count3A_936 = tpu.all_reduce %lt3A_935 {dim = 0 : i64, kind = #tpu.reduction_kind<sum>} : vector<16xi1> -> vector<16xi32>
            %slice3A_937 = vector.extract_strided_slice %all_reduce_population_count3A_936 {offsets = [0], sizes = [1], strides = [1]} : vector<16xi32> to vector<1xi32>
            %squeeze3A_938 = vector.extract %slice3A_937[0] : i32 from vector<1xi32>
            %gt3A_939 = arith.constant 0 : i32
            %gt3A_940 = arith.cmpi sgt, %squeeze3A_938, %gt3A_939 : i32
            %convert_element_type3A_941 = arith.extui %gt3A_940 : i1 to i32
            %cond3A_942 = arith.constant 0 : i32
            %cond3A_943 = arith.cmpi ne, %convert_element_type3A_941, %cond3A_942 : i32
            %cond3A_944:3 = scf.if %cond3A_943 -> (vector<16xf32>, vector<16xi32>, vector<16xf32>) {
              %lt3A_945 = arith.cmpf olt, %neg3A_499, %scan3A_458 : vector<16xf32>
              %all_reduce_population_count3A_946 = tpu.all_reduce %lt3A_945 {dim = 0 : i64, kind = #tpu.reduction_kind<sum>} : vector<16xi1> -> vector<16xi32>
              %slice3A_947 = vector.extract_strided_slice %all_reduce_population_count3A_946 {offsets = [0], sizes = [1], strides = [1]} : vector<16xi32> to vector<1xi32>
              %squeeze3A_948 = vector.extract %slice3A_947[0] : i32 from vector<1xi32>
              %gt3A_949 = arith.constant 0 : i32
              %gt3A_950 = arith.cmpi sgt, %squeeze3A_948, %gt3A_949 : i32
              %convert_element_type3A_951 = arith.extui %gt3A_950 : i1 to i32
              %cond3A_952 = arith.constant 0 : i32
              %cond3A_953 = arith.cmpi ne, %convert_element_type3A_951, %cond3A_952 : i32
              %cond3A_954:3 = scf.if %cond3A_953 -> (vector<16xf32>, vector<16xi32>, vector<16xf32>) {
                %add3A_1045 = arith.addi %mul3A_243, %mul3A_460 : i32
                %add3A_1046 = arith.constant 0 : i32
                %add3A_1047 = arith.addi %add3A_1045, %add3A_1046 : i32
                %iota3A = tpu.iota {dimensions = array<i32: 0>} : vector<16xi32>
                %add3A_1048 = vector.broadcast %add3A_1047 : i32 to vector<16xi32>
                %add3A_1049 = arith.addi %add3A_1048, %iota3A : vector<16xi32>
                %jit3A = arith.constant 0x7F800000 : f32
                %broadcast_in_dim3A_1050 = vector.broadcast %jit3A : f32 to vector<16xf32>
                %select_n3A = arith.select %lt3A_945, %neg3A_499, %broadcast_in_dim3A_1050 : vector<16xi1>, vector<16xf32>
                %masked_sort3A = arith.constant dense<true> : vector<16xi1>
                %masked_sort3A_1051, %masked_sort3A_1052, %masked_sort3A_1053 = tpu.sort %select_n3A, %add3A_1049 masked %masked_sort3A {descending = true} : (vector<16xf32>, vector<16xi32>, vector<16xi1>) -> (vector<16xi1>, vector<16xf32>, vector<16xi32>)
                %min3A_1054 = arith.minimumf %scan3A_456, %masked_sort3A_1052 : vector<16xf32>
                %le3A = arith.cmpf ole, %scan3A_456, %masked_sort3A_1052 : vector<16xf32>
                %select_n3A_1055 = arith.select %le3A, %scan3A_457, %masked_sort3A_1053 : vector<16xi1>, vector<16xi32>
                %masked_sort3A_1056 = arith.constant dense<true> : vector<16xi1>
                %masked_sort3A_1057, %masked_sort3A_1058, %masked_sort3A_1059 = tpu.sort %min3A_1054, %select_n3A_1055 masked %masked_sort3A_1056 : (vector<16xf32>, vector<16xi32>, vector<16xi1>) -> (vector<16xi1>, vector<16xf32>, vector<16xi32>)
                %slice3A_1060 = vector.extract_strided_slice %masked_sort3A_1058 {offsets = [15], sizes = [1], strides = [1]} : vector<16xf32> to vector<1xf32>
                %squeeze3A_1061 = vector.extract %slice3A_1060[0] : f32 from vector<1xf32>
                %broadcast_in_dim3A_1062 = vector.broadcast %squeeze3A_1061 : f32 to vector<16xf32>
                scf.yield %masked_sort3A_1058, %masked_sort3A_1059, %broadcast_in_dim3A_1062 : vector<16xf32>, vector<16xi32>, vector<16xf32>
              } else {
                scf.yield %scan3A_456, %scan3A_457, %scan3A_458 : vector<16xf32>, vector<16xi32>, vector<16xf32>
              }
              %lt3A_955 = arith.cmpf olt, %neg3A_539, %cond3A_954#2 : vector<16xf32>
              %all_reduce_population_count3A_956 = tpu.all_reduce %lt3A_955 {dim = 0 : i64, kind = #tpu.reduction_kind<sum>} : vector<16xi1> -> vector<16xi32>
              %slice3A_957 = vector.extract_strided_slice %all_reduce_population_count3A_956 {offsets = [0], sizes = [1], strides = [1]} : vector<16xi32> to vector<1xi32>
              %squeeze3A_958 = vector.extract %slice3A_957[0] : i32 from vector<1xi32>
              %gt3A_959 = arith.constant 0 : i32
              %gt3A_960 = arith.cmpi sgt, %squeeze3A_958, %gt3A_959 : i32
              %convert_element_type3A_961 = arith.extui %gt3A_960 : i1 to i32
              %cond3A_962 = arith.constant 0 : i32
              %cond3A_963 = arith.cmpi ne, %convert_element_type3A_961, %cond3A_962 : i32
              %cond3A_964:3 = scf.if %cond3A_963 -> (vector<16xf32>, vector<16xi32>, vector<16xf32>) {
                %add3A_1045 = arith.addi %mul3A_243, %mul3A_460 : i32
                %add3A_1046 = arith.constant 16 : i32
                %add3A_1047 = arith.addi %add3A_1045, %add3A_1046 : i32
                %iota3A = tpu.iota {dimensions = array<i32: 0>} : vector<16xi32>
                %add3A_1048 = vector.broadcast %add3A_1047 : i32 to vector<16xi32>
                %add3A_1049 = arith.addi %add3A_1048, %iota3A : vector<16xi32>
                %jit3A = arith.constant 0x7F800000 : f32
                %broadcast_in_dim3A_1050 = vector.broadcast %jit3A : f32 to vector<16xf32>
                %select_n3A = arith.select %lt3A_955, %neg3A_539, %broadcast_in_dim3A_1050 : vector<16xi1>, vector<16xf32>
                %masked_sort3A = arith.constant dense<true> : vector<16xi1>
                %masked_sort3A_1051, %masked_sort3A_1052, %masked_sort3A_1053 = tpu.sort %select_n3A, %add3A_1049 masked %masked_sort3A {descending = true} : (vector<16xf32>, vector<16xi32>, vector<16xi1>) -> (vector<16xi1>, vector<16xf32>, vector<16xi32>)
                %min3A_1054 = arith.minimumf %cond3A_954#0, %masked_sort3A_1052 : vector<16xf32>
                %le3A = arith.cmpf ole, %cond3A_954#0, %masked_sort3A_1052 : vector<16xf32>
                %select_n3A_1055 = arith.select %le3A, %cond3A_954#1, %masked_sort3A_1053 : vector<16xi1>, vector<16xi32>
                %masked_sort3A_1056 = arith.constant dense<true> : vector<16xi1>
                %masked_sort3A_1057, %masked_sort3A_1058, %masked_sort3A_1059 = tpu.sort %min3A_1054, %select_n3A_1055 masked %masked_sort3A_1056 : (vector<16xf32>, vector<16xi32>, vector<16xi1>) -> (vector<16xi1>, vector<16xf32>, vector<16xi32>)
                %slice3A_1060 = vector.extract_strided_slice %masked_sort3A_1058 {offsets = [15], sizes = [1], strides = [1]} : vector<16xf32> to vector<1xf32>
                %squeeze3A_1061 = vector.extract %slice3A_1060[0] : f32 from vector<1xf32>
                %broadcast_in_dim3A_1062 = vector.broadcast %squeeze3A_1061 : f32 to vector<16xf32>
                scf.yield %masked_sort3A_1058, %masked_sort3A_1059, %broadcast_in_dim3A_1062 : vector<16xf32>, vector<16xi32>, vector<16xf32>
              } else {
                scf.yield %cond3A_954#0, %cond3A_954#1, %cond3A_954#2 : vector<16xf32>, vector<16xi32>, vector<16xf32>
              }
              %lt3A_965 = arith.cmpf olt, %neg3A_579, %cond3A_964#2 : vector<16xf32>
              %all_reduce_population_count3A_966 = tpu.all_reduce %lt3A_965 {dim = 0 : i64, kind = #tpu.reduction_kind<sum>} : vector<16xi1> -> vector<16xi32>
              %slice3A_967 = vector.extract_strided_slice %all_reduce_population_count3A_966 {offsets = [0], sizes = [1], strides = [1]} : vector<16xi32> to vector<1xi32>
              %squeeze3A_968 = vector.extract %slice3A_967[0] : i32 from vector<1xi32>
              %gt3A_969 = arith.constant 0 : i32
              %gt3A_970 = arith.cmpi sgt, %squeeze3A_968, %gt3A_969 : i32
              %convert_element_type3A_971 = arith.extui %gt3A_970 : i1 to i32
              %cond3A_972 = arith.constant 0 : i32
              %cond3A_973 = arith.cmpi ne, %convert_element_type3A_971, %cond3A_972 : i32
              %cond3A_974:3 = scf.if %cond3A_973 -> (vector<16xf32>, vector<16xi32>, vector<16xf32>) {
                %add3A_1045 = arith.addi %mul3A_243, %mul3A_460 : i32
                %add3A_1046 = arith.constant 32 : i32
                %add3A_1047 = arith.addi %add3A_1045, %add3A_1046 : i32
                %iota3A = tpu.iota {dimensions = array<i32: 0>} : vector<16xi32>
                %add3A_1048 = vector.broadcast %add3A_1047 : i32 to vector<16xi32>
                %add3A_1049 = arith.addi %add3A_1048, %iota3A : vector<16xi32>
                %jit3A = arith.constant 0x7F800000 : f32
                %broadcast_in_dim3A_1050 = vector.broadcast %jit3A : f32 to vector<16xf32>
                %select_n3A = arith.select %lt3A_965, %neg3A_579, %broadcast_in_dim3A_1050 : vector<16xi1>, vector<16xf32>
                %masked_sort3A = arith.constant dense<true> : vector<16xi1>
                %masked_sort3A_1051, %masked_sort3A_1052, %masked_sort3A_1053 = tpu.sort %select_n3A, %add3A_1049 masked %masked_sort3A {descending = true} : (vector<16xf32>, vector<16xi32>, vector<16xi1>) -> (vector<16xi1>, vector<16xf32>, vector<16xi32>)
                %min3A_1054 = arith.minimumf %cond3A_964#0, %masked_sort3A_1052 : vector<16xf32>
                %le3A = arith.cmpf ole, %cond3A_964#0, %masked_sort3A_1052 : vector<16xf32>
                %select_n3A_1055 = arith.select %le3A, %cond3A_964#1, %masked_sort3A_1053 : vector<16xi1>, vector<16xi32>
                %masked_sort3A_1056 = arith.constant dense<true> : vector<16xi1>
                %masked_sort3A_1057, %masked_sort3A_1058, %masked_sort3A_1059 = tpu.sort %min3A_1054, %select_n3A_1055 masked %masked_sort3A_1056 : (vector<16xf32>, vector<16xi32>, vector<16xi1>) -> (vector<16xi1>, vector<16xf32>, vector<16xi32>)
                %slice3A_1060 = vector.extract_strided_slice %masked_sort3A_1058 {offsets = [15], sizes = [1], strides = [1]} : vector<16xf32> to vector<1xf32>
                %squeeze3A_1061 = vector.extract %slice3A_1060[0] : f32 from vector<1xf32>
                %broadcast_in_dim3A_1062 = vector.broadcast %squeeze3A_1061 : f32 to vector<16xf32>
                scf.yield %masked_sort3A_1058, %masked_sort3A_1059, %broadcast_in_dim3A_1062 : vector<16xf32>, vector<16xi32>, vector<16xf32>
              } else {
                scf.yield %cond3A_964#0, %cond3A_964#1, %cond3A_964#2 : vector<16xf32>, vector<16xi32>, vector<16xf32>
              }
              %lt3A_975 = arith.cmpf olt, %neg3A_619, %cond3A_974#2 : vector<16xf32>
              %all_reduce_population_count3A_976 = tpu.all_reduce %lt3A_975 {dim = 0 : i64, kind = #tpu.reduction_kind<sum>} : vector<16xi1> -> vector<16xi32>
              %slice3A_977 = vector.extract_strided_slice %all_reduce_population_count3A_976 {offsets = [0], sizes = [1], strides = [1]} : vector<16xi32> to vector<1xi32>
              %squeeze3A_978 = vector.extract %slice3A_977[0] : i32 from vector<1xi32>
              %gt3A_979 = arith.constant 0 : i32
              %gt3A_980 = arith.cmpi sgt, %squeeze3A_978, %gt3A_979 : i32
              %convert_element_type3A_981 = arith.extui %gt3A_980 : i1 to i32
              %cond3A_982 = arith.constant 0 : i32
              %cond3A_983 = arith.cmpi ne, %convert_element_type3A_981, %cond3A_982 : i32
              %cond3A_984:3 = scf.if %cond3A_983 -> (vector<16xf32>, vector<16xi32>, vector<16xf32>) {
                %add3A_1045 = arith.addi %mul3A_243, %mul3A_460 : i32
                %add3A_1046 = arith.constant 48 : i32
                %add3A_1047 = arith.addi %add3A_1045, %add3A_1046 : i32
                %iota3A = tpu.iota {dimensions = array<i32: 0>} : vector<16xi32>
                %add3A_1048 = vector.broadcast %add3A_1047 : i32 to vector<16xi32>
                %add3A_1049 = arith.addi %add3A_1048, %iota3A : vector<16xi32>
                %jit3A = arith.constant 0x7F800000 : f32
                %broadcast_in_dim3A_1050 = vector.broadcast %jit3A : f32 to vector<16xf32>
                %select_n3A = arith.select %lt3A_975, %neg3A_619, %broadcast_in_dim3A_1050 : vector<16xi1>, vector<16xf32>
                %masked_sort3A = arith.constant dense<true> : vector<16xi1>
                %masked_sort3A_1051, %masked_sort3A_1052, %masked_sort3A_1053 = tpu.sort %select_n3A, %add3A_1049 masked %masked_sort3A {descending = true} : (vector<16xf32>, vector<16xi32>, vector<16xi1>) -> (vector<16xi1>, vector<16xf32>, vector<16xi32>)
                %min3A_1054 = arith.minimumf %cond3A_974#0, %masked_sort3A_1052 : vector<16xf32>
                %le3A = arith.cmpf ole, %cond3A_974#0, %masked_sort3A_1052 : vector<16xf32>
                %select_n3A_1055 = arith.select %le3A, %cond3A_974#1, %masked_sort3A_1053 : vector<16xi1>, vector<16xi32>
                %masked_sort3A_1056 = arith.constant dense<true> : vector<16xi1>
                %masked_sort3A_1057, %masked_sort3A_1058, %masked_sort3A_1059 = tpu.sort %min3A_1054, %select_n3A_1055 masked %masked_sort3A_1056 : (vector<16xf32>, vector<16xi32>, vector<16xi1>) -> (vector<16xi1>, vector<16xf32>, vector<16xi32>)
                %slice3A_1060 = vector.extract_strided_slice %masked_sort3A_1058 {offsets = [15], sizes = [1], strides = [1]} : vector<16xf32> to vector<1xf32>
                %squeeze3A_1061 = vector.extract %slice3A_1060[0] : f32 from vector<1xf32>
                %broadcast_in_dim3A_1062 = vector.broadcast %squeeze3A_1061 : f32 to vector<16xf32>
                scf.yield %masked_sort3A_1058, %masked_sort3A_1059, %broadcast_in_dim3A_1062 : vector<16xf32>, vector<16xi32>, vector<16xf32>
              } else {
                scf.yield %cond3A_974#0, %cond3A_974#1, %cond3A_974#2 : vector<16xf32>, vector<16xi32>, vector<16xf32>
              }
              %lt3A_985 = arith.cmpf olt, %neg3A_659, %cond3A_984#2 : vector<16xf32>
              %all_reduce_population_count3A_986 = tpu.all_reduce %lt3A_985 {dim = 0 : i64, kind = #tpu.reduction_kind<sum>} : vector<16xi1> -> vector<16xi32>
              %slice3A_987 = vector.extract_strided_slice %all_reduce_population_count3A_986 {offsets = [0], sizes = [1], strides = [1]} : vector<16xi32> to vector<1xi32>
              %squeeze3A_988 = vector.extract %slice3A_987[0] : i32 from vector<1xi32>
              %gt3A_989 = arith.constant 0 : i32
              %gt3A_990 = arith.cmpi sgt, %squeeze3A_988, %gt3A_989 : i32
              %convert_element_type3A_991 = arith.extui %gt3A_990 : i1 to i32
              %cond3A_992 = arith.constant 0 : i32
              %cond3A_993 = arith.cmpi ne, %convert_element_type3A_991, %cond3A_992 : i32
              %cond3A_994:3 = scf.if %cond3A_993 -> (vector<16xf32>, vector<16xi32>, vector<16xf32>) {
                %add3A_1045 = arith.addi %mul3A_243, %mul3A_460 : i32
                %add3A_1046 = arith.constant 64 : i32
                %add3A_1047 = arith.addi %add3A_1045, %add3A_1046 : i32
                %iota3A = tpu.iota {dimensions = array<i32: 0>} : vector<16xi32>
                %add3A_1048 = vector.broadcast %add3A_1047 : i32 to vector<16xi32>
                %add3A_1049 = arith.addi %add3A_1048, %iota3A : vector<16xi32>
                %jit3A = arith.constant 0x7F800000 : f32
                %broadcast_in_dim3A_1050 = vector.broadcast %jit3A : f32 to vector<16xf32>
                %select_n3A = arith.select %lt3A_985, %neg3A_659, %broadcast_in_dim3A_1050 : vector<16xi1>, vector<16xf32>
                %masked_sort3A = arith.constant dense<true> : vector<16xi1>
                %masked_sort3A_1051, %masked_sort3A_1052, %masked_sort3A_1053 = tpu.sort %select_n3A, %add3A_1049 masked %masked_sort3A {descending = true} : (vector<16xf32>, vector<16xi32>, vector<16xi1>) -> (vector<16xi1>, vector<16xf32>, vector<16xi32>)
                %min3A_1054 = arith.minimumf %cond3A_984#0, %masked_sort3A_1052 : vector<16xf32>
                %le3A = arith.cmpf ole, %cond3A_984#0, %masked_sort3A_1052 : vector<16xf32>
                %select_n3A_1055 = arith.select %le3A, %cond3A_984#1, %masked_sort3A_1053 : vector<16xi1>, vector<16xi32>
                %masked_sort3A_1056 = arith.constant dense<true> : vector<16xi1>
                %masked_sort3A_1057, %masked_sort3A_1058, %masked_sort3A_1059 = tpu.sort %min3A_1054, %select_n3A_1055 masked %masked_sort3A_1056 : (vector<16xf32>, vector<16xi32>, vector<16xi1>) -> (vector<16xi1>, vector<16xf32>, vector<16xi32>)
                %slice3A_1060 = vector.extract_strided_slice %masked_sort3A_1058 {offsets = [15], sizes = [1], strides = [1]} : vector<16xf32> to vector<1xf32>
                %squeeze3A_1061 = vector.extract %slice3A_1060[0] : f32 from vector<1xf32>
                %broadcast_in_dim3A_1062 = vector.broadcast %squeeze3A_1061 : f32 to vector<16xf32>
                scf.yield %masked_sort3A_1058, %masked_sort3A_1059, %broadcast_in_dim3A_1062 : vector<16xf32>, vector<16xi32>, vector<16xf32>
              } else {
                scf.yield %cond3A_984#0, %cond3A_984#1, %cond3A_984#2 : vector<16xf32>, vector<16xi32>, vector<16xf32>
              }
              %lt3A_995 = arith.cmpf olt, %neg3A_699, %cond3A_994#2 : vector<16xf32>
              %all_reduce_population_count3A_996 = tpu.all_reduce %lt3A_995 {dim = 0 : i64, kind = #tpu.reduction_kind<sum>} : vector<16xi1> -> vector<16xi32>
              %slice3A_997 = vector.extract_strided_slice %all_reduce_population_count3A_996 {offsets = [0], sizes = [1], strides = [1]} : vector<16xi32> to vector<1xi32>
              %squeeze3A_998 = vector.extract %slice3A_997[0] : i32 from vector<1xi32>
              %gt3A_999 = arith.constant 0 : i32
              %gt3A_1000 = arith.cmpi sgt, %squeeze3A_998, %gt3A_999 : i32
              %convert_element_type3A_1001 = arith.extui %gt3A_1000 : i1 to i32
              %cond3A_1002 = arith.constant 0 : i32
              %cond3A_1003 = arith.cmpi ne, %convert_element_type3A_1001, %cond3A_1002 : i32
              %cond3A_1004:3 = scf.if %cond3A_1003 -> (vector<16xf32>, vector<16xi32>, vector<16xf32>) {
                %add3A_1045 = arith.addi %mul3A_243, %mul3A_460 : i32
                %add3A_1046 = arith.constant 80 : i32
                %add3A_1047 = arith.addi %add3A_1045, %add3A_1046 : i32
                %iota3A = tpu.iota {dimensions = array<i32: 0>} : vector<16xi32>
                %add3A_1048 = vector.broadcast %add3A_1047 : i32 to vector<16xi32>
                %add3A_1049 = arith.addi %add3A_1048, %iota3A : vector<16xi32>
                %jit3A = arith.constant 0x7F800000 : f32
                %broadcast_in_dim3A_1050 = vector.broadcast %jit3A : f32 to vector<16xf32>
                %select_n3A = arith.select %lt3A_995, %neg3A_699, %broadcast_in_dim3A_1050 : vector<16xi1>, vector<16xf32>
                %masked_sort3A = arith.constant dense<true> : vector<16xi1>
                %masked_sort3A_1051, %masked_sort3A_1052, %masked_sort3A_1053 = tpu.sort %select_n3A, %add3A_1049 masked %masked_sort3A {descending = true} : (vector<16xf32>, vector<16xi32>, vector<16xi1>) -> (vector<16xi1>, vector<16xf32>, vector<16xi32>)
                %min3A_1054 = arith.minimumf %cond3A_994#0, %masked_sort3A_1052 : vector<16xf32>
                %le3A = arith.cmpf ole, %cond3A_994#0, %masked_sort3A_1052 : vector<16xf32>
                %select_n3A_1055 = arith.select %le3A, %cond3A_994#1, %masked_sort3A_1053 : vector<16xi1>, vector<16xi32>
                %masked_sort3A_1056 = arith.constant dense<true> : vector<16xi1>
                %masked_sort3A_1057, %masked_sort3A_1058, %masked_sort3A_1059 = tpu.sort %min3A_1054, %select_n3A_1055 masked %masked_sort3A_1056 : (vector<16xf32>, vector<16xi32>, vector<16xi1>) -> (vector<16xi1>, vector<16xf32>, vector<16xi32>)
                %slice3A_1060 = vector.extract_strided_slice %masked_sort3A_1058 {offsets = [15], sizes = [1], strides = [1]} : vector<16xf32> to vector<1xf32>
                %squeeze3A_1061 = vector.extract %slice3A_1060[0] : f32 from vector<1xf32>
                %broadcast_in_dim3A_1062 = vector.broadcast %squeeze3A_1061 : f32 to vector<16xf32>
                scf.yield %masked_sort3A_1058, %masked_sort3A_1059, %broadcast_in_dim3A_1062 : vector<16xf32>, vector<16xi32>, vector<16xf32>
              } else {
                scf.yield %cond3A_994#0, %cond3A_994#1, %cond3A_994#2 : vector<16xf32>, vector<16xi32>, vector<16xf32>
              }
              %lt3A_1005 = arith.cmpf olt, %neg3A_739, %cond3A_1004#2 : vector<16xf32>
              %all_reduce_population_count3A_1006 = tpu.all_reduce %lt3A_1005 {dim = 0 : i64, kind = #tpu.reduction_kind<sum>} : vector<16xi1> -> vector<16xi32>
              %slice3A_1007 = vector.extract_strided_slice %all_reduce_population_count3A_1006 {offsets = [0], sizes = [1], strides = [1]} : vector<16xi32> to vector<1xi32>
              %squeeze3A_1008 = vector.extract %slice3A_1007[0] : i32 from vector<1xi32>
              %gt3A_1009 = arith.constant 0 : i32
              %gt3A_1010 = arith.cmpi sgt, %squeeze3A_1008, %gt3A_1009 : i32
              %convert_element_type3A_1011 = arith.extui %gt3A_1010 : i1 to i32
              %cond3A_1012 = arith.constant 0 : i32
              %cond3A_1013 = arith.cmpi ne, %convert_element_type3A_1011, %cond3A_1012 : i32
              %cond3A_1014:3 = scf.if %cond3A_1013 -> (vector<16xf32>, vector<16xi32>, vector<16xf32>) {
                %add3A_1045 = arith.addi %mul3A_243, %mul3A_460 : i32
                %add3A_1046 = arith.constant 96 : i32
                %add3A_1047 = arith.addi %add3A_1045, %add3A_1046 : i32
                %iota3A = tpu.iota {dimensions = array<i32: 0>} : vector<16xi32>
                %add3A_1048 = vector.broadcast %add3A_1047 : i32 to vector<16xi32>
                %add3A_1049 = arith.addi %add3A_1048, %iota3A : vector<16xi32>
                %jit3A = arith.constant 0x7F800000 : f32
                %broadcast_in_dim3A_1050 = vector.broadcast %jit3A : f32 to vector<16xf32>
                %select_n3A = arith.select %lt3A_1005, %neg3A_739, %broadcast_in_dim3A_1050 : vector<16xi1>, vector<16xf32>
                %masked_sort3A = arith.constant dense<true> : vector<16xi1>
                %masked_sort3A_1051, %masked_sort3A_1052, %masked_sort3A_1053 = tpu.sort %select_n3A, %add3A_1049 masked %masked_sort3A {descending = true} : (vector<16xf32>, vector<16xi32>, vector<16xi1>) -> (vector<16xi1>, vector<16xf32>, vector<16xi32>)
                %min3A_1054 = arith.minimumf %cond3A_1004#0, %masked_sort3A_1052 : vector<16xf32>
                %le3A = arith.cmpf ole, %cond3A_1004#0, %masked_sort3A_1052 : vector<16xf32>
                %select_n3A_1055 = arith.select %le3A, %cond3A_1004#1, %masked_sort3A_1053 : vector<16xi1>, vector<16xi32>
                %masked_sort3A_1056 = arith.constant dense<true> : vector<16xi1>
                %masked_sort3A_1057, %masked_sort3A_1058, %masked_sort3A_1059 = tpu.sort %min3A_1054, %select_n3A_1055 masked %masked_sort3A_1056 : (vector<16xf32>, vector<16xi32>, vector<16xi1>) -> (vector<16xi1>, vector<16xf32>, vector<16xi32>)
                %slice3A_1060 = vector.extract_strided_slice %masked_sort3A_1058 {offsets = [15], sizes = [1], strides = [1]} : vector<16xf32> to vector<1xf32>
                %squeeze3A_1061 = vector.extract %slice3A_1060[0] : f32 from vector<1xf32>
                %broadcast_in_dim3A_1062 = vector.broadcast %squeeze3A_1061 : f32 to vector<16xf32>
                scf.yield %masked_sort3A_1058, %masked_sort3A_1059, %broadcast_in_dim3A_1062 : vector<16xf32>, vector<16xi32>, vector<16xf32>
              } else {
                scf.yield %cond3A_1004#0, %cond3A_1004#1, %cond3A_1004#2 : vector<16xf32>, vector<16xi32>, vector<16xf32>
              }
              %lt3A_1015 = arith.cmpf olt, %neg3A_779, %cond3A_1014#2 : vector<16xf32>
              %all_reduce_population_count3A_1016 = tpu.all_reduce %lt3A_1015 {dim = 0 : i64, kind = #tpu.reduction_kind<sum>} : vector<16xi1> -> vector<16xi32>
              %slice3A_1017 = vector.extract_strided_slice %all_reduce_population_count3A_1016 {offsets = [0], sizes = [1], strides = [1]} : vector<16xi32> to vector<1xi32>
              %squeeze3A_1018 = vector.extract %slice3A_1017[0] : i32 from vector<1xi32>
              %gt3A_1019 = arith.constant 0 : i32
              %gt3A_1020 = arith.cmpi sgt, %squeeze3A_1018, %gt3A_1019 : i32
              %convert_element_type3A_1021 = arith.extui %gt3A_1020 : i1 to i32
              %cond3A_1022 = arith.constant 0 : i32
              %cond3A_1023 = arith.cmpi ne, %convert_element_type3A_1021, %cond3A_1022 : i32
              %cond3A_1024:3 = scf.if %cond3A_1023 -> (vector<16xf32>, vector<16xi32>, vector<16xf32>) {
                %add3A_1045 = arith.addi %mul3A_243, %mul3A_460 : i32
                %add3A_1046 = arith.constant 112 : i32
                %add3A_1047 = arith.addi %add3A_1045, %add3A_1046 : i32
                %iota3A = tpu.iota {dimensions = array<i32: 0>} : vector<16xi32>
                %add3A_1048 = vector.broadcast %add3A_1047 : i32 to vector<16xi32>
                %add3A_1049 = arith.addi %add3A_1048, %iota3A : vector<16xi32>
                %jit3A = arith.constant 0x7F800000 : f32
                %broadcast_in_dim3A_1050 = vector.broadcast %jit3A : f32 to vector<16xf32>
                %select_n3A = arith.select %lt3A_1015, %neg3A_779, %broadcast_in_dim3A_1050 : vector<16xi1>, vector<16xf32>
                %masked_sort3A = arith.constant dense<true> : vector<16xi1>
                %masked_sort3A_1051, %masked_sort3A_1052, %masked_sort3A_1053 = tpu.sort %select_n3A, %add3A_1049 masked %masked_sort3A {descending = true} : (vector<16xf32>, vector<16xi32>, vector<16xi1>) -> (vector<16xi1>, vector<16xf32>, vector<16xi32>)
                %min3A_1054 = arith.minimumf %cond3A_1014#0, %masked_sort3A_1052 : vector<16xf32>
                %le3A = arith.cmpf ole, %cond3A_1014#0, %masked_sort3A_1052 : vector<16xf32>
                %select_n3A_1055 = arith.select %le3A, %cond3A_1014#1, %masked_sort3A_1053 : vector<16xi1>, vector<16xi32>
                %masked_sort3A_1056 = arith.constant dense<true> : vector<16xi1>
                %masked_sort3A_1057, %masked_sort3A_1058, %masked_sort3A_1059 = tpu.sort %min3A_1054, %select_n3A_1055 masked %masked_sort3A_1056 : (vector<16xf32>, vector<16xi32>, vector<16xi1>) -> (vector<16xi1>, vector<16xf32>, vector<16xi32>)
                %slice3A_1060 = vector.extract_strided_slice %masked_sort3A_1058 {offsets = [15], sizes = [1], strides = [1]} : vector<16xf32> to vector<1xf32>
                %squeeze3A_1061 = vector.extract %slice3A_1060[0] : f32 from vector<1xf32>
                %broadcast_in_dim3A_1062 = vector.broadcast %squeeze3A_1061 : f32 to vector<16xf32>
                scf.yield %masked_sort3A_1058, %masked_sort3A_1059, %broadcast_in_dim3A_1062 : vector<16xf32>, vector<16xi32>, vector<16xf32>
              } else {
                scf.yield %cond3A_1014#0, %cond3A_1014#1, %cond3A_1014#2 : vector<16xf32>, vector<16xi32>, vector<16xf32>
              }
              %lt3A_1025 = arith.cmpf olt, %neg3A_819, %cond3A_1024#2 : vector<16xf32>
              %all_reduce_population_count3A_1026 = tpu.all_reduce %lt3A_1025 {dim = 0 : i64, kind = #tpu.reduction_kind<sum>} : vector<16xi1> -> vector<16xi32>
              %slice3A_1027 = vector.extract_strided_slice %all_reduce_population_count3A_1026 {offsets = [0], sizes = [1], strides = [1]} : vector<16xi32> to vector<1xi32>
              %squeeze3A_1028 = vector.extract %slice3A_1027[0] : i32 from vector<1xi32>
              %gt3A_1029 = arith.constant 0 : i32
              %gt3A_1030 = arith.cmpi sgt, %squeeze3A_1028, %gt3A_1029 : i32
              %convert_element_type3A_1031 = arith.extui %gt3A_1030 : i1 to i32
              %cond3A_1032 = arith.constant 0 : i32
              %cond3A_1033 = arith.cmpi ne, %convert_element_type3A_1031, %cond3A_1032 : i32
              %cond3A_1034:3 = scf.if %cond3A_1033 -> (vector<16xf32>, vector<16xi32>, vector<16xf32>) {
                %add3A_1045 = arith.addi %mul3A_243, %mul3A_460 : i32
                %add3A_1046 = arith.constant 128 : i32
                %add3A_1047 = arith.addi %add3A_1045, %add3A_1046 : i32
                %iota3A = tpu.iota {dimensions = array<i32: 0>} : vector<16xi32>
                %add3A_1048 = vector.broadcast %add3A_1047 : i32 to vector<16xi32>
                %add3A_1049 = arith.addi %add3A_1048, %iota3A : vector<16xi32>
                %jit3A = arith.constant 0x7F800000 : f32
                %broadcast_in_dim3A_1050 = vector.broadcast %jit3A : f32 to vector<16xf32>
                %select_n3A = arith.select %lt3A_1025, %neg3A_819, %broadcast_in_dim3A_1050 : vector<16xi1>, vector<16xf32>
                %masked_sort3A = arith.constant dense<true> : vector<16xi1>
                %masked_sort3A_1051, %masked_sort3A_1052, %masked_sort3A_1053 = tpu.sort %select_n3A, %add3A_1049 masked %masked_sort3A {descending = true} : (vector<16xf32>, vector<16xi32>, vector<16xi1>) -> (vector<16xi1>, vector<16xf32>, vector<16xi32>)
                %min3A_1054 = arith.minimumf %cond3A_1024#0, %masked_sort3A_1052 : vector<16xf32>
                %le3A = arith.cmpf ole, %cond3A_1024#0, %masked_sort3A_1052 : vector<16xf32>
                %select_n3A_1055 = arith.select %le3A, %cond3A_1024#1, %masked_sort3A_1053 : vector<16xi1>, vector<16xi32>
                %masked_sort3A_1056 = arith.constant dense<true> : vector<16xi1>
                %masked_sort3A_1057, %masked_sort3A_1058, %masked_sort3A_1059 = tpu.sort %min3A_1054, %select_n3A_1055 masked %masked_sort3A_1056 : (vector<16xf32>, vector<16xi32>, vector<16xi1>) -> (vector<16xi1>, vector<16xf32>, vector<16xi32>)
                %slice3A_1060 = vector.extract_strided_slice %masked_sort3A_1058 {offsets = [15], sizes = [1], strides = [1]} : vector<16xf32> to vector<1xf32>
                %squeeze3A_1061 = vector.extract %slice3A_1060[0] : f32 from vector<1xf32>
                %broadcast_in_dim3A_1062 = vector.broadcast %squeeze3A_1061 : f32 to vector<16xf32>
                scf.yield %masked_sort3A_1058, %masked_sort3A_1059, %broadcast_in_dim3A_1062 : vector<16xf32>, vector<16xi32>, vector<16xf32>
              } else {
                scf.yield %cond3A_1024#0, %cond3A_1024#1, %cond3A_1024#2 : vector<16xf32>, vector<16xi32>, vector<16xf32>
              }
              %lt3A_1035 = arith.cmpf olt, %neg3A_859, %cond3A_1034#2 : vector<16xf32>
              %all_reduce_population_count3A_1036 = tpu.all_reduce %lt3A_1035 {dim = 0 : i64, kind = #tpu.reduction_kind<sum>} : vector<16xi1> -> vector<16xi32>
              %slice3A_1037 = vector.extract_strided_slice %all_reduce_population_count3A_1036 {offsets = [0], sizes = [1], strides = [1]} : vector<16xi32> to vector<1xi32>
              %squeeze3A_1038 = vector.extract %slice3A_1037[0] : i32 from vector<1xi32>
              %gt3A_1039 = arith.constant 0 : i32
              %gt3A_1040 = arith.cmpi sgt, %squeeze3A_1038, %gt3A_1039 : i32
              %convert_element_type3A_1041 = arith.extui %gt3A_1040 : i1 to i32
              %cond3A_1042 = arith.constant 0 : i32
              %cond3A_1043 = arith.cmpi ne, %convert_element_type3A_1041, %cond3A_1042 : i32
              %cond3A_1044:3 = scf.if %cond3A_1043 -> (vector<16xf32>, vector<16xi32>, vector<16xf32>) {
                %add3A_1045 = arith.addi %mul3A_243, %mul3A_460 : i32
                %add3A_1046 = arith.constant 144 : i32
                %add3A_1047 = arith.addi %add3A_1045, %add3A_1046 : i32
                %iota3A = tpu.iota {dimensions = array<i32: 0>} : vector<16xi32>
                %add3A_1048 = vector.broadcast %add3A_1047 : i32 to vector<16xi32>
                %add3A_1049 = arith.addi %add3A_1048, %iota3A : vector<16xi32>
                %jit3A = arith.constant 0x7F800000 : f32
                %broadcast_in_dim3A_1050 = vector.broadcast %jit3A : f32 to vector<16xf32>
                %select_n3A = arith.select %lt3A_1035, %neg3A_859, %broadcast_in_dim3A_1050 : vector<16xi1>, vector<16xf32>
                %masked_sort3A = arith.constant dense<true> : vector<16xi1>
                %masked_sort3A_1051, %masked_sort3A_1052, %masked_sort3A_1053 = tpu.sort %select_n3A, %add3A_1049 masked %masked_sort3A {descending = true} : (vector<16xf32>, vector<16xi32>, vector<16xi1>) -> (vector<16xi1>, vector<16xf32>, vector<16xi32>)
                %min3A_1054 = arith.minimumf %cond3A_1034#0, %masked_sort3A_1052 : vector<16xf32>
                %le3A = arith.cmpf ole, %cond3A_1034#0, %masked_sort3A_1052 : vector<16xf32>
                %select_n3A_1055 = arith.select %le3A, %cond3A_1034#1, %masked_sort3A_1053 : vector<16xi1>, vector<16xi32>
                %masked_sort3A_1056 = arith.constant dense<true> : vector<16xi1>
                %masked_sort3A_1057, %masked_sort3A_1058, %masked_sort3A_1059 = tpu.sort %min3A_1054, %select_n3A_1055 masked %masked_sort3A_1056 : (vector<16xf32>, vector<16xi32>, vector<16xi1>) -> (vector<16xi1>, vector<16xf32>, vector<16xi32>)
                %slice3A_1060 = vector.extract_strided_slice %masked_sort3A_1058 {offsets = [15], sizes = [1], strides = [1]} : vector<16xf32> to vector<1xf32>
                %squeeze3A_1061 = vector.extract %slice3A_1060[0] : f32 from vector<1xf32>
                %broadcast_in_dim3A_1062 = vector.broadcast %squeeze3A_1061 : f32 to vector<16xf32>
                scf.yield %masked_sort3A_1058, %masked_sort3A_1059, %broadcast_in_dim3A_1062 : vector<16xf32>, vector<16xi32>, vector<16xf32>
              } else {
                scf.yield %cond3A_1034#0, %cond3A_1034#1, %cond3A_1034#2 : vector<16xf32>, vector<16xi32>, vector<16xf32>
              }
              scf.yield %cond3A_1044#0, %cond3A_1044#1, %cond3A_1044#2 : vector<16xf32>, vector<16xi32>, vector<16xf32>
            } else {
              scf.yield %scan3A_456, %scan3A_457, %scan3A_458 : vector<16xf32>, vector<16xi32>, vector<16xf32>
            }
            scf.yield %cond3A_914#0, %cond3A_914#1, %cond3A_914#2, %cond3A_924#0, %cond3A_924#1, %cond3A_924#2, %cond3A_934#0, %cond3A_934#1, %cond3A_934#2, %cond3A_944#0, %cond3A_944#1, %cond3A_944#2 : vector<16xf32>, vector<16xi32>, vector<16xf32>, vector<16xf32>, vector<16xi32>, vector<16xf32>, vector<16xf32>, vector<16xi32>, vector<16xf32>, vector<16xf32>, vector<16xi32>, vector<16xf32>
          } else {
            scf.yield %scan3A_447, %scan3A_448, %scan3A_449, %scan3A_450, %scan3A_451, %scan3A_452, %scan3A_453, %scan3A_454, %scan3A_455, %scan3A_456, %scan3A_457, %scan3A_458 : vector<16xf32>, vector<16xi32>, vector<16xf32>, vector<16xf32>, vector<16xi32>, vector<16xf32>, vector<16xf32>, vector<16xi32>, vector<16xf32>, vector<16xf32>, vector<16xi32>, vector<16xf32>
          }
          scf.yield %cond3A_904#0, %cond3A_904#1, %cond3A_904#2, %cond3A_904#3, %cond3A_904#4, %cond3A_904#5, %cond3A_904#6, %cond3A_904#7, %cond3A_904#8, %cond3A_904#9, %cond3A_904#10, %cond3A_904#11 : vector<16xf32>, vector<16xi32>, vector<16xf32>, vector<16xf32>, vector<16xi32>, vector<16xf32>, vector<16xf32>, vector<16xi32>, vector<16xf32>, vector<16xf32>, vector<16xi32>, vector<16xf32>
        }
        %scan3A_378 = arith.constant 125 : i32
        %mul3A_379 = arith.constant 4 : i32
        %mul3A_380 = arith.muli %scan3A_250, %mul3A_379 : i32
        %add3A_381 = arith.constant 0 : i32
        %add3A_382 = arith.addi %mul3A_380, %add3A_381 : i32
        %mul3A_383 = arith.constant 16 : i32
        %mul3A_384 = arith.muli %add3A_382, %mul3A_383 : i32
        %swap3A = arith.index_cast %mul3A_384 : i32 to index
        %swap3A_385 = tpu.vector_load %arg21[%swap3A] {strides = array<i32>} : memref<512xf32, #tpu.memory_space<vmem>>, vector<16xf32>,
        tpu.vector_store %arg21[%swap3A], %scan3A_377#0 {strides = array<i32>} : memref<512xf32, #tpu.memory_space<vmem>>, vector<16xf32>,
        %shift_right_arithmetic3A_386 = arith.constant 3 : i32
        %shift_right_arithmetic3A_387 = arith.shrsi %add3A_382, %shift_right_arithmetic3A_386 : i32
        %and3A_388 = arith.constant 7 : i32
        %and3A_389 = arith.andi %add3A_382, %and3A_388 : i32
        %mul3A_390 = arith.constant 16 : i32
        %mul3A_391 = arith.muli %and3A_389, %mul3A_390 : i32
        %swap3A_392 = arith.index_cast %shift_right_arithmetic3A_387 : i32 to index
        %swap3A_393 = arith.index_cast %mul3A_391 : i32 to index
        %swap3A_394 = tpu.vector_load %arg22[%swap3A_392, %swap3A_393] {strides = array<i32>} : memref<4x128xi32, #tpu.memory_space<vmem>>, vector<16xi32>,
        tpu.vector_store %arg22[%swap3A_392, %swap3A_393], %scan3A_377#1 {strides = array<i32>} : memref<4x128xi32, #tpu.memory_space<vmem>>, vector<16xi32>,
        %mul3A_395 = arith.constant 4 : i32
        %mul3A_396 = arith.muli %scan3A_250, %mul3A_395 : i32
        %add3A_397 = arith.constant 1 : i32
        %add3A_398 = arith.addi %mul3A_396, %add3A_397 : i32
        %mul3A_399 = arith.constant 16 : i32
        %mul3A_400 = arith.muli %add3A_398, %mul3A_399 : i32
        %swap3A_401 = arith.index_cast %mul3A_400 : i32 to index
        %swap3A_402 = tpu.vector_load %arg21[%swap3A_401] {strides = array<i32>} : memref<512xf32, #tpu.memory_space<vmem>>, vector<16xf32>,
        tpu.vector_store %arg21[%swap3A_401], %scan3A_377#3 {strides = array<i32>} : memref<512xf32, #tpu.memory_space<vmem>>, vector<16xf32>,
        %shift_right_arithmetic3A_403 = arith.constant 3 : i32
        %shift_right_arithmetic3A_404 = arith.shrsi %add3A_398, %shift_right_arithmetic3A_403 : i32
        %and3A_405 = arith.constant 7 : i32
        %and3A_406 = arith.andi %add3A_398, %and3A_405 : i32
        %mul3A_407 = arith.constant 16 : i32
        %mul3A_408 = arith.muli %and3A_406, %mul3A_407 : i32
        %swap3A_409 = arith.index_cast %shift_right_arithmetic3A_404 : i32 to index
        %swap3A_410 = arith.index_cast %mul3A_408 : i32 to index
        %swap3A_411 = tpu.vector_load %arg22[%swap3A_409, %swap3A_410] {strides = array<i32>} : memref<4x128xi32, #tpu.memory_space<vmem>>, vector<16xi32>,
        tpu.vector_store %arg22[%swap3A_409, %swap3A_410], %scan3A_377#4 {strides = array<i32>} : memref<4x128xi32, #tpu.memory_space<vmem>>, vector<16xi32>,
        %mul3A_412 = arith.constant 4 : i32
        %mul3A_413 = arith.muli %scan3A_250, %mul3A_412 : i32
        %add3A_414 = arith.constant 2 : i32
        %add3A_415 = arith.addi %mul3A_413, %add3A_414 : i32
        %mul3A_416 = arith.constant 16 : i32
        %mul3A_417 = arith.muli %add3A_415, %mul3A_416 : i32
        %swap3A_418 = arith.index_cast %mul3A_417 : i32 to index
        %swap3A_419 = tpu.vector_load %arg21[%swap3A_418] {strides = array<i32>} : memref<512xf32, #tpu.memory_space<vmem>>, vector<16xf32>,
        tpu.vector_store %arg21[%swap3A_418], %scan3A_377#6 {strides = array<i32>} : memref<512xf32, #tpu.memory_space<vmem>>, vector<16xf32>,
        %shift_right_arithmetic3A_420 = arith.constant 3 : i32
        %shift_right_arithmetic3A_421 = arith.shrsi %add3A_415, %shift_right_arithmetic3A_420 : i32
        %and3A_422 = arith.constant 7 : i32
        %and3A_423 = arith.andi %add3A_415, %and3A_422 : i32
        %mul3A_424 = arith.constant 16 : i32
        %mul3A_425 = arith.muli %and3A_423, %mul3A_424 : i32
        %swap3A_426 = arith.index_cast %shift_right_arithmetic3A_421 : i32 to index
        %swap3A_427 = arith.index_cast %mul3A_425 : i32 to index
        %swap3A_428 = tpu.vector_load %arg22[%swap3A_426, %swap3A_427] {strides = array<i32>} : memref<4x128xi32, #tpu.memory_space<vmem>>, vector<16xi32>,
        tpu.vector_store %arg22[%swap3A_426, %swap3A_427], %scan3A_377#7 {strides = array<i32>} : memref<4x128xi32, #tpu.memory_space<vmem>>, vector<16xi32>,
        %mul3A_429 = arith.constant 4 : i32
        %mul3A_430 = arith.muli %scan3A_250, %mul3A_429 : i32
        %add3A_431 = arith.constant 3 : i32
        %add3A_432 = arith.addi %mul3A_430, %add3A_431 : i32
        %mul3A_433 = arith.constant 16 : i32
        %mul3A_434 = arith.muli %add3A_432, %mul3A_433 : i32
        %swap3A_435 = arith.index_cast %mul3A_434 : i32 to index
        %swap3A_436 = tpu.vector_load %arg21[%swap3A_435] {strides = array<i32>} : memref<512xf32, #tpu.memory_space<vmem>>, vector<16xf32>,
        tpu.vector_store %arg21[%swap3A_435], %scan3A_377#9 {strides = array<i32>} : memref<512xf32, #tpu.memory_space<vmem>>, vector<16xf32>,
        %shift_right_arithmetic3A_437 = arith.constant 3 : i32
        %shift_right_arithmetic3A_438 = arith.shrsi %add3A_432, %shift_right_arithmetic3A_437 : i32
        %and3A_439 = arith.constant 7 : i32
        %and3A_440 = arith.andi %add3A_432, %and3A_439 : i32
        %mul3A_441 = arith.constant 16 : i32
        %mul3A_442 = arith.muli %and3A_440, %mul3A_441 : i32
        %swap3A_443 = arith.index_cast %shift_right_arithmetic3A_438 : i32 to index
        %swap3A_444 = arith.index_cast %mul3A_442 : i32 to index
        %swap3A_445 = tpu.vector_load %arg22[%swap3A_443, %swap3A_444] {strides = array<i32>} : memref<4x128xi32, #tpu.memory_space<vmem>>, vector<16xi32>,
        tpu.vector_store %arg22[%swap3A_443, %swap3A_444], %scan3A_377#10 {strides = array<i32>} : memref<4x128xi32, #tpu.memory_space<vmem>>, vector<16xi32>,
      }
      %scan3A_249 = arith.constant 8 : i32
    }
    %scan3A_19 = arith.constant 5 : i32
    %dma_start3A = arith.constant 0 : i32
    %dma_start3A_20 = arith.constant 0 : i32
    %dma_start3A_21 = tpu.memref_slice %arg23[%dma_start3A_20] : memref<512xf32, #tpu.memory_space<vmem>> -> memref<128xf32, #tpu.memory_space<vmem>>
    %dma_start3A_22 = arith.constant 0 : i32
    %dma_start3A_23 = tpu.memref_slice %arg22[%dma_start3A, %dma_start3A_22] : memref<4x128xi32, #tpu.memory_space<vmem>> -> memref<1x128xi32, #tpu.memory_space<vmem>>
    %dma_start3A_24 = tpu.memref_squeeze %dma_start3A_23 : memref<1x128xi32, #tpu.memory_space<vmem>> -> memref<128xi32, #tpu.memory_space<vmem>>
    %dma_start3A_25 = arith.constant 0 : i32
    %dma_start3A_26 = tpu.memref_slice %arg8[%dma_start3A_25] : memref<100000xf32, #tpu.memory_space<hbm>> -> memref<100000xf32, #tpu.memory_space<hbm>>
    tpu.enqueue_indirect_dma source(%dma_start3A_26 : memref<100000xf32, #tpu.memory_space<hbm>>) target(%dma_start3A_21 : memref<128xf32, #tpu.memory_space<vmem>>) offsets(%dma_start3A_24 : memref<128xi32, #tpu.memory_space<vmem>>) semaphore(%arg26 : memref<!tpu.dma_semaphore, #tpu.memory_space<semaphore_mem>>)
    %dma_wait3A = arith.constant 0 : i32
    %dma_wait3A_27 = arith.constant 0 : i32
    %dma_wait3A_28 = tpu.memref_slice %arg23[%dma_wait3A_27] : memref<512xf32, #tpu.memory_space<vmem>> -> memref<128xf32, #tpu.memory_space<vmem>>
    %dma_wait3A_29 = arith.constant 0 : i32
    %dma_wait3A_30 = tpu.memref_slice %arg22[%dma_wait3A, %dma_wait3A_29] : memref<4x128xi32, #tpu.memory_space<vmem>> -> memref<1x128xi32, #tpu.memory_space<vmem>>
    %dma_wait3A_31 = tpu.memref_squeeze %dma_wait3A_30 : memref<1x128xi32, #tpu.memory_space<vmem>> -> memref<128xi32, #tpu.memory_space<vmem>>
    %dma_wait3A_32 = arith.constant 0 : i32
    %dma_wait3A_33 = tpu.memref_slice %arg8[%dma_wait3A_32] : memref<100000xf32, #tpu.memory_space<hbm>> -> memref<100000xf32, #tpu.memory_space<hbm>>
    tpu.wait_indirect_dma semaphore(%arg26 : memref<!tpu.dma_semaphore, #tpu.memory_space<semaphore_mem>>) src(%dma_wait3A_33 : memref<100000xf32, #tpu.memory_space<hbm>>) dst(%dma_wait3A_28 : memref<128xf32, #tpu.memory_space<vmem>>)
    %dma_start3A_34 = arith.constant 0 : i32
    %dma_start3A_35 = arith.constant 0 : i32
    %dma_start3A_36 = tpu.memref_slice %arg24[%dma_start3A_35] : memref<512xf32, #tpu.memory_space<vmem>> -> memref<128xf32, #tpu.memory_space<vmem>>
    %dma_start3A_37 = arith.constant 0 : i32
    %dma_start3A_38 = tpu.memref_slice %arg22[%dma_start3A_34, %dma_start3A_37] : memref<4x128xi32, #tpu.memory_space<vmem>> -> memref<1x128xi32, #tpu.memory_space<vmem>>
    %dma_start3A_39 = tpu.memref_squeeze %dma_start3A_38 : memref<1x128xi32, #tpu.memory_space<vmem>> -> memref<128xi32, #tpu.memory_space<vmem>>
    %dma_start3A_40 = arith.constant 0 : i32
    %dma_start3A_41 = tpu.memref_slice %arg9[%dma_start3A_40] : memref<100000xf32, #tpu.memory_space<hbm>> -> memref<100000xf32, #tpu.memory_space<hbm>>
    tpu.enqueue_indirect_dma source(%dma_start3A_41 : memref<100000xf32, #tpu.memory_space<hbm>>) target(%dma_start3A_36 : memref<128xf32, #tpu.memory_space<vmem>>) offsets(%dma_start3A_39 : memref<128xi32, #tpu.memory_space<vmem>>) semaphore(%arg26 : memref<!tpu.dma_semaphore, #tpu.memory_space<semaphore_mem>>)
    %dma_wait3A_42 = arith.constant 0 : i32
    %dma_wait3A_43 = arith.constant 0 : i32
    %dma_wait3A_44 = tpu.memref_slice %arg24[%dma_wait3A_43] : memref<512xf32, #tpu.memory_space<vmem>> -> memref<128xf32, #tpu.memory_space<vmem>>
    %dma_wait3A_45 = arith.constant 0 : i32
    %dma_wait3A_46 = tpu.memref_slice %arg22[%dma_wait3A_42, %dma_wait3A_45] : memref<4x128xi32, #tpu.memory_space<vmem>> -> memref<1x128xi32, #tpu.memory_space<vmem>>
    %dma_wait3A_47 = tpu.memref_squeeze %dma_wait3A_46 : memref<1x128xi32, #tpu.memory_space<vmem>> -> memref<128xi32, #tpu.memory_space<vmem>>
    %dma_wait3A_48 = arith.constant 0 : i32
    %dma_wait3A_49 = tpu.memref_slice %arg9[%dma_wait3A_48] : memref<100000xf32, #tpu.memory_space<hbm>> -> memref<100000xf32, #tpu.memory_space<hbm>>
    tpu.wait_indirect_dma semaphore(%arg26 : memref<!tpu.dma_semaphore, #tpu.memory_space<semaphore_mem>>) src(%dma_wait3A_49 : memref<100000xf32, #tpu.memory_space<hbm>>) dst(%dma_wait3A_44 : memref<128xf32, #tpu.memory_space<vmem>>)
    %dma_start3A_50 = arith.constant 0 : i32
    %dma_start3A_51 = arith.constant 0 : i32
    %dma_start3A_52 = tpu.memref_slice %arg25[%dma_start3A_51] : memref<512xf32, #tpu.memory_space<vmem>> -> memref<128xf32, #tpu.memory_space<vmem>>
    %dma_start3A_53 = arith.constant 0 : i32
    %dma_start3A_54 = tpu.memref_slice %arg22[%dma_start3A_50, %dma_start3A_53] : memref<4x128xi32, #tpu.memory_space<vmem>> -> memref<1x128xi32, #tpu.memory_space<vmem>>
    %dma_start3A_55 = tpu.memref_squeeze %dma_start3A_54 : memref<1x128xi32, #tpu.memory_space<vmem>> -> memref<128xi32, #tpu.memory_space<vmem>>
    %dma_start3A_56 = arith.constant 0 : i32
    %dma_start3A_57 = tpu.memref_slice %arg10[%dma_start3A_56] : memref<100000xf32, #tpu.memory_space<hbm>> -> memref<100000xf32, #tpu.memory_space<hbm>>
    tpu.enqueue_indirect_dma source(%dma_start3A_57 : memref<100000xf32, #tpu.memory_space<hbm>>) target(%dma_start3A_52 : memref<128xf32, #tpu.memory_space<vmem>>) offsets(%dma_start3A_55 : memref<128xi32, #tpu.memory_space<vmem>>) semaphore(%arg26 : memref<!tpu.dma_semaphore, #tpu.memory_space<semaphore_mem>>)
    %dma_wait3A_58 = arith.constant 0 : i32
    %dma_wait3A_59 = arith.constant 0 : i32
    %dma_wait3A_60 = tpu.memref_slice %arg25[%dma_wait3A_59] : memref<512xf32, #tpu.memory_space<vmem>> -> memref<128xf32, #tpu.memory_space<vmem>>
    %dma_wait3A_61 = arith.constant 0 : i32
    %dma_wait3A_62 = tpu.memref_slice %arg22[%dma_wait3A_58, %dma_wait3A_61] : memref<4x128xi32, #tpu.memory_space<vmem>> -> memref<1x128xi32, #tpu.memory_space<vmem>>
    %dma_wait3A_63 = tpu.memref_squeeze %dma_wait3A_62 : memref<1x128xi32, #tpu.memory_space<vmem>> -> memref<128xi32, #tpu.memory_space<vmem>>
    %dma_wait3A_64 = arith.constant 0 : i32
    %dma_wait3A_65 = tpu.memref_slice %arg10[%dma_wait3A_64] : memref<100000xf32, #tpu.memory_space<hbm>> -> memref<100000xf32, #tpu.memory_space<hbm>>
    tpu.wait_indirect_dma semaphore(%arg26 : memref<!tpu.dma_semaphore, #tpu.memory_space<semaphore_mem>>) src(%dma_wait3A_65 : memref<100000xf32, #tpu.memory_space<hbm>>) dst(%dma_wait3A_60 : memref<128xf32, #tpu.memory_space<vmem>>)
    %dma_start3A_66 = arith.constant 1 : i32
    %dma_start3A_67 = arith.constant 128 : i32
    %dma_start3A_68 = tpu.memref_slice %arg23[%dma_start3A_67] : memref<512xf32, #tpu.memory_space<vmem>> -> memref<128xf32, #tpu.memory_space<vmem>>
    %dma_start3A_69 = arith.constant 0 : i32
    %dma_start3A_70 = tpu.memref_slice %arg22[%dma_start3A_66, %dma_start3A_69] : memref<4x128xi32, #tpu.memory_space<vmem>> -> memref<1x128xi32, #tpu.memory_space<vmem>>
    %dma_start3A_71 = tpu.memref_squeeze %dma_start3A_70 : memref<1x128xi32, #tpu.memory_space<vmem>> -> memref<128xi32, #tpu.memory_space<vmem>>
    %dma_start3A_72 = arith.constant 0 : i32
    %dma_start3A_73 = tpu.memref_slice %arg8[%dma_start3A_72] : memref<100000xf32, #tpu.memory_space<hbm>> -> memref<100000xf32, #tpu.memory_space<hbm>>
    tpu.enqueue_indirect_dma source(%dma_start3A_73 : memref<100000xf32, #tpu.memory_space<hbm>>) target(%dma_start3A_68 : memref<128xf32, #tpu.memory_space<vmem>>) offsets(%dma_start3A_71 : memref<128xi32, #tpu.memory_space<vmem>>) semaphore(%arg26 : memref<!tpu.dma_semaphore, #tpu.memory_space<semaphore_mem>>)
    %dma_wait3A_74 = arith.constant 1 : i32
    %dma_wait3A_75 = arith.constant 128 : i32
    %dma_wait3A_76 = tpu.memref_slice %arg23[%dma_wait3A_75] : memref<512xf32, #tpu.memory_space<vmem>> -> memref<128xf32, #tpu.memory_space<vmem>>
    %dma_wait3A_77 = arith.constant 0 : i32
    %dma_wait3A_78 = tpu.memref_slice %arg22[%dma_wait3A_74, %dma_wait3A_77] : memref<4x128xi32, #tpu.memory_space<vmem>> -> memref<1x128xi32, #tpu.memory_space<vmem>>
    %dma_wait3A_79 = tpu.memref_squeeze %dma_wait3A_78 : memref<1x128xi32, #tpu.memory_space<vmem>> -> memref<128xi32, #tpu.memory_space<vmem>>
    %dma_wait3A_80 = arith.constant 0 : i32
    %dma_wait3A_81 = tpu.memref_slice %arg8[%dma_wait3A_80] : memref<100000xf32, #tpu.memory_space<hbm>> -> memref<100000xf32, #tpu.memory_space<hbm>>
    tpu.wait_indirect_dma semaphore(%arg26 : memref<!tpu.dma_semaphore, #tpu.memory_space<semaphore_mem>>) src(%dma_wait3A_81 : memref<100000xf32, #tpu.memory_space<hbm>>) dst(%dma_wait3A_76 : memref<128xf32, #tpu.memory_space<vmem>>)
    %dma_start3A_82 = arith.constant 1 : i32
    %dma_start3A_83 = arith.constant 128 : i32
    %dma_start3A_84 = tpu.memref_slice %arg24[%dma_start3A_83] : memref<512xf32, #tpu.memory_space<vmem>> -> memref<128xf32, #tpu.memory_space<vmem>>
    %dma_start3A_85 = arith.constant 0 : i32
    %dma_start3A_86 = tpu.memref_slice %arg22[%dma_start3A_82, %dma_start3A_85] : memref<4x128xi32, #tpu.memory_space<vmem>> -> memref<1x128xi32, #tpu.memory_space<vmem>>
    %dma_start3A_87 = tpu.memref_squeeze %dma_start3A_86 : memref<1x128xi32, #tpu.memory_space<vmem>> -> memref<128xi32, #tpu.memory_space<vmem>>
    %dma_start3A_88 = arith.constant 0 : i32
    %dma_start3A_89 = tpu.memref_slice %arg9[%dma_start3A_88] : memref<100000xf32, #tpu.memory_space<hbm>> -> memref<100000xf32, #tpu.memory_space<hbm>>
    tpu.enqueue_indirect_dma source(%dma_start3A_89 : memref<100000xf32, #tpu.memory_space<hbm>>) target(%dma_start3A_84 : memref<128xf32, #tpu.memory_space<vmem>>) offsets(%dma_start3A_87 : memref<128xi32, #tpu.memory_space<vmem>>) semaphore(%arg26 : memref<!tpu.dma_semaphore, #tpu.memory_space<semaphore_mem>>)
    %dma_wait3A_90 = arith.constant 1 : i32
    %dma_wait3A_91 = arith.constant 128 : i32
    %dma_wait3A_92 = tpu.memref_slice %arg24[%dma_wait3A_91] : memref<512xf32, #tpu.memory_space<vmem>> -> memref<128xf32, #tpu.memory_space<vmem>>
    %dma_wait3A_93 = arith.constant 0 : i32
    %dma_wait3A_94 = tpu.memref_slice %arg22[%dma_wait3A_90, %dma_wait3A_93] : memref<4x128xi32, #tpu.memory_space<vmem>> -> memref<1x128xi32, #tpu.memory_space<vmem>>
    %dma_wait3A_95 = tpu.memref_squeeze %dma_wait3A_94 : memref<1x128xi32, #tpu.memory_space<vmem>> -> memref<128xi32, #tpu.memory_space<vmem>>
    %dma_wait3A_96 = arith.constant 0 : i32
    %dma_wait3A_97 = tpu.memref_slice %arg9[%dma_wait3A_96] : memref<100000xf32, #tpu.memory_space<hbm>> -> memref<100000xf32, #tpu.memory_space<hbm>>
    tpu.wait_indirect_dma semaphore(%arg26 : memref<!tpu.dma_semaphore, #tpu.memory_space<semaphore_mem>>) src(%dma_wait3A_97 : memref<100000xf32, #tpu.memory_space<hbm>>) dst(%dma_wait3A_92 : memref<128xf32, #tpu.memory_space<vmem>>)
    %dma_start3A_98 = arith.constant 1 : i32
    %dma_start3A_99 = arith.constant 128 : i32
    %dma_start3A_100 = tpu.memref_slice %arg25[%dma_start3A_99] : memref<512xf32, #tpu.memory_space<vmem>> -> memref<128xf32, #tpu.memory_space<vmem>>
    %dma_start3A_101 = arith.constant 0 : i32
    %dma_start3A_102 = tpu.memref_slice %arg22[%dma_start3A_98, %dma_start3A_101] : memref<4x128xi32, #tpu.memory_space<vmem>> -> memref<1x128xi32, #tpu.memory_space<vmem>>
    %dma_start3A_103 = tpu.memref_squeeze %dma_start3A_102 : memref<1x128xi32, #tpu.memory_space<vmem>> -> memref<128xi32, #tpu.memory_space<vmem>>
    %dma_start3A_104 = arith.constant 0 : i32
    %dma_start3A_105 = tpu.memref_slice %arg10[%dma_start3A_104] : memref<100000xf32, #tpu.memory_space<hbm>> -> memref<100000xf32, #tpu.memory_space<hbm>>
    tpu.enqueue_indirect_dma source(%dma_start3A_105 : memref<100000xf32, #tpu.memory_space<hbm>>) target(%dma_start3A_100 : memref<128xf32, #tpu.memory_space<vmem>>) offsets(%dma_start3A_103 : memref<128xi32, #tpu.memory_space<vmem>>) semaphore(%arg26 : memref<!tpu.dma_semaphore, #tpu.memory_space<semaphore_mem>>)
    %dma_wait3A_106 = arith.constant 1 : i32
    %dma_wait3A_107 = arith.constant 128 : i32
    %dma_wait3A_108 = tpu.memref_slice %arg25[%dma_wait3A_107] : memref<512xf32, #tpu.memory_space<vmem>> -> memref<128xf32, #tpu.memory_space<vmem>>
    %dma_wait3A_109 = arith.constant 0 : i32
    %dma_wait3A_110 = tpu.memref_slice %arg22[%dma_wait3A_106, %dma_wait3A_109] : memref<4x128xi32, #tpu.memory_space<vmem>> -> memref<1x128xi32, #tpu.memory_space<vmem>>
    %dma_wait3A_111 = tpu.memref_squeeze %dma_wait3A_110 : memref<1x128xi32, #tpu.memory_space<vmem>> -> memref<128xi32, #tpu.memory_space<vmem>>
    %dma_wait3A_112 = arith.constant 0 : i32
    %dma_wait3A_113 = tpu.memref_slice %arg10[%dma_wait3A_112] : memref<100000xf32, #tpu.memory_space<hbm>> -> memref<100000xf32, #tpu.memory_space<hbm>>
    tpu.wait_indirect_dma semaphore(%arg26 : memref<!tpu.dma_semaphore, #tpu.memory_space<semaphore_mem>>) src(%dma_wait3A_113 : memref<100000xf32, #tpu.memory_space<hbm>>) dst(%dma_wait3A_108 : memref<128xf32, #tpu.memory_space<vmem>>)
    %dma_start3A_114 = arith.constant 2 : i32
    %dma_start3A_115 = arith.constant 256 : i32
    %dma_start3A_116 = tpu.memref_slice %arg23[%dma_start3A_115] : memref<512xf32, #tpu.memory_space<vmem>> -> memref<128xf32, #tpu.memory_space<vmem>>
    %dma_start3A_117 = arith.constant 0 : i32
    %dma_start3A_118 = tpu.memref_slice %arg22[%dma_start3A_114, %dma_start3A_117] : memref<4x128xi32, #tpu.memory_space<vmem>> -> memref<1x128xi32, #tpu.memory_space<vmem>>
    %dma_start3A_119 = tpu.memref_squeeze %dma_start3A_118 : memref<1x128xi32, #tpu.memory_space<vmem>> -> memref<128xi32, #tpu.memory_space<vmem>>
    %dma_start3A_120 = arith.constant 0 : i32
    %dma_start3A_121 = tpu.memref_slice %arg8[%dma_start3A_120] : memref<100000xf32, #tpu.memory_space<hbm>> -> memref<100000xf32, #tpu.memory_space<hbm>>
    tpu.enqueue_indirect_dma source(%dma_start3A_121 : memref<100000xf32, #tpu.memory_space<hbm>>) target(%dma_start3A_116 : memref<128xf32, #tpu.memory_space<vmem>>) offsets(%dma_start3A_119 : memref<128xi32, #tpu.memory_space<vmem>>) semaphore(%arg26 : memref<!tpu.dma_semaphore, #tpu.memory_space<semaphore_mem>>)
    %dma_wait3A_122 = arith.constant 2 : i32
    %dma_wait3A_123 = arith.constant 256 : i32
    %dma_wait3A_124 = tpu.memref_slice %arg23[%dma_wait3A_123] : memref<512xf32, #tpu.memory_space<vmem>> -> memref<128xf32, #tpu.memory_space<vmem>>
    %dma_wait3A_125 = arith.constant 0 : i32
    %dma_wait3A_126 = tpu.memref_slice %arg22[%dma_wait3A_122, %dma_wait3A_125] : memref<4x128xi32, #tpu.memory_space<vmem>> -> memref<1x128xi32, #tpu.memory_space<vmem>>
    %dma_wait3A_127 = tpu.memref_squeeze %dma_wait3A_126 : memref<1x128xi32, #tpu.memory_space<vmem>> -> memref<128xi32, #tpu.memory_space<vmem>>
    %dma_wait3A_128 = arith.constant 0 : i32
    %dma_wait3A_129 = tpu.memref_slice %arg8[%dma_wait3A_128] : memref<100000xf32, #tpu.memory_space<hbm>> -> memref<100000xf32, #tpu.memory_space<hbm>>
    tpu.wait_indirect_dma semaphore(%arg26 : memref<!tpu.dma_semaphore, #tpu.memory_space<semaphore_mem>>) src(%dma_wait3A_129 : memref<100000xf32, #tpu.memory_space<hbm>>) dst(%dma_wait3A_124 : memref<128xf32, #tpu.memory_space<vmem>>)
    %dma_start3A_130 = arith.constant 2 : i32
    %dma_start3A_131 = arith.constant 256 : i32
    %dma_start3A_132 = tpu.memref_slice %arg24[%dma_start3A_131] : memref<512xf32, #tpu.memory_space<vmem>> -> memref<128xf32, #tpu.memory_space<vmem>>
    %dma_start3A_133 = arith.constant 0 : i32
    %dma_start3A_134 = tpu.memref_slice %arg22[%dma_start3A_130, %dma_start3A_133] : memref<4x128xi32, #tpu.memory_space<vmem>> -> memref<1x128xi32, #tpu.memory_space<vmem>>
    %dma_start3A_135 = tpu.memref_squeeze %dma_start3A_134 : memref<1x128xi32, #tpu.memory_space<vmem>> -> memref<128xi32, #tpu.memory_space<vmem>>
    %dma_start3A_136 = arith.constant 0 : i32
    %dma_start3A_137 = tpu.memref_slice %arg9[%dma_start3A_136] : memref<100000xf32, #tpu.memory_space<hbm>> -> memref<100000xf32, #tpu.memory_space<hbm>>
    tpu.enqueue_indirect_dma source(%dma_start3A_137 : memref<100000xf32, #tpu.memory_space<hbm>>) target(%dma_start3A_132 : memref<128xf32, #tpu.memory_space<vmem>>) offsets(%dma_start3A_135 : memref<128xi32, #tpu.memory_space<vmem>>) semaphore(%arg26 : memref<!tpu.dma_semaphore, #tpu.memory_space<semaphore_mem>>)
    %dma_wait3A_138 = arith.constant 2 : i32
    %dma_wait3A_139 = arith.constant 256 : i32
    %dma_wait3A_140 = tpu.memref_slice %arg24[%dma_wait3A_139] : memref<512xf32, #tpu.memory_space<vmem>> -> memref<128xf32, #tpu.memory_space<vmem>>
    %dma_wait3A_141 = arith.constant 0 : i32
    %dma_wait3A_142 = tpu.memref_slice %arg22[%dma_wait3A_138, %dma_wait3A_141] : memref<4x128xi32, #tpu.memory_space<vmem>> -> memref<1x128xi32, #tpu.memory_space<vmem>>
    %dma_wait3A_143 = tpu.memref_squeeze %dma_wait3A_142 : memref<1x128xi32, #tpu.memory_space<vmem>> -> memref<128xi32, #tpu.memory_space<vmem>>
    %dma_wait3A_144 = arith.constant 0 : i32
    %dma_wait3A_145 = tpu.memref_slice %arg9[%dma_wait3A_144] : memref<100000xf32, #tpu.memory_space<hbm>> -> memref<100000xf32, #tpu.memory_space<hbm>>
    tpu.wait_indirect_dma semaphore(%arg26 : memref<!tpu.dma_semaphore, #tpu.memory_space<semaphore_mem>>) src(%dma_wait3A_145 : memref<100000xf32, #tpu.memory_space<hbm>>) dst(%dma_wait3A_140 : memref<128xf32, #tpu.memory_space<vmem>>)
    %dma_start3A_146 = arith.constant 2 : i32
    %dma_start3A_147 = arith.constant 256 : i32
    %dma_start3A_148 = tpu.memref_slice %arg25[%dma_start3A_147] : memref<512xf32, #tpu.memory_space<vmem>> -> memref<128xf32, #tpu.memory_space<vmem>>
    %dma_start3A_149 = arith.constant 0 : i32
    %dma_start3A_150 = tpu.memref_slice %arg22[%dma_start3A_146, %dma_start3A_149] : memref<4x128xi32, #tpu.memory_space<vmem>> -> memref<1x128xi32, #tpu.memory_space<vmem>>
    %dma_start3A_151 = tpu.memref_squeeze %dma_start3A_150 : memref<1x128xi32, #tpu.memory_space<vmem>> -> memref<128xi32, #tpu.memory_space<vmem>>
    %dma_start3A_152 = arith.constant 0 : i32
    %dma_start3A_153 = tpu.memref_slice %arg10[%dma_start3A_152] : memref<100000xf32, #tpu.memory_space<hbm>> -> memref<100000xf32, #tpu.memory_space<hbm>>
    tpu.enqueue_indirect_dma source(%dma_start3A_153 : memref<100000xf32, #tpu.memory_space<hbm>>) target(%dma_start3A_148 : memref<128xf32, #tpu.memory_space<vmem>>) offsets(%dma_start3A_151 : memref<128xi32, #tpu.memory_space<vmem>>) semaphore(%arg26 : memref<!tpu.dma_semaphore, #tpu.memory_space<semaphore_mem>>)
    %dma_wait3A_154 = arith.constant 2 : i32
    %dma_wait3A_155 = arith.constant 256 : i32
    %dma_wait3A_156 = tpu.memref_slice %arg25[%dma_wait3A_155] : memref<512xf32, #tpu.memory_space<vmem>> -> memref<128xf32, #tpu.memory_space<vmem>>
    %dma_wait3A_157 = arith.constant 0 : i32
    %dma_wait3A_158 = tpu.memref_slice %arg22[%dma_wait3A_154, %dma_wait3A_157] : memref<4x128xi32, #tpu.memory_space<vmem>> -> memref<1x128xi32, #tpu.memory_space<vmem>>
    %dma_wait3A_159 = tpu.memref_squeeze %dma_wait3A_158 : memref<1x128xi32, #tpu.memory_space<vmem>> -> memref<128xi32, #tpu.memory_space<vmem>>
    %dma_wait3A_160 = arith.constant 0 : i32
    %dma_wait3A_161 = tpu.memref_slice %arg10[%dma_wait3A_160] : memref<100000xf32, #tpu.memory_space<hbm>> -> memref<100000xf32, #tpu.memory_space<hbm>>
    tpu.wait_indirect_dma semaphore(%arg26 : memref<!tpu.dma_semaphore, #tpu.memory_space<semaphore_mem>>) src(%dma_wait3A_161 : memref<100000xf32, #tpu.memory_space<hbm>>) dst(%dma_wait3A_156 : memref<128xf32, #tpu.memory_space<vmem>>)
    %dma_start3A_162 = arith.constant 3 : i32
    %dma_start3A_163 = arith.constant 384 : i32
    %dma_start3A_164 = tpu.memref_slice %arg23[%dma_start3A_163] : memref<512xf32, #tpu.memory_space<vmem>> -> memref<128xf32, #tpu.memory_space<vmem>>
    %dma_start3A_165 = arith.constant 0 : i32
    %dma_start3A_166 = tpu.memref_slice %arg22[%dma_start3A_162, %dma_start3A_165] : memref<4x128xi32, #tpu.memory_space<vmem>> -> memref<1x128xi32, #tpu.memory_space<vmem>>
    %dma_start3A_167 = tpu.memref_squeeze %dma_start3A_166 : memref<1x128xi32, #tpu.memory_space<vmem>> -> memref<128xi32, #tpu.memory_space<vmem>>
    %dma_start3A_168 = arith.constant 0 : i32
    %dma_start3A_169 = tpu.memref_slice %arg8[%dma_start3A_168] : memref<100000xf32, #tpu.memory_space<hbm>> -> memref<100000xf32, #tpu.memory_space<hbm>>
    tpu.enqueue_indirect_dma source(%dma_start3A_169 : memref<100000xf32, #tpu.memory_space<hbm>>) target(%dma_start3A_164 : memref<128xf32, #tpu.memory_space<vmem>>) offsets(%dma_start3A_167 : memref<128xi32, #tpu.memory_space<vmem>>) semaphore(%arg26 : memref<!tpu.dma_semaphore, #tpu.memory_space<semaphore_mem>>)
    %dma_wait3A_170 = arith.constant 3 : i32
    %dma_wait3A_171 = arith.constant 384 : i32
    %dma_wait3A_172 = tpu.memref_slice %arg23[%dma_wait3A_171] : memref<512xf32, #tpu.memory_space<vmem>> -> memref<128xf32, #tpu.memory_space<vmem>>
    %dma_wait3A_173 = arith.constant 0 : i32
    %dma_wait3A_174 = tpu.memref_slice %arg22[%dma_wait3A_170, %dma_wait3A_173] : memref<4x128xi32, #tpu.memory_space<vmem>> -> memref<1x128xi32, #tpu.memory_space<vmem>>
    %dma_wait3A_175 = tpu.memref_squeeze %dma_wait3A_174 : memref<1x128xi32, #tpu.memory_space<vmem>> -> memref<128xi32, #tpu.memory_space<vmem>>
    %dma_wait3A_176 = arith.constant 0 : i32
    %dma_wait3A_177 = tpu.memref_slice %arg8[%dma_wait3A_176] : memref<100000xf32, #tpu.memory_space<hbm>> -> memref<100000xf32, #tpu.memory_space<hbm>>
    tpu.wait_indirect_dma semaphore(%arg26 : memref<!tpu.dma_semaphore, #tpu.memory_space<semaphore_mem>>) src(%dma_wait3A_177 : memref<100000xf32, #tpu.memory_space<hbm>>) dst(%dma_wait3A_172 : memref<128xf32, #tpu.memory_space<vmem>>)
    %dma_start3A_178 = arith.constant 3 : i32
    %dma_start3A_179 = arith.constant 384 : i32
    %dma_start3A_180 = tpu.memref_slice %arg24[%dma_start3A_179] : memref<512xf32, #tpu.memory_space<vmem>> -> memref<128xf32, #tpu.memory_space<vmem>>
    %dma_start3A_181 = arith.constant 0 : i32
    %dma_start3A_182 = tpu.memref_slice %arg22[%dma_start3A_178, %dma_start3A_181] : memref<4x128xi32, #tpu.memory_space<vmem>> -> memref<1x128xi32, #tpu.memory_space<vmem>>
    %dma_start3A_183 = tpu.memref_squeeze %dma_start3A_182 : memref<1x128xi32, #tpu.memory_space<vmem>> -> memref<128xi32, #tpu.memory_space<vmem>>
    %dma_start3A_184 = arith.constant 0 : i32
    %dma_start3A_185 = tpu.memref_slice %arg9[%dma_start3A_184] : memref<100000xf32, #tpu.memory_space<hbm>> -> memref<100000xf32, #tpu.memory_space<hbm>>
    tpu.enqueue_indirect_dma source(%dma_start3A_185 : memref<100000xf32, #tpu.memory_space<hbm>>) target(%dma_start3A_180 : memref<128xf32, #tpu.memory_space<vmem>>) offsets(%dma_start3A_183 : memref<128xi32, #tpu.memory_space<vmem>>) semaphore(%arg26 : memref<!tpu.dma_semaphore, #tpu.memory_space<semaphore_mem>>)
    %dma_wait3A_186 = arith.constant 3 : i32
    %dma_wait3A_187 = arith.constant 384 : i32
    %dma_wait3A_188 = tpu.memref_slice %arg24[%dma_wait3A_187] : memref<512xf32, #tpu.memory_space<vmem>> -> memref<128xf32, #tpu.memory_space<vmem>>
    %dma_wait3A_189 = arith.constant 0 : i32
    %dma_wait3A_190 = tpu.memref_slice %arg22[%dma_wait3A_186, %dma_wait3A_189] : memref<4x128xi32, #tpu.memory_space<vmem>> -> memref<1x128xi32, #tpu.memory_space<vmem>>
    %dma_wait3A_191 = tpu.memref_squeeze %dma_wait3A_190 : memref<1x128xi32, #tpu.memory_space<vmem>> -> memref<128xi32, #tpu.memory_space<vmem>>
    %dma_wait3A_192 = arith.constant 0 : i32
    %dma_wait3A_193 = tpu.memref_slice %arg9[%dma_wait3A_192] : memref<100000xf32, #tpu.memory_space<hbm>> -> memref<100000xf32, #tpu.memory_space<hbm>>
    tpu.wait_indirect_dma semaphore(%arg26 : memref<!tpu.dma_semaphore, #tpu.memory_space<semaphore_mem>>) src(%dma_wait3A_193 : memref<100000xf32, #tpu.memory_space<hbm>>) dst(%dma_wait3A_188 : memref<128xf32, #tpu.memory_space<vmem>>)
    %dma_start3A_194 = arith.constant 3 : i32
    %dma_start3A_195 = arith.constant 384 : i32
    %dma_start3A_196 = tpu.memref_slice %arg25[%dma_start3A_195] : memref<512xf32, #tpu.memory_space<vmem>> -> memref<128xf32, #tpu.memory_space<vmem>>
    %dma_start3A_197 = arith.constant 0 : i32
    %dma_start3A_198 = tpu.memref_slice %arg22[%dma_start3A_194, %dma_start3A_197] : memref<4x128xi32, #tpu.memory_space<vmem>> -> memref<1x128xi32, #tpu.memory_space<vmem>>
    %dma_start3A_199 = tpu.memref_squeeze %dma_start3A_198 : memref<1x128xi32, #tpu.memory_space<vmem>> -> memref<128xi32, #tpu.memory_space<vmem>>
    %dma_start3A_200 = arith.constant 0 : i32
    %dma_start3A_201 = tpu.memref_slice %arg10[%dma_start3A_200] : memref<100000xf32, #tpu.memory_space<hbm>> -> memref<100000xf32, #tpu.memory_space<hbm>>
    tpu.enqueue_indirect_dma source(%dma_start3A_201 : memref<100000xf32, #tpu.memory_space<hbm>>) target(%dma_start3A_196 : memref<128xf32, #tpu.memory_space<vmem>>) offsets(%dma_start3A_199 : memref<128xi32, #tpu.memory_space<vmem>>) semaphore(%arg26 : memref<!tpu.dma_semaphore, #tpu.memory_space<semaphore_mem>>)
    %dma_wait3A_202 = arith.constant 3 : i32
    %dma_wait3A_203 = arith.constant 384 : i32
    %dma_wait3A_204 = tpu.memref_slice %arg25[%dma_wait3A_203] : memref<512xf32, #tpu.memory_space<vmem>> -> memref<128xf32, #tpu.memory_space<vmem>>
    %dma_wait3A_205 = arith.constant 0 : i32
    %dma_wait3A_206 = tpu.memref_slice %arg22[%dma_wait3A_202, %dma_wait3A_205] : memref<4x128xi32, #tpu.memory_space<vmem>> -> memref<1x128xi32, #tpu.memory_space<vmem>>
    %dma_wait3A_207 = tpu.memref_squeeze %dma_wait3A_206 : memref<1x128xi32, #tpu.memory_space<vmem>> -> memref<128xi32, #tpu.memory_space<vmem>>
    %dma_wait3A_208 = arith.constant 0 : i32
    %dma_wait3A_209 = tpu.memref_slice %arg10[%dma_wait3A_208] : memref<100000xf32, #tpu.memory_space<hbm>> -> memref<100000xf32, #tpu.memory_space<hbm>>
    tpu.wait_indirect_dma semaphore(%arg26 : memref<!tpu.dma_semaphore, #tpu.memory_space<semaphore_mem>>) src(%dma_wait3A_209 : memref<100000xf32, #tpu.memory_space<hbm>>) dst(%dma_wait3A_204 : memref<128xf32, #tpu.memory_space<vmem>>)
    %mul3A_210 = arith.constant 16 : i32
    %mul3A_211 = arith.muli %mul3A_2, %mul3A_210 : i32
    %add3A_212 = arith.constant 0 : i32
    %add3A_213 = arith.addi %mul3A_211, %add3A_212 : i32
    %run_scoped3A = arith.constant 0 : i32
    "tpu.region"() ({
      %run_scoped3A_235 = tpu.sem_alloc : memref<!tpu.dma_semaphore, #tpu.memory_space<semaphore_mem>>
      %dma_start3A_236 = arith.constant 0 : i32
      %dma_start3A_237 = tpu.memref_slice %arg22[%run_scoped3A, %dma_start3A_236] : memref<4x128xi32, #tpu.memory_space<vmem>> -> memref<1x128xi32, #tpu.memory_space<vmem>>
      %dma_start3A_238 = tpu.memref_squeeze %dma_start3A_237 : memref<1x128xi32, #tpu.memory_space<vmem>> -> memref<128xi32, #tpu.memory_space<vmem>>
      %dma_start3A_239 = tpu.memref_slice %arg11[%add3A_213] : memref<16384xi32, #tpu.memory_space<hbm>> -> memref<128xi32, #tpu.memory_space<hbm>>
      %dma_start3A_240 = tpu.memref_slice %arg11[%add3A_213] : memref<16384xi32, #tpu.memory_space<hbm>> -> memref<128xi32, #tpu.memory_space<hbm>>
      %dma_start3A_241 = arith.constant 0 : i32
      %dma_start3A_242 = tpu.memref_slice %arg22[%run_scoped3A, %dma_start3A_241] : memref<4x128xi32, #tpu.memory_space<vmem>> -> memref<1x128xi32, #tpu.memory_space<vmem>>
      %dma_start3A_243 = tpu.memref_squeeze %dma_start3A_242 : memref<1x128xi32, #tpu.memory_space<vmem>> -> memref<128xi32, #tpu.memory_space<vmem>>
      tpu.enqueue_dma source(%dma_start3A_243 : memref<128xi32, #tpu.memory_space<vmem>>) target(%dma_start3A_240 : memref<128xi32, #tpu.memory_space<hbm>>) target_semaphore(%run_scoped3A_235 : memref<!tpu.dma_semaphore, #tpu.memory_space<semaphore_mem>>)
      %dma_wait3A_244 = arith.constant 0 : i32
      %dma_wait3A_245 = tpu.memref_slice %arg22[%run_scoped3A, %dma_wait3A_244] : memref<4x128xi32, #tpu.memory_space<vmem>> -> memref<1x128xi32, #tpu.memory_space<vmem>>
      %dma_wait3A_246 = tpu.memref_squeeze %dma_wait3A_245 : memref<1x128xi32, #tpu.memory_space<vmem>> -> memref<128xi32, #tpu.memory_space<vmem>>
      %dma_wait3A_247 = tpu.memref_slice %arg11[%add3A_213] : memref<16384xi32, #tpu.memory_space<hbm>> -> memref<128xi32, #tpu.memory_space<hbm>>
      %dma_wait3A_248 = tpu.memref_slice %arg11[%add3A_213] : memref<16384xi32, #tpu.memory_space<hbm>> -> memref<128xi32, #tpu.memory_space<hbm>>
      %dma_wait3A_249 = arith.constant 0 : i32
      %dma_wait3A_250 = tpu.memref_slice %arg22[%run_scoped3A, %dma_wait3A_249] : memref<4x128xi32, #tpu.memory_space<vmem>> -> memref<1x128xi32, #tpu.memory_space<vmem>>
      %dma_wait3A_251 = tpu.memref_squeeze %dma_wait3A_250 : memref<1x128xi32, #tpu.memory_space<vmem>> -> memref<128xi32, #tpu.memory_space<vmem>>
      tpu.wait_dma2 semaphore(%run_scoped3A_235 : memref<!tpu.dma_semaphore, #tpu.memory_space<semaphore_mem>>) src(%dma_wait3A_251 : memref<128xi32, #tpu.memory_space<vmem>>) dst(%dma_wait3A_248 : memref<128xi32, #tpu.memory_space<hbm>>)
      tpu.yield
    }) : () -> ()
    %mul3A_214 = arith.constant 16 : i32
    %mul3A_215 = arith.muli %mul3A_2, %mul3A_214 : i32
    %add3A_216 = arith.constant 128 : i32
    %add3A_217 = arith.addi %mul3A_215, %add3A_216 : i32
    %run_scoped3A_218 = arith.constant 1 : i32
    "tpu.region"() ({
      %run_scoped3A_235 = tpu.sem_alloc : memref<!tpu.dma_semaphore, #tpu.memory_space<semaphore_mem>>
      %dma_start3A_236 = arith.constant 0 : i32
      %dma_start3A_237 = tpu.memref_slice %arg22[%run_scoped3A_218, %dma_start3A_236] : memref<4x128xi32, #tpu.memory_space<vmem>> -> memref<1x128xi32, #tpu.memory_space<vmem>>
      %dma_start3A_238 = tpu.memref_squeeze %dma_start3A_237 : memref<1x128xi32, #tpu.memory_space<vmem>> -> memref<128xi32, #tpu.memory_space<vmem>>
      %dma_start3A_239 = tpu.memref_slice %arg11[%add3A_217] : memref<16384xi32, #tpu.memory_space<hbm>> -> memref<128xi32, #tpu.memory_space<hbm>>
      %dma_start3A_240 = tpu.memref_slice %arg11[%add3A_217] : memref<16384xi32, #tpu.memory_space<hbm>> -> memref<128xi32, #tpu.memory_space<hbm>>
      %dma_start3A_241 = arith.constant 0 : i32
      %dma_start3A_242 = tpu.memref_slice %arg22[%run_scoped3A_218, %dma_start3A_241] : memref<4x128xi32, #tpu.memory_space<vmem>> -> memref<1x128xi32, #tpu.memory_space<vmem>>
      %dma_start3A_243 = tpu.memref_squeeze %dma_start3A_242 : memref<1x128xi32, #tpu.memory_space<vmem>> -> memref<128xi32, #tpu.memory_space<vmem>>
      tpu.enqueue_dma source(%dma_start3A_243 : memref<128xi32, #tpu.memory_space<vmem>>) target(%dma_start3A_240 : memref<128xi32, #tpu.memory_space<hbm>>) target_semaphore(%run_scoped3A_235 : memref<!tpu.dma_semaphore, #tpu.memory_space<semaphore_mem>>)
      %dma_wait3A_244 = arith.constant 0 : i32
      %dma_wait3A_245 = tpu.memref_slice %arg22[%run_scoped3A_218, %dma_wait3A_244] : memref<4x128xi32, #tpu.memory_space<vmem>> -> memref<1x128xi32, #tpu.memory_space<vmem>>
      %dma_wait3A_246 = tpu.memref_squeeze %dma_wait3A_245 : memref<1x128xi32, #tpu.memory_space<vmem>> -> memref<128xi32, #tpu.memory_space<vmem>>
      %dma_wait3A_247 = tpu.memref_slice %arg11[%add3A_217] : memref<16384xi32, #tpu.memory_space<hbm>> -> memref<128xi32, #tpu.memory_space<hbm>>
      %dma_wait3A_248 = tpu.memref_slice %arg11[%add3A_217] : memref<16384xi32, #tpu.memory_space<hbm>> -> memref<128xi32, #tpu.memory_space<hbm>>
      %dma_wait3A_249 = arith.constant 0 : i32
      %dma_wait3A_250 = tpu.memref_slice %arg22[%run_scoped3A_218, %dma_wait3A_249] : memref<4x128xi32, #tpu.memory_space<vmem>> -> memref<1x128xi32, #tpu.memory_space<vmem>>
      %dma_wait3A_251 = tpu.memref_squeeze %dma_wait3A_250 : memref<1x128xi32, #tpu.memory_space<vmem>> -> memref<128xi32, #tpu.memory_space<vmem>>
      tpu.wait_dma2 semaphore(%run_scoped3A_235 : memref<!tpu.dma_semaphore, #tpu.memory_space<semaphore_mem>>) src(%dma_wait3A_251 : memref<128xi32, #tpu.memory_space<vmem>>) dst(%dma_wait3A_248 : memref<128xi32, #tpu.memory_space<hbm>>)
      tpu.yield
    }) : () -> ()
    %mul3A_219 = arith.constant 16 : i32
    %mul3A_220 = arith.muli %mul3A_2, %mul3A_219 : i32
    %add3A_221 = arith.constant 256 : i32
    %add3A_222 = arith.addi %mul3A_220, %add3A_221 : i32
    %run_scoped3A_223 = arith.constant 2 : i32
    "tpu.region"() ({
      %run_scoped3A_235 = tpu.sem_alloc : memref<!tpu.dma_semaphore, #tpu.memory_space<semaphore_mem>>
      %dma_start3A_236 = arith.constant 0 : i32
      %dma_start3A_237 = tpu.memref_slice %arg22[%run_scoped3A_223, %dma_start3A_236] : memref<4x128xi32, #tpu.memory_space<vmem>> -> memref<1x128xi32, #tpu.memory_space<vmem>>
      %dma_start3A_238 = tpu.memref_squeeze %dma_start3A_237 : memref<1x128xi32, #tpu.memory_space<vmem>> -> memref<128xi32, #tpu.memory_space<vmem>>
      %dma_start3A_239 = tpu.memref_slice %arg11[%add3A_222] : memref<16384xi32, #tpu.memory_space<hbm>> -> memref<128xi32, #tpu.memory_space<hbm>>
      %dma_start3A_240 = tpu.memref_slice %arg11[%add3A_222] : memref<16384xi32, #tpu.memory_space<hbm>> -> memref<128xi32, #tpu.memory_space<hbm>>
      %dma_start3A_241 = arith.constant 0 : i32
      %dma_start3A_242 = tpu.memref_slice %arg22[%run_scoped3A_223, %dma_start3A_241] : memref<4x128xi32, #tpu.memory_space<vmem>> -> memref<1x128xi32, #tpu.memory_space<vmem>>
      %dma_start3A_243 = tpu.memref_squeeze %dma_start3A_242 : memref<1x128xi32, #tpu.memory_space<vmem>> -> memref<128xi32, #tpu.memory_space<vmem>>
      tpu.enqueue_dma source(%dma_start3A_243 : memref<128xi32, #tpu.memory_space<vmem>>) target(%dma_start3A_240 : memref<128xi32, #tpu.memory_space<hbm>>) target_semaphore(%run_scoped3A_235 : memref<!tpu.dma_semaphore, #tpu.memory_space<semaphore_mem>>)
      %dma_wait3A_244 = arith.constant 0 : i32
      %dma_wait3A_245 = tpu.memref_slice %arg22[%run_scoped3A_223, %dma_wait3A_244] : memref<4x128xi32, #tpu.memory_space<vmem>> -> memref<1x128xi32, #tpu.memory_space<vmem>>
      %dma_wait3A_246 = tpu.memref_squeeze %dma_wait3A_245 : memref<1x128xi32, #tpu.memory_space<vmem>> -> memref<128xi32, #tpu.memory_space<vmem>>
      %dma_wait3A_247 = tpu.memref_slice %arg11[%add3A_222] : memref<16384xi32, #tpu.memory_space<hbm>> -> memref<128xi32, #tpu.memory_space<hbm>>
      %dma_wait3A_248 = tpu.memref_slice %arg11[%add3A_222] : memref<16384xi32, #tpu.memory_space<hbm>> -> memref<128xi32, #tpu.memory_space<hbm>>
      %dma_wait3A_249 = arith.constant 0 : i32
      %dma_wait3A_250 = tpu.memref_slice %arg22[%run_scoped3A_223, %dma_wait3A_249] : memref<4x128xi32, #tpu.memory_space<vmem>> -> memref<1x128xi32, #tpu.memory_space<vmem>>
      %dma_wait3A_251 = tpu.memref_squeeze %dma_wait3A_250 : memref<1x128xi32, #tpu.memory_space<vmem>> -> memref<128xi32, #tpu.memory_space<vmem>>
      tpu.wait_dma2 semaphore(%run_scoped3A_235 : memref<!tpu.dma_semaphore, #tpu.memory_space<semaphore_mem>>) src(%dma_wait3A_251 : memref<128xi32, #tpu.memory_space<vmem>>) dst(%dma_wait3A_248 : memref<128xi32, #tpu.memory_space<hbm>>)
      tpu.yield
    }) : () -> ()
    %mul3A_224 = arith.constant 16 : i32
    %mul3A_225 = arith.muli %mul3A_2, %mul3A_224 : i32
    %add3A_226 = arith.constant 384 : i32
    %add3A_227 = arith.addi %mul3A_225, %add3A_226 : i32
    %run_scoped3A_228 = arith.constant 3 : i32
    "tpu.region"() ({
      %run_scoped3A_235 = tpu.sem_alloc : memref<!tpu.dma_semaphore, #tpu.memory_space<semaphore_mem>>
      %dma_start3A_236 = arith.constant 0 : i32
      %dma_start3A_237 = tpu.memref_slice %arg22[%run_scoped3A_228, %dma_start3A_236] : memref<4x128xi32, #tpu.memory_space<vmem>> -> memref<1x128xi32, #tpu.memory_space<vmem>>
      %dma_start3A_238 = tpu.memref_squeeze %dma_start3A_237 : memref<1x128xi32, #tpu.memory_space<vmem>> -> memref<128xi32, #tpu.memory_space<vmem>>
      %dma_start3A_239 = tpu.memref_slice %arg11[%add3A_227] : memref<16384xi32, #tpu.memory_space<hbm>> -> memref<128xi32, #tpu.memory_space<hbm>>
      %dma_start3A_240 = tpu.memref_slice %arg11[%add3A_227] : memref<16384xi32, #tpu.memory_space<hbm>> -> memref<128xi32, #tpu.memory_space<hbm>>
      %dma_start3A_241 = arith.constant 0 : i32
      %dma_start3A_242 = tpu.memref_slice %arg22[%run_scoped3A_228, %dma_start3A_241] : memref<4x128xi32, #tpu.memory_space<vmem>> -> memref<1x128xi32, #tpu.memory_space<vmem>>
      %dma_start3A_243 = tpu.memref_squeeze %dma_start3A_242 : memref<1x128xi32, #tpu.memory_space<vmem>> -> memref<128xi32, #tpu.memory_space<vmem>>
      tpu.enqueue_dma source(%dma_start3A_243 : memref<128xi32, #tpu.memory_space<vmem>>) target(%dma_start3A_240 : memref<128xi32, #tpu.memory_space<hbm>>) target_semaphore(%run_scoped3A_235 : memref<!tpu.dma_semaphore, #tpu.memory_space<semaphore_mem>>)
      %dma_wait3A_244 = arith.constant 0 : i32
      %dma_wait3A_245 = tpu.memref_slice %arg22[%run_scoped3A_228, %dma_wait3A_244] : memref<4x128xi32, #tpu.memory_space<vmem>> -> memref<1x128xi32, #tpu.memory_space<vmem>>
      %dma_wait3A_246 = tpu.memref_squeeze %dma_wait3A_245 : memref<1x128xi32, #tpu.memory_space<vmem>> -> memref<128xi32, #tpu.memory_space<vmem>>
      %dma_wait3A_247 = tpu.memref_slice %arg11[%add3A_227] : memref<16384xi32, #tpu.memory_space<hbm>> -> memref<128xi32, #tpu.memory_space<hbm>>
      %dma_wait3A_248 = tpu.memref_slice %arg11[%add3A_227] : memref<16384xi32, #tpu.memory_space<hbm>> -> memref<128xi32, #tpu.memory_space<hbm>>
      %dma_wait3A_249 = arith.constant 0 : i32
      %dma_wait3A_250 = tpu.memref_slice %arg22[%run_scoped3A_228, %dma_wait3A_249] : memref<4x128xi32, #tpu.memory_space<vmem>> -> memref<1x128xi32, #tpu.memory_space<vmem>>
      %dma_wait3A_251 = tpu.memref_squeeze %dma_wait3A_250 : memref<1x128xi32, #tpu.memory_space<vmem>> -> memref<128xi32, #tpu.memory_space<vmem>>
      tpu.wait_dma2 semaphore(%run_scoped3A_235 : memref<!tpu.dma_semaphore, #tpu.memory_space<semaphore_mem>>) src(%dma_wait3A_251 : memref<128xi32, #tpu.memory_space<vmem>>) dst(%dma_wait3A_248 : memref<128xi32, #tpu.memory_space<hbm>>)
      tpu.yield
    }) : () -> ()
    %mul3A_229 = arith.constant 16 : i32
    %mul3A_230 = arith.muli %mul3A_2, %mul3A_229 : i32
    "tpu.region"() ({
      %run_scoped3A_235 = tpu.sem_alloc : memref<!tpu.dma_semaphore, #tpu.memory_space<semaphore_mem>>
      %dma_start3A_236 = tpu.memref_slice %arg12[%mul3A_230] : memref<16384xf32, #tpu.memory_space<hbm>> -> memref<512xf32, #tpu.memory_space<hbm>>
      %dma_start3A_237 = tpu.memref_slice %arg12[%mul3A_230] : memref<16384xf32, #tpu.memory_space<hbm>> -> memref<512xf32, #tpu.memory_space<hbm>>
      tpu.enqueue_dma source(%arg23 : memref<512xf32, #tpu.memory_space<vmem>>) target(%dma_start3A_237 : memref<512xf32, #tpu.memory_space<hbm>>) target_semaphore(%run_scoped3A_235 : memref<!tpu.dma_semaphore, #tpu.memory_space<semaphore_mem>>)
      %dma_wait3A_238 = tpu.memref_slice %arg12[%mul3A_230] : memref<16384xf32, #tpu.memory_space<hbm>> -> memref<512xf32, #tpu.memory_space<hbm>>
      %dma_wait3A_239 = tpu.memref_slice %arg12[%mul3A_230] : memref<16384xf32, #tpu.memory_space<hbm>> -> memref<512xf32, #tpu.memory_space<hbm>>
      tpu.wait_dma2 semaphore(%run_scoped3A_235 : memref<!tpu.dma_semaphore, #tpu.memory_space<semaphore_mem>>) src(%arg23 : memref<512xf32, #tpu.memory_space<vmem>>) dst(%dma_wait3A_239 : memref<512xf32, #tpu.memory_space<hbm>>)
      tpu.yield
    }) : () -> ()
    %mul3A_231 = arith.constant 16 : i32
    %mul3A_232 = arith.muli %mul3A_2, %mul3A_231 : i32
    "tpu.region"() ({
      %run_scoped3A_235 = tpu.sem_alloc : memref<!tpu.dma_semaphore, #tpu.memory_space<semaphore_mem>>
      %dma_start3A_236 = tpu.memref_slice %arg13[%mul3A_232] : memref<16384xf32, #tpu.memory_space<hbm>> -> memref<512xf32, #tpu.memory_space<hbm>>
      %dma_start3A_237 = tpu.memref_slice %arg13[%mul3A_232] : memref<16384xf32, #tpu.memory_space<hbm>> -> memref<512xf32, #tpu.memory_space<hbm>>
      tpu.enqueue_dma source(%arg24 : memref<512xf32, #tpu.memory_space<vmem>>) target(%dma_start3A_237 : memref<512xf32, #tpu.memory_space<hbm>>) target_semaphore(%run_scoped3A_235 : memref<!tpu.dma_semaphore, #tpu.memory_space<semaphore_mem>>)
      %dma_wait3A_238 = tpu.memref_slice %arg13[%mul3A_232] : memref<16384xf32, #tpu.memory_space<hbm>> -> memref<512xf32, #tpu.memory_space<hbm>>
      %dma_wait3A_239 = tpu.memref_slice %arg13[%mul3A_232] : memref<16384xf32, #tpu.memory_space<hbm>> -> memref<512xf32, #tpu.memory_space<hbm>>
      tpu.wait_dma2 semaphore(%run_scoped3A_235 : memref<!tpu.dma_semaphore, #tpu.memory_space<semaphore_mem>>) src(%arg24 : memref<512xf32, #tpu.memory_space<vmem>>) dst(%dma_wait3A_239 : memref<512xf32, #tpu.memory_space<hbm>>)
      tpu.yield
    }) : () -> ()
    %mul3A_233 = arith.constant 16 : i32
    %mul3A_234 = arith.muli %mul3A_2, %mul3A_233 : i32
    "tpu.region"() ({
      %run_scoped3A_235 = tpu.sem_alloc : memref<!tpu.dma_semaphore, #tpu.memory_space<semaphore_mem>>
      %dma_start3A_236 = tpu.memref_slice %arg14[%mul3A_234] : memref<16384xf32, #tpu.memory_space<hbm>> -> memref<512xf32, #tpu.memory_space<hbm>>
      %dma_start3A_237 = tpu.memref_slice %arg14[%mul3A_234] : memref<16384xf32, #tpu.memory_space<hbm>> -> memref<512xf32, #tpu.memory_space<hbm>>
      tpu.enqueue_dma source(%arg25 : memref<512xf32, #tpu.memory_space<vmem>>) target(%dma_start3A_237 : memref<512xf32, #tpu.memory_space<hbm>>) target_semaphore(%run_scoped3A_235 : memref<!tpu.dma_semaphore, #tpu.memory_space<semaphore_mem>>)
      %dma_wait3A_238 = tpu.memref_slice %arg14[%mul3A_234] : memref<16384xf32, #tpu.memory_space<hbm>> -> memref<512xf32, #tpu.memory_space<hbm>>
      %dma_wait3A_239 = tpu.memref_slice %arg14[%mul3A_234] : memref<16384xf32, #tpu.memory_space<hbm>> -> memref<512xf32, #tpu.memory_space<hbm>>
      tpu.wait_dma2 semaphore(%run_scoped3A_235 : memref<!tpu.dma_semaphore, #tpu.memory_space<semaphore_mem>>) src(%arg25 : memref<512xf32, #tpu.memory_space<vmem>>) dst(%dma_wait3A_239 : memref<512xf32, #tpu.memory_space<hbm>>)
      tpu.yield
    }) : () -> ()
    return
  }
}

module attributes {stable_mosaic.version = 14 : i64} {
  func.func @_feat_body(%arg0: memref<782x128xf32, #tpu.memory_space<vmem>>, %arg1: memref<782x128xf32, #tpu.memory_space<vmem>>, %arg2: memref<782x128xf32, #tpu.memory_space<vmem>>, %arg3: memref<782x128xf32, #tpu.memory_space<vmem>>, %arg4: memref<782x128xf32, #tpu.memory_space<vmem>>) attributes {dimension_semantics = [], scalar_prefetch = 0 : i64, scratch_operands = 0 : i64, tpu.core_type = #tpu.core_type<tc>} {
    %get3A = arith.constant 0 : index
    %get3A_0 = arith.constant 0 : index
    %get3A_1 = vector.load %arg0[%get3A, %get3A_0] : memref<782x128xf32, #tpu.memory_space<vmem>>, vector<782x128xf32>
    %get3A_2 = arith.constant 0 : index
    %get3A_3 = arith.constant 0 : index
    %get3A_4 = vector.load %arg1[%get3A_2, %get3A_3] : memref<782x128xf32, #tpu.memory_space<vmem>>, vector<782x128xf32>
    %mul3A = arith.mulf %get3A_1, %get3A_1 : vector<782x128xf32>
    %mul3A_5 = arith.constant 2.08767559E-9 : f32
    %mul3A_6 = vector.broadcast %mul3A_5 : f32 to vector<782x128xf32>
    %mul3A_7 = arith.mulf %mul3A_6, %mul3A : vector<782x128xf32>
    %add3A = arith.constant -2.755732E-7 : f32
    %add3A_8 = vector.broadcast %add3A : f32 to vector<782x128xf32>
    %add3A_9 = arith.addf %mul3A_7, %add3A_8 : vector<782x128xf32>
    %mul3A_10 = arith.mulf %add3A_9, %mul3A : vector<782x128xf32>
    %add3A_11 = arith.constant 2.48015876E-5 : f32
    %add3A_12 = vector.broadcast %add3A_11 : f32 to vector<782x128xf32>
    %add3A_13 = arith.addf %mul3A_10, %add3A_12 : vector<782x128xf32>
    %mul3A_14 = arith.mulf %add3A_13, %mul3A : vector<782x128xf32>
    %add3A_15 = arith.constant -0.00138888892 : f32
    %add3A_16 = vector.broadcast %add3A_15 : f32 to vector<782x128xf32>
    %add3A_17 = arith.addf %mul3A_14, %add3A_16 : vector<782x128xf32>
    %mul3A_18 = arith.mulf %add3A_17, %mul3A : vector<782x128xf32>
    %add3A_19 = arith.constant 0.0416666679 : f32
    %add3A_20 = vector.broadcast %add3A_19 : f32 to vector<782x128xf32>
    %add3A_21 = arith.addf %mul3A_18, %add3A_20 : vector<782x128xf32>
    %mul3A_22 = arith.mulf %add3A_21, %mul3A : vector<782x128xf32>
    %add3A_23 = arith.constant -5.000000e-01 : f32
    %add3A_24 = vector.broadcast %add3A_23 : f32 to vector<782x128xf32>
    %add3A_25 = arith.addf %mul3A_22, %add3A_24 : vector<782x128xf32>
    %mul3A_26 = arith.mulf %add3A_25, %mul3A : vector<782x128xf32>
    %add3A_27 = arith.constant 1.000000e+00 : f32
    %add3A_28 = vector.broadcast %add3A_27 : f32 to vector<782x128xf32>
    %add3A_29 = arith.addf %mul3A_26, %add3A_28 : vector<782x128xf32>
    %mul3A_30 = arith.mulf %get3A_1, %get3A_1 : vector<782x128xf32>
    %mul3A_31 = arith.constant -2.50521079E-8 : f32
    %mul3A_32 = vector.broadcast %mul3A_31 : f32 to vector<782x128xf32>
    %mul3A_33 = arith.mulf %mul3A_32, %mul3A_30 : vector<782x128xf32>
    %add3A_34 = arith.constant 2.75573188E-6 : f32
    %add3A_35 = vector.broadcast %add3A_34 : f32 to vector<782x128xf32>
    %add3A_36 = arith.addf %mul3A_33, %add3A_35 : vector<782x128xf32>
    %mul3A_37 = arith.mulf %add3A_36, %mul3A_30 : vector<782x128xf32>
    %add3A_38 = arith.constant -1.98412701E-4 : f32
    %add3A_39 = vector.broadcast %add3A_38 : f32 to vector<782x128xf32>
    %add3A_40 = arith.addf %mul3A_37, %add3A_39 : vector<782x128xf32>
    %mul3A_41 = arith.mulf %add3A_40, %mul3A_30 : vector<782x128xf32>
    %add3A_42 = arith.constant 0.00833333377 : f32
    %add3A_43 = vector.broadcast %add3A_42 : f32 to vector<782x128xf32>
    %add3A_44 = arith.addf %mul3A_41, %add3A_43 : vector<782x128xf32>
    %mul3A_45 = arith.mulf %add3A_44, %mul3A_30 : vector<782x128xf32>
    %add3A_46 = arith.constant -0.166666672 : f32
    %add3A_47 = vector.broadcast %add3A_46 : f32 to vector<782x128xf32>
    %add3A_48 = arith.addf %mul3A_45, %add3A_47 : vector<782x128xf32>
    %mul3A_49 = arith.mulf %add3A_48, %mul3A_30 : vector<782x128xf32>
    %add3A_50 = arith.constant 1.000000e+00 : f32
    %add3A_51 = vector.broadcast %add3A_50 : f32 to vector<782x128xf32>
    %add3A_52 = arith.addf %mul3A_49, %add3A_51 : vector<782x128xf32>
    %mul3A_53 = arith.mulf %get3A_1, %add3A_52 : vector<782x128xf32>
    %swap3A = arith.constant 0 : index
    %swap3A_54 = arith.constant 0 : index
    %swap3A_55 = vector.load %arg2[%swap3A, %swap3A_54] : memref<782x128xf32, #tpu.memory_space<vmem>>, vector<782x128xf32>
    tpu.vector_store %arg2[%swap3A, %swap3A_54], %mul3A_53 {strides = array<i32>} : memref<782x128xf32, #tpu.memory_space<vmem>>, vector<782x128xf32>,
    %mul3A_56 = arith.mulf %get3A_4, %get3A_4 : vector<782x128xf32>
    %mul3A_57 = arith.constant 2.08767559E-9 : f32
    %mul3A_58 = vector.broadcast %mul3A_57 : f32 to vector<782x128xf32>
    %mul3A_59 = arith.mulf %mul3A_58, %mul3A_56 : vector<782x128xf32>
    %add3A_60 = arith.constant -2.755732E-7 : f32
    %add3A_61 = vector.broadcast %add3A_60 : f32 to vector<782x128xf32>
    %add3A_62 = arith.addf %mul3A_59, %add3A_61 : vector<782x128xf32>
    %mul3A_63 = arith.mulf %add3A_62, %mul3A_56 : vector<782x128xf32>
    %add3A_64 = arith.constant 2.48015876E-5 : f32
    %add3A_65 = vector.broadcast %add3A_64 : f32 to vector<782x128xf32>
    %add3A_66 = arith.addf %mul3A_63, %add3A_65 : vector<782x128xf32>
    %mul3A_67 = arith.mulf %add3A_66, %mul3A_56 : vector<782x128xf32>
    %add3A_68 = arith.constant -0.00138888892 : f32
    %add3A_69 = vector.broadcast %add3A_68 : f32 to vector<782x128xf32>
    %add3A_70 = arith.addf %mul3A_67, %add3A_69 : vector<782x128xf32>
    %mul3A_71 = arith.mulf %add3A_70, %mul3A_56 : vector<782x128xf32>
    %add3A_72 = arith.constant 0.0416666679 : f32
    %add3A_73 = vector.broadcast %add3A_72 : f32 to vector<782x128xf32>
    %add3A_74 = arith.addf %mul3A_71, %add3A_73 : vector<782x128xf32>
    %mul3A_75 = arith.mulf %add3A_74, %mul3A_56 : vector<782x128xf32>
    %add3A_76 = arith.constant -5.000000e-01 : f32
    %add3A_77 = vector.broadcast %add3A_76 : f32 to vector<782x128xf32>
    %add3A_78 = arith.addf %mul3A_75, %add3A_77 : vector<782x128xf32>
    %mul3A_79 = arith.mulf %add3A_78, %mul3A_56 : vector<782x128xf32>
    %add3A_80 = arith.constant 1.000000e+00 : f32
    %add3A_81 = vector.broadcast %add3A_80 : f32 to vector<782x128xf32>
    %add3A_82 = arith.addf %mul3A_79, %add3A_81 : vector<782x128xf32>
    %mul3A_83 = arith.mulf %add3A_29, %add3A_82 : vector<782x128xf32>
    %swap3A_84 = arith.constant 0 : index
    %swap3A_85 = arith.constant 0 : index
    %swap3A_86 = vector.load %arg3[%swap3A_84, %swap3A_85] : memref<782x128xf32, #tpu.memory_space<vmem>>, vector<782x128xf32>
    tpu.vector_store %arg3[%swap3A_84, %swap3A_85], %mul3A_83 {strides = array<i32>} : memref<782x128xf32, #tpu.memory_space<vmem>>, vector<782x128xf32>,
    %mul3A_87 = arith.mulf %get3A_4, %get3A_4 : vector<782x128xf32>
    %mul3A_88 = arith.constant -2.50521079E-8 : f32
    %mul3A_89 = vector.broadcast %mul3A_88 : f32 to vector<782x128xf32>
    %mul3A_90 = arith.mulf %mul3A_89, %mul3A_87 : vector<782x128xf32>
    %add3A_91 = arith.constant 2.75573188E-6 : f32
    %add3A_92 = vector.broadcast %add3A_91 : f32 to vector<782x128xf32>
    %add3A_93 = arith.addf %mul3A_90, %add3A_92 : vector<782x128xf32>
    %mul3A_94 = arith.mulf %add3A_93, %mul3A_87 : vector<782x128xf32>
    %add3A_95 = arith.constant -1.98412701E-4 : f32
    %add3A_96 = vector.broadcast %add3A_95 : f32 to vector<782x128xf32>
    %add3A_97 = arith.addf %mul3A_94, %add3A_96 : vector<782x128xf32>
    %mul3A_98 = arith.mulf %add3A_97, %mul3A_87 : vector<782x128xf32>
    %add3A_99 = arith.constant 0.00833333377 : f32
    %add3A_100 = vector.broadcast %add3A_99 : f32 to vector<782x128xf32>
    %add3A_101 = arith.addf %mul3A_98, %add3A_100 : vector<782x128xf32>
    %mul3A_102 = arith.mulf %add3A_101, %mul3A_87 : vector<782x128xf32>
    %add3A_103 = arith.constant -0.166666672 : f32
    %add3A_104 = vector.broadcast %add3A_103 : f32 to vector<782x128xf32>
    %add3A_105 = arith.addf %mul3A_102, %add3A_104 : vector<782x128xf32>
    %mul3A_106 = arith.mulf %add3A_105, %mul3A_87 : vector<782x128xf32>
    %add3A_107 = arith.constant 1.000000e+00 : f32
    %add3A_108 = vector.broadcast %add3A_107 : f32 to vector<782x128xf32>
    %add3A_109 = arith.addf %mul3A_106, %add3A_108 : vector<782x128xf32>
    %mul3A_110 = arith.mulf %get3A_4, %add3A_109 : vector<782x128xf32>
    %mul3A_111 = arith.mulf %add3A_29, %mul3A_110 : vector<782x128xf32>
    %swap3A_112 = arith.constant 0 : index
    %swap3A_113 = arith.constant 0 : index
    %swap3A_114 = vector.load %arg4[%swap3A_112, %swap3A_113] : memref<782x128xf32, #tpu.memory_space<vmem>>, vector<782x128xf32>
    tpu.vector_store %arg4[%swap3A_112, %swap3A_113], %mul3A_111 {strides = array<i32>} : memref<782x128xf32, #tpu.memory_space<vmem>>, vector<782x128xf32>,
    return
  }
}

module attributes {stable_mosaic.version = 14 : i64} {
  func.func @_feat_body(%arg0: memref<8x128xf32, #tpu.memory_space<vmem>>, %arg1: memref<8x128xf32, #tpu.memory_space<vmem>>, %arg2: memref<8x128xf32, #tpu.memory_space<vmem>>, %arg3: memref<8x128xf32, #tpu.memory_space<vmem>>, %arg4: memref<8x128xf32, #tpu.memory_space<vmem>>) attributes {dimension_semantics = [], scalar_prefetch = 0 : i64, scratch_operands = 0 : i64, tpu.core_type = #tpu.core_type<tc>} {
    %get3A = arith.constant 0 : index
    %get3A_0 = arith.constant 0 : index
    %get3A_1 = vector.load %arg0[%get3A, %get3A_0] : memref<8x128xf32, #tpu.memory_space<vmem>>, vector<8x128xf32>
    %get3A_2 = arith.constant 0 : index
    %get3A_3 = arith.constant 0 : index
    %get3A_4 = vector.load %arg1[%get3A_2, %get3A_3] : memref<8x128xf32, #tpu.memory_space<vmem>>, vector<8x128xf32>
    %mul3A = arith.mulf %get3A_1, %get3A_1 : vector<8x128xf32>
    %mul3A_5 = arith.constant 2.08767559E-9 : f32
    %mul3A_6 = vector.broadcast %mul3A_5 : f32 to vector<8x128xf32>
    %mul3A_7 = arith.mulf %mul3A_6, %mul3A : vector<8x128xf32>
    %add3A = arith.constant -2.755732E-7 : f32
    %add3A_8 = vector.broadcast %add3A : f32 to vector<8x128xf32>
    %add3A_9 = arith.addf %mul3A_7, %add3A_8 : vector<8x128xf32>
    %mul3A_10 = arith.mulf %add3A_9, %mul3A : vector<8x128xf32>
    %add3A_11 = arith.constant 2.48015876E-5 : f32
    %add3A_12 = vector.broadcast %add3A_11 : f32 to vector<8x128xf32>
    %add3A_13 = arith.addf %mul3A_10, %add3A_12 : vector<8x128xf32>
    %mul3A_14 = arith.mulf %add3A_13, %mul3A : vector<8x128xf32>
    %add3A_15 = arith.constant -0.00138888892 : f32
    %add3A_16 = vector.broadcast %add3A_15 : f32 to vector<8x128xf32>
    %add3A_17 = arith.addf %mul3A_14, %add3A_16 : vector<8x128xf32>
    %mul3A_18 = arith.mulf %add3A_17, %mul3A : vector<8x128xf32>
    %add3A_19 = arith.constant 0.0416666679 : f32
    %add3A_20 = vector.broadcast %add3A_19 : f32 to vector<8x128xf32>
    %add3A_21 = arith.addf %mul3A_18, %add3A_20 : vector<8x128xf32>
    %mul3A_22 = arith.mulf %add3A_21, %mul3A : vector<8x128xf32>
    %add3A_23 = arith.constant -5.000000e-01 : f32
    %add3A_24 = vector.broadcast %add3A_23 : f32 to vector<8x128xf32>
    %add3A_25 = arith.addf %mul3A_22, %add3A_24 : vector<8x128xf32>
    %mul3A_26 = arith.mulf %add3A_25, %mul3A : vector<8x128xf32>
    %add3A_27 = arith.constant 1.000000e+00 : f32
    %add3A_28 = vector.broadcast %add3A_27 : f32 to vector<8x128xf32>
    %add3A_29 = arith.addf %mul3A_26, %add3A_28 : vector<8x128xf32>
    %mul3A_30 = arith.mulf %get3A_1, %get3A_1 : vector<8x128xf32>
    %mul3A_31 = arith.constant -2.50521079E-8 : f32
    %mul3A_32 = vector.broadcast %mul3A_31 : f32 to vector<8x128xf32>
    %mul3A_33 = arith.mulf %mul3A_32, %mul3A_30 : vector<8x128xf32>
    %add3A_34 = arith.constant 2.75573188E-6 : f32
    %add3A_35 = vector.broadcast %add3A_34 : f32 to vector<8x128xf32>
    %add3A_36 = arith.addf %mul3A_33, %add3A_35 : vector<8x128xf32>
    %mul3A_37 = arith.mulf %add3A_36, %mul3A_30 : vector<8x128xf32>
    %add3A_38 = arith.constant -1.98412701E-4 : f32
    %add3A_39 = vector.broadcast %add3A_38 : f32 to vector<8x128xf32>
    %add3A_40 = arith.addf %mul3A_37, %add3A_39 : vector<8x128xf32>
    %mul3A_41 = arith.mulf %add3A_40, %mul3A_30 : vector<8x128xf32>
    %add3A_42 = arith.constant 0.00833333377 : f32
    %add3A_43 = vector.broadcast %add3A_42 : f32 to vector<8x128xf32>
    %add3A_44 = arith.addf %mul3A_41, %add3A_43 : vector<8x128xf32>
    %mul3A_45 = arith.mulf %add3A_44, %mul3A_30 : vector<8x128xf32>
    %add3A_46 = arith.constant -0.166666672 : f32
    %add3A_47 = vector.broadcast %add3A_46 : f32 to vector<8x128xf32>
    %add3A_48 = arith.addf %mul3A_45, %add3A_47 : vector<8x128xf32>
    %mul3A_49 = arith.mulf %add3A_48, %mul3A_30 : vector<8x128xf32>
    %add3A_50 = arith.constant 1.000000e+00 : f32
    %add3A_51 = vector.broadcast %add3A_50 : f32 to vector<8x128xf32>
    %add3A_52 = arith.addf %mul3A_49, %add3A_51 : vector<8x128xf32>
    %mul3A_53 = arith.mulf %get3A_1, %add3A_52 : vector<8x128xf32>
    %swap3A = arith.constant 0 : index
    %swap3A_54 = arith.constant 0 : index
    %swap3A_55 = vector.load %arg2[%swap3A, %swap3A_54] : memref<8x128xf32, #tpu.memory_space<vmem>>, vector<8x128xf32>
    tpu.vector_store %arg2[%swap3A, %swap3A_54], %mul3A_53 {strides = array<i32>} : memref<8x128xf32, #tpu.memory_space<vmem>>, vector<8x128xf32>,
    %mul3A_56 = arith.mulf %get3A_4, %get3A_4 : vector<8x128xf32>
    %mul3A_57 = arith.constant 2.08767559E-9 : f32
    %mul3A_58 = vector.broadcast %mul3A_57 : f32 to vector<8x128xf32>
    %mul3A_59 = arith.mulf %mul3A_58, %mul3A_56 : vector<8x128xf32>
    %add3A_60 = arith.constant -2.755732E-7 : f32
    %add3A_61 = vector.broadcast %add3A_60 : f32 to vector<8x128xf32>
    %add3A_62 = arith.addf %mul3A_59, %add3A_61 : vector<8x128xf32>
    %mul3A_63 = arith.mulf %add3A_62, %mul3A_56 : vector<8x128xf32>
    %add3A_64 = arith.constant 2.48015876E-5 : f32
    %add3A_65 = vector.broadcast %add3A_64 : f32 to vector<8x128xf32>
    %add3A_66 = arith.addf %mul3A_63, %add3A_65 : vector<8x128xf32>
    %mul3A_67 = arith.mulf %add3A_66, %mul3A_56 : vector<8x128xf32>
    %add3A_68 = arith.constant -0.00138888892 : f32
    %add3A_69 = vector.broadcast %add3A_68 : f32 to vector<8x128xf32>
    %add3A_70 = arith.addf %mul3A_67, %add3A_69 : vector<8x128xf32>
    %mul3A_71 = arith.mulf %add3A_70, %mul3A_56 : vector<8x128xf32>
    %add3A_72 = arith.constant 0.0416666679 : f32
    %add3A_73 = vector.broadcast %add3A_72 : f32 to vector<8x128xf32>
    %add3A_74 = arith.addf %mul3A_71, %add3A_73 : vector<8x128xf32>
    %mul3A_75 = arith.mulf %add3A_74, %mul3A_56 : vector<8x128xf32>
    %add3A_76 = arith.constant -5.000000e-01 : f32
    %add3A_77 = vector.broadcast %add3A_76 : f32 to vector<8x128xf32>
    %add3A_78 = arith.addf %mul3A_75, %add3A_77 : vector<8x128xf32>
    %mul3A_79 = arith.mulf %add3A_78, %mul3A_56 : vector<8x128xf32>
    %add3A_80 = arith.constant 1.000000e+00 : f32
    %add3A_81 = vector.broadcast %add3A_80 : f32 to vector<8x128xf32>
    %add3A_82 = arith.addf %mul3A_79, %add3A_81 : vector<8x128xf32>
    %mul3A_83 = arith.mulf %add3A_29, %add3A_82 : vector<8x128xf32>
    %swap3A_84 = arith.constant 0 : index
    %swap3A_85 = arith.constant 0 : index
    %swap3A_86 = vector.load %arg3[%swap3A_84, %swap3A_85] : memref<8x128xf32, #tpu.memory_space<vmem>>, vector<8x128xf32>
    tpu.vector_store %arg3[%swap3A_84, %swap3A_85], %mul3A_83 {strides = array<i32>} : memref<8x128xf32, #tpu.memory_space<vmem>>, vector<8x128xf32>,
    %mul3A_87 = arith.mulf %get3A_4, %get3A_4 : vector<8x128xf32>
    %mul3A_88 = arith.constant -2.50521079E-8 : f32
    %mul3A_89 = vector.broadcast %mul3A_88 : f32 to vector<8x128xf32>
    %mul3A_90 = arith.mulf %mul3A_89, %mul3A_87 : vector<8x128xf32>
    %add3A_91 = arith.constant 2.75573188E-6 : f32
    %add3A_92 = vector.broadcast %add3A_91 : f32 to vector<8x128xf32>
    %add3A_93 = arith.addf %mul3A_90, %add3A_92 : vector<8x128xf32>
    %mul3A_94 = arith.mulf %add3A_93, %mul3A_87 : vector<8x128xf32>
    %add3A_95 = arith.constant -1.98412701E-4 : f32
    %add3A_96 = vector.broadcast %add3A_95 : f32 to vector<8x128xf32>
    %add3A_97 = arith.addf %mul3A_94, %add3A_96 : vector<8x128xf32>
    %mul3A_98 = arith.mulf %add3A_97, %mul3A_87 : vector<8x128xf32>
    %add3A_99 = arith.constant 0.00833333377 : f32
    %add3A_100 = vector.broadcast %add3A_99 : f32 to vector<8x128xf32>
    %add3A_101 = arith.addf %mul3A_98, %add3A_100 : vector<8x128xf32>
    %mul3A_102 = arith.mulf %add3A_101, %mul3A_87 : vector<8x128xf32>
    %add3A_103 = arith.constant -0.166666672 : f32
    %add3A_104 = vector.broadcast %add3A_103 : f32 to vector<8x128xf32>
    %add3A_105 = arith.addf %mul3A_102, %add3A_104 : vector<8x128xf32>
    %mul3A_106 = arith.mulf %add3A_105, %mul3A_87 : vector<8x128xf32>
    %add3A_107 = arith.constant 1.000000e+00 : f32
    %add3A_108 = vector.broadcast %add3A_107 : f32 to vector<8x128xf32>
    %add3A_109 = arith.addf %mul3A_106, %add3A_108 : vector<8x128xf32>
    %mul3A_110 = arith.mulf %get3A_4, %add3A_109 : vector<8x128xf32>
    %mul3A_111 = arith.mulf %add3A_29, %mul3A_110 : vector<8x128xf32>
    %swap3A_112 = arith.constant 0 : index
    %swap3A_113 = arith.constant 0 : index
    %swap3A_114 = vector.load %arg4[%swap3A_112, %swap3A_113] : memref<8x128xf32, #tpu.memory_space<vmem>>, vector<8x128xf32>
    tpu.vector_store %arg4[%swap3A_112, %swap3A_113], %mul3A_111 {strides = array<i32>} : memref<8x128xf32, #tpu.memory_space<vmem>>, vector<8x128xf32>,
    return
  }
}

module attributes {stable_mosaic.version = 14 : i64} {
  func.func @_refine_body(%arg0: memref<1024x1xf32, #tpu.memory_space<vmem>>, %arg1: memref<1024x1xf32, #tpu.memory_space<vmem>>, %arg2: memref<1024x16xf32, #tpu.memory_space<vmem>>, %arg3: memref<1024x16xf32, #tpu.memory_space<vmem>>, %arg4: memref<1024x16xf32, #tpu.memory_space<vmem>>, %arg5: memref<1024x16xi32, #tpu.memory_space<vmem>>, %arg6: memref<1024x10xf32, #tpu.memory_space<vmem>>, %arg7: memref<1024x10xi32, #tpu.memory_space<vmem>>, %arg8: memref<1024x10xf32, #tpu.memory_space<vmem>>) attributes {dimension_semantics = [], scalar_prefetch = 0 : i64, scratch_operands = 0 : i64, tpu.core_type = #tpu.core_type<tc>} {
    %get3A = arith.constant 0 : index
    %get3A_0 = arith.constant 0 : index
    %get3A_1 = vector.load %arg0[%get3A, %get3A_0] : memref<1024x1xf32, #tpu.memory_space<vmem>>, vector<1024x1xf32>
    %get3A_2 = arith.constant 0 : index
    %get3A_3 = arith.constant 0 : index
    %get3A_4 = vector.load %arg1[%get3A_2, %get3A_3] : memref<1024x1xf32, #tpu.memory_space<vmem>>, vector<1024x1xf32>
    %get3A_5 = arith.constant 0 : index
    %get3A_6 = arith.constant 0 : index
    %get3A_7 = vector.load %arg2[%get3A_5, %get3A_6] : memref<1024x16xf32, #tpu.memory_space<vmem>>, vector<1024x16xf32>
    %get3A_8 = arith.constant 0 : index
    %get3A_9 = arith.constant 0 : index
    %get3A_10 = vector.load %arg3[%get3A_8, %get3A_9] : memref<1024x16xf32, #tpu.memory_space<vmem>>, vector<1024x16xf32>
    %get3A_11 = arith.constant 0 : index
    %get3A_12 = arith.constant 0 : index
    %get3A_13 = vector.load %arg4[%get3A_11, %get3A_12] : memref<1024x16xf32, #tpu.memory_space<vmem>>, vector<1024x16xf32>
    %get3A_14 = arith.constant 0 : index
    %get3A_15 = arith.constant 0 : index
    %get3A_16 = vector.load %arg5[%get3A_14, %get3A_15] : memref<1024x16xi32, #tpu.memory_space<vmem>>, vector<1024x16xi32>
    %sub3A = vector.broadcast %get3A_1 : vector<1024x1xf32> to vector<1024x16xf32>
    %sub3A_17 = arith.subf %sub3A, %get3A_7 : vector<1024x16xf32>
    %mul3A = arith.constant 5.000000e-01 : f32
    %mul3A_18 = vector.broadcast %mul3A : f32 to vector<1024x16xf32>
    %mul3A_19 = arith.mulf %sub3A_17, %mul3A_18 : vector<1024x16xf32>
    %mul3A_20 = arith.mulf %mul3A_19, %mul3A_19 : vector<1024x16xf32>
    %mul3A_21 = arith.constant -2.50521079E-8 : f32
    %mul3A_22 = vector.broadcast %mul3A_21 : f32 to vector<1024x16xf32>
    %mul3A_23 = arith.mulf %mul3A_22, %mul3A_20 : vector<1024x16xf32>
    %add3A = arith.constant 2.75573188E-6 : f32
    %add3A_24 = vector.broadcast %add3A : f32 to vector<1024x16xf32>
    %add3A_25 = arith.addf %mul3A_23, %add3A_24 : vector<1024x16xf32>
    %mul3A_26 = arith.mulf %add3A_25, %mul3A_20 : vector<1024x16xf32>
    %add3A_27 = arith.constant -1.98412701E-4 : f32
    %add3A_28 = vector.broadcast %add3A_27 : f32 to vector<1024x16xf32>
    %add3A_29 = arith.addf %mul3A_26, %add3A_28 : vector<1024x16xf32>
    %mul3A_30 = arith.mulf %add3A_29, %mul3A_20 : vector<1024x16xf32>
    %add3A_31 = arith.constant 0.00833333377 : f32
    %add3A_32 = vector.broadcast %add3A_31 : f32 to vector<1024x16xf32>
    %add3A_33 = arith.addf %mul3A_30, %add3A_32 : vector<1024x16xf32>
    %mul3A_34 = arith.mulf %add3A_33, %mul3A_20 : vector<1024x16xf32>
    %add3A_35 = arith.constant -0.166666672 : f32
    %add3A_36 = vector.broadcast %add3A_35 : f32 to vector<1024x16xf32>
    %add3A_37 = arith.addf %mul3A_34, %add3A_36 : vector<1024x16xf32>
    %mul3A_38 = arith.mulf %add3A_37, %mul3A_20 : vector<1024x16xf32>
    %add3A_39 = arith.constant 1.000000e+00 : f32
    %add3A_40 = vector.broadcast %add3A_39 : f32 to vector<1024x16xf32>
    %add3A_41 = arith.addf %mul3A_38, %add3A_40 : vector<1024x16xf32>
    %mul3A_42 = arith.mulf %mul3A_19, %add3A_41 : vector<1024x16xf32>
    %sub3A_43 = vector.broadcast %get3A_4 : vector<1024x1xf32> to vector<1024x16xf32>
    %sub3A_44 = arith.subf %sub3A_43, %get3A_10 : vector<1024x16xf32>
    %mul3A_45 = arith.constant 5.000000e-01 : f32
    %mul3A_46 = vector.broadcast %mul3A_45 : f32 to vector<1024x16xf32>
    %mul3A_47 = arith.mulf %sub3A_44, %mul3A_46 : vector<1024x16xf32>
    %mul3A_48 = arith.mulf %mul3A_47, %mul3A_47 : vector<1024x16xf32>
    %mul3A_49 = arith.constant -2.50521079E-8 : f32
    %mul3A_50 = vector.broadcast %mul3A_49 : f32 to vector<1024x16xf32>
    %mul3A_51 = arith.mulf %mul3A_50, %mul3A_48 : vector<1024x16xf32>
    %add3A_52 = arith.constant 2.75573188E-6 : f32
    %add3A_53 = vector.broadcast %add3A_52 : f32 to vector<1024x16xf32>
    %add3A_54 = arith.addf %mul3A_51, %add3A_53 : vector<1024x16xf32>
    %mul3A_55 = arith.mulf %add3A_54, %mul3A_48 : vector<1024x16xf32>
    %add3A_56 = arith.constant -1.98412701E-4 : f32
    %add3A_57 = vector.broadcast %add3A_56 : f32 to vector<1024x16xf32>
    %add3A_58 = arith.addf %mul3A_55, %add3A_57 : vector<1024x16xf32>
    %mul3A_59 = arith.mulf %add3A_58, %mul3A_48 : vector<1024x16xf32>
    %add3A_60 = arith.constant 0.00833333377 : f32
    %add3A_61 = vector.broadcast %add3A_60 : f32 to vector<1024x16xf32>
    %add3A_62 = arith.addf %mul3A_59, %add3A_61 : vector<1024x16xf32>
    %mul3A_63 = arith.mulf %add3A_62, %mul3A_48 : vector<1024x16xf32>
    %add3A_64 = arith.constant -0.166666672 : f32
    %add3A_65 = vector.broadcast %add3A_64 : f32 to vector<1024x16xf32>
    %add3A_66 = arith.addf %mul3A_63, %add3A_65 : vector<1024x16xf32>
    %mul3A_67 = arith.mulf %add3A_66, %mul3A_48 : vector<1024x16xf32>
    %add3A_68 = arith.constant 1.000000e+00 : f32
    %add3A_69 = vector.broadcast %add3A_68 : f32 to vector<1024x16xf32>
    %add3A_70 = arith.addf %mul3A_67, %add3A_69 : vector<1024x16xf32>
    %mul3A_71 = arith.mulf %mul3A_47, %add3A_70 : vector<1024x16xf32>
    %mul3A_72 = arith.mulf %mul3A_42, %mul3A_42 : vector<1024x16xf32>
    %mul3A_73 = arith.mulf %get3A_1, %get3A_1 : vector<1024x1xf32>
    %mul3A_74 = arith.constant 2.08767559E-9 : f32
    %mul3A_75 = vector.broadcast %mul3A_74 : f32 to vector<1024x1xf32>
    %mul3A_76 = arith.mulf %mul3A_75, %mul3A_73 : vector<1024x1xf32>
    %add3A_77 = arith.constant -2.755732E-7 : f32
    %add3A_78 = vector.broadcast %add3A_77 : f32 to vector<1024x1xf32>
    %add3A_79 = arith.addf %mul3A_76, %add3A_78 : vector<1024x1xf32>
    %mul3A_80 = arith.mulf %add3A_79, %mul3A_73 : vector<1024x1xf32>
    %add3A_81 = arith.constant 2.48015876E-5 : f32
    %add3A_82 = vector.broadcast %add3A_81 : f32 to vector<1024x1xf32>
    %add3A_83 = arith.addf %mul3A_80, %add3A_82 : vector<1024x1xf32>
    %mul3A_84 = arith.mulf %add3A_83, %mul3A_73 : vector<1024x1xf32>
    %add3A_85 = arith.constant -0.00138888892 : f32
    %add3A_86 = vector.broadcast %add3A_85 : f32 to vector<1024x1xf32>
    %add3A_87 = arith.addf %mul3A_84, %add3A_86 : vector<1024x1xf32>
    %mul3A_88 = arith.mulf %add3A_87, %mul3A_73 : vector<1024x1xf32>
    %add3A_89 = arith.constant 0.0416666679 : f32
    %add3A_90 = vector.broadcast %add3A_89 : f32 to vector<1024x1xf32>
    %add3A_91 = arith.addf %mul3A_88, %add3A_90 : vector<1024x1xf32>
    %mul3A_92 = arith.mulf %add3A_91, %mul3A_73 : vector<1024x1xf32>
    %add3A_93 = arith.constant -5.000000e-01 : f32
    %add3A_94 = vector.broadcast %add3A_93 : f32 to vector<1024x1xf32>
    %add3A_95 = arith.addf %mul3A_92, %add3A_94 : vector<1024x1xf32>
    %mul3A_96 = arith.mulf %add3A_95, %mul3A_73 : vector<1024x1xf32>
    %add3A_97 = arith.constant 1.000000e+00 : f32
    %add3A_98 = vector.broadcast %add3A_97 : f32 to vector<1024x1xf32>
    %add3A_99 = arith.addf %mul3A_96, %add3A_98 : vector<1024x1xf32>
    %mul3A_100 = arith.mulf %get3A_7, %get3A_7 : vector<1024x16xf32>
    %mul3A_101 = arith.constant 2.08767559E-9 : f32
    %mul3A_102 = vector.broadcast %mul3A_101 : f32 to vector<1024x16xf32>
    %mul3A_103 = arith.mulf %mul3A_102, %mul3A_100 : vector<1024x16xf32>
    %add3A_104 = arith.constant -2.755732E-7 : f32
    %add3A_105 = vector.broadcast %add3A_104 : f32 to vector<1024x16xf32>
    %add3A_106 = arith.addf %mul3A_103, %add3A_105 : vector<1024x16xf32>
    %mul3A_107 = arith.mulf %add3A_106, %mul3A_100 : vector<1024x16xf32>
    %add3A_108 = arith.constant 2.48015876E-5 : f32
    %add3A_109 = vector.broadcast %add3A_108 : f32 to vector<1024x16xf32>
    %add3A_110 = arith.addf %mul3A_107, %add3A_109 : vector<1024x16xf32>
    %mul3A_111 = arith.mulf %add3A_110, %mul3A_100 : vector<1024x16xf32>
    %add3A_112 = arith.constant -0.00138888892 : f32
    %add3A_113 = vector.broadcast %add3A_112 : f32 to vector<1024x16xf32>
    %add3A_114 = arith.addf %mul3A_111, %add3A_113 : vector<1024x16xf32>
    %mul3A_115 = arith.mulf %add3A_114, %mul3A_100 : vector<1024x16xf32>
    %add3A_116 = arith.constant 0.0416666679 : f32
    %add3A_117 = vector.broadcast %add3A_116 : f32 to vector<1024x16xf32>
    %add3A_118 = arith.addf %mul3A_115, %add3A_117 : vector<1024x16xf32>
    %mul3A_119 = arith.mulf %add3A_118, %mul3A_100 : vector<1024x16xf32>
    %add3A_120 = arith.constant -5.000000e-01 : f32
    %add3A_121 = vector.broadcast %add3A_120 : f32 to vector<1024x16xf32>
    %add3A_122 = arith.addf %mul3A_119, %add3A_121 : vector<1024x16xf32>
    %mul3A_123 = arith.mulf %add3A_122, %mul3A_100 : vector<1024x16xf32>
    %add3A_124 = arith.constant 1.000000e+00 : f32
    %add3A_125 = vector.broadcast %add3A_124 : f32 to vector<1024x16xf32>
    %add3A_126 = arith.addf %mul3A_123, %add3A_125 : vector<1024x16xf32>
    %mul3A_127 = vector.broadcast %add3A_99 : vector<1024x1xf32> to vector<1024x16xf32>
    %mul3A_128 = arith.mulf %mul3A_127, %add3A_126 : vector<1024x16xf32>
    %mul3A_129 = arith.mulf %mul3A_128, %mul3A_71 : vector<1024x16xf32>
    %mul3A_130 = arith.mulf %mul3A_129, %mul3A_71 : vector<1024x16xf32>
    %add3A_131 = arith.addf %mul3A_72, %mul3A_130 : vector<1024x16xf32>
    %jit3A = arith.constant 9.99999996E-13 : f32
    %jit3A_132 = arith.constant 1.000000e+00 : f32
    %max3A = vector.broadcast %jit3A : f32 to vector<1024x16xf32>
    %max3A_133 = arith.maximumf %max3A, %add3A_131 : vector<1024x16xf32>
    %min3A = vector.broadcast %jit3A_132 : f32 to vector<1024x16xf32>
    %min3A_134 = arith.minimumf %min3A, %max3A_133 : vector<1024x16xf32>
    %sqrt3A = math.sqrt %min3A_134 : vector<1024x16xf32>
    %mul3A_135 = arith.mulf %sqrt3A, %sqrt3A : vector<1024x16xf32>
    %mul3A_136 = arith.constant 0.00574003765 : f32
    %mul3A_137 = vector.broadcast %mul3A_136 : f32 to vector<1024x16xf32>
    %mul3A_138 = arith.mulf %mul3A_137, %mul3A_135 : vector<1024x16xf32>
    %add3A_139 = arith.constant 0.00644721044 : f32
    %add3A_140 = vector.broadcast %add3A_139 : f32 to vector<1024x16xf32>
    %add3A_141 = arith.addf %mul3A_138, %add3A_140 : vector<1024x16xf32>
    %mul3A_142 = arith.mulf %add3A_141, %mul3A_135 : vector<1024x16xf32>
    %add3A_143 = arith.constant 0.007312526 : f32
    %add3A_144 = vector.broadcast %add3A_143 : f32 to vector<1024x16xf32>
    %add3A_145 = arith.addf %mul3A_142, %add3A_144 : vector<1024x16xf32>
    %mul3A_146 = arith.mulf %add3A_145, %mul3A_135 : vector<1024x16xf32>
    %add3A_147 = arith.constant 0.00839033536 : f32
    %add3A_148 = vector.broadcast %add3A_147 : f32 to vector<1024x16xf32>
    %add3A_149 = arith.addf %mul3A_146, %add3A_148 : vector<1024x16xf32>
    %mul3A_150 = arith.mulf %add3A_149, %mul3A_135 : vector<1024x16xf32>
    %add3A_151 = arith.constant 0.00976160913 : f32
    %add3A_152 = vector.broadcast %add3A_151 : f32 to vector<1024x16xf32>
    %add3A_153 = arith.addf %mul3A_150, %add3A_152 : vector<1024x16xf32>
    %mul3A_154 = arith.mulf %add3A_153, %mul3A_135 : vector<1024x16xf32>
    %add3A_155 = arith.constant 0.0115518011 : f32
    %add3A_156 = vector.broadcast %add3A_155 : f32 to vector<1024x16xf32>
    %add3A_157 = arith.addf %mul3A_154, %add3A_156 : vector<1024x16xf32>
    %mul3A_158 = arith.mulf %add3A_157, %mul3A_135 : vector<1024x16xf32>
    %add3A_159 = arith.constant 0.0139648439 : f32
    %add3A_160 = vector.broadcast %add3A_159 : f32 to vector<1024x16xf32>
    %add3A_161 = arith.addf %mul3A_158, %add3A_160 : vector<1024x16xf32>
    %mul3A_162 = arith.mulf %add3A_161, %mul3A_135 : vector<1024x16xf32>
    %add3A_163 = arith.constant 0.0173527636 : f32
    %add3A_164 = vector.broadcast %add3A_163 : f32 to vector<1024x16xf32>
    %add3A_165 = arith.addf %mul3A_162, %add3A_164 : vector<1024x16xf32>
    %mul3A_166 = arith.mulf %add3A_165, %mul3A_135 : vector<1024x16xf32>
    %add3A_167 = arith.constant 0.0223721582 : f32
    %add3A_168 = vector.broadcast %add3A_167 : f32 to vector<1024x16xf32>
    %add3A_169 = arith.addf %mul3A_166, %add3A_168 : vector<1024x16xf32>
    %mul3A_170 = arith.mulf %add3A_169, %mul3A_135 : vector<1024x16xf32>
    %add3A_171 = arith.constant 0.030381944 : f32
    %add3A_172 = vector.broadcast %add3A_171 : f32 to vector<1024x16xf32>
    %add3A_173 = arith.addf %mul3A_170, %add3A_172 : vector<1024x16xf32>
    %mul3A_174 = arith.mulf %add3A_173, %mul3A_135 : vector<1024x16xf32>
    %add3A_175 = arith.constant 0.0446428582 : f32
    %add3A_176 = vector.broadcast %add3A_175 : f32 to vector<1024x16xf32>
    %add3A_177 = arith.addf %mul3A_174, %add3A_176 : vector<1024x16xf32>
    %mul3A_178 = arith.mulf %add3A_177, %mul3A_135 : vector<1024x16xf32>
    %add3A_179 = arith.constant 7.500000e-02 : f32
    %add3A_180 = vector.broadcast %add3A_179 : f32 to vector<1024x16xf32>
    %add3A_181 = arith.addf %mul3A_178, %add3A_180 : vector<1024x16xf32>
    %mul3A_182 = arith.mulf %add3A_181, %mul3A_135 : vector<1024x16xf32>
    %add3A_183 = arith.constant 0.166666672 : f32
    %add3A_184 = vector.broadcast %add3A_183 : f32 to vector<1024x16xf32>
    %add3A_185 = arith.addf %mul3A_182, %add3A_184 : vector<1024x16xf32>
    %mul3A_186 = arith.mulf %add3A_185, %mul3A_135 : vector<1024x16xf32>
    %add3A_187 = arith.constant 1.000000e+00 : f32
    %add3A_188 = vector.broadcast %add3A_187 : f32 to vector<1024x16xf32>
    %add3A_189 = arith.addf %mul3A_186, %add3A_188 : vector<1024x16xf32>
    %mul3A_190 = arith.mulf %sqrt3A, %add3A_189 : vector<1024x16xf32>
    %mul3A_191 = arith.constant 1.274200e+04 : f32
    %mul3A_192 = vector.broadcast %mul3A_191 : f32 to vector<1024x16xf32>
    %mul3A_193 = arith.mulf %mul3A_192, %mul3A_190 : vector<1024x16xf32>
    %iota3A = tpu.iota {dimensions = array<i32: 1>} : vector<1024x16xi32>
    %broadcast_in_dim3A = arith.constant 0.000000e+00 : f32
    %broadcast_in_dim3A_194 = vector.broadcast %broadcast_in_dim3A : f32 to vector<1024x16xf32>
    %broadcast_in_dim3A_195 = arith.constant 0 : i32
    %broadcast_in_dim3A_196 = vector.broadcast %broadcast_in_dim3A_195 : i32 to vector<1024x16xi32>
    %broadcast_in_dim3A_197 = arith.constant 0.000000e+00 : f32
    %broadcast_in_dim3A_198 = vector.broadcast %broadcast_in_dim3A_197 : f32 to vector<1024x16xf32>
    %reduce_min3A = arith.constant dense<0x7F800000> : vector<1024xf32>
    %reduce_min3A_199 = vector.multi_reduction <minimumf>, %min3A_134, %reduce_min3A [1] : vector<1024x16xf32> to vector<1024xf32>
    %broadcast_in_dim3A_200 = vector.shape_cast %reduce_min3A_199 : vector<1024xf32> to vector<1024x1xf32>
    %eq3A = vector.broadcast %broadcast_in_dim3A_200 : vector<1024x1xf32> to vector<1024x16xf32>
    %eq3A_201 = arith.cmpf oeq, %min3A_134, %eq3A : vector<1024x16xf32>
    %jit3A_202 = arith.constant 1073741824 : i32
    %broadcast_in_dim3A_203 = vector.broadcast %jit3A_202 : i32 to vector<1024x16xi32>
    %select_n3A = arith.select %eq3A_201, %get3A_16, %broadcast_in_dim3A_203 : vector<1024x16xi1>, vector<1024x16xi32>
    %reduce_min3A_204 = arith.constant dense<2147483647> : vector<1024xi32>
    %reduce_min3A_205 = vector.multi_reduction <minsi>, %select_n3A, %reduce_min3A_204 [1] : vector<1024x16xi32> to vector<1024xi32>
    %broadcast_in_dim3A_206 = vector.shape_cast %reduce_min3A_205 : vector<1024xi32> to vector<1024x1xi32>
    %eq3A_207 = vector.broadcast %broadcast_in_dim3A_206 : vector<1024x1xi32> to vector<1024x16xi32>
    %eq3A_208 = arith.cmpi eq, %get3A_16, %eq3A_207 : vector<1024x16xi32>
    %and3A = arith.andi %eq3A_201, %eq3A_208 : vector<1024x16xi1>
    %jit3A_209 = arith.constant 0.000000e+00 : f32
    %broadcast_in_dim3A_210 = vector.broadcast %jit3A_209 : f32 to vector<1024x16xf32>
    %select_n3A_211 = arith.select %and3A, %mul3A_193, %broadcast_in_dim3A_210 : vector<1024x16xi1>, vector<1024x16xf32>
    %reduce_sum3A = arith.constant dense<0.000000e+00> : vector<1024xf32>
    %reduce_sum3A_212 = vector.multi_reduction <add>, %select_n3A_211, %reduce_sum3A [1] : vector<1024x16xf32> to vector<1024xf32>
    %broadcast_in_dim3A_213 = vector.shape_cast %reduce_sum3A_212 : vector<1024xf32> to vector<1024x1xf32>
    %jit3A_214 = arith.constant 0.000000e+00 : f32
    %broadcast_in_dim3A_215 = vector.broadcast %jit3A_214 : f32 to vector<1024x16xf32>
    %select_n3A_216 = arith.select %and3A, %get3A_13, %broadcast_in_dim3A_215 : vector<1024x16xi1>, vector<1024x16xf32>
    %reduce_sum3A_217 = arith.constant dense<0.000000e+00> : vector<1024xf32>
    %reduce_sum3A_218 = vector.multi_reduction <add>, %select_n3A_216, %reduce_sum3A_217 [1] : vector<1024x16xf32> to vector<1024xf32>
    %broadcast_in_dim3A_219 = vector.shape_cast %reduce_sum3A_218 : vector<1024xf32> to vector<1024x1xf32>
    %eq3A_220 = arith.constant 0 : i32
    %eq3A_221 = vector.broadcast %eq3A_220 : i32 to vector<1024x16xi32>
    %eq3A_222 = arith.cmpi eq, %iota3A, %eq3A_221 : vector<1024x16xi32>
    %broadcast_in_dim3A_223 = vector.shape_cast %broadcast_in_dim3A_213 : vector<1024x1xf32> to vector<1024x1xf32>
    %broadcast_in_dim3A_224 = vector.broadcast %broadcast_in_dim3A_223 : vector<1024x1xf32> to vector<1024x16xf32>
    %select_n3A_225 = arith.select %eq3A_222, %broadcast_in_dim3A_224, %broadcast_in_dim3A_194 : vector<1024x16xi1>, vector<1024x16xf32>
    %eq3A_226 = arith.constant 0 : i32
    %eq3A_227 = vector.broadcast %eq3A_226 : i32 to vector<1024x16xi32>
    %eq3A_228 = arith.cmpi eq, %iota3A, %eq3A_227 : vector<1024x16xi32>
    %broadcast_in_dim3A_229 = vector.shape_cast %broadcast_in_dim3A_206 : vector<1024x1xi32> to vector<1024x1xi32>
    %broadcast_in_dim3A_230 = vector.broadcast %broadcast_in_dim3A_229 : vector<1024x1xi32> to vector<1024x16xi32>
    %select_n3A_231 = arith.select %eq3A_228, %broadcast_in_dim3A_230, %broadcast_in_dim3A_196 : vector<1024x16xi1>, vector<1024x16xi32>
    %eq3A_232 = arith.constant 0 : i32
    %eq3A_233 = vector.broadcast %eq3A_232 : i32 to vector<1024x16xi32>
    %eq3A_234 = arith.cmpi eq, %iota3A, %eq3A_233 : vector<1024x16xi32>
    %broadcast_in_dim3A_235 = vector.shape_cast %broadcast_in_dim3A_219 : vector<1024x1xf32> to vector<1024x1xf32>
    %broadcast_in_dim3A_236 = vector.broadcast %broadcast_in_dim3A_235 : vector<1024x1xf32> to vector<1024x16xf32>
    %select_n3A_237 = arith.select %eq3A_234, %broadcast_in_dim3A_236, %broadcast_in_dim3A_198 : vector<1024x16xi1>, vector<1024x16xf32>
    %jit3A_238 = arith.constant 0x7F800000 : f32
    %broadcast_in_dim3A_239 = vector.broadcast %jit3A_238 : f32 to vector<1024x16xf32>
    %select_n3A_240 = arith.select %and3A, %broadcast_in_dim3A_239, %min3A_134 : vector<1024x16xi1>, vector<1024x16xf32>
    %reduce_min3A_241 = arith.constant dense<0x7F800000> : vector<1024xf32>
    %reduce_min3A_242 = vector.multi_reduction <minimumf>, %select_n3A_240, %reduce_min3A_241 [1] : vector<1024x16xf32> to vector<1024xf32>
    %broadcast_in_dim3A_243 = vector.shape_cast %reduce_min3A_242 : vector<1024xf32> to vector<1024x1xf32>
    %eq3A_244 = vector.broadcast %broadcast_in_dim3A_243 : vector<1024x1xf32> to vector<1024x16xf32>
    %eq3A_245 = arith.cmpf oeq, %select_n3A_240, %eq3A_244 : vector<1024x16xf32>
    %jit3A_246 = arith.constant 1073741824 : i32
    %broadcast_in_dim3A_247 = vector.broadcast %jit3A_246 : i32 to vector<1024x16xi32>
    %select_n3A_248 = arith.select %eq3A_245, %get3A_16, %broadcast_in_dim3A_247 : vector<1024x16xi1>, vector<1024x16xi32>
    %reduce_min3A_249 = arith.constant dense<2147483647> : vector<1024xi32>
    %reduce_min3A_250 = vector.multi_reduction <minsi>, %select_n3A_248, %reduce_min3A_249 [1] : vector<1024x16xi32> to vector<1024xi32>
    %broadcast_in_dim3A_251 = vector.shape_cast %reduce_min3A_250 : vector<1024xi32> to vector<1024x1xi32>
    %eq3A_252 = vector.broadcast %broadcast_in_dim3A_251 : vector<1024x1xi32> to vector<1024x16xi32>
    %eq3A_253 = arith.cmpi eq, %get3A_16, %eq3A_252 : vector<1024x16xi32>
    %and3A_254 = arith.andi %eq3A_245, %eq3A_253 : vector<1024x16xi1>
    %jit3A_255 = arith.constant 0.000000e+00 : f32
    %broadcast_in_dim3A_256 = vector.broadcast %jit3A_255 : f32 to vector<1024x16xf32>
    %select_n3A_257 = arith.select %and3A_254, %mul3A_193, %broadcast_in_dim3A_256 : vector<1024x16xi1>, vector<1024x16xf32>
    %reduce_sum3A_258 = arith.constant dense<0.000000e+00> : vector<1024xf32>
    %reduce_sum3A_259 = vector.multi_reduction <add>, %select_n3A_257, %reduce_sum3A_258 [1] : vector<1024x16xf32> to vector<1024xf32>
    %broadcast_in_dim3A_260 = vector.shape_cast %reduce_sum3A_259 : vector<1024xf32> to vector<1024x1xf32>
    %jit3A_261 = arith.constant 0.000000e+00 : f32
    %broadcast_in_dim3A_262 = vector.broadcast %jit3A_261 : f32 to vector<1024x16xf32>
    %select_n3A_263 = arith.select %and3A_254, %get3A_13, %broadcast_in_dim3A_262 : vector<1024x16xi1>, vector<1024x16xf32>
    %reduce_sum3A_264 = arith.constant dense<0.000000e+00> : vector<1024xf32>
    %reduce_sum3A_265 = vector.multi_reduction <add>, %select_n3A_263, %reduce_sum3A_264 [1] : vector<1024x16xf32> to vector<1024xf32>
    %broadcast_in_dim3A_266 = vector.shape_cast %reduce_sum3A_265 : vector<1024xf32> to vector<1024x1xf32>
    %eq3A_267 = arith.constant 1 : i32
    %eq3A_268 = vector.broadcast %eq3A_267 : i32 to vector<1024x16xi32>
    %eq3A_269 = arith.cmpi eq, %iota3A, %eq3A_268 : vector<1024x16xi32>
    %broadcast_in_dim3A_270 = vector.shape_cast %broadcast_in_dim3A_260 : vector<1024x1xf32> to vector<1024x1xf32>
    %broadcast_in_dim3A_271 = vector.broadcast %broadcast_in_dim3A_270 : vector<1024x1xf32> to vector<1024x16xf32>
    %select_n3A_272 = arith.select %eq3A_269, %broadcast_in_dim3A_271, %select_n3A_225 : vector<1024x16xi1>, vector<1024x16xf32>
    %eq3A_273 = arith.constant 1 : i32
    %eq3A_274 = vector.broadcast %eq3A_273 : i32 to vector<1024x16xi32>
    %eq3A_275 = arith.cmpi eq, %iota3A, %eq3A_274 : vector<1024x16xi32>
    %broadcast_in_dim3A_276 = vector.shape_cast %broadcast_in_dim3A_251 : vector<1024x1xi32> to vector<1024x1xi32>
    %broadcast_in_dim3A_277 = vector.broadcast %broadcast_in_dim3A_276 : vector<1024x1xi32> to vector<1024x16xi32>
    %select_n3A_278 = arith.select %eq3A_275, %broadcast_in_dim3A_277, %select_n3A_231 : vector<1024x16xi1>, vector<1024x16xi32>
    %eq3A_279 = arith.constant 1 : i32
    %eq3A_280 = vector.broadcast %eq3A_279 : i32 to vector<1024x16xi32>
    %eq3A_281 = arith.cmpi eq, %iota3A, %eq3A_280 : vector<1024x16xi32>
    %broadcast_in_dim3A_282 = vector.shape_cast %broadcast_in_dim3A_266 : vector<1024x1xf32> to vector<1024x1xf32>
    %broadcast_in_dim3A_283 = vector.broadcast %broadcast_in_dim3A_282 : vector<1024x1xf32> to vector<1024x16xf32>
    %select_n3A_284 = arith.select %eq3A_281, %broadcast_in_dim3A_283, %select_n3A_237 : vector<1024x16xi1>, vector<1024x16xf32>
    %jit3A_285 = arith.constant 0x7F800000 : f32
    %broadcast_in_dim3A_286 = vector.broadcast %jit3A_285 : f32 to vector<1024x16xf32>
    %select_n3A_287 = arith.select %and3A_254, %broadcast_in_dim3A_286, %select_n3A_240 : vector<1024x16xi1>, vector<1024x16xf32>
    %reduce_min3A_288 = arith.constant dense<0x7F800000> : vector<1024xf32>
    %reduce_min3A_289 = vector.multi_reduction <minimumf>, %select_n3A_287, %reduce_min3A_288 [1] : vector<1024x16xf32> to vector<1024xf32>
    %broadcast_in_dim3A_290 = vector.shape_cast %reduce_min3A_289 : vector<1024xf32> to vector<1024x1xf32>
    %eq3A_291 = vector.broadcast %broadcast_in_dim3A_290 : vector<1024x1xf32> to vector<1024x16xf32>
    %eq3A_292 = arith.cmpf oeq, %select_n3A_287, %eq3A_291 : vector<1024x16xf32>
    %jit3A_293 = arith.constant 1073741824 : i32
    %broadcast_in_dim3A_294 = vector.broadcast %jit3A_293 : i32 to vector<1024x16xi32>
    %select_n3A_295 = arith.select %eq3A_292, %get3A_16, %broadcast_in_dim3A_294 : vector<1024x16xi1>, vector<1024x16xi32>
    %reduce_min3A_296 = arith.constant dense<2147483647> : vector<1024xi32>
    %reduce_min3A_297 = vector.multi_reduction <minsi>, %select_n3A_295, %reduce_min3A_296 [1] : vector<1024x16xi32> to vector<1024xi32>
    %broadcast_in_dim3A_298 = vector.shape_cast %reduce_min3A_297 : vector<1024xi32> to vector<1024x1xi32>
    %eq3A_299 = vector.broadcast %broadcast_in_dim3A_298 : vector<1024x1xi32> to vector<1024x16xi32>
    %eq3A_300 = arith.cmpi eq, %get3A_16, %eq3A_299 : vector<1024x16xi32>
    %and3A_301 = arith.andi %eq3A_292, %eq3A_300 : vector<1024x16xi1>
    %jit3A_302 = arith.constant 0.000000e+00 : f32
    %broadcast_in_dim3A_303 = vector.broadcast %jit3A_302 : f32 to vector<1024x16xf32>
    %select_n3A_304 = arith.select %and3A_301, %mul3A_193, %broadcast_in_dim3A_303 : vector<1024x16xi1>, vector<1024x16xf32>
    %reduce_sum3A_305 = arith.constant dense<0.000000e+00> : vector<1024xf32>
    %reduce_sum3A_306 = vector.multi_reduction <add>, %select_n3A_304, %reduce_sum3A_305 [1] : vector<1024x16xf32> to vector<1024xf32>
    %broadcast_in_dim3A_307 = vector.shape_cast %reduce_sum3A_306 : vector<1024xf32> to vector<1024x1xf32>
    %jit3A_308 = arith.constant 0.000000e+00 : f32
    %broadcast_in_dim3A_309 = vector.broadcast %jit3A_308 : f32 to vector<1024x16xf32>
    %select_n3A_310 = arith.select %and3A_301, %get3A_13, %broadcast_in_dim3A_309 : vector<1024x16xi1>, vector<1024x16xf32>
    %reduce_sum3A_311 = arith.constant dense<0.000000e+00> : vector<1024xf32>
    %reduce_sum3A_312 = vector.multi_reduction <add>, %select_n3A_310, %reduce_sum3A_311 [1] : vector<1024x16xf32> to vector<1024xf32>
    %broadcast_in_dim3A_313 = vector.shape_cast %reduce_sum3A_312 : vector<1024xf32> to vector<1024x1xf32>
    %eq3A_314 = arith.constant 2 : i32
    %eq3A_315 = vector.broadcast %eq3A_314 : i32 to vector<1024x16xi32>
    %eq3A_316 = arith.cmpi eq, %iota3A, %eq3A_315 : vector<1024x16xi32>
    %broadcast_in_dim3A_317 = vector.shape_cast %broadcast_in_dim3A_307 : vector<1024x1xf32> to vector<1024x1xf32>
    %broadcast_in_dim3A_318 = vector.broadcast %broadcast_in_dim3A_317 : vector<1024x1xf32> to vector<1024x16xf32>
    %select_n3A_319 = arith.select %eq3A_316, %broadcast_in_dim3A_318, %select_n3A_272 : vector<1024x16xi1>, vector<1024x16xf32>
    %eq3A_320 = arith.constant 2 : i32
    %eq3A_321 = vector.broadcast %eq3A_320 : i32 to vector<1024x16xi32>
    %eq3A_322 = arith.cmpi eq, %iota3A, %eq3A_321 : vector<1024x16xi32>
    %broadcast_in_dim3A_323 = vector.shape_cast %broadcast_in_dim3A_298 : vector<1024x1xi32> to vector<1024x1xi32>
    %broadcast_in_dim3A_324 = vector.broadcast %broadcast_in_dim3A_323 : vector<1024x1xi32> to vector<1024x16xi32>
    %select_n3A_325 = arith.select %eq3A_322, %broadcast_in_dim3A_324, %select_n3A_278 : vector<1024x16xi1>, vector<1024x16xi32>
    %eq3A_326 = arith.constant 2 : i32
    %eq3A_327 = vector.broadcast %eq3A_326 : i32 to vector<1024x16xi32>
    %eq3A_328 = arith.cmpi eq, %iota3A, %eq3A_327 : vector<1024x16xi32>
    %broadcast_in_dim3A_329 = vector.shape_cast %broadcast_in_dim3A_313 : vector<1024x1xf32> to vector<1024x1xf32>
    %broadcast_in_dim3A_330 = vector.broadcast %broadcast_in_dim3A_329 : vector<1024x1xf32> to vector<1024x16xf32>
    %select_n3A_331 = arith.select %eq3A_328, %broadcast_in_dim3A_330, %select_n3A_284 : vector<1024x16xi1>, vector<1024x16xf32>
    %jit3A_332 = arith.constant 0x7F800000 : f32
    %broadcast_in_dim3A_333 = vector.broadcast %jit3A_332 : f32 to vector<1024x16xf32>
    %select_n3A_334 = arith.select %and3A_301, %broadcast_in_dim3A_333, %select_n3A_287 : vector<1024x16xi1>, vector<1024x16xf32>
    %reduce_min3A_335 = arith.constant dense<0x7F800000> : vector<1024xf32>
    %reduce_min3A_336 = vector.multi_reduction <minimumf>, %select_n3A_334, %reduce_min3A_335 [1] : vector<1024x16xf32> to vector<1024xf32>
    %broadcast_in_dim3A_337 = vector.shape_cast %reduce_min3A_336 : vector<1024xf32> to vector<1024x1xf32>
    %eq3A_338 = vector.broadcast %broadcast_in_dim3A_337 : vector<1024x1xf32> to vector<1024x16xf32>
    %eq3A_339 = arith.cmpf oeq, %select_n3A_334, %eq3A_338 : vector<1024x16xf32>
    %jit3A_340 = arith.constant 1073741824 : i32
    %broadcast_in_dim3A_341 = vector.broadcast %jit3A_340 : i32 to vector<1024x16xi32>
    %select_n3A_342 = arith.select %eq3A_339, %get3A_16, %broadcast_in_dim3A_341 : vector<1024x16xi1>, vector<1024x16xi32>
    %reduce_min3A_343 = arith.constant dense<2147483647> : vector<1024xi32>
    %reduce_min3A_344 = vector.multi_reduction <minsi>, %select_n3A_342, %reduce_min3A_343 [1] : vector<1024x16xi32> to vector<1024xi32>
    %broadcast_in_dim3A_345 = vector.shape_cast %reduce_min3A_344 : vector<1024xi32> to vector<1024x1xi32>
    %eq3A_346 = vector.broadcast %broadcast_in_dim3A_345 : vector<1024x1xi32> to vector<1024x16xi32>
    %eq3A_347 = arith.cmpi eq, %get3A_16, %eq3A_346 : vector<1024x16xi32>
    %and3A_348 = arith.andi %eq3A_339, %eq3A_347 : vector<1024x16xi1>
    %jit3A_349 = arith.constant 0.000000e+00 : f32
    %broadcast_in_dim3A_350 = vector.broadcast %jit3A_349 : f32 to vector<1024x16xf32>
    %select_n3A_351 = arith.select %and3A_348, %mul3A_193, %broadcast_in_dim3A_350 : vector<1024x16xi1>, vector<1024x16xf32>
    %reduce_sum3A_352 = arith.constant dense<0.000000e+00> : vector<1024xf32>
    %reduce_sum3A_353 = vector.multi_reduction <add>, %select_n3A_351, %reduce_sum3A_352 [1] : vector<1024x16xf32> to vector<1024xf32>
    %broadcast_in_dim3A_354 = vector.shape_cast %reduce_sum3A_353 : vector<1024xf32> to vector<1024x1xf32>
    %jit3A_355 = arith.constant 0.000000e+00 : f32
    %broadcast_in_dim3A_356 = vector.broadcast %jit3A_355 : f32 to vector<1024x16xf32>
    %select_n3A_357 = arith.select %and3A_348, %get3A_13, %broadcast_in_dim3A_356 : vector<1024x16xi1>, vector<1024x16xf32>
    %reduce_sum3A_358 = arith.constant dense<0.000000e+00> : vector<1024xf32>
    %reduce_sum3A_359 = vector.multi_reduction <add>, %select_n3A_357, %reduce_sum3A_358 [1] : vector<1024x16xf32> to vector<1024xf32>
    %broadcast_in_dim3A_360 = vector.shape_cast %reduce_sum3A_359 : vector<1024xf32> to vector<1024x1xf32>
    %eq3A_361 = arith.constant 3 : i32
    %eq3A_362 = vector.broadcast %eq3A_361 : i32 to vector<1024x16xi32>
    %eq3A_363 = arith.cmpi eq, %iota3A, %eq3A_362 : vector<1024x16xi32>
    %broadcast_in_dim3A_364 = vector.shape_cast %broadcast_in_dim3A_354 : vector<1024x1xf32> to vector<1024x1xf32>
    %broadcast_in_dim3A_365 = vector.broadcast %broadcast_in_dim3A_364 : vector<1024x1xf32> to vector<1024x16xf32>
    %select_n3A_366 = arith.select %eq3A_363, %broadcast_in_dim3A_365, %select_n3A_319 : vector<1024x16xi1>, vector<1024x16xf32>
    %eq3A_367 = arith.constant 3 : i32
    %eq3A_368 = vector.broadcast %eq3A_367 : i32 to vector<1024x16xi32>
    %eq3A_369 = arith.cmpi eq, %iota3A, %eq3A_368 : vector<1024x16xi32>
    %broadcast_in_dim3A_370 = vector.shape_cast %broadcast_in_dim3A_345 : vector<1024x1xi32> to vector<1024x1xi32>
    %broadcast_in_dim3A_371 = vector.broadcast %broadcast_in_dim3A_370 : vector<1024x1xi32> to vector<1024x16xi32>
    %select_n3A_372 = arith.select %eq3A_369, %broadcast_in_dim3A_371, %select_n3A_325 : vector<1024x16xi1>, vector<1024x16xi32>
    %eq3A_373 = arith.constant 3 : i32
    %eq3A_374 = vector.broadcast %eq3A_373 : i32 to vector<1024x16xi32>
    %eq3A_375 = arith.cmpi eq, %iota3A, %eq3A_374 : vector<1024x16xi32>
    %broadcast_in_dim3A_376 = vector.shape_cast %broadcast_in_dim3A_360 : vector<1024x1xf32> to vector<1024x1xf32>
    %broadcast_in_dim3A_377 = vector.broadcast %broadcast_in_dim3A_376 : vector<1024x1xf32> to vector<1024x16xf32>
    %select_n3A_378 = arith.select %eq3A_375, %broadcast_in_dim3A_377, %select_n3A_331 : vector<1024x16xi1>, vector<1024x16xf32>
    %jit3A_379 = arith.constant 0x7F800000 : f32
    %broadcast_in_dim3A_380 = vector.broadcast %jit3A_379 : f32 to vector<1024x16xf32>
    %select_n3A_381 = arith.select %and3A_348, %broadcast_in_dim3A_380, %select_n3A_334 : vector<1024x16xi1>, vector<1024x16xf32>
    %reduce_min3A_382 = arith.constant dense<0x7F800000> : vector<1024xf32>
    %reduce_min3A_383 = vector.multi_reduction <minimumf>, %select_n3A_381, %reduce_min3A_382 [1] : vector<1024x16xf32> to vector<1024xf32>
    %broadcast_in_dim3A_384 = vector.shape_cast %reduce_min3A_383 : vector<1024xf32> to vector<1024x1xf32>
    %eq3A_385 = vector.broadcast %broadcast_in_dim3A_384 : vector<1024x1xf32> to vector<1024x16xf32>
    %eq3A_386 = arith.cmpf oeq, %select_n3A_381, %eq3A_385 : vector<1024x16xf32>
    %jit3A_387 = arith.constant 1073741824 : i32
    %broadcast_in_dim3A_388 = vector.broadcast %jit3A_387 : i32 to vector<1024x16xi32>
    %select_n3A_389 = arith.select %eq3A_386, %get3A_16, %broadcast_in_dim3A_388 : vector<1024x16xi1>, vector<1024x16xi32>
    %reduce_min3A_390 = arith.constant dense<2147483647> : vector<1024xi32>
    %reduce_min3A_391 = vector.multi_reduction <minsi>, %select_n3A_389, %reduce_min3A_390 [1] : vector<1024x16xi32> to vector<1024xi32>
    %broadcast_in_dim3A_392 = vector.shape_cast %reduce_min3A_391 : vector<1024xi32> to vector<1024x1xi32>
    %eq3A_393 = vector.broadcast %broadcast_in_dim3A_392 : vector<1024x1xi32> to vector<1024x16xi32>
    %eq3A_394 = arith.cmpi eq, %get3A_16, %eq3A_393 : vector<1024x16xi32>
    %and3A_395 = arith.andi %eq3A_386, %eq3A_394 : vector<1024x16xi1>
    %jit3A_396 = arith.constant 0.000000e+00 : f32
    %broadcast_in_dim3A_397 = vector.broadcast %jit3A_396 : f32 to vector<1024x16xf32>
    %select_n3A_398 = arith.select %and3A_395, %mul3A_193, %broadcast_in_dim3A_397 : vector<1024x16xi1>, vector<1024x16xf32>
    %reduce_sum3A_399 = arith.constant dense<0.000000e+00> : vector<1024xf32>
    %reduce_sum3A_400 = vector.multi_reduction <add>, %select_n3A_398, %reduce_sum3A_399 [1] : vector<1024x16xf32> to vector<1024xf32>
    %broadcast_in_dim3A_401 = vector.shape_cast %reduce_sum3A_400 : vector<1024xf32> to vector<1024x1xf32>
    %jit3A_402 = arith.constant 0.000000e+00 : f32
    %broadcast_in_dim3A_403 = vector.broadcast %jit3A_402 : f32 to vector<1024x16xf32>
    %select_n3A_404 = arith.select %and3A_395, %get3A_13, %broadcast_in_dim3A_403 : vector<1024x16xi1>, vector<1024x16xf32>
    %reduce_sum3A_405 = arith.constant dense<0.000000e+00> : vector<1024xf32>
    %reduce_sum3A_406 = vector.multi_reduction <add>, %select_n3A_404, %reduce_sum3A_405 [1] : vector<1024x16xf32> to vector<1024xf32>
    %broadcast_in_dim3A_407 = vector.shape_cast %reduce_sum3A_406 : vector<1024xf32> to vector<1024x1xf32>
    %eq3A_408 = arith.constant 4 : i32
    %eq3A_409 = vector.broadcast %eq3A_408 : i32 to vector<1024x16xi32>
    %eq3A_410 = arith.cmpi eq, %iota3A, %eq3A_409 : vector<1024x16xi32>
    %broadcast_in_dim3A_411 = vector.shape_cast %broadcast_in_dim3A_401 : vector<1024x1xf32> to vector<1024x1xf32>
    %broadcast_in_dim3A_412 = vector.broadcast %broadcast_in_dim3A_411 : vector<1024x1xf32> to vector<1024x16xf32>
    %select_n3A_413 = arith.select %eq3A_410, %broadcast_in_dim3A_412, %select_n3A_366 : vector<1024x16xi1>, vector<1024x16xf32>
    %eq3A_414 = arith.constant 4 : i32
    %eq3A_415 = vector.broadcast %eq3A_414 : i32 to vector<1024x16xi32>
    %eq3A_416 = arith.cmpi eq, %iota3A, %eq3A_415 : vector<1024x16xi32>
    %broadcast_in_dim3A_417 = vector.shape_cast %broadcast_in_dim3A_392 : vector<1024x1xi32> to vector<1024x1xi32>
    %broadcast_in_dim3A_418 = vector.broadcast %broadcast_in_dim3A_417 : vector<1024x1xi32> to vector<1024x16xi32>
    %select_n3A_419 = arith.select %eq3A_416, %broadcast_in_dim3A_418, %select_n3A_372 : vector<1024x16xi1>, vector<1024x16xi32>
    %eq3A_420 = arith.constant 4 : i32
    %eq3A_421 = vector.broadcast %eq3A_420 : i32 to vector<1024x16xi32>
    %eq3A_422 = arith.cmpi eq, %iota3A, %eq3A_421 : vector<1024x16xi32>
    %broadcast_in_dim3A_423 = vector.shape_cast %broadcast_in_dim3A_407 : vector<1024x1xf32> to vector<1024x1xf32>
    %broadcast_in_dim3A_424 = vector.broadcast %broadcast_in_dim3A_423 : vector<1024x1xf32> to vector<1024x16xf32>
    %select_n3A_425 = arith.select %eq3A_422, %broadcast_in_dim3A_424, %select_n3A_378 : vector<1024x16xi1>, vector<1024x16xf32>
    %jit3A_426 = arith.constant 0x7F800000 : f32
    %broadcast_in_dim3A_427 = vector.broadcast %jit3A_426 : f32 to vector<1024x16xf32>
    %select_n3A_428 = arith.select %and3A_395, %broadcast_in_dim3A_427, %select_n3A_381 : vector<1024x16xi1>, vector<1024x16xf32>
    %reduce_min3A_429 = arith.constant dense<0x7F800000> : vector<1024xf32>
    %reduce_min3A_430 = vector.multi_reduction <minimumf>, %select_n3A_428, %reduce_min3A_429 [1] : vector<1024x16xf32> to vector<1024xf32>
    %broadcast_in_dim3A_431 = vector.shape_cast %reduce_min3A_430 : vector<1024xf32> to vector<1024x1xf32>
    %eq3A_432 = vector.broadcast %broadcast_in_dim3A_431 : vector<1024x1xf32> to vector<1024x16xf32>
    %eq3A_433 = arith.cmpf oeq, %select_n3A_428, %eq3A_432 : vector<1024x16xf32>
    %jit3A_434 = arith.constant 1073741824 : i32
    %broadcast_in_dim3A_435 = vector.broadcast %jit3A_434 : i32 to vector<1024x16xi32>
    %select_n3A_436 = arith.select %eq3A_433, %get3A_16, %broadcast_in_dim3A_435 : vector<1024x16xi1>, vector<1024x16xi32>
    %reduce_min3A_437 = arith.constant dense<2147483647> : vector<1024xi32>
    %reduce_min3A_438 = vector.multi_reduction <minsi>, %select_n3A_436, %reduce_min3A_437 [1] : vector<1024x16xi32> to vector<1024xi32>
    %broadcast_in_dim3A_439 = vector.shape_cast %reduce_min3A_438 : vector<1024xi32> to vector<1024x1xi32>
    %eq3A_440 = vector.broadcast %broadcast_in_dim3A_439 : vector<1024x1xi32> to vector<1024x16xi32>
    %eq3A_441 = arith.cmpi eq, %get3A_16, %eq3A_440 : vector<1024x16xi32>
    %and3A_442 = arith.andi %eq3A_433, %eq3A_441 : vector<1024x16xi1>
    %jit3A_443 = arith.constant 0.000000e+00 : f32
    %broadcast_in_dim3A_444 = vector.broadcast %jit3A_443 : f32 to vector<1024x16xf32>
    %select_n3A_445 = arith.select %and3A_442, %mul3A_193, %broadcast_in_dim3A_444 : vector<1024x16xi1>, vector<1024x16xf32>
    %reduce_sum3A_446 = arith.constant dense<0.000000e+00> : vector<1024xf32>
    %reduce_sum3A_447 = vector.multi_reduction <add>, %select_n3A_445, %reduce_sum3A_446 [1] : vector<1024x16xf32> to vector<1024xf32>
    %broadcast_in_dim3A_448 = vector.shape_cast %reduce_sum3A_447 : vector<1024xf32> to vector<1024x1xf32>
    %jit3A_449 = arith.constant 0.000000e+00 : f32
    %broadcast_in_dim3A_450 = vector.broadcast %jit3A_449 : f32 to vector<1024x16xf32>
    %select_n3A_451 = arith.select %and3A_442, %get3A_13, %broadcast_in_dim3A_450 : vector<1024x16xi1>, vector<1024x16xf32>
    %reduce_sum3A_452 = arith.constant dense<0.000000e+00> : vector<1024xf32>
    %reduce_sum3A_453 = vector.multi_reduction <add>, %select_n3A_451, %reduce_sum3A_452 [1] : vector<1024x16xf32> to vector<1024xf32>
    %broadcast_in_dim3A_454 = vector.shape_cast %reduce_sum3A_453 : vector<1024xf32> to vector<1024x1xf32>
    %eq3A_455 = arith.constant 5 : i32
    %eq3A_456 = vector.broadcast %eq3A_455 : i32 to vector<1024x16xi32>
    %eq3A_457 = arith.cmpi eq, %iota3A, %eq3A_456 : vector<1024x16xi32>
    %broadcast_in_dim3A_458 = vector.shape_cast %broadcast_in_dim3A_448 : vector<1024x1xf32> to vector<1024x1xf32>
    %broadcast_in_dim3A_459 = vector.broadcast %broadcast_in_dim3A_458 : vector<1024x1xf32> to vector<1024x16xf32>
    %select_n3A_460 = arith.select %eq3A_457, %broadcast_in_dim3A_459, %select_n3A_413 : vector<1024x16xi1>, vector<1024x16xf32>
    %eq3A_461 = arith.constant 5 : i32
    %eq3A_462 = vector.broadcast %eq3A_461 : i32 to vector<1024x16xi32>
    %eq3A_463 = arith.cmpi eq, %iota3A, %eq3A_462 : vector<1024x16xi32>
    %broadcast_in_dim3A_464 = vector.shape_cast %broadcast_in_dim3A_439 : vector<1024x1xi32> to vector<1024x1xi32>
    %broadcast_in_dim3A_465 = vector.broadcast %broadcast_in_dim3A_464 : vector<1024x1xi32> to vector<1024x16xi32>
    %select_n3A_466 = arith.select %eq3A_463, %broadcast_in_dim3A_465, %select_n3A_419 : vector<1024x16xi1>, vector<1024x16xi32>
    %eq3A_467 = arith.constant 5 : i32
    %eq3A_468 = vector.broadcast %eq3A_467 : i32 to vector<1024x16xi32>
    %eq3A_469 = arith.cmpi eq, %iota3A, %eq3A_468 : vector<1024x16xi32>
    %broadcast_in_dim3A_470 = vector.shape_cast %broadcast_in_dim3A_454 : vector<1024x1xf32> to vector<1024x1xf32>
    %broadcast_in_dim3A_471 = vector.broadcast %broadcast_in_dim3A_470 : vector<1024x1xf32> to vector<1024x16xf32>
    %select_n3A_472 = arith.select %eq3A_469, %broadcast_in_dim3A_471, %select_n3A_425 : vector<1024x16xi1>, vector<1024x16xf32>
    %jit3A_473 = arith.constant 0x7F800000 : f32
    %broadcast_in_dim3A_474 = vector.broadcast %jit3A_473 : f32 to vector<1024x16xf32>
    %select_n3A_475 = arith.select %and3A_442, %broadcast_in_dim3A_474, %select_n3A_428 : vector<1024x16xi1>, vector<1024x16xf32>
    %reduce_min3A_476 = arith.constant dense<0x7F800000> : vector<1024xf32>
    %reduce_min3A_477 = vector.multi_reduction <minimumf>, %select_n3A_475, %reduce_min3A_476 [1] : vector<1024x16xf32> to vector<1024xf32>
    %broadcast_in_dim3A_478 = vector.shape_cast %reduce_min3A_477 : vector<1024xf32> to vector<1024x1xf32>
    %eq3A_479 = vector.broadcast %broadcast_in_dim3A_478 : vector<1024x1xf32> to vector<1024x16xf32>
    %eq3A_480 = arith.cmpf oeq, %select_n3A_475, %eq3A_479 : vector<1024x16xf32>
    %jit3A_481 = arith.constant 1073741824 : i32
    %broadcast_in_dim3A_482 = vector.broadcast %jit3A_481 : i32 to vector<1024x16xi32>
    %select_n3A_483 = arith.select %eq3A_480, %get3A_16, %broadcast_in_dim3A_482 : vector<1024x16xi1>, vector<1024x16xi32>
    %reduce_min3A_484 = arith.constant dense<2147483647> : vector<1024xi32>
    %reduce_min3A_485 = vector.multi_reduction <minsi>, %select_n3A_483, %reduce_min3A_484 [1] : vector<1024x16xi32> to vector<1024xi32>
    %broadcast_in_dim3A_486 = vector.shape_cast %reduce_min3A_485 : vector<1024xi32> to vector<1024x1xi32>
    %eq3A_487 = vector.broadcast %broadcast_in_dim3A_486 : vector<1024x1xi32> to vector<1024x16xi32>
    %eq3A_488 = arith.cmpi eq, %get3A_16, %eq3A_487 : vector<1024x16xi32>
    %and3A_489 = arith.andi %eq3A_480, %eq3A_488 : vector<1024x16xi1>
    %jit3A_490 = arith.constant 0.000000e+00 : f32
    %broadcast_in_dim3A_491 = vector.broadcast %jit3A_490 : f32 to vector<1024x16xf32>
    %select_n3A_492 = arith.select %and3A_489, %mul3A_193, %broadcast_in_dim3A_491 : vector<1024x16xi1>, vector<1024x16xf32>
    %reduce_sum3A_493 = arith.constant dense<0.000000e+00> : vector<1024xf32>
    %reduce_sum3A_494 = vector.multi_reduction <add>, %select_n3A_492, %reduce_sum3A_493 [1] : vector<1024x16xf32> to vector<1024xf32>
    %broadcast_in_dim3A_495 = vector.shape_cast %reduce_sum3A_494 : vector<1024xf32> to vector<1024x1xf32>
    %jit3A_496 = arith.constant 0.000000e+00 : f32
    %broadcast_in_dim3A_497 = vector.broadcast %jit3A_496 : f32 to vector<1024x16xf32>
    %select_n3A_498 = arith.select %and3A_489, %get3A_13, %broadcast_in_dim3A_497 : vector<1024x16xi1>, vector<1024x16xf32>
    %reduce_sum3A_499 = arith.constant dense<0.000000e+00> : vector<1024xf32>
    %reduce_sum3A_500 = vector.multi_reduction <add>, %select_n3A_498, %reduce_sum3A_499 [1] : vector<1024x16xf32> to vector<1024xf32>
    %broadcast_in_dim3A_501 = vector.shape_cast %reduce_sum3A_500 : vector<1024xf32> to vector<1024x1xf32>
    %eq3A_502 = arith.constant 6 : i32
    %eq3A_503 = vector.broadcast %eq3A_502 : i32 to vector<1024x16xi32>
    %eq3A_504 = arith.cmpi eq, %iota3A, %eq3A_503 : vector<1024x16xi32>
    %broadcast_in_dim3A_505 = vector.shape_cast %broadcast_in_dim3A_495 : vector<1024x1xf32> to vector<1024x1xf32>
    %broadcast_in_dim3A_506 = vector.broadcast %broadcast_in_dim3A_505 : vector<1024x1xf32> to vector<1024x16xf32>
    %select_n3A_507 = arith.select %eq3A_504, %broadcast_in_dim3A_506, %select_n3A_460 : vector<1024x16xi1>, vector<1024x16xf32>
    %eq3A_508 = arith.constant 6 : i32
    %eq3A_509 = vector.broadcast %eq3A_508 : i32 to vector<1024x16xi32>
    %eq3A_510 = arith.cmpi eq, %iota3A, %eq3A_509 : vector<1024x16xi32>
    %broadcast_in_dim3A_511 = vector.shape_cast %broadcast_in_dim3A_486 : vector<1024x1xi32> to vector<1024x1xi32>
    %broadcast_in_dim3A_512 = vector.broadcast %broadcast_in_dim3A_511 : vector<1024x1xi32> to vector<1024x16xi32>
    %select_n3A_513 = arith.select %eq3A_510, %broadcast_in_dim3A_512, %select_n3A_466 : vector<1024x16xi1>, vector<1024x16xi32>
    %eq3A_514 = arith.constant 6 : i32
    %eq3A_515 = vector.broadcast %eq3A_514 : i32 to vector<1024x16xi32>
    %eq3A_516 = arith.cmpi eq, %iota3A, %eq3A_515 : vector<1024x16xi32>
    %broadcast_in_dim3A_517 = vector.shape_cast %broadcast_in_dim3A_501 : vector<1024x1xf32> to vector<1024x1xf32>
    %broadcast_in_dim3A_518 = vector.broadcast %broadcast_in_dim3A_517 : vector<1024x1xf32> to vector<1024x16xf32>
    %select_n3A_519 = arith.select %eq3A_516, %broadcast_in_dim3A_518, %select_n3A_472 : vector<1024x16xi1>, vector<1024x16xf32>
    %jit3A_520 = arith.constant 0x7F800000 : f32
    %broadcast_in_dim3A_521 = vector.broadcast %jit3A_520 : f32 to vector<1024x16xf32>
    %select_n3A_522 = arith.select %and3A_489, %broadcast_in_dim3A_521, %select_n3A_475 : vector<1024x16xi1>, vector<1024x16xf32>
    %reduce_min3A_523 = arith.constant dense<0x7F800000> : vector<1024xf32>
    %reduce_min3A_524 = vector.multi_reduction <minimumf>, %select_n3A_522, %reduce_min3A_523 [1] : vector<1024x16xf32> to vector<1024xf32>
    %broadcast_in_dim3A_525 = vector.shape_cast %reduce_min3A_524 : vector<1024xf32> to vector<1024x1xf32>
    %eq3A_526 = vector.broadcast %broadcast_in_dim3A_525 : vector<1024x1xf32> to vector<1024x16xf32>
    %eq3A_527 = arith.cmpf oeq, %select_n3A_522, %eq3A_526 : vector<1024x16xf32>
    %jit3A_528 = arith.constant 1073741824 : i32
    %broadcast_in_dim3A_529 = vector.broadcast %jit3A_528 : i32 to vector<1024x16xi32>
    %select_n3A_530 = arith.select %eq3A_527, %get3A_16, %broadcast_in_dim3A_529 : vector<1024x16xi1>, vector<1024x16xi32>
    %reduce_min3A_531 = arith.constant dense<2147483647> : vector<1024xi32>
    %reduce_min3A_532 = vector.multi_reduction <minsi>, %select_n3A_530, %reduce_min3A_531 [1] : vector<1024x16xi32> to vector<1024xi32>
    %broadcast_in_dim3A_533 = vector.shape_cast %reduce_min3A_532 : vector<1024xi32> to vector<1024x1xi32>
    %eq3A_534 = vector.broadcast %broadcast_in_dim3A_533 : vector<1024x1xi32> to vector<1024x16xi32>
    %eq3A_535 = arith.cmpi eq, %get3A_16, %eq3A_534 : vector<1024x16xi32>
    %and3A_536 = arith.andi %eq3A_527, %eq3A_535 : vector<1024x16xi1>
    %jit3A_537 = arith.constant 0.000000e+00 : f32
    %broadcast_in_dim3A_538 = vector.broadcast %jit3A_537 : f32 to vector<1024x16xf32>
    %select_n3A_539 = arith.select %and3A_536, %mul3A_193, %broadcast_in_dim3A_538 : vector<1024x16xi1>, vector<1024x16xf32>
    %reduce_sum3A_540 = arith.constant dense<0.000000e+00> : vector<1024xf32>
    %reduce_sum3A_541 = vector.multi_reduction <add>, %select_n3A_539, %reduce_sum3A_540 [1] : vector<1024x16xf32> to vector<1024xf32>
    %broadcast_in_dim3A_542 = vector.shape_cast %reduce_sum3A_541 : vector<1024xf32> to vector<1024x1xf32>
    %jit3A_543 = arith.constant 0.000000e+00 : f32
    %broadcast_in_dim3A_544 = vector.broadcast %jit3A_543 : f32 to vector<1024x16xf32>
    %select_n3A_545 = arith.select %and3A_536, %get3A_13, %broadcast_in_dim3A_544 : vector<1024x16xi1>, vector<1024x16xf32>
    %reduce_sum3A_546 = arith.constant dense<0.000000e+00> : vector<1024xf32>
    %reduce_sum3A_547 = vector.multi_reduction <add>, %select_n3A_545, %reduce_sum3A_546 [1] : vector<1024x16xf32> to vector<1024xf32>
    %broadcast_in_dim3A_548 = vector.shape_cast %reduce_sum3A_547 : vector<1024xf32> to vector<1024x1xf32>
    %eq3A_549 = arith.constant 7 : i32
    %eq3A_550 = vector.broadcast %eq3A_549 : i32 to vector<1024x16xi32>
    %eq3A_551 = arith.cmpi eq, %iota3A, %eq3A_550 : vector<1024x16xi32>
    %broadcast_in_dim3A_552 = vector.shape_cast %broadcast_in_dim3A_542 : vector<1024x1xf32> to vector<1024x1xf32>
    %broadcast_in_dim3A_553 = vector.broadcast %broadcast_in_dim3A_552 : vector<1024x1xf32> to vector<1024x16xf32>
    %select_n3A_554 = arith.select %eq3A_551, %broadcast_in_dim3A_553, %select_n3A_507 : vector<1024x16xi1>, vector<1024x16xf32>
    %eq3A_555 = arith.constant 7 : i32
    %eq3A_556 = vector.broadcast %eq3A_555 : i32 to vector<1024x16xi32>
    %eq3A_557 = arith.cmpi eq, %iota3A, %eq3A_556 : vector<1024x16xi32>
    %broadcast_in_dim3A_558 = vector.shape_cast %broadcast_in_dim3A_533 : vector<1024x1xi32> to vector<1024x1xi32>
    %broadcast_in_dim3A_559 = vector.broadcast %broadcast_in_dim3A_558 : vector<1024x1xi32> to vector<1024x16xi32>
    %select_n3A_560 = arith.select %eq3A_557, %broadcast_in_dim3A_559, %select_n3A_513 : vector<1024x16xi1>, vector<1024x16xi32>
    %eq3A_561 = arith.constant 7 : i32
    %eq3A_562 = vector.broadcast %eq3A_561 : i32 to vector<1024x16xi32>
    %eq3A_563 = arith.cmpi eq, %iota3A, %eq3A_562 : vector<1024x16xi32>
    %broadcast_in_dim3A_564 = vector.shape_cast %broadcast_in_dim3A_548 : vector<1024x1xf32> to vector<1024x1xf32>
    %broadcast_in_dim3A_565 = vector.broadcast %broadcast_in_dim3A_564 : vector<1024x1xf32> to vector<1024x16xf32>
    %select_n3A_566 = arith.select %eq3A_563, %broadcast_in_dim3A_565, %select_n3A_519 : vector<1024x16xi1>, vector<1024x16xf32>
    %jit3A_567 = arith.constant 0x7F800000 : f32
    %broadcast_in_dim3A_568 = vector.broadcast %jit3A_567 : f32 to vector<1024x16xf32>
    %select_n3A_569 = arith.select %and3A_536, %broadcast_in_dim3A_568, %select_n3A_522 : vector<1024x16xi1>, vector<1024x16xf32>
    %reduce_min3A_570 = arith.constant dense<0x7F800000> : vector<1024xf32>
    %reduce_min3A_571 = vector.multi_reduction <minimumf>, %select_n3A_569, %reduce_min3A_570 [1] : vector<1024x16xf32> to vector<1024xf32>
    %broadcast_in_dim3A_572 = vector.shape_cast %reduce_min3A_571 : vector<1024xf32> to vector<1024x1xf32>
    %eq3A_573 = vector.broadcast %broadcast_in_dim3A_572 : vector<1024x1xf32> to vector<1024x16xf32>
    %eq3A_574 = arith.cmpf oeq, %select_n3A_569, %eq3A_573 : vector<1024x16xf32>
    %jit3A_575 = arith.constant 1073741824 : i32
    %broadcast_in_dim3A_576 = vector.broadcast %jit3A_575 : i32 to vector<1024x16xi32>
    %select_n3A_577 = arith.select %eq3A_574, %get3A_16, %broadcast_in_dim3A_576 : vector<1024x16xi1>, vector<1024x16xi32>
    %reduce_min3A_578 = arith.constant dense<2147483647> : vector<1024xi32>
    %reduce_min3A_579 = vector.multi_reduction <minsi>, %select_n3A_577, %reduce_min3A_578 [1] : vector<1024x16xi32> to vector<1024xi32>
    %broadcast_in_dim3A_580 = vector.shape_cast %reduce_min3A_579 : vector<1024xi32> to vector<1024x1xi32>
    %eq3A_581 = vector.broadcast %broadcast_in_dim3A_580 : vector<1024x1xi32> to vector<1024x16xi32>
    %eq3A_582 = arith.cmpi eq, %get3A_16, %eq3A_581 : vector<1024x16xi32>
    %and3A_583 = arith.andi %eq3A_574, %eq3A_582 : vector<1024x16xi1>
    %jit3A_584 = arith.constant 0.000000e+00 : f32
    %broadcast_in_dim3A_585 = vector.broadcast %jit3A_584 : f32 to vector<1024x16xf32>
    %select_n3A_586 = arith.select %and3A_583, %mul3A_193, %broadcast_in_dim3A_585 : vector<1024x16xi1>, vector<1024x16xf32>
    %reduce_sum3A_587 = arith.constant dense<0.000000e+00> : vector<1024xf32>
    %reduce_sum3A_588 = vector.multi_reduction <add>, %select_n3A_586, %reduce_sum3A_587 [1] : vector<1024x16xf32> to vector<1024xf32>
    %broadcast_in_dim3A_589 = vector.shape_cast %reduce_sum3A_588 : vector<1024xf32> to vector<1024x1xf32>
    %jit3A_590 = arith.constant 0.000000e+00 : f32
    %broadcast_in_dim3A_591 = vector.broadcast %jit3A_590 : f32 to vector<1024x16xf32>
    %select_n3A_592 = arith.select %and3A_583, %get3A_13, %broadcast_in_dim3A_591 : vector<1024x16xi1>, vector<1024x16xf32>
    %reduce_sum3A_593 = arith.constant dense<0.000000e+00> : vector<1024xf32>
    %reduce_sum3A_594 = vector.multi_reduction <add>, %select_n3A_592, %reduce_sum3A_593 [1] : vector<1024x16xf32> to vector<1024xf32>
    %broadcast_in_dim3A_595 = vector.shape_cast %reduce_sum3A_594 : vector<1024xf32> to vector<1024x1xf32>
    %eq3A_596 = arith.constant 8 : i32
    %eq3A_597 = vector.broadcast %eq3A_596 : i32 to vector<1024x16xi32>
    %eq3A_598 = arith.cmpi eq, %iota3A, %eq3A_597 : vector<1024x16xi32>
    %broadcast_in_dim3A_599 = vector.shape_cast %broadcast_in_dim3A_589 : vector<1024x1xf32> to vector<1024x1xf32>
    %broadcast_in_dim3A_600 = vector.broadcast %broadcast_in_dim3A_599 : vector<1024x1xf32> to vector<1024x16xf32>
    %select_n3A_601 = arith.select %eq3A_598, %broadcast_in_dim3A_600, %select_n3A_554 : vector<1024x16xi1>, vector<1024x16xf32>
    %eq3A_602 = arith.constant 8 : i32
    %eq3A_603 = vector.broadcast %eq3A_602 : i32 to vector<1024x16xi32>
    %eq3A_604 = arith.cmpi eq, %iota3A, %eq3A_603 : vector<1024x16xi32>
    %broadcast_in_dim3A_605 = vector.shape_cast %broadcast_in_dim3A_580 : vector<1024x1xi32> to vector<1024x1xi32>
    %broadcast_in_dim3A_606 = vector.broadcast %broadcast_in_dim3A_605 : vector<1024x1xi32> to vector<1024x16xi32>
    %select_n3A_607 = arith.select %eq3A_604, %broadcast_in_dim3A_606, %select_n3A_560 : vector<1024x16xi1>, vector<1024x16xi32>
    %eq3A_608 = arith.constant 8 : i32
    %eq3A_609 = vector.broadcast %eq3A_608 : i32 to vector<1024x16xi32>
    %eq3A_610 = arith.cmpi eq, %iota3A, %eq3A_609 : vector<1024x16xi32>
    %broadcast_in_dim3A_611 = vector.shape_cast %broadcast_in_dim3A_595 : vector<1024x1xf32> to vector<1024x1xf32>
    %broadcast_in_dim3A_612 = vector.broadcast %broadcast_in_dim3A_611 : vector<1024x1xf32> to vector<1024x16xf32>
    %select_n3A_613 = arith.select %eq3A_610, %broadcast_in_dim3A_612, %select_n3A_566 : vector<1024x16xi1>, vector<1024x16xf32>
    %jit3A_614 = arith.constant 0x7F800000 : f32
    %broadcast_in_dim3A_615 = vector.broadcast %jit3A_614 : f32 to vector<1024x16xf32>
    %select_n3A_616 = arith.select %and3A_583, %broadcast_in_dim3A_615, %select_n3A_569 : vector<1024x16xi1>, vector<1024x16xf32>
    %reduce_min3A_617 = arith.constant dense<0x7F800000> : vector<1024xf32>
    %reduce_min3A_618 = vector.multi_reduction <minimumf>, %select_n3A_616, %reduce_min3A_617 [1] : vector<1024x16xf32> to vector<1024xf32>
    %broadcast_in_dim3A_619 = vector.shape_cast %reduce_min3A_618 : vector<1024xf32> to vector<1024x1xf32>
    %eq3A_620 = vector.broadcast %broadcast_in_dim3A_619 : vector<1024x1xf32> to vector<1024x16xf32>
    %eq3A_621 = arith.cmpf oeq, %select_n3A_616, %eq3A_620 : vector<1024x16xf32>
    %jit3A_622 = arith.constant 1073741824 : i32
    %broadcast_in_dim3A_623 = vector.broadcast %jit3A_622 : i32 to vector<1024x16xi32>
    %select_n3A_624 = arith.select %eq3A_621, %get3A_16, %broadcast_in_dim3A_623 : vector<1024x16xi1>, vector<1024x16xi32>
    %reduce_min3A_625 = arith.constant dense<2147483647> : vector<1024xi32>
    %reduce_min3A_626 = vector.multi_reduction <minsi>, %select_n3A_624, %reduce_min3A_625 [1] : vector<1024x16xi32> to vector<1024xi32>
    %broadcast_in_dim3A_627 = vector.shape_cast %reduce_min3A_626 : vector<1024xi32> to vector<1024x1xi32>
    %eq3A_628 = vector.broadcast %broadcast_in_dim3A_627 : vector<1024x1xi32> to vector<1024x16xi32>
    %eq3A_629 = arith.cmpi eq, %get3A_16, %eq3A_628 : vector<1024x16xi32>
    %and3A_630 = arith.andi %eq3A_621, %eq3A_629 : vector<1024x16xi1>
    %jit3A_631 = arith.constant 0.000000e+00 : f32
    %broadcast_in_dim3A_632 = vector.broadcast %jit3A_631 : f32 to vector<1024x16xf32>
    %select_n3A_633 = arith.select %and3A_630, %mul3A_193, %broadcast_in_dim3A_632 : vector<1024x16xi1>, vector<1024x16xf32>
    %reduce_sum3A_634 = arith.constant dense<0.000000e+00> : vector<1024xf32>
    %reduce_sum3A_635 = vector.multi_reduction <add>, %select_n3A_633, %reduce_sum3A_634 [1] : vector<1024x16xf32> to vector<1024xf32>
    %broadcast_in_dim3A_636 = vector.shape_cast %reduce_sum3A_635 : vector<1024xf32> to vector<1024x1xf32>
    %jit3A_637 = arith.constant 0.000000e+00 : f32
    %broadcast_in_dim3A_638 = vector.broadcast %jit3A_637 : f32 to vector<1024x16xf32>
    %select_n3A_639 = arith.select %and3A_630, %get3A_13, %broadcast_in_dim3A_638 : vector<1024x16xi1>, vector<1024x16xf32>
    %reduce_sum3A_640 = arith.constant dense<0.000000e+00> : vector<1024xf32>
    %reduce_sum3A_641 = vector.multi_reduction <add>, %select_n3A_639, %reduce_sum3A_640 [1] : vector<1024x16xf32> to vector<1024xf32>
    %broadcast_in_dim3A_642 = vector.shape_cast %reduce_sum3A_641 : vector<1024xf32> to vector<1024x1xf32>
    %eq3A_643 = arith.constant 9 : i32
    %eq3A_644 = vector.broadcast %eq3A_643 : i32 to vector<1024x16xi32>
    %eq3A_645 = arith.cmpi eq, %iota3A, %eq3A_644 : vector<1024x16xi32>
    %broadcast_in_dim3A_646 = vector.shape_cast %broadcast_in_dim3A_636 : vector<1024x1xf32> to vector<1024x1xf32>
    %broadcast_in_dim3A_647 = vector.broadcast %broadcast_in_dim3A_646 : vector<1024x1xf32> to vector<1024x16xf32>
    %select_n3A_648 = arith.select %eq3A_645, %broadcast_in_dim3A_647, %select_n3A_601 : vector<1024x16xi1>, vector<1024x16xf32>
    %eq3A_649 = arith.constant 9 : i32
    %eq3A_650 = vector.broadcast %eq3A_649 : i32 to vector<1024x16xi32>
    %eq3A_651 = arith.cmpi eq, %iota3A, %eq3A_650 : vector<1024x16xi32>
    %broadcast_in_dim3A_652 = vector.shape_cast %broadcast_in_dim3A_627 : vector<1024x1xi32> to vector<1024x1xi32>
    %broadcast_in_dim3A_653 = vector.broadcast %broadcast_in_dim3A_652 : vector<1024x1xi32> to vector<1024x16xi32>
    %select_n3A_654 = arith.select %eq3A_651, %broadcast_in_dim3A_653, %select_n3A_607 : vector<1024x16xi1>, vector<1024x16xi32>
    %eq3A_655 = arith.constant 9 : i32
    %eq3A_656 = vector.broadcast %eq3A_655 : i32 to vector<1024x16xi32>
    %eq3A_657 = arith.cmpi eq, %iota3A, %eq3A_656 : vector<1024x16xi32>
    %broadcast_in_dim3A_658 = vector.shape_cast %broadcast_in_dim3A_642 : vector<1024x1xf32> to vector<1024x1xf32>
    %broadcast_in_dim3A_659 = vector.broadcast %broadcast_in_dim3A_658 : vector<1024x1xf32> to vector<1024x16xf32>
    %select_n3A_660 = arith.select %eq3A_657, %broadcast_in_dim3A_659, %select_n3A_613 : vector<1024x16xi1>, vector<1024x16xf32>
    %slice3A = vector.extract_strided_slice %select_n3A_648 {offsets = [0, 0], sizes = [1024, 10], strides = [1, 1]} : vector<1024x16xf32> to vector<1024x10xf32>
    %swap3A = arith.constant 0 : index
    %swap3A_661 = arith.constant 0 : index
    %swap3A_662 = vector.load %arg6[%swap3A, %swap3A_661] : memref<1024x10xf32, #tpu.memory_space<vmem>>, vector<1024x10xf32>
    tpu.vector_store %arg6[%swap3A, %swap3A_661], %slice3A {strides = array<i32>} : memref<1024x10xf32, #tpu.memory_space<vmem>>, vector<1024x10xf32>,
    %slice3A_663 = vector.extract_strided_slice %select_n3A_654 {offsets = [0, 0], sizes = [1024, 10], strides = [1, 1]} : vector<1024x16xi32> to vector<1024x10xi32>
    %swap3A_664 = arith.constant 0 : index
    %swap3A_665 = arith.constant 0 : index
    %swap3A_666 = vector.load %arg7[%swap3A_664, %swap3A_665] : memref<1024x10xi32, #tpu.memory_space<vmem>>, vector<1024x10xi32>
    tpu.vector_store %arg7[%swap3A_664, %swap3A_665], %slice3A_663 {strides = array<i32>} : memref<1024x10xi32, #tpu.memory_space<vmem>>, vector<1024x10xi32>,
    %slice3A_667 = vector.extract_strided_slice %select_n3A_660 {offsets = [0, 0], sizes = [1024, 10], strides = [1, 1]} : vector<1024x16xf32> to vector<1024x10xf32>
    %swap3A_668 = arith.constant 0 : index
    %swap3A_669 = arith.constant 0 : index
    %swap3A_670 = vector.load %arg8[%swap3A_668, %swap3A_669] : memref<1024x10xf32, #tpu.memory_space<vmem>>, vector<1024x10xf32>
    tpu.vector_store %arg8[%swap3A_668, %swap3A_669], %slice3A_667 {strides = array<i32>} : memref<1024x10xf32, #tpu.memory_space<vmem>>, vector<1024x10xf32>,
    return
  }
}

</mosaic_0001>

<sc_bundles>
// kernel: kernel.6.cloned.1.call-start
scs
__scs_entry_jumppad:
0x0: {  	(pc) =	sbr.rel $0x88, $3  }
0x1: {  	(tag) =	ssettag $0x0;
	lr =	simm.s32 $0x1  }
0x2: {  	[smem:$0x3F9C] =	sst lr;
	_ =	strace $0xD0000000  }
0x3: {  	_ = 	snop  }
0x4: {  	_ = 	snop  }
0x5: {  	_ = 	snop  }
0x6: {  	_ = 	snop  }
0x7: {  	_ = 	snop  }
__scs_overlays_trampoline_lowered:
0x8: {  	[smem:$0x3FAB] =	sst s0  }
0x9: {  	[smem:$0x3FAC] =	sst s1  }
0xa: {  	[smem:$0x3FAD] =	sst s2  }
0xb: {  	[smem:$0x3FAE] =	sst s3  }
0xc: {  	[smem:$0x3FAF] =	sst s4  }
0xd: {  	[smem:$0x3FB0] =	sst s5  }
0xe: {  	[smem:$0x3FB1] =	sst s6  }
0xf: {  	[smem:$0x3FB2] =	sst s7  }
0x10: {  	[smem:$0x3FB3] =	sst s8  }
0x11: {  	[smem:$0x3FB4] =	sst s9;
	s0 =	simm.s32 @!p0 $0x0  }
0x12: {  	s1 =	sld [smem:$0x3F9A];
	s0 =	simm.s32 @p0 $0x1  }
0x13: {  	[smem:$0x3FB5] =	sst s0;
	s0 =	simm.s32 @!p1 $0x0  }
0x14: {  	s2 =	sld [smem:$0x3F99];
	s0 =	simm.s32 @p1 $0x1  }
0x15: {  	[smem:$0x3FB6] =	sst s0;
	s0 =	simm.s32 @!p2 $0x0  }
0x16: {  	s3 =	sld [smem:$0x3FDB];
	s0 =	simm.s32 @p2 $0x1  }
0x17: {  	s4 =	simm.s32 $0x1BF5;
	[smem:$0x3FB8] =	sst s0  }
0x18: {  	s0 =	sld [smem:$0x3F9B];
	_ =	swait.ge [sflag:s4], $0x0  }
0x19: {  	s7 =	sld [smem:$0x3F9C]  }
0x1a: {  	s8 =	sadd.s32 $0xFFFFE003, lr  }
0x1b: {  	s9 =	sadd.s32 $0xFFFFFEF7, lr;
	s5 =	simm.s32 $0xFFFFFFFF;
	p2 =	slt.u32 s8, $0xFFFFF086  }
0x1c: {  	p1 =	slt.u32 s9, $0xF7A;
	s5 =	simm.s32 @!p2 $0x0  }
0x1d: {  	s5 =	simm.s32 @p1 $0x1;
	p0 =	seq.s32 s7, s2  }
0x1e: {  	s7 =	smul.u32 @!p0 $0xF7A, s2;
	p2 =	seq.s32 @!p0 s5, $0x0  }
0x1f: {  	s9 =	smul.u32 $0xF7A, s1;
	s8 =	simm.s32 @!p0 $0x1BF5;
	p2 =	por !p2, p0  }
0x20: {  	[sflag:s8] =	ssyncset.s32 @!p0 $0xFFFFF086;
	s6 =	sadd.s32 @!p0 s3, s7;
	s7 =	simm.s32 @!p0 $0x108  }
0x21: {  	s3 =	sadd.s32 s3, s9;
	s6 =	sadd.s32 @!p0 $0x88, s6;
	s7 =	simm.s32 @p2 $0x1082  }
0x22: {  	[simem:s7], [sflag:s8] =	dma.local @!p0 [hbm:s6], $0xF7A  }
0x23: {  	s9 =	sor.u32 $0xD0000000, s2;
	s6 =	simm.s32 $0x108;
	_ =	swait.ge @!p0 [sflag:s8], $0x0  }
0x24: {  	s3 =	sadd.s32 $0x88, s3;
	s6 =	simm.s32 @!p1 $0x1082;
	[sflag:s4] =	ssyncset.s32 $0xFFFFF086  }
0x25: {  	[simem:s6], [sflag:s4] =	dma.local [hbm:s3], $0xF7A  }
0x26: {  	[smem:$0x3F9C] =	sst s1;
	(tag) =	ssettag s2;
	_ =	strace s9  }
0x27: {  	s1 =	sld [smem:$0x3FAC]  }
0x28: {  	s2 =	sld [smem:$0x3FAD]  }
0x29: {  	s4 =	sld [smem:$0x3FAF]  }
0x2a: {  	p0 =	seq.s32 s5, $0x0;
	s5 =	sld [smem:$0x3FB0]  }
0x2b: {  	s6 =	sld [smem:$0x3FB1]  }
0x2c: {  	s7 =	sld [smem:$0x3FB2]  }
0x2d: {  	s3 =	simm.s32 $0x108;
	s8 =	sld [smem:$0x3FB3]  }
0x2e: {  	s3 =	simm.s32 @!p0 $0x1082;
	s9 =	sld [smem:$0x3FB4]  }
0x2f: {  	lr =	sadd.s32 s0, s3;
	s0 =	sld [smem:$0x3FAB]  }
0x30: {  	s3 =	sld [smem:$0x3FAE]  }
0x31: {  	[smem:$0x3FB7] =	sst s10  }
0x32: {  	s10 =	sld [smem:$0x3FB5];
	_ =	sdelay $0x3  }
0x33: {  	p0 =	seq.s32 s10, $0x1;
	s10 =	sld [smem:$0x3FB7];
	_ =	sdelay $0x3  }
0x34: {  	[smem:$0x3FB7] =	sst s10  }
0x35: {  	s10 =	sld [smem:$0x3FB6];
	_ =	sdelay $0x3  }
0x36: {  	p1 =	seq.s32 s10, $0x1;
	s10 =	sld [smem:$0x3FB7];
	_ =	sdelay $0x3  }
0x37: {  	[smem:$0x3FB7] =	sst s10  }
0x38: {  	s10 =	sld [smem:$0x3FB8]  }
0x39: {  	_ = 	snop;
	(pc) =	sbr.ind lr, $3  }
0x3a: {  	_ = 	snop  }
0x3b: {  	_ = 	snop  }
0x3c: {  	p2 =	seq.s32 s10, $0x1;
	s10 =	sld [smem:$0x3FB7]  }
0x3d: {  	_ =	shalt  }
0x3e: {  	_ =	shalt  }
0x3f: {  	_ =	shalt  }
0x40: {  	_ =	shalt  }
0x41: {  	_ =	shalt  }
0x42: {  	_ =	shalt  }
0x43: {  	_ =	shalt  }
0x44: {  	_ =	shalt  }
0x45: {  	_ =	shalt  }
0x46: {  	_ =	shalt  }
0x47: {  	_ =	shalt  }
0x48: {  	_ =	shalt  }
0x49: {  	_ =	shalt  }
0x4a: {  	_ =	shalt  }
0x4b: {  	_ =	shalt  }
0x4c: {  	_ =	shalt  }
0x4d: {  	_ =	shalt  }
0x4e: {  	_ =	shalt  }
0x4f: {  	_ =	shalt  }
0x50: {  	_ =	shalt  }
0x51: {  	_ =	shalt  }
0x52: {  	_ =	shalt  }
0x53: {  	_ =	shalt  }
0x54: {  	_ =	shalt  }
0x55: {  	_ =	shalt  }
0x56: {  	_ =	shalt  }
0x57: {  	_ =	shalt  }
0x58: {  	_ =	shalt  }
0x59: {  	_ =	shalt  }
0x5a: {  	_ =	shalt  }
0x5b: {  	_ =	shalt  }
0x5c: {  	_ =	shalt  }
0x5d: {  	_ =	shalt  }
0x5e: {  	_ =	shalt  }
0x5f: {  	_ =	shalt  }
0x60: {  	_ =	shalt  }
0x61: {  	_ =	shalt  }
0x62: {  	_ =	shalt  }
0x63: {  	_ =	shalt  }
0x64: {  	_ =	shalt  }
0x65: {  	_ =	shalt  }
0x66: {  	_ =	shalt  }
0x67: {  	_ =	shalt  }
0x68: {  	_ =	shalt  }
0x69: {  	_ =	shalt  }
0x6a: {  	_ =	shalt  }
0x6b: {  	_ =	shalt  }
0x6c: {  	_ =	shalt  }
0x6d: {  	_ =	shalt  }
0x6e: {  	_ =	shalt  }
0x6f: {  	_ =	shalt  }
0x70: {  	_ =	shalt  }
0x71: {  	_ =	shalt  }
0x72: {  	_ =	shalt  }
0x73: {  	_ =	shalt  }
0x74: {  	_ =	shalt  }
0x75: {  	_ =	shalt  }
0x76: {  	_ =	shalt  }
0x77: {  	_ =	shalt  }
0x78: {  	_ =	shalt  }
0x79: {  	_ =	shalt  }
0x7a: {  	_ =	shalt  }
0x7b: {  	_ =	shalt  }
0x7c: {  	_ =	shalt  }
0x7d: {  	_ =	shalt  }
0x7e: {  	_ =	shalt  }
0x7f: {  	_ =	shalt  }
0x80: {  	_ =	shalt  }
0x81: {  	_ =	shalt  }
0x82: {  	_ =	shalt  }
0x83: {  	_ =	shalt  }
0x84: {  	_ =	shalt  }
0x85: {  	_ =	shalt  }
0x86: {  	_ =	shalt  }
0x87: {  	_ =	shalt  }
.Lfunc_end0:
.L_simem_size_0:
called_computation_lowered:
.L_overlay_start_0:
0x88: {  	s2 =	sld [smem:$0x3FD9]  }
0x89: {  	s3 =	sld [smem:$0x3FFE];
	_ =	sdelay $0x1  }
0x8a: {  	s1 =	srdreg.scid  }
0x8b: {  	s0 =	sand.u32 $0x1, s1  }
0x8c: {  	s14 =	sshll.u32 s0, $0xA;
	s2 =	sadd.s32 s3, s2  }
0x8d: {  	s2 =	sadd.s32 s2, s14  }
0x8e: {  	[smem:$0x3FC3] =	sst s2  }
0x8f: {  	_ = 	snop  }
0x90: {  	s2 =	sld [smem:$0x3FD0]  }
0x91: {  	s15 =	sld [smem:$0x3FC7]  }
0x92: {  	s4 =	sld [smem:$0x3FC6]  }
0x93: {  	s6 =	simm.s32 $0xA;
	s7 =	simm.s32 $0x10;
	s5 =	sld [smem:$0x3FC5]  }
0x94: {  	[smem:s7], [sflag:s6] =	dma.local [hbm:s2], $0x1  }
0x95: {  	_ =	swait.eq [sflag:s6], $0x1  }
0x96: {  	s16 =	sld [smem:$0x10];
	[sflag:s6] =	ssyncset.done $0x0  }
0x97: {  	s17 =	sld [smem:$0x11];
	[sflag:s6] =	ssyncadd.s32 $0xFFFFFFFF  }
0x98: {  	s18 =	sld [smem:$0x12];
	(tm) =	ssettm $0x1  }
0x99: {  	s8 =	sld [smem:$0x3FFB];
	_ =	sdelay $0x3  }
0x9a: {  	_ =	strace s8  }
0x9b: {  	s8 =	sld [smem:$0x3FFC];
	_ =	sdelay $0x3  }
0x9c: {  	_ =	strace s8  }
0x9d: {  	s8 =	sld [smem:$0x3FFD];
	_ =	sdelay $0x3  }
0x9e: {  	_ =	strace s8  }
0x9f: {  	_ =	strace $0x8FFFFFFF  }
0xa0: {  	s19 =	sld [smem:$0x3FDB];
	_ =	sdelay $0x1  }
0xa1: {  	s9 =	simm.s32 $_scs_section_size  }
0xa2: {  	s10 =	simm.s32 $_size__tile_overlayer_lowered;
	s11 =	simm.s32 $_tile_overlayer_lowered  }
0xa3: {  	s22 =	simm.s32 $0x1BFF;
	s21 =	sshll.u32 s11, $0x1;
	s8 =	sadd.s32 s9, s19  }
0xa4: {  	s12 =	simm.s32 $0x0;
	s20 =	sshll.u32 s10, $0x1;
	s10 =	sadd.s32 s21, s8  }
0xa5: {  	[timem:s12], [sflag:s22] =	dma.local [hbm:s10], s20  }
0xa6: {  	_ =	swait.ge [sflag:s22], s20  }
0xa7: {  	s9 =	ssub.s32 $0x0, s20;
	[sflag:s22] =	ssyncset.done $0x0  }
0xa8: {  	[sflag:s22] =	ssyncadd.s32 s9;
	_ =	sdelay $0x1  }
0xa9: {  	s23 =	simm.s32 $0x1B8B  }
0xaa: {  	_ =	swait.ge [sflag:s23], $0x1  }
0xab: {  	[sflag:s23] =	ssyncset.done $0x0  }
0xac: {  	s25 =	simm.s32 $0x1B8E;
	s24 =	sld [smem:$0x3FFE];
	[sflag:s23] =	ssyncadd.s32 $0xFFFFFFFF  }
0xad: {  	s26 =	simm.s32 $execute0_lowered;
	[smem:$0x3FD2] =	sst s25  }
0xae: {  	s10 =	sshll.u32 s26, $0x1;
	_ =	strace $0x80000046;
	[dreg:$0x1] =	wrdreg $0xFFFFFFFF  }
0xaf: {  	s28 =	simm.s32 $_size_execute0_lowered;
	s8 =	sadd.s32 s8, s10;
	[dreg:$0x0] =	wrdreg $0x0  }
0xb0: {  	s10 =	sshll.u32 s28, $0x1;
	[dreg:$0x2] =	wrdreg s8  }
0xb1: {  	[dreg:$0x3] =	wrdreg s10  }
0xb2: {  	[dreg:$0x4] =	wrdreg $0xC0  }
0xb3: {  	_ =	task [dreg:s12], $0x5FFFF  }
0xb4: {  	[dreg:$0x1] =	wrdreg $0xFFFFFFFF  }
0xb5: {  	[dreg:$0x0] =	wrdreg $0x60  }
0xb6: {  	[dreg:$0x2] =	wrdreg s18  }
0xb7: {  	[dreg:$0x3] =	wrdreg s17  }
0xb8: {  	[dreg:$0x4] =	wrdreg s16  }
0xb9: {  	[dreg:$0x5] =	wrdreg s24  }
0xba: {  	[dreg:$0x6] =	wrdreg s15  }
0xbb: {  	[dreg:$0x7] =	wrdreg s4  }
0xbc: {  	[dreg:$0x8] =	wrdreg s5  }
0xbd: {  	[dreg:$0x9] =	wrdreg $0x9  }
0xbe: {  	_ =	task.clear_ibuf [dreg:s12], $0xAFFFF;
	_ =	strace $0x90000046  }
0xbf: {  	s29 =	simm.s32 $0x9;
	_ =	strace $0x80000048  }
0xc0: {  	_ =	swait.ge [sflag:s29], $0x1  }
0xc1: {  	[sflag:s29] =	ssyncadd.s32 $0xFFFFFFFF  }
0xc2: {  	_ =	strace $0x90000048  }
0xc3: {  	_ =	sfence  }
0xc4: {  	s30 =	sld [smem:$0x0];
	_ =	sdelay $0x2  }
0xc5: {  	s31 =	sshll.u32 s1, $0xD;
	s1 =	sshrl.u32 s1, $0x2  }
0xc6: {  	s3 =	sand.u32 $0x4000, s31;
	s1 =	sadd.s32 s1, s30  }
0xc7: {  	s0 =	sor.u32 s3, s0;
	s1 =	sshll.u32 s1, $0x11  }
0xc8: {  	s0 =	sor.u32 s1, s0  }
0xc9: {  	s0 =	sadd.s32 $0x8F2B, s0  }
0xca: {  	[sflag:s0] =	ssyncadd.remote.s32 $0x1  }
0xcb: {  	_ =	sfence.sel $0xFFFF  }
0xcc: {  	[dreg:$0x0] =	wrdreg $0xFFFFFFFF;
	(pc) =	sbr.abs _section_cstart, $3  }
0xcd: {  	[dreg:$0x1] =	wrdreg $0xFFFFFFFF  }
0xce: {  	_ =	task.clear_ibuf [dreg:s12], $0x2FFFF;
	_ =	strace $0x9FFFFFFF  }
0xcf: {  	(tm) =	ssettm $0x7FFFFFFF  }
tec
execute0_lowered:
.L_overlay_start_1:
0x0: {  	(tag) =	ssettag $0x1  }
0x1: {  	s0 =	rddreg [dreg:$0x0]  }
0x2: {  	s1 =	rddreg [dreg:$0x1]  }
0x3: {  	s2 =	rddreg [dreg:$0x2];
	s5 =	srdreg.scid  }
0x4: {  	s3 =	rddreg [dreg:$0x3];
	s7 =	stileid.u32;
	s5 =	sand.u32 $0x1, s5  }
0x5: {  	s4 =	simm.s32 $0x0;
	s8 =	sshll.u32 s7, $0x7;
	s9 =	sshll.u32 s5, $0x6  }
0x6: {  	[smem:$0x7FF] =	sst s4;
	s6 =	sadd.s32 $0x2600, s3;
	s9 =	sor.u32 s9, s8  }
0x7: {  	s7 =	sadd.s32 $0x5800, s3;
	_ =	strace $0x80000047;
	s0 =	sadd.s32 s0, s9  }
0x8: {  	s8 =	sadd.s32 $0x8A00, s3;
	s18 =	sadd.s32 s1, s9;
	[dreg:$0x8] =	wrdreg s0  }
0x9: {  	s3 =	sadd.s32 s9, s3;
	s19 =	sadd.s32 s2, s9;
	[dreg:$0x9] =	wrdreg s18  }
0xa: {  	[dreg:$0xa] =	wrdreg s19;
	s20 =	sadd.s32 $0xD400, s3  }
0xb: {  	s30 =	simm.s32 $0x1;
	s21 =	sadd.s32 $0xD410, s3;
	[dreg:$0xb] =	wrdreg s20  }
0xc: {  	s29 =	simm.s32 $0x0;
	s22 =	sadd.s32 $0xD420, s3;
	[dreg:$0xc] =	wrdreg s21  }
0xd: {  	s5 =	ssub.s32 $0x2, s5;
	s23 =	sadd.s32 $0xD430, s3;
	[dreg:$0xd] =	wrdreg s22  }
0xe: {  	s10 =	sshrl.u32 s5, $0x1;
	s24 =	sadd.s32 $0xBC00, s3;
	[dreg:$0xe] =	wrdreg s23  }
0xf: {  	s5 =	ssub.s32 s5, s10;
	s25 =	sadd.s32 $0xC400, s3;
	[dreg:$0xf] =	wrdreg s24  }
.Ltmp0:
0x10: {  	s26 =	sadd.s32 $0xCC00, s3;
	[dreg:$0x10] =	wrdreg s25;
	(pc) =	sbr.rel .LBB2_1-.Ltmp0, $4  }
0x11: {  	s31 =	simm.s32 $0x0;
	s28 =	smax.u32 s5, $0x1;
	[dreg:$0x11] =	wrdreg s26  }
0x12: {  	s5 =	simm.s32 $0xF400;
	[dreg:$0x12] =	wrdreg s28;
	s20 =	simm.s32 $0x2  }
0x13: {  	s23 =	simm.s32 $0x600;
	s24 =	simm.s32 $0x5480;
	s25 =	simm.s32 $0xA300  }
0x14: {  	v0 =	vimm.f32 $+Inf;
	v1 =	vimm.s32 $0x0;
	s26 =	simm.s32 $0x80;
	s22 =	simm.s32 $0xF480;
	s21 =	simm.s32 $0xF500  }
.LBB2_18:
0x15: {  	s0 =	rddreg [dreg:$0x4];
	s3 =	simm.s32 $0xF380;
	s9 =	simm.s32 $0xF580  }
0x16: {  	[tilespmem:s9], [sflag:$0x1] =	stream.indirect.gather [hbm4b:s0+s26], $0x1, s3, s26, $0xb8;
	[tilespmem:$0xFB80] =	vst v63  }
0x17: {  	_ =	swait.ge [sflag:s30], $0x80  }
0x18: {  	[sflag:s30] =	ssyncset.done $0x0  }
0x19: {  	[sflag:s30] =	ssyncadd.s32 $0xFFFFFF80  }
0x1a: {  	s10 =	simm.s32 $0xF780;
	s1 =	rddreg [dreg:$0x5]  }
0x1b: {  	[tilespmem:s10], [sflag:$0x1] =	stream.indirect.gather [hbm4b:s1+s26], $0x1, s3, s26, $0xb8;
	[tilespmem:$0xFB80] =	vst v63  }
0x1c: {  	_ =	swait.ge [sflag:s30], $0x80  }
0x1d: {  	[sflag:s30] =	ssyncset.done $0x0  }
0x1e: {  	[sflag:s30] =	ssyncadd.s32 $0xFFFFFF80  }
0x1f: {  	s11 =	simm.s32 $0xF980;
	s2 =	rddreg [dreg:$0x6]  }
0x20: {  	[tilespmem:s11], [sflag:$0x1] =	stream.indirect.gather [hbm4b:s2+s26], $0x1, s3, s26, $0xb8;
	[tilespmem:$0xFB80] =	vst v63  }
0x21: {  	_ =	swait.ge [sflag:s30], $0x80  }
0x22: {  	[sflag:s30] =	ssyncset.done $0x0  }
0x23: {  	s12 =	simm.s32 $0xF600;
	[sflag:s30] =	ssyncadd.s32 $0xFFFFFF80  }
0x24: {  	[tilespmem:s12], [sflag:$0x1] =	stream.indirect.gather [hbm4b:s0+s26], $0x1, s5, s26, $0xb8;
	[tilespmem:$0xFB80] =	vst v63  }
0x25: {  	_ =	swait.ge [sflag:s30], $0x80  }
0x26: {  	[sflag:s30] =	ssyncset.done $0x0  }
0x27: {  	s14 =	simm.s32 $0xF800;
	[sflag:s30] =	ssyncadd.s32 $0xFFFFFF80  }
0x28: {  	[tilespmem:s14], [sflag:$0x1] =	stream.indirect.gather [hbm4b:s1+s26], $0x1, s5, s26, $0xb8;
	[tilespmem:$0xFB80] =	vst v63  }
0x29: {  	_ =	swait.ge [sflag:s30], $0x80  }
0x2a: {  	[sflag:s30] =	ssyncset.done $0x0  }
0x2b: {  	s15 =	simm.s32 $0xFA00;
	[sflag:s30] =	ssyncadd.s32 $0xFFFFFF80  }
0x2c: {  	[tilespmem:s15], [sflag:$0x1] =	stream.indirect.gather [hbm4b:s2+s26], $0x1, s5, s26, $0xb8;
	[tilespmem:$0xFB80] =	vst v63  }
0x2d: {  	_ =	swait.ge [sflag:s30], $0x80  }
0x2e: {  	[sflag:s30] =	ssyncset.done $0x0  }
0x2f: {  	s16 =	simm.s32 $0xF680;
	[sflag:s30] =	ssyncadd.s32 $0xFFFFFF80  }
0x30: {  	[tilespmem:s16], [sflag:$0x1] =	stream.indirect.gather [hbm4b:s0+s26], $0x1, s22, s26, $0xb8;
	[tilespmem:$0xFB80] =	vst v63  }
0x31: {  	_ =	swait.ge [sflag:s30], $0x80  }
0x32: {  	[sflag:s30] =	ssyncset.done $0x0  }
0x33: {  	s17 =	simm.s32 $0xF880;
	[sflag:s30] =	ssyncadd.s32 $0xFFFFFF80  }
0x34: {  	[tilespmem:s17], [sflag:$0x1] =	stream.indirect.gather [hbm4b:s1+s26], $0x1, s22, s26, $0xb8;
	[tilespmem:$0xFB80] =	vst v63  }
0x35: {  	_ =	swait.ge [sflag:s30], $0x80  }
0x36: {  	[sflag:s30] =	ssyncset.done $0x0  }
0x37: {  	s18 =	simm.s32 $0xFA80;
	[sflag:s30] =	ssyncadd.s32 $0xFFFFFF80  }
0x38: {  	[tilespmem:s18], [sflag:$0x1] =	stream.indirect.gather [hbm4b:s2+s26], $0x1, s22, s26, $0xb8;
	[tilespmem:$0xFB80] =	vst v63  }
0x39: {  	_ =	swait.ge [sflag:s30], $0x80  }
0x3a: {  	[sflag:s30] =	ssyncset.done $0x0  }
0x3b: {  	s19 =	simm.s32 $0xF700;
	[sflag:s30] =	ssyncadd.s32 $0xFFFFFF80  }
0x3c: {  	[tilespmem:s19], [sflag:$0x1] =	stream.indirect.gather [hbm4b:s0+s26], $0x1, s21, s26, $0xb8;
	[tilespmem:$0xFB80] =	vst v63  }
0x3d: {  	_ =	swait.ge [sflag:s30], $0x80  }
0x3e: {  	[sflag:s30] =	ssyncset.done $0x0  }
0x3f: {  	s28 =	simm.s32 $0xF900;
	[sflag:s30] =	ssyncadd.s32 $0xFFFFFF80  }
0x40: {  	[tilespmem:s28], [sflag:$0x1] =	stream.indirect.gather [hbm4b:s1+s26], $0x1, s21, s26, $0xb8;
	[tilespmem:$0xFB80] =	vst v63  }
0x41: {  	_ =	swait.ge [sflag:s30], $0x80  }
0x42: {  	[sflag:s30] =	ssyncset.done $0x0  }
0x43: {  	s12 =	simm.s32 $0xFB00;
	[sflag:s30] =	ssyncadd.s32 $0xFFFFFF80  }
0x44: {  	[tilespmem:s12], [sflag:$0x1] =	stream.indirect.gather [hbm4b:s2+s26], $0x1, s21, s26, $0xb8;
	[tilespmem:$0xFB80] =	vst v63  }
0x45: {  	_ =	swait.ge [sflag:s30], $0x80  }
0x46: {  	[sflag:s30] =	ssyncset.done $0x0  }
0x47: {  	s13 =	rddreg [dreg:$0xb];
	[sflag:s30] =	ssyncadd.s32 $0xFFFFFF80  }
0x48: {  	[hbm4b:s13+s4] =	stream.linear.scatter [tilespmem:s3], [sflag:$0x2], $0x80, $0x38;
	[tilespmem:$0xFB80] =	vst v63  }
0x49: {  	_ =	swait.ge [sflag:s20], $0x80  }
0x4a: {  	[sflag:s20] =	ssyncset.done $0x0  }
0x4b: {  	s14 =	rddreg [dreg:$0xc];
	[sflag:s20] =	ssyncadd.s32 $0xFFFFFF80  }
0x4c: {  	[hbm4b:s14+s4] =	stream.linear.scatter [tilespmem:s5], [sflag:$0x2], $0x80, $0x38;
	[tilespmem:$0xFB80] =	vst v63  }
0x4d: {  	_ =	swait.ge [sflag:s20], $0x80  }
0x4e: {  	[sflag:s20] =	ssyncset.done $0x0  }
0x4f: {  	s15 =	rddreg [dreg:$0xd];
	[sflag:s20] =	ssyncadd.s32 $0xFFFFFF80  }
0x50: {  	[hbm4b:s15+s4] =	stream.linear.scatter [tilespmem:s22], [sflag:$0x2], $0x80, $0x38;
	[tilespmem:$0xFB80] =	vst v63  }
0x51: {  	_ =	swait.ge [sflag:s20], $0x80  }
0x52: {  	[sflag:s20] =	ssyncset.done $0x0  }
0x53: {  	s16 =	rddreg [dreg:$0xe];
	[sflag:s20] =	ssyncadd.s32 $0xFFFFFF80  }
0x54: {  	[hbm4b:s16+s4] =	stream.linear.scatter [tilespmem:s21], [sflag:$0x2], $0x80, $0x38;
	[tilespmem:$0xFB80] =	vst v63  }
0x55: {  	_ =	swait.ge [sflag:s20], $0x80  }
0x56: {  	[sflag:s20] =	ssyncset.done $0x0  }
0x57: {  	s17 =	rddreg [dreg:$0xf];
	[sflag:s20] =	ssyncadd.s32 $0xFFFFFF80  }
0x58: {  	[hbm4b:s17+s4] =	stream.linear.scatter [tilespmem:s9], [sflag:$0x2], $0x200, $0x38;
	[tilespmem:$0xFB80] =	vst v63  }
0x59: {  	_ =	swait.ge [sflag:s20], $0x200  }
0x5a: {  	[sflag:s20] =	ssyncset.done $0x0  }
0x5b: {  	s18 =	rddreg [dreg:$0x10];
	[sflag:s20] =	ssyncadd.s32 $0xFFFFFE00  }
0x5c: {  	[hbm4b:s18+s4] =	stream.linear.scatter [tilespmem:s10], [sflag:$0x2], $0x200, $0x38;
	[tilespmem:$0xFB80] =	vst v63  }
0x5d: {  	_ =	swait.ge [sflag:s20], $0x200  }
0x5e: {  	[sflag:s20] =	ssyncset.done $0x0  }
0x5f: {  	s19 =	rddreg [dreg:$0x11];
	[sflag:s20] =	ssyncadd.s32 $0xFFFFFE00  }
0x60: {  	[hbm4b:s19+s4] =	stream.linear.scatter [tilespmem:s11], [sflag:$0x2], $0x200, $0x38;
	[tilespmem:$0xFB80] =	vst v63  }
0x61: {  	_ =	swait.ge [sflag:s20], $0x200  }
0x62: {  	s29 =	sadd.s32 $0x1, s29;
	s28 =	rddreg [dreg:$0x12]  }
0x63: {  	p0 =	sne.s32 s29, s28  }
.Ltmp1:
0x64: {  	_ = 	snop;
	(pc) =	sbr.rel @!p0 .LBB2_19-.Ltmp1, $3  }
0x65: {  	_ =	sdelay $0x1  }
0x66: {  	[sflag:s20] =	ssyncset.done $0x0  }
0x67: {  	v0 =	vimm.f32 $+Inf;
	v1 =	vimm.s32 $0x0;
	[sflag:s20] =	ssyncadd.s32 $0xFFFFFE00  }
.LBB2_1:
0x68: {  	s0 =	rddreg [dreg:$0x8]  }
0x69: {  	[tilespmem:s4], [sflag:$0x2] =	stream.linear.gather [hbm4b:s0+s4], $0x200, $0x38;
	[tilespmem:$0xFB80] =	vst v63  }
0x6a: {  	_ =	swait.ge [sflag:s20], $0x200  }
0x6b: {  	[sflag:s20] =	ssyncset.done $0x0  }
0x6c: {  	s1 =	simm.s32 $0x200;
	s18 =	rddreg [dreg:$0x9];
	[sflag:s20] =	ssyncadd.s32 $0xFFFFFE00  }
0x6d: {  	[tilespmem:s1], [sflag:$0x2] =	stream.linear.gather [hbm4b:s18+s4], $0x200, $0x38;
	[tilespmem:$0xFB80] =	vst v63  }
0x6e: {  	_ =	swait.ge [sflag:s20], $0x200  }
0x6f: {  	[sflag:s20] =	ssyncset.done $0x0  }
0x70: {  	s28 =	simm.s32 $0x400;
	s19 =	rddreg [dreg:$0xa];
	[sflag:s20] =	ssyncadd.s32 $0xFFFFFE00  }
0x71: {  	[tilespmem:s28], [sflag:$0x2] =	stream.linear.gather [hbm4b:s19+s4], $0x200, $0x38;
	[tilespmem:$0xFB80] =	vst v63  }
0x72: {  	_ =	swait.ge [sflag:s20], $0x200  }
0x73: {  	[sflag:s20] =	ssyncset.done $0x0  }
0x74: {  	s0 =	simm.s32 $0xF180;
	[sflag:s20] =	ssyncadd.s32 $0xFFFFFE00  }
0x75: {  	s2 =	sand.u32 $0x1F0, s4;
	s1 =	simm.s32 $0x10;
	[tilespmem:s0+$0x0] =	vst v0  }
.LBB2_2:
0x76: {  	p0 =	sne.s32 s1, $0x1F0  }
0x77: {  	[tilespmem:s2+$0xF380] =	vst v1;
	s0 =	sadd.s32 $0x10, s0;
	s2 =	smov.u32 s1;
	s1 =	sadd.s32 $0x10, s1  }
.Ltmp2:
0x78: {  	(pc) =	sbr.rel @p0 .LBB2_2-.Ltmp2, $2  }
0x79: {  	_ =	sdelay $0x2  }
0x7a: {  	s2 =	sand.u32 $0x1F0, s2;
	[tilespmem:s0+$0x0] =	vst v0  }
.Ltmp3:
0x7b: {  	(pc) =	sbr.rel .LBB2_4-.Ltmp3, $2  }
0x7c: {  	_ =	sdelay $0x2  }
0x7d: {  	[tilespmem:s2+$0xF380] =	vst v1;
	s0 =	simm.s32 $0x0;
	s9 =	simm.s32 $0x0  }
.LBB2_17:
0x7e: {  	s9 =	sadd.s32 $0x1, s9  }
0x7f: {  	p0 =	sne.s32 s9, $0x5  }
.Ltmp4:
0x80: {  	_ = 	snop;
	(pc) =	sbr.rel @!p0 .LBB2_18-.Ltmp4, $2  }
0x81: {  	_ =	sdelay $0x2  }
0x82: {  	s0 =	sadd.s32 $0x4E20, s0  }
.LBB2_4:
0x83: {  	s1 =	smul.u32 $0x4E20, s9;
	_ =	sdelay $0x1  }
0x84: {  	s1 =	sshrl.u32 s1, $0x3  }
0x85: {  	s2 =	sadd.s32 s6, s1  }
0x86: {  	[tilespmem:s23], [sflag:$0x2] =	stream.linear.gather [hbm4b:s2+s31], $0x4E20, $0x38;
	[tilespmem:$0xFB80] =	vst v63  }
0x87: {  	_ =	swait.ge [sflag:s20], $0x4E20  }
0x88: {  	[sflag:s20] =	ssyncset.done $0x0  }
0x89: {  	s28 =	sadd.s32 s7, s1;
	[sflag:s20] =	ssyncadd.s32 $0xFFFFB1E0  }
0x8a: {  	[tilespmem:s24], [sflag:$0x2] =	stream.linear.gather [hbm4b:s28+s31], $0x4E20, $0x38;
	[tilespmem:$0xFB80] =	vst v63  }
0x8b: {  	_ =	swait.ge [sflag:s20], $0x4E20  }
0x8c: {  	[sflag:s20] =	ssyncset.done $0x0  }
.Ltmp5:
0x8d: {  	s1 =	sadd.s32 s8, s1;
	[sflag:s20] =	ssyncadd.s32 $0xFFFFB1E0;
	(pc) =	sbr.rel .LBB2_5-.Ltmp5, $4  }
0x8e: {  	[tilespmem:s25], [sflag:$0x2] =	stream.linear.gather [hbm4b:s1+s31], $0x4E20, $0x38;
	[tilespmem:$0xFB80] =	vst v63  }
0x8f: {  	_ =	swait.ge [sflag:s20], $0x4E20  }
0x90: {  	[sflag:s20] =	ssyncset.done $0x0  }
0x91: {  	s10 =	simm.s32 $0x0;
	[sflag:s20] =	ssyncadd.s32 $0xFFFFB1E0  }
.LBB2_16:
0x92: {  	v0 =	vld [tilespmem:$0x1FFD0]  }
0x93: {  	v59 =	vld [tilespmem:$0x1FFA0];
	_ =	sdelay $0x1  }
0x94: {  	v60 =	vld [tilespmem:$0x1FFB0]  }
0x95: {  	v61 =	vld [tilespmem:$0x1FFE0]  }
0x96: {  	v62 =	vld [tilespmem:$0x1FFC0];
	[tilespmem:s11+$0xF180] =	vst v0  }
0x97: {  	s10 =	sadd.s32 $0x1, s10;
	[tilespmem:s12+$0x0] =	vst v59  }
0x98: {  	v63 =	vld [tilespmem:$0x1FFF0];
	p0 =	sne.s32 s10, $0x8;
	[tilespmem:s13+$0xF180] =	vst v16  }
.Ltmp6:
0x99: {  	[tilespmem:s14+$0x0] =	vst v60;
	(pc) =	sbr.rel @!p0 .LBB2_17-.Ltmp6, $4  }
0x9a: {  	[tilespmem:s15+$0xF180] =	vst v61  }
0x9b: {  	[tilespmem:s16+$0x0] =	vst v62  }
0x9c: {  	[tilespmem:s17+$0xF180] =	vst v19  }
0x9d: {  	[tilespmem:s18+$0x0] =	vst v63  }
.LBB2_5:
0x9e: {  	s11 =	sshll.u32 s10, $0x6  }
0x9f: {  	v2 =	vld [tilespmem:s11+$0x0]  }
0xa0: {  	v3 =	vld [tilespmem:s11+$0x200];
	s1 =	sand.u32 $0x180, s11  }
0xa1: {  	v4 =	vld [tilespmem:s11+$0x400];
	s2 =	sand.u32 $0x40, s11;
	s1 =	sadd.s32 $0xF380, s1  }
0xa2: {  	v0 =	vld [tilespmem:s11+$0xF180];
	s12 =	sor.u32 s2, s1  }
0xa3: {  	v1 =	vld [tilespmem:s12+$0x0]  }
0xa4: {  	v5 =	vld [tilespmem:s11+$0x10]  }
0xa5: {  	s13 =	sor.u32 $0x10, s11;
	v6 =	vld [tilespmem:s11+$0x210]  }
0xa6: {  	v7 =	vld [tilespmem:s11+$0x410];
	s18 =	sand.u32 $0x50, s13  }
0xa7: {  	v16 =	vld [tilespmem:s11+$0xF190];
	s14 =	sor.u32 s18, s1  }
0xa8: {  	s15 =	sor.u32 $0x20, s11;
	[tilespmem:$0x1FFA0] =	vst v1;
	v1 =	vld [tilespmem:s14+$0x0]  }
0xa9: {  	v8 =	vld [tilespmem:s11+$0x20];
	s17 =	sor.u32 $0x30, s11;
	s19 =	sand.u32 $0x60, s15  }
0xaa: {  	v19 =	vld [tilespmem:s11+$0xF1B0];
	s28 =	sand.u32 $0x70, s17;
	s16 =	sor.u32 s19, s1  }
0xab: {  	s18 =	sor.u32 s28, s1;
	v11 =	vld [tilespmem:s16+$0x0]  }
0xac: {  	[tilespmem:$0x1FFD0] =	vst v0;
	v22 =	vbroadcast v0, $0xF;
	v0 =	vld [tilespmem:s18+$0x0]  }
0xad: {  	[tilespmem:$0x1FFB0] =	vst v1;
	v1 =	vld [tilespmem:s11+$0xF1A0]  }
.Ltmp7:
0xae: {  	v9 =	vld [tilespmem:s11+$0x220];
	(pc) =	sbr.rel .LBB2_6-.Ltmp7, $4  }
0xaf: {  	v10 =	vld [tilespmem:s11+$0x420]  }
0xb0: {  	v12 =	vld [tilespmem:s11+$0x230];
	[tilespmem:$0x1FFC0] =	vst v11  }
0xb1: {  	s3 =	simm.s32 $0x650;
	v13 =	vld [tilespmem:s11+$0x430];
	v23 =	vbroadcast v16, $0xF;
	[tilespmem:$0x1FFF0] =	vst v0  }
0xb2: {  	s19 =	simm.s32 $0x0;
	s1 =	simm.s32 $0xA350;
	s2 =	simm.s32 $0x54D0;
	v25 =	vbroadcast v19, $0xF;
	v11 =	vld [tilespmem:s11+$0x30];
	[tilespmem:$0x1FFE0] =	vst v1;
	v24 =	vbroadcast v1, $0xF  }
.LBB2_15:
0xb3: {  	s19 =	sadd.s32 $0xA0, s19  }
0xb4: {  	p0 =	sne.s32 s19, $0x4E20  }
.Ltmp8:
0xb5: {  	_ = 	snop;
	(pc) =	sbr.rel @!p0 .LBB2_16-.Ltmp8, $2  }
0xb6: {  	_ =	sdelay $0x2  }
0xb7: {  	s1 =	sadd.s32 $0xA0, s1;
	s2 =	sadd.s32 $0xA0, s2;
	s3 =	sadd.s32 $0xA0, s3  }
.LBB2_6:
0xb8: {  	v0 =	vld [tilespmem:s3+$0xFFFFFFB0]  }
0xb9: {  	v1 =	vld [tilespmem:s2+$0xFFFFFFB0];
	_ =	sdelay $0x1  }
0xba: {  	v26 =	vld [tilespmem:s1+$0xFFFFFFB0];
	_ =	sdelay $0x2  }
0xbb: {  	v27 =	vmul.f32 v0, v2;
	v28 =	vmul.f32 v1, v3;
	_ =	sdelay $0x1  }
0xbc: {  	v29 =	vld [tilespmem:s3+$0xFFFFFFC0];
	v27 =	vadd.f32 v28, v27;
	v28 =	vmul.f32 v26, v4  }
0xbd: {  	v32 =	vld [tilespmem:s2+$0xFFFFFFC0];
	v30 =	vmul.f32 v0, v5;
	v31 =	vmul.f32 v1, v6  }
0xbe: {  	v27 =	vadd.f32 v28, v27  }
0xbf: {  	v33 =	vld [tilespmem:s1+$0xFFFFFFC0];
	v34 =	vmul.f32 v26, v10;
	v28 =	vadd.f32 v31, v30;
	v30 =	vmul.f32 v26, v7  }
0xc0: {  	v31 =	vmul.f32 v0, v8;
	v56 =	vsub.f32 $0.0e+00, v27;
	v27 =	vmul.f32 v1, v9  }
0xc1: {  	v0 =	vmul.f32 v0, v11;
	v28 =	vadd.f32 v30, v28;
	v1 =	vmul.f32 v1, v12  }
0xc2: {  	v30 =	vmul.f32 v29, v2;
	v27 =	vadd.f32 v27, v31;
	v31 =	vmul.f32 v32, v3  }
0xc3: {  	v46 =	vsub.f32 $0.0e+00, v28;
	v0 =	vadd.f32 v1, v0;
	v1 =	vmul.f32 v26, v13  }
0xc4: {  	v28 =	vmul.f32 v33, v4;
	v26 =	vadd.f32 v34, v27;
	v27 =	vadd.f32 v31, v30  }
0xc5: {  	v0 =	vadd.f32 v1, v0;
	v1 =	vmul.f32 v29, v5;
	v30 =	vmul.f32 v32, v6;
	v31 =	vld [tilespmem:s3+$0xFFFFFFD0]  }
0xc6: {  	v36 =	vsub.f32 $0.0e+00, v26;
	v27 =	vadd.f32 v28, v27;
	v28 =	vld [tilespmem:s2+$0xFFFFFFD0]  }
0xc7: {  	v26 =	vsub.f32 $0.0e+00, v0;
	v0 =	vadd.f32 v30, v1;
	v1 =	vmul.f32 v33, v7  }
0xc8: {  	v41 =	vld [tilespmem:s1+$0xFFFFFFD0];
	v30 =	vmul.f32 v32, v9;
	v57 =	vsub.f32 $0.0e+00, v27;
	v27 =	vmul.f32 v29, v8  }
0xc9: {  	v0 =	vadd.f32 v1, v0;
	v1 =	vmul.f32 v29, v11;
	v29 =	vmul.f32 v32, v12  }
0xca: {  	v42 =	vmul.f32 v33, v13;
	v27 =	vadd.f32 v30, v27;
	v30 =	vmul.f32 v33, v10  }
0xcb: {  	v1 =	vadd.f32 v29, v1;
	v29 =	vmul.f32 v31, v2;
	v43 =	vmul.f32 v28, v3  }
0xcc: {  	v47 =	vsub.f32 $0.0e+00, v0;
	v0 =	vadd.f32 v30, v27  }
0xcd: {  	v45 =	vld [tilespmem:s3+$0xFFFFFFE0];
	v1 =	vadd.f32 v42, v1;
	v30 =	vmul.f32 v41, v4;
	v29 =	vadd.f32 v43, v29  }
0xce: {  	v35 =	vld [tilespmem:s2+$0xFFFFFFE0];
	v52 =	vmul.f32 v28, v6;
	v37 =	vsub.f32 $0.0e+00, v0;
	v0 =	vmul.f32 v31, v5  }
0xcf: {  	v27 =	vsub.f32 $0.0e+00, v1;
	v1 =	vadd.f32 v30, v29  }
0xd0: {  	v53 =	vld [tilespmem:s1+$0xFFFFFFE0];
	v38 =	vmul.f32 v41, v10;
	v29 =	vmul.f32 v41, v7;
	v0 =	vadd.f32 v52, v0  }
0xd1: {  	v30 =	vmul.f32 v31, v8;
	v58 =	vsub.f32 $0.0e+00, v1;
	v1 =	vmul.f32 v28, v9  }
0xd2: {  	v28 =	vmul.f32 v28, v12;
	v0 =	vadd.f32 v29, v0;
	v29 =	vmul.f32 v31, v11  }
0xd3: {  	v31 =	vmul.f32 v35, v3;
	v1 =	vadd.f32 v1, v30;
	v30 =	vmul.f32 v45, v2  }
0xd4: {  	v48 =	vsub.f32 $0.0e+00, v0;
	v0 =	vadd.f32 v28, v29;
	v28 =	vmul.f32 v41, v13  }
0xd5: {  	v1 =	vadd.f32 v38, v1;
	v29 =	vadd.f32 v31, v30;
	v30 =	vmul.f32 v53, v4  }
0xd6: {  	v40 =	vld [tilespmem:s3+$0xFFFFFFF0];
	v54 =	vmul.f32 v35, v6;
	v31 =	vmul.f32 v45, v5;
	v0 =	vadd.f32 v28, v0  }
0xd7: {  	v38 =	vsub.f32 $0.0e+00, v1;
	v1 =	vadd.f32 v30, v29;
	v30 =	vld [tilespmem:s2+$0xFFFFFFF0]  }
0xd8: {  	v29 =	vmul.f32 v53, v7;
	v28 =	vsub.f32 $0.0e+00, v0;
	v0 =	vadd.f32 v54, v31  }
0xd9: {  	v55 =	vld [tilespmem:s1+$0xFFFFFFF0];
	v31 =	vmul.f32 v35, v9;
	v59 =	vsub.f32 $0.0e+00, v1;
	v1 =	vmul.f32 v45, v8  }
0xda: {  	v41 =	vmul.f32 v35, v12;
	v0 =	vadd.f32 v29, v0;
	v29 =	vmul.f32 v45, v11  }
0xdb: {  	v33 =	vmul.f32 v53, v13;
	v1 =	vadd.f32 v31, v1;
	v31 =	vmul.f32 v53, v10  }
0xdc: {  	v42 =	vmul.f32 v40, v2;
	v29 =	vadd.f32 v41, v29;
	v43 =	vmul.f32 v30, v3  }
0xdd: {  	v49 =	vsub.f32 $0.0e+00, v0;
	v0 =	vadd.f32 v31, v1  }
0xde: {  	v44 =	vmul.f32 v55, v4;
	v45 =	vld [tilespmem:s3+$0x0];
	v1 =	vadd.f32 v33, v29;
	v31 =	vadd.f32 v43, v42  }
0xdf: {  	v50 =	vmul.f32 v30, v6;
	v41 =	vld [tilespmem:s2+$0x0];
	v39 =	vsub.f32 $0.0e+00, v0;
	v0 =	vmul.f32 v40, v5  }
0xe0: {  	v29 =	vsub.f32 $0.0e+00, v1;
	v1 =	vadd.f32 v44, v31  }
0xe1: {  	v51 =	vmul.f32 v40, v8;
	v52 =	vld [tilespmem:s1+$0x0];
	v31 =	vmul.f32 v55, v7;
	v0 =	vadd.f32 v50, v0  }
0xe2: {  	v42 =	vmul.f32 v55, v10;
	v60 =	vsub.f32 $0.0e+00, v1;
	v1 =	vmul.f32 v30, v9  }
0xe3: {  	v30 =	vmul.f32 v30, v12;
	v0 =	vadd.f32 v31, v0;
	v31 =	vmul.f32 v40, v11  }
0xe4: {  	v53 =	vmul.f32 v45, v2;
	v54 =	vmul.f32 v41, v3;
	v1 =	vadd.f32 v1, v51  }
0xe5: {  	v50 =	vsub.f32 $0.0e+00, v0;
	v0 =	vadd.f32 v30, v31;
	v30 =	vmul.f32 v55, v13  }
0xe6: {  	v31 =	vadd.f32 v54, v53;
	v55 =	vmul.f32 v52, v4;
	v1 =	vadd.f32 v42, v1  }
0xe7: {  	v32 =	vld [tilespmem:s2+$0x10];
	v61 =	vmul.f32 v45, v5;
	v62 =	vmul.f32 v41, v6;
	v0 =	vadd.f32 v30, v0  }
0xe8: {  	v43 =	vld [tilespmem:s3+$0x10];
	v40 =	vsub.f32 $0.0e+00, v1;
	v1 =	vadd.f32 v55, v31  }
0xe9: {  	v31 =	vmul.f32 v52, v7;
	v30 =	vsub.f32 $0.0e+00, v0;
	v0 =	vadd.f32 v62, v61  }
0xea: {  	v63 =	vmul.f32 v41, v9;
	v42 =	vld [tilespmem:s1+$0x10];
	v61 =	vsub.f32 $0.0e+00, v1;
	v1 =	vmul.f32 v45, v8  }
0xeb: {  	v44 =	vmul.f32 v41, v12;
	v0 =	vadd.f32 v31, v0;
	v31 =	vmul.f32 v45, v11  }
0xec: {  	v35 =	vmul.f32 v52, v13;
	v45 =	vmul.f32 v52, v10;
	v1 =	vadd.f32 v63, v1  }
0xed: {  	v54 =	vmul.f32 v43, v2;
	v55 =	vmul.f32 v32, v3;
	v31 =	vadd.f32 v44, v31  }
0xee: {  	v51 =	vsub.f32 $0.0e+00, v0;
	v0 =	vadd.f32 v45, v1  }
0xef: {  	v33 =	vadd.f32 v55, v54;
	v62 =	vmul.f32 v42, v4;
	v45 =	vld [tilespmem:s2+$0x20];
	v1 =	vadd.f32 v35, v31  }
0xf0: {  	v44 =	vmul.f32 v32, v6;
	v35 =	vld [tilespmem:s3+$0x20];
	v41 =	vsub.f32 $0.0e+00, v0;
	v0 =	vmul.f32 v43, v5  }
0xf1: {  	v31 =	vsub.f32 $0.0e+00, v1;
	v1 =	vadd.f32 v62, v33  }
0xf2: {  	v34 =	vmul.f32 v43, v8;
	v33 =	vmul.f32 v42, v7;
	v0 =	vadd.f32 v44, v0;
	v44 =	vld [tilespmem:s1+$0x20]  }
0xf3: {  	v53 =	vmul.f32 v42, v10;
	v62 =	vsub.f32 $0.0e+00, v1;
	v1 =	vmul.f32 v32, v9  }
0xf4: {  	v32 =	vmul.f32 v32, v12;
	v0 =	vadd.f32 v33, v0;
	v33 =	vmul.f32 v43, v11  }
0xf5: {  	v63 =	vmul.f32 v45, v3;
	v1 =	vadd.f32 v1, v34;
	v34 =	vmul.f32 v35, v2  }
0xf6: {  	v55 =	vmul.f32 v42, v13;
	v52 =	vsub.f32 $0.0e+00, v0;
	v0 =	vadd.f32 v32, v33  }
0xf7: {  	s28 =	sand.u32 $0x7FE0, s19;
	v1 =	vadd.f32 v53, v1;
	v33 =	vadd.f32 v63, v34;
	v34 =	vmul.f32 v44, v4  }
0xf8: {  	v54 =	vld [tilespmem:s28+$0x680];
	v43 =	vmul.f32 v35, v5;
	v63 =	vmul.f32 v45, v6;
	v0 =	vadd.f32 v55, v0  }
0xf9: {  	v42 =	vsub.f32 $0.0e+00, v1;
	v1 =	vadd.f32 v34, v33;
	v34 =	vld [tilespmem:s28+$0x5500]  }
0xfa: {  	v33 =	vmul.f32 v44, v7;
	v32 =	vsub.f32 $0.0e+00, v0;
	v0 =	vadd.f32 v63, v43  }
0xfb: {  	v55 =	vld [tilespmem:s28+$0xA380];
	v43 =	vmul.f32 v45, v9;
	v63 =	vsub.f32 $0.0e+00, v1;
	v1 =	vmul.f32 v35, v8  }
0xfc: {  	v53 =	vmul.f32 v45, v12;
	v0 =	vadd.f32 v33, v0;
	v33 =	vmul.f32 v35, v11  }
0xfd: {  	v17 =	vld [tilespmem:s2+$0x40];
	v35 =	vmul.f32 v54, v2;
	v1 =	vadd.f32 v43, v1;
	v43 =	vmul.f32 v44, v10  }
0xfe: {  	v44 =	vmul.f32 v44, v13;
	v33 =	vadd.f32 v53, v33;
	v45 =	vmul.f32 v34, v3  }
0xff: {  	v53 =	vsub.f32 $0.0e+00, v0;
	v0 =	vadd.f32 v43, v1  }
0x100: {  	v1 =	vadd.f32 v44, v33;
	v35 =	vadd.f32 v45, v35;
	v44 =	vmul.f32 v55, v4  }
0x101: {  	v45 =	vmul.f32 v34, v6;
	v43 =	vsub.f32 $0.0e+00, v0;
	v0 =	vmul.f32 v54, v5  }
0x102: {  	v15 =	vld [tilespmem:s3+$0x40];
	v14 =	vmul.f32 v17, v3;
	v33 =	vsub.f32 $0.0e+00, v1  }
0x103: {  	v1 =	vadd.f32 v44, v35;
	v44 =	vmul.f32 v55, v7;
	v35 =	vadd.f32 v45, v0  }
0x104: {  	v20 =	vld [tilespmem:s1+$0x40];
	v21 =	vmul.f32 v55, v10;
	v45 =	vmul.f32 v54, v8  }
0x105: {  	v0 =	vsub.f32 $0.0e+00, v1;
	v1 =	vmul.f32 v34, v9;
	v35 =	vadd.f32 v44, v35  }
0x106: {  	v34 =	vmul.f32 v34, v12;
	v44 =	vmul.f32 v54, v11  }
0x107: {  	v1 =	vadd.f32 v1, v45;
	v45 =	vmul.f32 v15, v2;
	v54 =	vsub.f32 $0.0e+00, v35  }
0x108: {  	v34 =	vadd.f32 v34, v44;
	v44 =	vmul.f32 v55, v13;
	v35 =	vmul.f32 v15, v5  }
0x109: {  	v1 =	vadd.f32 v21, v1;
	v14 =	vadd.f32 v14, v45;
	v21 =	vmul.f32 v20, v4  }
0x10a: {  	v55 =	vmul.f32 v17, v9;
	v34 =	vadd.f32 v44, v34;
	v44 =	vmul.f32 v17, v6  }
0x10b: {  	v14 =	vadd.f32 v21, v14;
	v21 =	vmul.f32 v15, v8;
	v45 =	vsub.f32 $0.0e+00, v1  }
0x10c: {  	v1 =	vmul.f32 v15, v11;
	v15 =	vmul.f32 v17, v12;
	v17 =	vadd.f32 v44, v35  }
0x10d: {  	v44 =	vmul.f32 v20, v7;
	v21 =	vadd.f32 v55, v21;
	v55 =	vmin.f32 v56, v57  }
0x10e: {  	v1 =	vadd.f32 v15, v1;
	v15 =	vmin.f32 v55, v58;
	v55 =	vmul.f32 v20, v10  }
0x10f: {  	v35 =	vsub.f32 $0.0e+00, v34;
	v20 =	vmul.f32 v20, v13  }
0x110: {  	v17 =	vadd.f32 v44, v17;
	v15 =	vmin.f32 v15, v59;
	v21 =	vadd.f32 v55, v21  }
0x111: {  	v15 =	vmin.f32 v15, v60;
	v20 =	vadd.f32 v20, v1;
	v1 =	vsub.f32 $0.0e+00, v14  }
0x112: {  	v55 =	vsub.f32 $0.0e+00, v17;
	v17 =	vmin.f32 v36, v37;
	v15 =	vmin.f32 v15, v61  }
0x113: {  	v17 =	vmin.f32 v17, v38;
	v14 =	vmin.f32 v15, v62;
	v44 =	vsub.f32 $0.0e+00, v21  }
0x114: {  	v34 =	vsub.f32 $0.0e+00, v20;
	v15 =	vmin.f32 v46, v47;
	v17 =	vmin.f32 v17, v39  }
0x115: {  	v20 =	vmin.f32 v26, v27;
	v14 =	vmin.f32 v14, v63;
	v15 =	vmin.f32 v15, v48  }
0x116: {  	v17 =	vmin.f32 v17, v40;
	v20 =	vmin.f32 v20, v28;
	v15 =	vmin.f32 v15, v49  }
0x117: {  	v14 =	vmin.f32 v14, v0;
	v17 =	vmin.f32 v17, v41;
	v15 =	vmin.f32 v15, v50  }
0x118: {  	v20 =	vmin.f32 v20, v29;
	v14 =	vmin.f32 v14, v1;
	v15 =	vmin.f32 v15, v51  }
0x119: {  	v17 =	vmin.f32 v17, v42;
	v20 =	vmin.f32 v20, v30;
	v15 =	vmin.f32 v15, v52  }
0x11a: {  	v17 =	vmin.f32 v17, v43;
	v20 =	vmin.f32 v20, v31;
	v15 =	vmin.f32 v15, v53  }
0x11b: {  	vm3 =	vlt.f32 v14, v22;
	v20 =	vmin.f32 v20, v32;
	v15 =	vmin.f32 v15, v54  }
0x11c: {  	v17 =	vmin.f32 v17, v45;
	v20 =	vmin.f32 v20, v33;
	v15 =	vmin.f32 v15, v55  }
0x11d: {  	v17 =	vmin.f32 v17, v44;
	v20 =	vmin.f32 v20, v35;
	vm2 =	vlt.f32 v15, v23  }
0x11e: {  	vm1 =	vlt.f32 v17, v24;
	v14 =	vmin.f32 v20, v34;
	vm0 =	vmor vm3, vm2  }
0x11f: {  	vm4 =	vmor vm1, vm0;
	vm0 =	vlt.f32 v14, v25  }
0x120: {  	vm4 =	vmor vm0, vm4  }
0x121: {  	v14 =	vmpcnt.ones.xlane vm4;
	_ =	sdelay $0x1  }
0x122: {  	(v2sf) =	vpush v14, $0x0;
	_ =	sdelay $0xe  }
0x123: {  	s28 =	spop (v2sf)  }
0x124: {  	p0 =	slt.s32 s28, $0x1  }
.Ltmp9:
0x125: {  	_ = 	snop;
	(pc) =	sbr.rel @p0 .LBB2_15-.Ltmp9, $1  }
0x126: {  	_ =	sdelay $0x3  }
0x127: {  	v14 =	vmpcnt.ones.xlane vm3;
	_ =	sdelay $0x1  }
0x128: {  	(v2sf) =	vpush v14, $0x0;
	_ =	sdelay $0xe  }
0x129: {  	s28 =	spop (v2sf)  }
0x12a: {  	p0 =	slt.s32 s28, $0x1  }
.Ltmp10:
0x12b: {  	_ = 	snop;
	(pc) =	sbr.rel @p0 .LBB2_9-.Ltmp10, $1  }
0x12c: {  	_ =	sdelay $0x3  }
0x12d: {  	vm3 =	vlt.f32 v56, v22  }
0x12e: {  	v14 =	vmpcnt.ones.xlane vm3;
	_ =	sdelay $0x1  }
0x12f: {  	(v2sf) =	vpush v14, $0x0;
	_ =	sdelay $0xe  }
0x130: {  	s28 =	spop (v2sf)  }
0x131: {  	p1 =	slt.s32 s28, $0x1  }
0x132: {  	vm3 =	vlt.f32 @!p1 v56, v22;
	s28 =	sadd.s32 @!p1 s19, s0;
	v14 =	vlaneseq.u32 @!p1  }
0x133: {  	v14 =	vor.u32 @!p1 s28, v14;
	v15 =	vnsel @!p1 vm3, $0x7F800000, v56  }
0x134: {  	(xrf1) =	vsort.dscd.msk.f32 @!p1 $0xffff, v15, v14;
	_ =	sdelay $0x9  }
0x135: {  	v56 =	vld [tilespmem:$0x1FFD0]  }
0x136: {  	v18 =	vmov v16;
	v16 =	vld [tilespmem:$0x1FFA0];
	_ =	sdelay $0x2  }
0x137: {  	v14, v15, _ =	vpop @!p1 (xrf1)  }
0x138: {  	vm3 =	vle.f32 @!p1 v56, v14  }
0x139: {  	v14 =	vmin.f32 @!p1 v56, v14;
	v15 =	vsel @!p1 vm3, v16, v15  }
0x13a: {  	(xrf1) =	vsort.ascd.msk.f32 @!p1 $0xffff, v14, v15;
	_ =	sdelay $0xd  }
0x13b: {  	v14, v15, _ =	vpop @!p1 (xrf1)  }
0x13c: {  	v17 =	vbroadcast @!p1 v14, $0xF;
	_ =	sdelay $0x1  }
0x13d: {  	v17 =	vpsel p1, v22, v17  }
0x13e: {  	vm3 =	vlt.f32 v57, v17  }
0x13f: {  	v20 =	vmpcnt.ones.xlane vm3;
	_ =	sdelay $0x1  }
0x140: {  	(v2sf) =	vpush v20, $0x0;
	_ =	sdelay $0xe  }
0x141: {  	s28 =	spop (v2sf)  }
0x142: {  	p0 =	slt.s32 s28, $0x1  }
0x143: {  	s28 =	sadd.s32 @!p0 s19, s0  }
0x144: {  	vm3 =	vlt.f32 @!p0 v57, v17;
	v20 =	vlaneseq.u32 @!p0;
	s28 =	sadd.s32 @!p0 $0x10, s28  }
0x145: {  	v21 =	vnsel @!p0 vm3, $0x7F800000, v57;
	v20 =	vor.u32 @!p0 s28, v20  }
0x146: {  	(xrf1) =	vsort.dscd.msk.f32 @!p0 $0xffff, v21, v20;
	_ =	sdelay $0xd  }
0x147: {  	v14 =	vpsel p1, v56, v14;
	v20, v21, _ =	vpop @!p0 (xrf1)  }
0x148: {  	v15 =	vpsel p1, v16, v15;
	vm3 =	vle.f32 @!p0 v14, v20  }
0x149: {  	v20 =	vmin.f32 @!p0 v14, v20;
	v21 =	vsel @!p0 vm3, v15, v21  }
0x14a: {  	(xrf1) =	vsort.ascd.msk.f32 @!p0 $0xffff, v20, v21;
	_ =	sdelay $0xd  }
0x14b: {  	v20, v21, _ =	vpop @!p0 (xrf1)  }
0x14c: {  	v22 =	vbroadcast @!p0 v20, $0xF;
	_ =	sdelay $0x1  }
0x14d: {  	v17 =	vpsel p0, v17, v22  }
0x14e: {  	vm3 =	vlt.f32 v58, v17  }
0x14f: {  	v22 =	vmpcnt.ones.xlane vm3;
	_ =	sdelay $0x1  }
0x150: {  	(v2sf) =	vpush v22, $0x0;
	_ =	sdelay $0xe  }
0x151: {  	s28 =	spop (v2sf)  }
0x152: {  	p1 =	slt.s32 s28, $0x1  }
0x153: {  	s28 =	sadd.s32 @!p1 s19, s0  }
0x154: {  	vm3 =	vlt.f32 @!p1 v58, v17;
	v22 =	vlaneseq.u32 @!p1;
	s28 =	sadd.s32 @!p1 $0x20, s28  }
0x155: {  	v56 =	vnsel @!p1 vm3, $0x7F800000, v58;
	v22 =	vor.u32 @!p1 s28, v22  }
0x156: {  	(xrf1) =	vsort.dscd.msk.f32 @!p1 $0xffff, v56, v22;
	_ =	sdelay $0xd  }
0x157: {  	v14 =	vpsel p0, v14, v20;
	v20, v22, _ =	vpop @!p1 (xrf1)  }
0x158: {  	v15 =	vpsel p0, v15, v21;
	vm3 =	vle.f32 @!p1 v14, v20  }
0x159: {  	v20 =	vmin.f32 @!p1 v14, v20;
	v21 =	vsel @!p1 vm3, v15, v22  }
0x15a: {  	(xrf1) =	vsort.ascd.msk.f32 @!p1 $0xffff, v20, v21;
	_ =	sdelay $0xd  }
0x15b: {  	v20, v21, _ =	vpop @!p1 (xrf1)  }
0x15c: {  	v22 =	vbroadcast @!p1 v20, $0xF;
	_ =	sdelay $0x1  }
0x15d: {  	v17 =	vpsel p1, v17, v22  }
0x15e: {  	vm3 =	vlt.f32 v59, v17  }
0x15f: {  	v22 =	vmpcnt.ones.xlane vm3;
	_ =	sdelay $0x1  }
0x160: {  	(v2sf) =	vpush v22, $0x0;
	_ =	sdelay $0xe  }
0x161: {  	s28 =	spop (v2sf)  }
0x162: {  	p0 =	slt.s32 s28, $0x1  }
0x163: {  	s28 =	sadd.s32 @!p0 s19, s0  }
0x164: {  	vm3 =	vlt.f32 @!p0 v59, v17;
	v22 =	vlaneseq.u32 @!p0;
	s28 =	sadd.s32 @!p0 $0x30, s28  }
0x165: {  	v56 =	vnsel @!p0 vm3, $0x7F800000, v59;
	v22 =	vor.u32 @!p0 s28, v22  }
0x166: {  	(xrf1) =	vsort.dscd.msk.f32 @!p0 $0xffff, v56, v22;
	_ =	sdelay $0xd  }
0x167: {  	v14 =	vpsel p1, v14, v20;
	v20, v22, _ =	vpop @!p0 (xrf1)  }
0x168: {  	v15 =	vpsel p1, v15, v21;
	vm3 =	vle.f32 @!p0 v14, v20  }
0x169: {  	v20 =	vmin.f32 @!p0 v14, v20;
	v21 =	vsel @!p0 vm3, v15, v22  }
0x16a: {  	(xrf1) =	vsort.ascd.msk.f32 @!p0 $0xffff, v20, v21;
	_ =	sdelay $0xd  }
0x16b: {  	v20, v21, _ =	vpop @!p0 (xrf1)  }
0x16c: {  	v22 =	vbroadcast @!p0 v20, $0xF;
	_ =	sdelay $0x1  }
0x16d: {  	v17 =	vpsel p0, v17, v22  }
0x16e: {  	vm3 =	vlt.f32 v60, v17  }
0x16f: {  	v22 =	vmpcnt.ones.xlane vm3;
	_ =	sdelay $0x1  }
0x170: {  	(v2sf) =	vpush v22, $0x0;
	_ =	sdelay $0xe  }
0x171: {  	s28 =	spop (v2sf)  }
0x172: {  	p1 =	slt.s32 s28, $0x1  }
0x173: {  	s28 =	sadd.s32 @!p1 s19, s0  }
0x174: {  	vm3 =	vlt.f32 @!p1 v60, v17;
	v22 =	vlaneseq.u32 @!p1;
	s28 =	sadd.s32 @!p1 $0x40, s28  }
0x175: {  	v56 =	vnsel @!p1 vm3, $0x7F800000, v60;
	v22 =	vor.u32 @!p1 s28, v22  }
0x176: {  	(xrf1) =	vsort.dscd.msk.f32 @!p1 $0xffff, v56, v22;
	_ =	sdelay $0xd  }
0x177: {  	v14 =	vpsel p0, v14, v20;
	v20, v22, _ =	vpop @!p1 (xrf1)  }
0x178: {  	v15 =	vpsel p0, v15, v21;
	vm3 =	vle.f32 @!p1 v14, v20  }
0x179: {  	v20 =	vmin.f32 @!p1 v14, v20;
	v21 =	vsel @!p1 vm3, v15, v22  }
0x17a: {  	(xrf1) =	vsort.ascd.msk.f32 @!p1 $0xffff, v20, v21;
	_ =	sdelay $0xd  }
0x17b: {  	v20, v21, _ =	vpop @!p1 (xrf1)  }
0x17c: {  	v22 =	vbroadcast @!p1 v20, $0xF;
	_ =	sdelay $0x1  }
0x17d: {  	v17 =	vpsel p1, v17, v22  }
0x17e: {  	vm3 =	vlt.f32 v61, v17  }
0x17f: {  	v22 =	vmpcnt.ones.xlane vm3;
	_ =	sdelay $0x1  }
0x180: {  	(v2sf) =	vpush v22, $0x0;
	_ =	sdelay $0xe  }
0x181: {  	s28 =	spop (v2sf)  }
0x182: {  	p0 =	slt.s32 s28, $0x1  }
0x183: {  	s28 =	sadd.s32 @!p0 s19, s0  }
0x184: {  	vm3 =	vlt.f32 @!p0 v61, v17;
	v22 =	vlaneseq.u32 @!p0;
	s28 =	sadd.s32 @!p0 $0x50, s28  }
0x185: {  	v56 =	vnsel @!p0 vm3, $0x7F800000, v61;
	v22 =	vor.u32 @!p0 s28, v22  }
0x186: {  	(xrf1) =	vsort.dscd.msk.f32 @!p0 $0xffff, v56, v22;
	_ =	sdelay $0xd  }
0x187: {  	v14 =	vpsel p1, v14, v20;
	v20, v22, _ =	vpop @!p0 (xrf1)  }
0x188: {  	v15 =	vpsel p1, v15, v21;
	vm3 =	vle.f32 @!p0 v14, v20  }
0x189: {  	v20 =	vmin.f32 @!p0 v14, v20;
	v21 =	vsel @!p0 vm3, v15, v22  }
0x18a: {  	(xrf1) =	vsort.ascd.msk.f32 @!p0 $0xffff, v20, v21;
	_ =	sdelay $0xd  }
0x18b: {  	v20, v21, _ =	vpop @!p0 (xrf1)  }
0x18c: {  	v22 =	vbroadcast @!p0 v20, $0xF;
	_ =	sdelay $0x1  }
0x18d: {  	v17 =	vpsel p0, v17, v22  }
0x18e: {  	vm3 =	vlt.f32 v62, v17  }
0x18f: {  	v22 =	vmpcnt.ones.xlane vm3;
	_ =	sdelay $0x1  }
0x190: {  	(v2sf) =	vpush v22, $0x0;
	_ =	sdelay $0xe  }
0x191: {  	s28 =	spop (v2sf)  }
0x192: {  	p1 =	slt.s32 s28, $0x1  }
0x193: {  	s28 =	sadd.s32 @!p1 s19, s0  }
0x194: {  	vm3 =	vlt.f32 @!p1 v62, v17;
	v22 =	vlaneseq.u32 @!p1;
	s28 =	sadd.s32 @!p1 $0x60, s28  }
0x195: {  	v56 =	vnsel @!p1 vm3, $0x7F800000, v62;
	v22 =	vor.u32 @!p1 s28, v22  }
0x196: {  	(xrf1) =	vsort.dscd.msk.f32 @!p1 $0xffff, v56, v22;
	_ =	sdelay $0xd  }
0x197: {  	v14 =	vpsel p0, v14, v20;
	v20, v22, _ =	vpop @!p1 (xrf1)  }
0x198: {  	v15 =	vpsel p0, v15, v21;
	vm3 =	vle.f32 @!p1 v14, v20  }
0x199: {  	v20 =	vmin.f32 @!p1 v14, v20;
	v21 =	vsel @!p1 vm3, v15, v22  }
0x19a: {  	(xrf1) =	vsort.ascd.msk.f32 @!p1 $0xffff, v20, v21;
	_ =	sdelay $0xd  }
0x19b: {  	v20, v21, _ =	vpop @!p1 (xrf1)  }
0x19c: {  	v22 =	vbroadcast @!p1 v20, $0xF;
	_ =	sdelay $0x1  }
0x19d: {  	v17 =	vpsel p1, v17, v22  }
0x19e: {  	vm3 =	vlt.f32 v63, v17  }
0x19f: {  	v22 =	vmpcnt.ones.xlane vm3;
	_ =	sdelay $0x1  }
0x1a0: {  	(v2sf) =	vpush v22, $0x0;
	_ =	sdelay $0xe  }
0x1a1: {  	s28 =	spop (v2sf)  }
0x1a2: {  	p0 =	slt.s32 s28, $0x1  }
0x1a3: {  	s28 =	sadd.s32 @!p0 s19, s0  }
0x1a4: {  	vm3 =	vlt.f32 @!p0 v63, v17;
	v22 =	vlaneseq.u32 @!p0;
	s28 =	sadd.s32 @!p0 $0x70, s28  }
0x1a5: {  	v56 =	vnsel @!p0 vm3, $0x7F800000, v63;
	v22 =	vor.u32 @!p0 s28, v22  }
0x1a6: {  	(xrf1) =	vsort.dscd.msk.f32 @!p0 $0xffff, v56, v22;
	_ =	sdelay $0xd  }
0x1a7: {  	v14 =	vpsel p1, v14, v20;
	v20, v22, _ =	vpop @!p0 (xrf1)  }
0x1a8: {  	v15 =	vpsel p1, v15, v21;
	vm3 =	vle.f32 @!p0 v14, v20  }
0x1a9: {  	v20 =	vmin.f32 @!p0 v14, v20;
	v21 =	vsel @!p0 vm3, v15, v22  }
0x1aa: {  	(xrf1) =	vsort.ascd.msk.f32 @!p0 $0xffff, v20, v21;
	_ =	sdelay $0xd  }
0x1ab: {  	v20, v21, _ =	vpop @!p0 (xrf1)  }
0x1ac: {  	v22 =	vbroadcast @!p0 v20, $0xF;
	_ =	sdelay $0x1  }
0x1ad: {  	v17 =	vpsel p0, v17, v22  }
0x1ae: {  	vm3 =	vlt.f32 v0, v17  }
0x1af: {  	v22 =	vmpcnt.ones.xlane vm3;
	_ =	sdelay $0x1  }
0x1b0: {  	(v2sf) =	vpush v22, $0x0;
	_ =	sdelay $0xe  }
0x1b1: {  	s28 =	spop (v2sf)  }
0x1b2: {  	p1 =	slt.s32 s28, $0x1  }
0x1b3: {  	s28 =	sadd.s32 @!p1 s19, s0  }
0x1b4: {  	vm3 =	vlt.f32 @!p1 v0, v17;
	v22 =	vlaneseq.u32 @!p1;
	s28 =	sadd.s32 @!p1 $0x80, s28  }
0x1b5: {  	v0 =	vnsel @!p1 vm3, $0x7F800000, v0;
	v22 =	vor.u32 @!p1 s28, v22  }
0x1b6: {  	(xrf1) =	vsort.dscd.msk.f32 @!p1 $0xffff, v0, v22;
	_ =	sdelay $0xd  }
0x1b7: {  	v0 =	vpsel p0, v14, v20;
	v14, v20, _ =	vpop @!p1 (xrf1)  }
0x1b8: {  	v15 =	vpsel p0, v15, v21;
	vm3 =	vle.f32 @!p1 v0, v14  }
0x1b9: {  	v14 =	vmin.f32 @!p1 v0, v14;
	v20 =	vsel @!p1 vm3, v15, v20  }
0x1ba: {  	(xrf1) =	vsort.ascd.msk.f32 @!p1 $0xffff, v14, v20;
	_ =	sdelay $0xd  }
0x1bb: {  	v14, v20, _ =	vpop @!p1 (xrf1)  }
0x1bc: {  	v21 =	vbroadcast @!p1 v14, $0xF;
	_ =	sdelay $0x1  }
0x1bd: {  	v17 =	vpsel p1, v17, v21  }
0x1be: {  	vm3 =	vlt.f32 v1, v17  }
0x1bf: {  	v21 =	vmpcnt.ones.xlane vm3;
	_ =	sdelay $0x1  }
0x1c0: {  	(v2sf) =	vpush v21, $0x0;
	_ =	sdelay $0xe  }
0x1c1: {  	s28 =	spop (v2sf)  }
0x1c2: {  	p0 =	slt.s32 s28, $0x1  }
0x1c3: {  	s28 =	sadd.s32 @!p0 s19, s0  }
0x1c4: {  	vm3 =	vlt.f32 @!p0 v1, v17;
	v21 =	vlaneseq.u32 @!p0;
	s28 =	sadd.s32 @!p0 $0x90, s28  }
0x1c5: {  	v1 =	vnsel @!p0 vm3, $0x7F800000, v1;
	v21 =	vor.u32 @!p0 s28, v21  }
0x1c6: {  	(xrf1) =	vsort.dscd.msk.f32 @!p0 $0xffff, v1, v21;
	_ =	sdelay $0xd  }
0x1c7: {  	v0 =	vpsel p1, v0, v14;
	v1, v14, _ =	vpop @!p0 (xrf1)  }
0x1c8: {  	v15 =	vpsel p1, v15, v20;
	vm3 =	vle.f32 @!p0 v0, v1  }
0x1c9: {  	v1 =	vmin.f32 @!p0 v0, v1;
	v14 =	vsel @!p0 vm3, v15, v14  }
0x1ca: {  	(xrf1) =	vsort.ascd.msk.f32 @!p0 $0xffff, v1, v14;
	_ =	sdelay $0xd  }
0x1cb: {  	v1, v14, _ =	vpop @!p0 (xrf1)  }
0x1cc: {  	v20 =	vbroadcast @!p0 v1, $0xF;
	v0 =	vpsel p0, v0, v1  }
0x1cd: {  	[tilespmem:$0x1FFD0] =	vst v0;
	v0 =	vpsel p0, v15, v14  }
0x1ce: {  	v16 =	vmov v18;
	[tilespmem:$0x1FFA0] =	vst v0;
	v22 =	vpsel p0, v17, v20  }
.LBB2_9:
0x1cf: {  	v0 =	vmpcnt.ones.xlane vm2;
	_ =	sdelay $0x1  }
0x1d0: {  	(v2sf) =	vpush v0, $0x0;
	_ =	sdelay $0xe  }
0x1d1: {  	s28 =	spop (v2sf)  }
0x1d2: {  	p0 =	slt.s32 s28, $0x1  }
.Ltmp11:
0x1d3: {  	_ = 	snop;
	(pc) =	sbr.rel @p0 .LBB2_11-.Ltmp11, $1  }
0x1d4: {  	_ =	sdelay $0x3  }
0x1d5: {  	vm2 =	vlt.f32 v46, v23  }
0x1d6: {  	v0 =	vmpcnt.ones.xlane vm2;
	_ =	sdelay $0x1  }
0x1d7: {  	(v2sf) =	vpush v0, $0x0;
	_ =	sdelay $0xe  }
0x1d8: {  	s28 =	spop (v2sf)  }
0x1d9: {  	p1 =	slt.s32 s28, $0x1  }
0x1da: {  	vm2 =	vlt.f32 @!p1 v46, v23;
	s28 =	sadd.s32 @!p1 s19, s0;
	v0 =	vlaneseq.u32 @!p1  }
0x1db: {  	v0 =	vor.u32 @!p1 s28, v0;
	v1 =	vnsel @!p1 vm2, $0x7F800000, v46  }
0x1dc: {  	(xrf1) =	vsort.dscd.msk.f32 @!p1 $0xffff, v1, v0;
	_ =	sdelay $0xa  }
0x1dd: {  	v18 =	vld [tilespmem:$0x1FFB0];
	_ =	sdelay $0x2  }
0x1de: {  	v0, v1, _ =	vpop @!p1 (xrf1)  }
0x1df: {  	vm2 =	vle.f32 @!p1 v16, v0  }
0x1e0: {  	v0 =	vmin.f32 @!p1 v16, v0;
	v1 =	vsel @!p1 vm2, v18, v1  }
0x1e1: {  	(xrf1) =	vsort.ascd.msk.f32 @!p1 $0xffff, v0, v1;
	_ =	sdelay $0xd  }
0x1e2: {  	v0, v1, _ =	vpop @!p1 (xrf1)  }
0x1e3: {  	v14 =	vbroadcast @!p1 v0, $0xF;
	_ =	sdelay $0x1  }
0x1e4: {  	v14 =	vpsel p1, v23, v14  }
0x1e5: {  	vm2 =	vlt.f32 v47, v14  }
0x1e6: {  	v15 =	vmpcnt.ones.xlane vm2;
	_ =	sdelay $0x1  }
0x1e7: {  	(v2sf) =	vpush v15, $0x0;
	_ =	sdelay $0xe  }
0x1e8: {  	s28 =	spop (v2sf)  }
0x1e9: {  	p0 =	slt.s32 s28, $0x1  }
0x1ea: {  	s28 =	sadd.s32 @!p0 s19, s0  }
0x1eb: {  	vm2 =	vlt.f32 @!p0 v47, v14;
	v15 =	vlaneseq.u32 @!p0;
	s28 =	sadd.s32 @!p0 $0x10, s28  }
0x1ec: {  	v17 =	vnsel @!p0 vm2, $0x7F800000, v47;
	v15 =	vor.u32 @!p0 s28, v15  }
0x1ed: {  	(xrf1) =	vsort.dscd.msk.f32 @!p0 $0xffff, v17, v15;
	_ =	sdelay $0xd  }
0x1ee: {  	v0 =	vpsel p1, v16, v0;
	v15, v16, _ =	vpop @!p0 (xrf1)  }
0x1ef: {  	v1 =	vpsel p1, v18, v1;
	vm2 =	vle.f32 @!p0 v0, v15  }
0x1f0: {  	v15 =	vmin.f32 @!p0 v0, v15;
	v16 =	vsel @!p0 vm2, v1, v16  }
0x1f1: {  	(xrf1) =	vsort.ascd.msk.f32 @!p0 $0xffff, v15, v16;
	_ =	sdelay $0xd  }
0x1f2: {  	v15, v16, _ =	vpop @!p0 (xrf1)  }
0x1f3: {  	v17 =	vbroadcast @!p0 v15, $0xF;
	_ =	sdelay $0x1  }
0x1f4: {  	v14 =	vpsel p0, v14, v17  }
0x1f5: {  	vm2 =	vlt.f32 v48, v14  }
0x1f6: {  	v17 =	vmpcnt.ones.xlane vm2;
	_ =	sdelay $0x1  }
0x1f7: {  	(v2sf) =	vpush v17, $0x0;
	_ =	sdelay $0xe  }
0x1f8: {  	s28 =	spop (v2sf)  }
0x1f9: {  	p1 =	slt.s32 s28, $0x1  }
0x1fa: {  	s28 =	sadd.s32 @!p1 s19, s0  }
0x1fb: {  	vm2 =	vlt.f32 @!p1 v48, v14;
	v17 =	vlaneseq.u32 @!p1;
	s28 =	sadd.s32 @!p1 $0x20, s28  }
0x1fc: {  	v20 =	vnsel @!p1 vm2, $0x7F800000, v48;
	v17 =	vor.u32 @!p1 s28, v17  }
0x1fd: {  	(xrf1) =	vsort.dscd.msk.f32 @!p1 $0xffff, v20, v17;
	_ =	sdelay $0xd  }
0x1fe: {  	v0 =	vpsel p0, v0, v15;
	v15, v17, _ =	vpop @!p1 (xrf1)  }
0x1ff: {  	v1 =	vpsel p0, v1, v16;
	vm2 =	vle.f32 @!p1 v0, v15  }
0x200: {  	v15 =	vmin.f32 @!p1 v0, v15;
	v16 =	vsel @!p1 vm2, v1, v17  }
0x201: {  	(xrf1) =	vsort.ascd.msk.f32 @!p1 $0xffff, v15, v16;
	_ =	sdelay $0xd  }
0x202: {  	v15, v16, _ =	vpop @!p1 (xrf1)  }
0x203: {  	v17 =	vbroadcast @!p1 v15, $0xF;
	_ =	sdelay $0x1  }
0x204: {  	v14 =	vpsel p1, v14, v17  }
0x205: {  	vm2 =	vlt.f32 v49, v14  }
0x206: {  	v17 =	vmpcnt.ones.xlane vm2;
	_ =	sdelay $0x1  }
0x207: {  	(v2sf) =	vpush v17, $0x0;
	_ =	sdelay $0xe  }
0x208: {  	s28 =	spop (v2sf)  }
0x209: {  	p0 =	slt.s32 s28, $0x1  }
0x20a: {  	s28 =	sadd.s32 @!p0 s19, s0  }
0x20b: {  	vm2 =	vlt.f32 @!p0 v49, v14;
	v17 =	vlaneseq.u32 @!p0;
	s28 =	sadd.s32 @!p0 $0x30, s28  }
0x20c: {  	v20 =	vnsel @!p0 vm2, $0x7F800000, v49;
	v17 =	vor.u32 @!p0 s28, v17  }
0x20d: {  	(xrf1) =	vsort.dscd.msk.f32 @!p0 $0xffff, v20, v17;
	_ =	sdelay $0xd  }
0x20e: {  	v0 =	vpsel p1, v0, v15;
	v15, v17, _ =	vpop @!p0 (xrf1)  }
0x20f: {  	v1 =	vpsel p1, v1, v16;
	vm2 =	vle.f32 @!p0 v0, v15  }
0x210: {  	v15 =	vmin.f32 @!p0 v0, v15;
	v16 =	vsel @!p0 vm2, v1, v17  }
0x211: {  	(xrf1) =	vsort.ascd.msk.f32 @!p0 $0xffff, v15, v16;
	_ =	sdelay $0xd  }
0x212: {  	v15, v16, _ =	vpop @!p0 (xrf1)  }
0x213: {  	v17 =	vbroadcast @!p0 v15, $0xF;
	_ =	sdelay $0x1  }
0x214: {  	v14 =	vpsel p0, v14, v17  }
0x215: {  	vm2 =	vlt.f32 v50, v14  }
0x216: {  	v17 =	vmpcnt.ones.xlane vm2;
	_ =	sdelay $0x1  }
0x217: {  	(v2sf) =	vpush v17, $0x0;
	_ =	sdelay $0xe  }
0x218: {  	s28 =	spop (v2sf)  }
0x219: {  	p1 =	slt.s32 s28, $0x1  }
0x21a: {  	s28 =	sadd.s32 @!p1 s19, s0  }
0x21b: {  	vm2 =	vlt.f32 @!p1 v50, v14;
	v17 =	vlaneseq.u32 @!p1;
	s28 =	sadd.s32 @!p1 $0x40, s28  }
0x21c: {  	v20 =	vnsel @!p1 vm2, $0x7F800000, v50;
	v17 =	vor.u32 @!p1 s28, v17  }
0x21d: {  	(xrf1) =	vsort.dscd.msk.f32 @!p1 $0xffff, v20, v17;
	_ =	sdelay $0xd  }
0x21e: {  	v0 =	vpsel p0, v0, v15;
	v15, v17, _ =	vpop @!p1 (xrf1)  }
0x21f: {  	v1 =	vpsel p0, v1, v16;
	vm2 =	vle.f32 @!p1 v0, v15  }
0x220: {  	v15 =	vmin.f32 @!p1 v0, v15;
	v16 =	vsel @!p1 vm2, v1, v17  }
0x221: {  	(xrf1) =	vsort.ascd.msk.f32 @!p1 $0xffff, v15, v16;
	_ =	sdelay $0xd  }
0x222: {  	v15, v16, _ =	vpop @!p1 (xrf1)  }
0x223: {  	v17 =	vbroadcast @!p1 v15, $0xF;
	_ =	sdelay $0x1  }
0x224: {  	v14 =	vpsel p1, v14, v17  }
0x225: {  	vm2 =	vlt.f32 v51, v14  }
0x226: {  	v17 =	vmpcnt.ones.xlane vm2;
	_ =	sdelay $0x1  }
0x227: {  	(v2sf) =	vpush v17, $0x0;
	_ =	sdelay $0xe  }
0x228: {  	s28 =	spop (v2sf)  }
0x229: {  	p0 =	slt.s32 s28, $0x1  }
0x22a: {  	s28 =	sadd.s32 @!p0 s19, s0  }
0x22b: {  	vm2 =	vlt.f32 @!p0 v51, v14;
	v17 =	vlaneseq.u32 @!p0;
	s28 =	sadd.s32 @!p0 $0x50, s28  }
0x22c: {  	v20 =	vnsel @!p0 vm2, $0x7F800000, v51;
	v17 =	vor.u32 @!p0 s28, v17  }
0x22d: {  	(xrf1) =	vsort.dscd.msk.f32 @!p0 $0xffff, v20, v17;
	_ =	sdelay $0xd  }
0x22e: {  	v0 =	vpsel p1, v0, v15;
	v15, v17, _ =	vpop @!p0 (xrf1)  }
0x22f: {  	v1 =	vpsel p1, v1, v16;
	vm2 =	vle.f32 @!p0 v0, v15  }
0x230: {  	v15 =	vmin.f32 @!p0 v0, v15;
	v16 =	vsel @!p0 vm2, v1, v17  }
0x231: {  	(xrf1) =	vsort.ascd.msk.f32 @!p0 $0xffff, v15, v16;
	_ =	sdelay $0xd  }
0x232: {  	v15, v16, _ =	vpop @!p0 (xrf1)  }
0x233: {  	v17 =	vbroadcast @!p0 v15, $0xF;
	_ =	sdelay $0x1  }
0x234: {  	v14 =	vpsel p0, v14, v17  }
0x235: {  	vm2 =	vlt.f32 v52, v14  }
0x236: {  	v17 =	vmpcnt.ones.xlane vm2;
	_ =	sdelay $0x1  }
0x237: {  	(v2sf) =	vpush v17, $0x0;
	_ =	sdelay $0xe  }
0x238: {  	s28 =	spop (v2sf)  }
0x239: {  	p1 =	slt.s32 s28, $0x1  }
0x23a: {  	s28 =	sadd.s32 @!p1 s19, s0  }
0x23b: {  	vm2 =	vlt.f32 @!p1 v52, v14;
	v17 =	vlaneseq.u32 @!p1;
	s28 =	sadd.s32 @!p1 $0x60, s28  }
0x23c: {  	v20 =	vnsel @!p1 vm2, $0x7F800000, v52;
	v17 =	vor.u32 @!p1 s28, v17  }
0x23d: {  	(xrf1) =	vsort.dscd.msk.f32 @!p1 $0xffff, v20, v17;
	_ =	sdelay $0xd  }
0x23e: {  	v0 =	vpsel p0, v0, v15;
	v15, v17, _ =	vpop @!p1 (xrf1)  }
0x23f: {  	v1 =	vpsel p0, v1, v16;
	vm2 =	vle.f32 @!p1 v0, v15  }
0x240: {  	v15 =	vmin.f32 @!p1 v0, v15;
	v16 =	vsel @!p1 vm2, v1, v17  }
0x241: {  	(xrf1) =	vsort.ascd.msk.f32 @!p1 $0xffff, v15, v16;
	_ =	sdelay $0xd  }
0x242: {  	v15, v16, _ =	vpop @!p1 (xrf1)  }
0x243: {  	v17 =	vbroadcast @!p1 v15, $0xF;
	_ =	sdelay $0x1  }
0x244: {  	v14 =	vpsel p1, v14, v17  }
0x245: {  	vm2 =	vlt.f32 v53, v14  }
0x246: {  	v17 =	vmpcnt.ones.xlane vm2;
	_ =	sdelay $0x1  }
0x247: {  	(v2sf) =	vpush v17, $0x0;
	_ =	sdelay $0xe  }
0x248: {  	s28 =	spop (v2sf)  }
0x249: {  	p0 =	slt.s32 s28, $0x1  }
0x24a: {  	s28 =	sadd.s32 @!p0 s19, s0  }
0x24b: {  	vm2 =	vlt.f32 @!p0 v53, v14;
	v17 =	vlaneseq.u32 @!p0;
	s28 =	sadd.s32 @!p0 $0x70, s28  }
0x24c: {  	v20 =	vnsel @!p0 vm2, $0x7F800000, v53;
	v17 =	vor.u32 @!p0 s28, v17  }
0x24d: {  	(xrf1) =	vsort.dscd.msk.f32 @!p0 $0xffff, v20, v17;
	_ =	sdelay $0xd  }
0x24e: {  	v0 =	vpsel p1, v0, v15;
	v15, v17, _ =	vpop @!p0 (xrf1)  }
0x24f: {  	v1 =	vpsel p1, v1, v16;
	vm2 =	vle.f32 @!p0 v0, v15  }
0x250: {  	v15 =	vmin.f32 @!p0 v0, v15;
	v16 =	vsel @!p0 vm2, v1, v17  }
0x251: {  	(xrf1) =	vsort.ascd.msk.f32 @!p0 $0xffff, v15, v16;
	_ =	sdelay $0xd  }
0x252: {  	v15, v16, _ =	vpop @!p0 (xrf1)  }
0x253: {  	v17 =	vbroadcast @!p0 v15, $0xF;
	_ =	sdelay $0x1  }
0x254: {  	v14 =	vpsel p0, v14, v17  }
0x255: {  	vm2 =	vlt.f32 v54, v14  }
0x256: {  	v17 =	vmpcnt.ones.xlane vm2;
	_ =	sdelay $0x1  }
0x257: {  	(v2sf) =	vpush v17, $0x0;
	_ =	sdelay $0xe  }
0x258: {  	s28 =	spop (v2sf)  }
0x259: {  	p1 =	slt.s32 s28, $0x1  }
0x25a: {  	s28 =	sadd.s32 @!p1 s19, s0  }
0x25b: {  	vm2 =	vlt.f32 @!p1 v54, v14;
	v17 =	vlaneseq.u32 @!p1;
	s28 =	sadd.s32 @!p1 $0x80, s28  }
0x25c: {  	v20 =	vnsel @!p1 vm2, $0x7F800000, v54;
	v17 =	vor.u32 @!p1 s28, v17  }
0x25d: {  	(xrf1) =	vsort.dscd.msk.f32 @!p1 $0xffff, v20, v17;
	_ =	sdelay $0xd  }
0x25e: {  	v0 =	vpsel p0, v0, v15;
	v15, v17, _ =	vpop @!p1 (xrf1)  }
0x25f: {  	v1 =	vpsel p0, v1, v16;
	vm2 =	vle.f32 @!p1 v0, v15  }
0x260: {  	v15 =	vmin.f32 @!p1 v0, v15;
	v16 =	vsel @!p1 vm2, v1, v17  }
0x261: {  	(xrf1) =	vsort.ascd.msk.f32 @!p1 $0xffff, v15, v16;
	_ =	sdelay $0xd  }
0x262: {  	v15, v16, _ =	vpop @!p1 (xrf1)  }
0x263: {  	v17 =	vbroadcast @!p1 v15, $0xF;
	_ =	sdelay $0x1  }
0x264: {  	v14 =	vpsel p1, v14, v17  }
0x265: {  	vm2 =	vlt.f32 v55, v14  }
0x266: {  	v17 =	vmpcnt.ones.xlane vm2;
	_ =	sdelay $0x1  }
0x267: {  	(v2sf) =	vpush v17, $0x0;
	_ =	sdelay $0xe  }
0x268: {  	s28 =	spop (v2sf)  }
0x269: {  	p0 =	slt.s32 s28, $0x1  }
0x26a: {  	s28 =	sadd.s32 @!p0 s19, s0  }
0x26b: {  	vm2 =	vlt.f32 @!p0 v55, v14;
	v17 =	vlaneseq.u32 @!p0;
	s28 =	sadd.s32 @!p0 $0x90, s28  }
0x26c: {  	v20 =	vnsel @!p0 vm2, $0x7F800000, v55;
	v17 =	vor.u32 @!p0 s28, v17  }
0x26d: {  	(xrf1) =	vsort.dscd.msk.f32 @!p0 $0xffff, v20, v17;
	_ =	sdelay $0xd  }
0x26e: {  	v0 =	vpsel p1, v0, v15;
	v15, v17, _ =	vpop @!p0 (xrf1)  }
0x26f: {  	v1 =	vpsel p1, v1, v16;
	vm2 =	vle.f32 @!p0 v0, v15  }
0x270: {  	v15 =	vmin.f32 @!p0 v0, v15;
	v16 =	vsel @!p0 vm2, v1, v17  }
0x271: {  	(xrf1) =	vsort.ascd.msk.f32 @!p0 $0xffff, v15, v16;
	_ =	sdelay $0xd  }
0x272: {  	v15, v17, _ =	vpop @!p0 (xrf1)  }
0x273: {  	v20 =	vbroadcast @!p0 v15, $0xF  }
0x274: {  	v16 =	vpsel p0, v0, v15;
	v0 =	vpsel p0, v1, v17  }
0x275: {  	[tilespmem:$0x1FFB0] =	vst v0;
	v23 =	vpsel p0, v14, v20  }
.LBB2_11:
0x276: {  	v0 =	vmpcnt.ones.xlane vm1;
	_ =	sdelay $0x1  }
0x277: {  	(v2sf) =	vpush v0, $0x0;
	_ =	sdelay $0xe  }
0x278: {  	s28 =	spop (v2sf)  }
0x279: {  	p0 =	slt.s32 s28, $0x1  }
.Ltmp12:
0x27a: {  	_ = 	snop;
	(pc) =	sbr.rel @p0 .LBB2_13-.Ltmp12, $1  }
0x27b: {  	_ =	sdelay $0x3  }
0x27c: {  	vm1 =	vlt.f32 v36, v24  }
0x27d: {  	v0 =	vmpcnt.ones.xlane vm1;
	_ =	sdelay $0x1  }
0x27e: {  	(v2sf) =	vpush v0, $0x0;
	_ =	sdelay $0xe  }
0x27f: {  	s28 =	spop (v2sf)  }
0x280: {  	p1 =	slt.s32 s28, $0x1  }
0x281: {  	vm1 =	vlt.f32 @!p1 v36, v24;
	s28 =	sadd.s32 @!p1 s19, s0;
	v0 =	vlaneseq.u32 @!p1  }
0x282: {  	v0 =	vor.u32 @!p1 s28, v0;
	v1 =	vnsel @!p1 vm1, $0x7F800000, v36  }
0x283: {  	(xrf1) =	vsort.dscd.msk.f32 @!p1 $0xffff, v1, v0;
	_ =	sdelay $0x9  }
0x284: {  	v18 =	vld [tilespmem:$0x1FFE0]  }
0x285: {  	v20 =	vld [tilespmem:$0x1FFC0];
	_ =	sdelay $0x2  }
0x286: {  	v0, v1, _ =	vpop @!p1 (xrf1)  }
0x287: {  	vm1 =	vle.f32 @!p1 v18, v0  }
0x288: {  	v0 =	vmin.f32 @!p1 v18, v0;
	v1 =	vsel @!p1 vm1, v20, v1  }
0x289: {  	(xrf1) =	vsort.ascd.msk.f32 @!p1 $0xffff, v0, v1;
	_ =	sdelay $0xd  }
0x28a: {  	v0, v1, _ =	vpop @!p1 (xrf1)  }
0x28b: {  	v14 =	vbroadcast @!p1 v0, $0xF;
	_ =	sdelay $0x1  }
0x28c: {  	v14 =	vpsel p1, v24, v14  }
0x28d: {  	vm1 =	vlt.f32 v37, v14  }
0x28e: {  	v15 =	vmpcnt.ones.xlane vm1;
	_ =	sdelay $0x1  }
0x28f: {  	(v2sf) =	vpush v15, $0x0;
	_ =	sdelay $0xe  }
0x290: {  	s28 =	spop (v2sf)  }
0x291: {  	p0 =	slt.s32 s28, $0x1  }
0x292: {  	s28 =	sadd.s32 @!p0 s19, s0  }
0x293: {  	vm1 =	vlt.f32 @!p0 v37, v14;
	v15 =	vlaneseq.u32 @!p0;
	s28 =	sadd.s32 @!p0 $0x10, s28  }
0x294: {  	v17 =	vnsel @!p0 vm1, $0x7F800000, v37;
	v15 =	vor.u32 @!p0 s28, v15  }
0x295: {  	(xrf1) =	vsort.dscd.msk.f32 @!p0 $0xffff, v17, v15;
	_ =	sdelay $0xd  }
0x296: {  	v0 =	vpsel p1, v18, v0;
	v15, v17, _ =	vpop @!p0 (xrf1)  }
0x297: {  	v1 =	vpsel p1, v20, v1;
	vm1 =	vle.f32 @!p0 v0, v15  }
0x298: {  	v15 =	vmin.f32 @!p0 v0, v15;
	v17 =	vsel @!p0 vm1, v1, v17  }
0x299: {  	(xrf1) =	vsort.ascd.msk.f32 @!p0 $0xffff, v15, v17;
	_ =	sdelay $0xd  }
0x29a: {  	v15, v17, _ =	vpop @!p0 (xrf1)  }
0x29b: {  	v18 =	vbroadcast @!p0 v15, $0xF;
	_ =	sdelay $0x1  }
0x29c: {  	v14 =	vpsel p0, v14, v18  }
0x29d: {  	vm1 =	vlt.f32 v38, v14  }
0x29e: {  	v18 =	vmpcnt.ones.xlane vm1;
	_ =	sdelay $0x1  }
0x29f: {  	(v2sf) =	vpush v18, $0x0;
	_ =	sdelay $0xe  }
0x2a0: {  	s28 =	spop (v2sf)  }
0x2a1: {  	p1 =	slt.s32 s28, $0x1  }
0x2a2: {  	s28 =	sadd.s32 @!p1 s19, s0  }
0x2a3: {  	vm1 =	vlt.f32 @!p1 v38, v14;
	v18 =	vlaneseq.u32 @!p1;
	s28 =	sadd.s32 @!p1 $0x20, s28  }
0x2a4: {  	v20 =	vnsel @!p1 vm1, $0x7F800000, v38;
	v18 =	vor.u32 @!p1 s28, v18  }
0x2a5: {  	(xrf1) =	vsort.dscd.msk.f32 @!p1 $0xffff, v20, v18;
	_ =	sdelay $0xd  }
0x2a6: {  	v0 =	vpsel p0, v0, v15;
	v15, v18, _ =	vpop @!p1 (xrf1)  }
0x2a7: {  	v1 =	vpsel p0, v1, v17;
	vm1 =	vle.f32 @!p1 v0, v15  }
0x2a8: {  	v15 =	vmin.f32 @!p1 v0, v15;
	v17 =	vsel @!p1 vm1, v1, v18  }
0x2a9: {  	(xrf1) =	vsort.ascd.msk.f32 @!p1 $0xffff, v15, v17;
	_ =	sdelay $0xd  }
0x2aa: {  	v15, v17, _ =	vpop @!p1 (xrf1)  }
0x2ab: {  	v18 =	vbroadcast @!p1 v15, $0xF;
	_ =	sdelay $0x1  }
0x2ac: {  	v14 =	vpsel p1, v14, v18  }
0x2ad: {  	vm1 =	vlt.f32 v39, v14  }
0x2ae: {  	v18 =	vmpcnt.ones.xlane vm1;
	_ =	sdelay $0x1  }
0x2af: {  	(v2sf) =	vpush v18, $0x0;
	_ =	sdelay $0xe  }
0x2b0: {  	s28 =	spop (v2sf)  }
0x2b1: {  	p0 =	slt.s32 s28, $0x1  }
0x2b2: {  	s28 =	sadd.s32 @!p0 s19, s0  }
0x2b3: {  	vm1 =	vlt.f32 @!p0 v39, v14;
	v18 =	vlaneseq.u32 @!p0;
	s28 =	sadd.s32 @!p0 $0x30, s28  }
0x2b4: {  	v20 =	vnsel @!p0 vm1, $0x7F800000, v39;
	v18 =	vor.u32 @!p0 s28, v18  }
0x2b5: {  	(xrf1) =	vsort.dscd.msk.f32 @!p0 $0xffff, v20, v18;
	_ =	sdelay $0xd  }
0x2b6: {  	v0 =	vpsel p1, v0, v15;
	v15, v18, _ =	vpop @!p0 (xrf1)  }
0x2b7: {  	v1 =	vpsel p1, v1, v17;
	vm1 =	vle.f32 @!p0 v0, v15  }
0x2b8: {  	v15 =	vmin.f32 @!p0 v0, v15;
	v17 =	vsel @!p0 vm1, v1, v18  }
0x2b9: {  	(xrf1) =	vsort.ascd.msk.f32 @!p0 $0xffff, v15, v17;
	_ =	sdelay $0xd  }
0x2ba: {  	v15, v17, _ =	vpop @!p0 (xrf1)  }
0x2bb: {  	v18 =	vbroadcast @!p0 v15, $0xF;
	_ =	sdelay $0x1  }
0x2bc: {  	v14 =	vpsel p0, v14, v18  }
0x2bd: {  	vm1 =	vlt.f32 v40, v14  }
0x2be: {  	v18 =	vmpcnt.ones.xlane vm1;
	_ =	sdelay $0x1  }
0x2bf: {  	(v2sf) =	vpush v18, $0x0;
	_ =	sdelay $0xe  }
0x2c0: {  	s28 =	spop (v2sf)  }
0x2c1: {  	p1 =	slt.s32 s28, $0x1  }
0x2c2: {  	s28 =	sadd.s32 @!p1 s19, s0  }
0x2c3: {  	vm1 =	vlt.f32 @!p1 v40, v14;
	v18 =	vlaneseq.u32 @!p1;
	s28 =	sadd.s32 @!p1 $0x40, s28  }
0x2c4: {  	v20 =	vnsel @!p1 vm1, $0x7F800000, v40;
	v18 =	vor.u32 @!p1 s28, v18  }
0x2c5: {  	(xrf1) =	vsort.dscd.msk.f32 @!p1 $0xffff, v20, v18;
	_ =	sdelay $0xd  }
0x2c6: {  	v0 =	vpsel p0, v0, v15;
	v15, v18, _ =	vpop @!p1 (xrf1)  }
0x2c7: {  	v1 =	vpsel p0, v1, v17;
	vm1 =	vle.f32 @!p1 v0, v15  }
0x2c8: {  	v15 =	vmin.f32 @!p1 v0, v15;
	v17 =	vsel @!p1 vm1, v1, v18  }
0x2c9: {  	(xrf1) =	vsort.ascd.msk.f32 @!p1 $0xffff, v15, v17;
	_ =	sdelay $0xd  }
0x2ca: {  	v15, v17, _ =	vpop @!p1 (xrf1)  }
0x2cb: {  	v18 =	vbroadcast @!p1 v15, $0xF;
	_ =	sdelay $0x1  }
0x2cc: {  	v14 =	vpsel p1, v14, v18  }
0x2cd: {  	vm1 =	vlt.f32 v41, v14  }
0x2ce: {  	v18 =	vmpcnt.ones.xlane vm1;
	_ =	sdelay $0x1  }
0x2cf: {  	(v2sf) =	vpush v18, $0x0;
	_ =	sdelay $0xe  }
0x2d0: {  	s28 =	spop (v2sf)  }
0x2d1: {  	p0 =	slt.s32 s28, $0x1  }
0x2d2: {  	s28 =	sadd.s32 @!p0 s19, s0  }
0x2d3: {  	vm1 =	vlt.f32 @!p0 v41, v14;
	v18 =	vlaneseq.u32 @!p0;
	s28 =	sadd.s32 @!p0 $0x50, s28  }
0x2d4: {  	v20 =	vnsel @!p0 vm1, $0x7F800000, v41;
	v18 =	vor.u32 @!p0 s28, v18  }
0x2d5: {  	(xrf1) =	vsort.dscd.msk.f32 @!p0 $0xffff, v20, v18;
	_ =	sdelay $0xd  }
0x2d6: {  	v0 =	vpsel p1, v0, v15;
	v15, v18, _ =	vpop @!p0 (xrf1)  }
0x2d7: {  	v1 =	vpsel p1, v1, v17;
	vm1 =	vle.f32 @!p0 v0, v15  }
0x2d8: {  	v15 =	vmin.f32 @!p0 v0, v15;
	v17 =	vsel @!p0 vm1, v1, v18  }
0x2d9: {  	(xrf1) =	vsort.ascd.msk.f32 @!p0 $0xffff, v15, v17;
	_ =	sdelay $0xd  }
0x2da: {  	v15, v17, _ =	vpop @!p0 (xrf1)  }
0x2db: {  	v18 =	vbroadcast @!p0 v15, $0xF;
	_ =	sdelay $0x1  }
0x2dc: {  	v14 =	vpsel p0, v14, v18  }
0x2dd: {  	vm1 =	vlt.f32 v42, v14  }
0x2de: {  	v18 =	vmpcnt.ones.xlane vm1;
	_ =	sdelay $0x1  }
0x2df: {  	(v2sf) =	vpush v18, $0x0;
	_ =	sdelay $0xe  }
0x2e0: {  	s28 =	spop (v2sf)  }
0x2e1: {  	p1 =	slt.s32 s28, $0x1  }
0x2e2: {  	s28 =	sadd.s32 @!p1 s19, s0  }
0x2e3: {  	vm1 =	vlt.f32 @!p1 v42, v14;
	v18 =	vlaneseq.u32 @!p1;
	s28 =	sadd.s32 @!p1 $0x60, s28  }
0x2e4: {  	v20 =	vnsel @!p1 vm1, $0x7F800000, v42;
	v18 =	vor.u32 @!p1 s28, v18  }
0x2e5: {  	(xrf1) =	vsort.dscd.msk.f32 @!p1 $0xffff, v20, v18;
	_ =	sdelay $0xd  }
0x2e6: {  	v0 =	vpsel p0, v0, v15;
	v15, v18, _ =	vpop @!p1 (xrf1)  }
0x2e7: {  	v1 =	vpsel p0, v1, v17;
	vm1 =	vle.f32 @!p1 v0, v15  }
0x2e8: {  	v15 =	vmin.f32 @!p1 v0, v15;
	v17 =	vsel @!p1 vm1, v1, v18  }
0x2e9: {  	(xrf1) =	vsort.ascd.msk.f32 @!p1 $0xffff, v15, v17;
	_ =	sdelay $0xd  }
0x2ea: {  	v15, v17, _ =	vpop @!p1 (xrf1)  }
0x2eb: {  	v18 =	vbroadcast @!p1 v15, $0xF;
	_ =	sdelay $0x1  }
0x2ec: {  	v14 =	vpsel p1, v14, v18  }
0x2ed: {  	vm1 =	vlt.f32 v43, v14  }
0x2ee: {  	v18 =	vmpcnt.ones.xlane vm1;
	_ =	sdelay $0x1  }
0x2ef: {  	(v2sf) =	vpush v18, $0x0;
	_ =	sdelay $0xe  }
0x2f0: {  	s28 =	spop (v2sf)  }
0x2f1: {  	p0 =	slt.s32 s28, $0x1  }
0x2f2: {  	s28 =	sadd.s32 @!p0 s19, s0  }
0x2f3: {  	vm1 =	vlt.f32 @!p0 v43, v14;
	v18 =	vlaneseq.u32 @!p0;
	s28 =	sadd.s32 @!p0 $0x70, s28  }
0x2f4: {  	v20 =	vnsel @!p0 vm1, $0x7F800000, v43;
	v18 =	vor.u32 @!p0 s28, v18  }
0x2f5: {  	(xrf1) =	vsort.dscd.msk.f32 @!p0 $0xffff, v20, v18;
	_ =	sdelay $0xd  }
0x2f6: {  	v0 =	vpsel p1, v0, v15;
	v15, v18, _ =	vpop @!p0 (xrf1)  }
0x2f7: {  	v1 =	vpsel p1, v1, v17;
	vm1 =	vle.f32 @!p0 v0, v15  }
0x2f8: {  	v15 =	vmin.f32 @!p0 v0, v15;
	v17 =	vsel @!p0 vm1, v1, v18  }
0x2f9: {  	(xrf1) =	vsort.ascd.msk.f32 @!p0 $0xffff, v15, v17;
	_ =	sdelay $0xd  }
0x2fa: {  	v15, v17, _ =	vpop @!p0 (xrf1)  }
0x2fb: {  	v18 =	vbroadcast @!p0 v15, $0xF;
	_ =	sdelay $0x1  }
0x2fc: {  	v14 =	vpsel p0, v14, v18  }
0x2fd: {  	vm1 =	vlt.f32 v45, v14  }
0x2fe: {  	v18 =	vmpcnt.ones.xlane vm1;
	_ =	sdelay $0x1  }
0x2ff: {  	(v2sf) =	vpush v18, $0x0;
	_ =	sdelay $0xe  }
0x300: {  	s28 =	spop (v2sf)  }
0x301: {  	p1 =	slt.s32 s28, $0x1  }
0x302: {  	s28 =	sadd.s32 @!p1 s19, s0  }
0x303: {  	vm1 =	vlt.f32 @!p1 v45, v14;
	v18 =	vlaneseq.u32 @!p1;
	s28 =	sadd.s32 @!p1 $0x80, s28  }
0x304: {  	v20 =	vnsel @!p1 vm1, $0x7F800000, v45;
	v18 =	vor.u32 @!p1 s28, v18  }
0x305: {  	(xrf1) =	vsort.dscd.msk.f32 @!p1 $0xffff, v20, v18;
	_ =	sdelay $0xd  }
0x306: {  	v0 =	vpsel p0, v0, v15;
	v15, v18, _ =	vpop @!p1 (xrf1)  }
0x307: {  	v1 =	vpsel p0, v1, v17;
	vm1 =	vle.f32 @!p1 v0, v15  }
0x308: {  	v15 =	vmin.f32 @!p1 v0, v15;
	v17 =	vsel @!p1 vm1, v1, v18  }
0x309: {  	(xrf1) =	vsort.ascd.msk.f32 @!p1 $0xffff, v15, v17;
	_ =	sdelay $0xd  }
0x30a: {  	v15, v17, _ =	vpop @!p1 (xrf1)  }
0x30b: {  	v18 =	vbroadcast @!p1 v15, $0xF;
	_ =	sdelay $0x1  }
0x30c: {  	v14 =	vpsel p1, v14, v18  }
0x30d: {  	vm1 =	vlt.f32 v44, v14  }
0x30e: {  	v18 =	vmpcnt.ones.xlane vm1;
	_ =	sdelay $0x1  }
0x30f: {  	(v2sf) =	vpush v18, $0x0;
	_ =	sdelay $0xe  }
0x310: {  	s28 =	spop (v2sf)  }
0x311: {  	p0 =	slt.s32 s28, $0x1  }
0x312: {  	s28 =	sadd.s32 @!p0 s19, s0  }
0x313: {  	vm1 =	vlt.f32 @!p0 v44, v14;
	v18 =	vlaneseq.u32 @!p0;
	s28 =	sadd.s32 @!p0 $0x90, s28  }
0x314: {  	v20 =	vnsel @!p0 vm1, $0x7F800000, v44;
	v18 =	vor.u32 @!p0 s28, v18  }
0x315: {  	(xrf1) =	vsort.dscd.msk.f32 @!p0 $0xffff, v20, v18;
	_ =	sdelay $0xd  }
0x316: {  	v0 =	vpsel p1, v0, v15;
	v15, v18, _ =	vpop @!p0 (xrf1)  }
0x317: {  	v1 =	vpsel p1, v1, v17;
	vm1 =	vle.f32 @!p0 v0, v15  }
0x318: {  	v15 =	vmin.f32 @!p0 v0, v15;
	v17 =	vsel @!p0 vm1, v1, v18  }
0x319: {  	(xrf1) =	vsort.ascd.msk.f32 @!p0 $0xffff, v15, v17;
	_ =	sdelay $0xd  }
0x31a: {  	v15, v17, _ =	vpop @!p0 (xrf1)  }
0x31b: {  	v20 =	vbroadcast @!p0 v15, $0xF;
	v0 =	vpsel p0, v0, v15  }
0x31c: {  	[tilespmem:$0x1FFE0] =	vst v0;
	v0 =	vpsel p0, v1, v17  }
0x31d: {  	[tilespmem:$0x1FFC0] =	vst v0;
	v24 =	vpsel p0, v14, v20  }
.LBB2_13:
0x31e: {  	v0 =	vmpcnt.ones.xlane vm0;
	_ =	sdelay $0x1  }
0x31f: {  	(v2sf) =	vpush v0, $0x0;
	_ =	sdelay $0xe  }
0x320: {  	s28 =	spop (v2sf)  }
0x321: {  	p0 =	slt.s32 s28, $0x1  }
.Ltmp13:
0x322: {  	_ = 	snop;
	(pc) =	sbr.rel @p0 .LBB2_15-.Ltmp13, $1  }
0x323: {  	_ =	sdelay $0x3  }
0x324: {  	vm0 =	vlt.f32 v26, v25  }
0x325: {  	v0 =	vmpcnt.ones.xlane vm0;
	_ =	sdelay $0x1  }
0x326: {  	(v2sf) =	vpush v0, $0x0;
	_ =	sdelay $0xe  }
0x327: {  	s28 =	spop (v2sf)  }
0x328: {  	p1 =	slt.s32 s28, $0x1  }
0x329: {  	vm0 =	vlt.f32 @!p1 v26, v25;
	s28 =	sadd.s32 @!p1 s19, s0;
	v0 =	vlaneseq.u32 @!p1  }
0x32a: {  	v0 =	vor.u32 @!p1 s28, v0;
	v1 =	vnsel @!p1 vm0, $0x7F800000, v26  }
0x32b: {  	(xrf1) =	vsort.dscd.msk.f32 @!p1 $0xffff, v1, v0;
	_ =	sdelay $0xa  }
0x32c: {  	v18 =	vld [tilespmem:$0x1FFF0];
	_ =	sdelay $0x2  }
0x32d: {  	v0, v1, _ =	vpop @!p1 (xrf1)  }
0x32e: {  	vm0 =	vle.f32 @!p1 v19, v0  }
0x32f: {  	v0 =	vmin.f32 @!p1 v19, v0;
	v1 =	vsel @!p1 vm0, v18, v1  }
0x330: {  	(xrf1) =	vsort.ascd.msk.f32 @!p1 $0xffff, v0, v1;
	_ =	sdelay $0xd  }
0x331: {  	v0, v1, _ =	vpop @!p1 (xrf1)  }
0x332: {  	v14 =	vbroadcast @!p1 v0, $0xF;
	_ =	sdelay $0x1  }
0x333: {  	v14 =	vpsel p1, v25, v14  }
0x334: {  	vm7 =	vlt.f32 v27, v14  }
0x335: {  	v15 =	vmpcnt.ones.xlane vm7;
	_ =	sdelay $0x1  }
0x336: {  	(v2sf) =	vpush v15, $0x0;
	_ =	sdelay $0xe  }
0x337: {  	s28 =	spop (v2sf)  }
0x338: {  	p0 =	slt.s32 s28, $0x1  }
0x339: {  	s28 =	sadd.s32 @!p0 s19, s0  }
0x33a: {  	vm0 =	vlt.f32 @!p0 v27, v14;
	v15 =	vlaneseq.u32 @!p0;
	s28 =	sadd.s32 @!p0 $0x10, s28  }
0x33b: {  	v17 =	vnsel @!p0 vm0, $0x7F800000, v27;
	v15 =	vor.u32 @!p0 s28, v15  }
0x33c: {  	(xrf1) =	vsort.dscd.msk.f32 @!p0 $0xffff, v17, v15;
	_ =	sdelay $0xd  }
0x33d: {  	v0 =	vpsel p1, v19, v0;
	v15, v17, _ =	vpop @!p0 (xrf1)  }
0x33e: {  	v1 =	vpsel p1, v18, v1;
	vm0 =	vle.f32 @!p0 v0, v15  }
0x33f: {  	v15 =	vmin.f32 @!p0 v0, v15;
	v17 =	vsel @!p0 vm0, v1, v17  }
0x340: {  	(xrf1) =	vsort.ascd.msk.f32 @!p0 $0xffff, v15, v17;
	_ =	sdelay $0xd  }
0x341: {  	v15, v17, _ =	vpop @!p0 (xrf1)  }
0x342: {  	v19 =	vbroadcast @!p0 v15, $0xF;
	_ =	sdelay $0x1  }
0x343: {  	v14 =	vpsel p0, v14, v19  }
0x344: {  	vm8 =	vlt.f32 v28, v14  }
0x345: {  	v19 =	vmpcnt.ones.xlane vm8;
	_ =	sdelay $0x1  }
0x346: {  	(v2sf) =	vpush v19, $0x0;
	_ =	sdelay $0xe  }
0x347: {  	s28 =	spop (v2sf)  }
0x348: {  	p1 =	slt.s32 s28, $0x1  }
0x349: {  	s28 =	sadd.s32 @!p1 s19, s0  }
0x34a: {  	vm0 =	vlt.f32 @!p1 v28, v14;
	v19 =	vlaneseq.u32 @!p1;
	s28 =	sadd.s32 @!p1 $0x20, s28  }
0x34b: {  	v20 =	vnsel @!p1 vm0, $0x7F800000, v28;
	v19 =	vor.u32 @!p1 s28, v19  }
0x34c: {  	(xrf1) =	vsort.dscd.msk.f32 @!p1 $0xffff, v20, v19;
	_ =	sdelay $0xd  }
0x34d: {  	v0 =	vpsel p0, v0, v15;
	v15, v19, _ =	vpop @!p1 (xrf1)  }
0x34e: {  	v1 =	vpsel p0, v1, v17;
	vm0 =	vle.f32 @!p1 v0, v15  }
0x34f: {  	v15 =	vmin.f32 @!p1 v0, v15;
	v17 =	vsel @!p1 vm0, v1, v19  }
0x350: {  	(xrf1) =	vsort.ascd.msk.f32 @!p1 $0xffff, v15, v17;
	_ =	sdelay $0xd  }
0x351: {  	v15, v17, _ =	vpop @!p1 (xrf1)  }
0x352: {  	v19 =	vbroadcast @!p1 v15, $0xF;
	_ =	sdelay $0x1  }
0x353: {  	v14 =	vpsel p1, v14, v19  }
0x354: {  	vm9 =	vlt.f32 v29, v14  }
0x355: {  	v19 =	vmpcnt.ones.xlane vm9;
	_ =	sdelay $0x1  }
0x356: {  	(v2sf) =	vpush v19, $0x0;
	_ =	sdelay $0xe  }
0x357: {  	s28 =	spop (v2sf)  }
0x358: {  	p0 =	slt.s32 s28, $0x1  }
0x359: {  	s28 =	sadd.s32 @!p0 s19, s0  }
0x35a: {  	vm0 =	vlt.f32 @!p0 v29, v14;
	v19 =	vlaneseq.u32 @!p0;
	s28 =	sadd.s32 @!p0 $0x30, s28  }
0x35b: {  	v20 =	vnsel @!p0 vm0, $0x7F800000, v29;
	v19 =	vor.u32 @!p0 s28, v19  }
0x35c: {  	(xrf1) =	vsort.dscd.msk.f32 @!p0 $0xffff, v20, v19;
	_ =	sdelay $0xd  }
0x35d: {  	v0 =	vpsel p1, v0, v15;
	v15, v19, _ =	vpop @!p0 (xrf1)  }
0x35e: {  	v1 =	vpsel p1, v1, v17;
	vm0 =	vle.f32 @!p0 v0, v15  }
0x35f: {  	v15 =	vmin.f32 @!p0 v0, v15;
	v17 =	vsel @!p0 vm0, v1, v19  }
0x360: {  	(xrf1) =	vsort.ascd.msk.f32 @!p0 $0xffff, v15, v17;
	_ =	sdelay $0xd  }
0x361: {  	v15, v17, _ =	vpop @!p0 (xrf1)  }
0x362: {  	v19 =	vbroadcast @!p0 v15, $0xF;
	_ =	sdelay $0x1  }
0x363: {  	v14 =	vpsel p0, v14, v19  }
0x364: {  	vm10 =	vlt.f32 v30, v14  }
0x365: {  	v19 =	vmpcnt.ones.xlane vm10;
	_ =	sdelay $0x1  }
0x366: {  	(v2sf) =	vpush v19, $0x0;
	_ =	sdelay $0xe  }
0x367: {  	s28 =	spop (v2sf)  }
0x368: {  	p1 =	slt.s32 s28, $0x1  }
0x369: {  	s28 =	sadd.s32 @!p1 s19, s0  }
0x36a: {  	vm0 =	vlt.f32 @!p1 v30, v14;
	v19 =	vlaneseq.u32 @!p1;
	s28 =	sadd.s32 @!p1 $0x40, s28  }
0x36b: {  	v20 =	vnsel @!p1 vm0, $0x7F800000, v30;
	v19 =	vor.u32 @!p1 s28, v19  }
0x36c: {  	(xrf1) =	vsort.dscd.msk.f32 @!p1 $0xffff, v20, v19;
	_ =	sdelay $0xd  }
0x36d: {  	v0 =	vpsel p0, v0, v15;
	v15, v19, _ =	vpop @!p1 (xrf1)  }
0x36e: {  	v1 =	vpsel p0, v1, v17;
	vm0 =	vle.f32 @!p1 v0, v15  }
0x36f: {  	v15 =	vmin.f32 @!p1 v0, v15;
	v17 =	vsel @!p1 vm0, v1, v19  }
0x370: {  	(xrf1) =	vsort.ascd.msk.f32 @!p1 $0xffff, v15, v17;
	_ =	sdelay $0xd  }
0x371: {  	v15, v17, _ =	vpop @!p1 (xrf1)  }
0x372: {  	v19 =	vbroadcast @!p1 v15, $0xF;
	_ =	sdelay $0x1  }
0x373: {  	v14 =	vpsel p1, v14, v19  }
0x374: {  	vm11 =	vlt.f32 v31, v14  }
0x375: {  	v19 =	vmpcnt.ones.xlane vm11;
	_ =	sdelay $0x1  }
0x376: {  	(v2sf) =	vpush v19, $0x0;
	_ =	sdelay $0xe  }
0x377: {  	s28 =	spop (v2sf)  }
0x378: {  	p0 =	slt.s32 s28, $0x1  }
0x379: {  	s28 =	sadd.s32 @!p0 s19, s0  }
0x37a: {  	vm0 =	vlt.f32 @!p0 v31, v14;
	v19 =	vlaneseq.u32 @!p0;
	s28 =	sadd.s32 @!p0 $0x50, s28  }
0x37b: {  	v20 =	vnsel @!p0 vm0, $0x7F800000, v31;
	v19 =	vor.u32 @!p0 s28, v19  }
0x37c: {  	(xrf1) =	vsort.dscd.msk.f32 @!p0 $0xffff, v20, v19;
	_ =	sdelay $0xd  }
0x37d: {  	v0 =	vpsel p1, v0, v15;
	v15, v19, _ =	vpop @!p0 (xrf1)  }
0x37e: {  	v1 =	vpsel p1, v1, v17;
	vm0 =	vle.f32 @!p0 v0, v15  }
0x37f: {  	v15 =	vmin.f32 @!p0 v0, v15;
	v17 =	vsel @!p0 vm0, v1, v19  }
0x380: {  	(xrf1) =	vsort.ascd.msk.f32 @!p0 $0xffff, v15, v17;
	_ =	sdelay $0xd  }
0x381: {  	v15, v17, _ =	vpop @!p0 (xrf1)  }
0x382: {  	v19 =	vbroadcast @!p0 v15, $0xF;
	_ =	sdelay $0x1  }
0x383: {  	v14 =	vpsel p0, v14, v19  }
0x384: {  	vm12 =	vlt.f32 v32, v14  }
0x385: {  	v19 =	vmpcnt.ones.xlane vm12;
	_ =	sdelay $0x1  }
0x386: {  	(v2sf) =	vpush v19, $0x0;
	_ =	sdelay $0xe  }
0x387: {  	s28 =	spop (v2sf)  }
0x388: {  	p1 =	slt.s32 s28, $0x1  }
0x389: {  	s28 =	sadd.s32 @!p1 s19, s0  }
0x38a: {  	vm0 =	vlt.f32 @!p1 v32, v14;
	v19 =	vlaneseq.u32 @!p1;
	s28 =	sadd.s32 @!p1 $0x60, s28  }
0x38b: {  	v20 =	vnsel @!p1 vm0, $0x7F800000, v32;
	v19 =	vor.u32 @!p1 s28, v19  }
0x38c: {  	(xrf1) =	vsort.dscd.msk.f32 @!p1 $0xffff, v20, v19;
	_ =	sdelay $0xd  }
0x38d: {  	v0 =	vpsel p0, v0, v15;
	v15, v19, _ =	vpop @!p1 (xrf1)  }
0x38e: {  	v1 =	vpsel p0, v1, v17;
	vm0 =	vle.f32 @!p1 v0, v15  }
0x38f: {  	v15 =	vmin.f32 @!p1 v0, v15;
	v17 =	vsel @!p1 vm0, v1, v19  }
0x390: {  	(xrf1) =	vsort.ascd.msk.f32 @!p1 $0xffff, v15, v17;
	_ =	sdelay $0xd  }
0x391: {  	v15, v17, _ =	vpop @!p1 (xrf1)  }
0x392: {  	v19 =	vbroadcast @!p1 v15, $0xF;
	_ =	sdelay $0x1  }
0x393: {  	v14 =	vpsel p1, v14, v19  }
0x394: {  	vm13 =	vlt.f32 v33, v14  }
0x395: {  	v19 =	vmpcnt.ones.xlane vm13;
	_ =	sdelay $0x1  }
0x396: {  	(v2sf) =	vpush v19, $0x0;
	_ =	sdelay $0xe  }
0x397: {  	s28 =	spop (v2sf)  }
0x398: {  	p0 =	slt.s32 s28, $0x1  }
0x399: {  	s28 =	sadd.s32 @!p0 s19, s0  }
0x39a: {  	vm0 =	vlt.f32 @!p0 v33, v14;
	v19 =	vlaneseq.u32 @!p0;
	s28 =	sadd.s32 @!p0 $0x70, s28  }
0x39b: {  	v20 =	vnsel @!p0 vm0, $0x7F800000, v33;
	v19 =	vor.u32 @!p0 s28, v19  }
0x39c: {  	(xrf1) =	vsort.dscd.msk.f32 @!p0 $0xffff, v20, v19;
	_ =	sdelay $0xd  }
0x39d: {  	v0 =	vpsel p1, v0, v15;
	v15, v19, _ =	vpop @!p0 (xrf1)  }
0x39e: {  	v1 =	vpsel p1, v1, v17;
	vm0 =	vle.f32 @!p0 v0, v15  }
0x39f: {  	v15 =	vmin.f32 @!p0 v0, v15;
	v17 =	vsel @!p0 vm0, v1, v19  }
0x3a0: {  	(xrf1) =	vsort.ascd.msk.f32 @!p0 $0xffff, v15, v17;
	_ =	sdelay $0xd  }
0x3a1: {  	v15, v17, _ =	vpop @!p0 (xrf1)  }
0x3a2: {  	v19 =	vbroadcast @!p0 v15, $0xF;
	_ =	sdelay $0x1  }
0x3a3: {  	v14 =	vpsel p0, v14, v19  }
0x3a4: {  	vm14 =	vlt.f32 v35, v14  }
0x3a5: {  	v19 =	vmpcnt.ones.xlane vm14;
	_ =	sdelay $0x1  }
0x3a6: {  	(v2sf) =	vpush v19, $0x0;
	_ =	sdelay $0xe  }
0x3a7: {  	s28 =	spop (v2sf)  }
0x3a8: {  	p1 =	slt.s32 s28, $0x1  }
0x3a9: {  	s28 =	sadd.s32 @!p1 s19, s0  }
0x3aa: {  	vm0 =	vlt.f32 @!p1 v35, v14;
	v19 =	vlaneseq.u32 @!p1;
	s28 =	sadd.s32 @!p1 $0x80, s28  }
0x3ab: {  	v20 =	vnsel @!p1 vm0, $0x7F800000, v35;
	v19 =	vor.u32 @!p1 s28, v19  }
0x3ac: {  	(xrf1) =	vsort.dscd.msk.f32 @!p1 $0xffff, v20, v19;
	_ =	sdelay $0xd  }
0x3ad: {  	v0 =	vpsel p0, v0, v15;
	v15, v19, _ =	vpop @!p1 (xrf1)  }
0x3ae: {  	v1 =	vpsel p0, v1, v17;
	vm0 =	vle.f32 @!p1 v0, v15  }
0x3af: {  	v15 =	vmin.f32 @!p1 v0, v15;
	v17 =	vsel @!p1 vm0, v1, v19  }
0x3b0: {  	(xrf1) =	vsort.ascd.msk.f32 @!p1 $0xffff, v15, v17;
	_ =	sdelay $0xd  }
0x3b1: {  	v15, v17, _ =	vpop @!p1 (xrf1)  }
0x3b2: {  	v19 =	vbroadcast @!p1 v15, $0xF;
	_ =	sdelay $0x1  }
0x3b3: {  	v14 =	vpsel p1, v14, v19  }
0x3b4: {  	vm15 =	vlt.f32 v34, v14  }
0x3b5: {  	v19 =	vmpcnt.ones.xlane vm15;
	_ =	sdelay $0x1  }
0x3b6: {  	(v2sf) =	vpush v19, $0x0;
	_ =	sdelay $0xe  }
0x3b7: {  	s28 =	spop (v2sf)  }
0x3b8: {  	p0 =	slt.s32 s28, $0x1  }
0x3b9: {  	s28 =	sadd.s32 @!p0 s19, s0  }
0x3ba: {  	vm0 =	vlt.f32 @!p0 v34, v14;
	v19 =	vlaneseq.u32 @!p0;
	s28 =	sadd.s32 @!p0 $0x90, s28  }
0x3bb: {  	v20 =	vnsel @!p0 vm0, $0x7F800000, v34;
	v19 =	vor.u32 @!p0 s28, v19  }
0x3bc: {  	(xrf1) =	vsort.dscd.msk.f32 @!p0 $0xffff, v20, v19;
	_ =	sdelay $0xd  }
0x3bd: {  	v0 =	vpsel p1, v0, v15;
	v15, v19, _ =	vpop @!p0 (xrf1)  }
0x3be: {  	v1 =	vpsel p1, v1, v17;
	vm0 =	vle.f32 @!p0 v0, v15  }
0x3bf: {  	v15 =	vmin.f32 @!p0 v0, v15;
	v17 =	vsel @!p0 vm0, v1, v19  }
0x3c0: {  	(xrf1) =	vsort.ascd.msk.f32 @!p0 $0xffff, v15, v17;
	_ =	sdelay $0xc  }
.Ltmp14:
0x3c1: {  	_ = 	snop;
	(pc) =	sbr.rel .LBB2_15-.Ltmp14, $4  }
0x3c2: {  	v15, v17, _ =	vpop @!p0 (xrf1)  }
0x3c3: {  	v20 =	vbroadcast @!p0 v15, $0xF  }
0x3c4: {  	v19 =	vpsel p0, v0, v15;
	v0 =	vpsel p0, v1, v17  }
0x3c5: {  	[tilespmem:$0x1FFF0] =	vst v0;
	v25 =	vpsel p0, v14, v20  }
.LBB2_19:
0x3c6: {  	_ =	sfence.sel $0x180000  }
0x3c7: {  	[bflag:$0x0] =	sbarrier.arrive $0xFFFF  }
0x3c8: {  	_ =	strace $0x90000047  }
0x3c9: {  	s0 =	stileid.u32;
	[bflag:$0x2] =	sbarrier.arrive $0xFFFF  }
0x3ca: {  	p0 =	sne.s32 s0, $0x0;
	s0 =	rddreg [dreg:$0x7]  }
0x3cb: {  	s0 =	sadd.s32 @!p0 $0x100000, s0  }
0x3cc: {  	[sflag:s0] =	ssyncadd.tile.s32 @!p0 $0x1;
	_ =	shalt  }
.Lfunc_end2:
_tile_overlayer_lowered:
.L_overlay_start_2:
0x3cd: {  	(tag) =	ssettag $0x2  }
0x3ce: {  	s0 =	rddreg [dreg:$0x0];
	s2 =	stileid.u32  }
0x3cf: {  	s1 =	rddreg [dreg:$0x1];
	p0 =	sne.s32 s2, $0x0  }
0x3d0: {  	s3 =	rddreg [dreg:$0x2];
	[bflag:$0x3] =	sbarrier.arrive $0xFFFF;
	s2 =	simm.s32 @!p0 $0x1C02  }
0x3d1: {  	[timem:s3], [sflag:s2] =	dma.local @!p0 [hbm:s0], s1  }
0x3d2: {  	s0 =	simm.s32 @!p0 $0x2  }
0x3d3: {  	_ =	swait.ge @!p0 [sflag:s0], s1  }
0x3d4: {  	s1 =	ssub.s32 @!p0 $0x0, s1;
	[sflag:s0] =	ssyncset.done @!p0 $0x0  }
0x3d5: {  	[sflag:s0] =	ssyncadd.s32 @!p0 s1  }
0x3d6: {  	[bflag:$0x3] =	sbarrier.arrive $0xFFFF  }
0x3d7: {  	_ =	shalt  }

</sc_bundles>
